<compile_context>
chip_gen: v7x
topology: tpu7x:2x2x1
jax: 0.10.2.dev20260603
libtpu: 0.0.44.dev20260713+nightly
codegen_flags: <defaults>
</compile_context>

<pallas_src>
import functools

import jax
import jax.numpy as jnp
from jax import lax
from jax.experimental import pallas as pl
from jax.experimental.pallas import tpu as pltpu
from jax.experimental.pallas import tpu_sc as plsc

NC, NS, L = 2, 16, 16
NW = NC * NS
D = 32
CHUNK = 128


def _worker_id():
    return lax.axis_index("s") * NC + lax.axis_index("c")


def _sc_gather_rows_direct(t, idx):
    n = idx.shape[0]
    per_w = n // NW
    nch = per_w // CHUNK
    mesh = plsc.VectorSubcoreMesh(core_axis_name="c", subcore_axis_name="s")

    @functools.partial(
        pl.kernel,
        out_type=jax.ShapeDtypeStruct((n, D), jnp.float32),
        mesh=mesh,
        scratch_types=[
            pltpu.VMEM((per_w,), jnp.int32),
            pltpu.VMEM((CHUNK, D), jnp.float32),
            pltpu.SemaphoreType.DMA,
        ],
    )
    def k(t_hbm, idx_hbm, out_hbm, iw, rows, sem):
        wid = _worker_id()
        pltpu.sync_copy(idx_hbm.at[pl.ds(wid * per_w, per_w)], iw)

        def chunk(c, _):
            def fire(g, _):
                v = iw[pl.ds(c * CHUNK + g * L, L)]
                for kk in range(L):
                    pltpu.async_copy(t_hbm.at[v[kk]], rows.at[g * L + kk], sem)
                return 0

            lax.fori_loop(0, CHUNK // L, fire, 0)

            def drain(j, _):
                pltpu.make_async_copy(t_hbm.at[0], rows.at[0], sem).wait()
                return 0

            lax.fori_loop(0, CHUNK, drain, 0)
            pltpu.sync_copy(rows, out_hbm.at[pl.ds(wid * per_w + c * CHUNK, CHUNK)])
            return 0

        lax.fori_loop(0, nch, chunk, 0)

    return k(t, idx)


def _tc_project(emb, W, b2):
    n = emb.shape[0]
    BR = 2048

    def body(e_ref, w_ref, b_ref, p0_ref, p1_ref):
        emb_blk = e_ref[...]
        w = w_ref[...]
        p0_ref[...] = jnp.dot(emb_blk, w[:D, :], preferred_element_type=jnp.float32) + b_ref[...]
        p1_ref[...] = jnp.dot(emb_blk, w[D:, :], preferred_element_type=jnp.float32)

    return pl.pallas_call(
        body,
        grid=(n // BR,),
        in_specs=[
            pl.BlockSpec((BR, D), lambda i: (i, 0)),
            pl.BlockSpec((2 * D, D), lambda i: (0, 0)),
            pl.BlockSpec((1, D), lambda i: (0, 0)),
        ],
        out_specs=(
            pl.BlockSpec((BR, D), lambda i: (i, 0)),
            pl.BlockSpec((BR, D), lambda i: (i, 0)),
        ),
        out_shape=(
            jax.ShapeDtypeStruct((n, D), jnp.float32),
            jax.ShapeDtypeStruct((n, D), jnp.float32),
        ),
    )(emb, W, b2)


def _sc_atoms(p0, p1, a0r, a1r):
    n_rows = a0r.shape[0]
    kc = n_rows // NW
    mesh = plsc.VectorSubcoreMesh(core_axis_name="c", subcore_axis_name="s")

    @functools.partial(
        pl.kernel,
        out_type=jax.ShapeDtypeStruct((n_rows * CHUNK, D), jnp.float32),
        mesh=mesh,
        scratch_types=[
            pltpu.VMEM((kc, CHUNK), jnp.int32),
            pltpu.VMEM((kc, CHUNK), jnp.int32),
            pltpu.VMEM((CHUNK, D), jnp.float32),
            pltpu.VMEM((CHUNK, D), jnp.float32),
            pltpu.VMEM((CHUNK, D), jnp.float32),
            pltpu.SemaphoreType.DMA,
            pltpu.SemaphoreType.DMA,
        ],
        compiler_params=pltpu.CompilerParams(use_tc_tiling_on_sc=False),
    )
    def k(p0_hbm, p1_hbm, a0_hbm, a1_hbm, out_hbm,
          idx0, idx1, r0, r1, ob, sem0, sem1):
        wid = _worker_id()
        pltpu.sync_copy(a0_hbm.at[pl.ds(wid * kc, kc)], idx0)
        pltpu.sync_copy(a1_hbm.at[pl.ds(wid * kc, kc)], idx1)
        for j in range(kc):
            cp0 = pltpu.async_copy(p0_hbm.at[idx0.at[j]], r0, sem0)
            cp1 = pltpu.async_copy(p1_hbm.at[idx1.at[j]], r1, sem1)
            cp0.wait()
            cp1.wait()

            def row(rr, _):
                for h in range(D // L):
                    s = r0[rr, pl.ds(h * L, L)] + r1[rr, pl.ds(h * L, L)]
                    t = jnp.exp(-2.0 * jnp.abs(s))
                    y = (1.0 - t) / (1.0 + t)
                    ob[rr, pl.ds(h * L, L)] = jnp.where(s < 0, -y, y)
                return 0

            lax.fori_loop(0, CHUNK, row, 0)
            pltpu.sync_copy(ob, out_hbm.at[pl.ds((wid * kc + j) * CHUNK, CHUNK)])

    return k(p0, p1, a0r, a1r)


def kernel(X_domains, A_predicates, constant_table, W_atom, b_atom):
    n_atoms = A_predicates.shape[0]
    emb = _sc_gather_rows_direct(constant_table, X_domains)
    p0, p1 = _tc_project(emb, W_atom, b_atom.reshape(1, D))
    a0 = A_predicates[:, 0].reshape(n_atoms // CHUNK, CHUNK)
    a1 = A_predicates[:, 1].reshape(n_atoms // CHUNK, CHUNK)
    return _sc_atoms(p0, p1, a0, a1)

# --- scband reference (transcript-rebuilt; emitter-appended) ---
"""Pipeline reference for scband-kgemodel-62139586838890 (READ-ONLY COPY).

The authoritative reference and input builder live on the scoring server;
editing this copy changes nothing except your own understanding.
"""

import jax, jax.numpy as jnp
import numpy as np

NUM_CONSTANTS = 1000000
CONST_EMB = 32
ATOM_EMB = 32
ARITY = 2
N_CONST_BATCH = 16384
N_ATOMS = 65536


def setup_inputs(seed: int = 0) -> dict:
    key = jax.random.key(seed)
    ks = jax.random.split(key, 5)
    # X_domains: indices of constants appearing in this batch (per-domain constant ids)
    X_domains = jax.random.randint(ks[0], (N_CONST_BATCH,), 0, NUM_CONSTANTS, dtype=jnp.int32)
    # A_predicates: atom tuples -- each atom references ARITY constants by their
    # position within the gathered batch of constant embeddings
    A_predicates = jax.random.randint(ks[1], (N_ATOMS, ARITY), 0, N_CONST_BATCH, dtype=jnp.int32)
    # Learned parameters: per-domain constant embedding table (ConstantEmbeddings)
    constant_table = jax.random.normal(ks[2], (NUM_CONSTANTS, CONST_EMB), dtype=jnp.float32) * 0.02
    # AtomEmbeddingLayer (mlp embedder): projects concatenated constant embeddings
    # of each atom's arguments into the atom embedding space
    W_atom = jax.random.normal(ks[3], (ARITY * CONST_EMB, ATOM_EMB), dtype=jnp.float32) * (1.0 / np.sqrt(ARITY * CONST_EMB))
    b_atom = jnp.zeros((ATOM_EMB,), dtype=jnp.float32)
    return {
        "X_domains": X_domains,
        "A_predicates": A_predicates,
        "constant_table": constant_table,
        "W_atom": W_atom,
        "b_atom": b_atom,
    }


def reference(X_domains, A_predicates, constant_table, W_atom, b_atom):
    # ConstantEmbeddings: embedding lookup over the per-domain constant table
    constant_embeddings = jnp.take(constant_table, X_domains, axis=0)  # [N_CONST_BATCH, CONST_EMB]
    # AtomEmbeddingLayer: gather the argument embeddings for every atom
    atom_args = jnp.take(constant_embeddings, A_predicates, axis=0)  # [N_ATOMS, ARITY, CONST_EMB]
    atom_flat = atom_args.reshape(atom_args.shape[0], -1)  # [N_ATOMS, ARITY*CONST_EMB]
    # mlp embedder head producing KGE atom embeddings (dropout is identity at rate 0.0)
    kge_atom_embeddings = jnp.tanh(atom_flat @ W_atom + b_atom)  # [N_ATOMS, ATOM_EMB]
    return kge_atom_embeddings

if __name__ == "__main__":
    import jax
    _d = setup_inputs()
    print(jax.jit(kernel)(*tuple(_d.values())))

</pallas_src>

<mosaic_0001>
#map = affine_map<(d0, d1) -> (0, 0)>
module attributes {stable_mosaic.version = 14 : i64} {
  func.func @k(%arg0: i32, %arg1: i32, %arg2: memref<16384x32xf32, #tpu.memory_space<hbm>>, %arg3: memref<16384x32xf32, #tpu.memory_space<hbm>>, %arg4: memref<512x128xi32, #tpu.memory_space<hbm>>, %arg5: memref<512x128xi32, #tpu.memory_space<hbm>>, %arg6: memref<65536x32xf32, #tpu.memory_space<hbm>>, %arg7: memref<16x128xi32, #tpu.memory_space<vmem>>, %arg8: memref<16x128xi32, #tpu.memory_space<vmem>>, %arg9: memref<128x32xf32, #tpu.memory_space<vmem>>, %arg10: memref<128x32xf32, #tpu.memory_space<vmem>>, %arg11: memref<128x32xf32, #tpu.memory_space<vmem>>, %arg12: memref<!tpu.dma_semaphore, #tpu.memory_space<semaphore_mem>>, %arg13: memref<!tpu.dma_semaphore, #tpu.memory_space<semaphore_mem>>) attributes {dimension_semantics = [#tpu.dimension_semantics<core_parallel>, #tpu.dimension_semantics<subcore_parallel>], iteration_bounds = array<i64: 2, 16>, scalar_prefetch = 0 : i64, scratch_operands = 7 : i64, tpu.core_type = #tpu.core_type<sc_vector_subcore>, window_params = [{transform_indices = #map}, {transform_indices = #map}, {transform_indices = #map}, {transform_indices = #map}, {transform_indices = #map}]} {
    %mul3A = arith.constant 2 : i32
    %mul3A_0 = arith.muli %arg1, %mul3A : i32
    %add3A = arith.addi %mul3A_0, %arg0 : i32
    %mul3A_1 = arith.constant 16 : i32
    %mul3A_2 = arith.muli %add3A, %mul3A_1 : i32
    "tpu.region"() ({
      %run_scoped3A = tpu.sem_alloc : memref<!tpu.dma_semaphore, #tpu.memory_space<semaphore_mem>>
      %dma_start3A_658 = arith.constant 0 : i32
      %dma_start3A_659 = tpu.memref_slice %arg4[%mul3A_2, %dma_start3A_658] : memref<512x128xi32, #tpu.memory_space<hbm>> -> memref<16x128xi32, #tpu.memory_space<hbm>>
      %dma_start3A_660 = arith.constant 0 : i32
      %dma_start3A_661 = tpu.memref_slice %arg4[%mul3A_2, %dma_start3A_660] : memref<512x128xi32, #tpu.memory_space<hbm>> -> memref<16x128xi32, #tpu.memory_space<hbm>>
      tpu.enqueue_dma source(%dma_start3A_661 : memref<16x128xi32, #tpu.memory_space<hbm>>) target(%arg7 : memref<16x128xi32, #tpu.memory_space<vmem>>) target_semaphore(%run_scoped3A : memref<!tpu.dma_semaphore, #tpu.memory_space<semaphore_mem>>)
      %dma_wait3A_662 = arith.constant 0 : i32
      %dma_wait3A_663 = tpu.memref_slice %arg4[%mul3A_2, %dma_wait3A_662] : memref<512x128xi32, #tpu.memory_space<hbm>> -> memref<16x128xi32, #tpu.memory_space<hbm>>
      %dma_wait3A_664 = arith.constant 0 : i32
      %dma_wait3A_665 = tpu.memref_slice %arg4[%mul3A_2, %dma_wait3A_664] : memref<512x128xi32, #tpu.memory_space<hbm>> -> memref<16x128xi32, #tpu.memory_space<hbm>>
      tpu.wait_dma2 semaphore(%run_scoped3A : memref<!tpu.dma_semaphore, #tpu.memory_space<semaphore_mem>>) src(%dma_wait3A_665 : memref<16x128xi32, #tpu.memory_space<hbm>>) dst(%arg7 : memref<16x128xi32, #tpu.memory_space<vmem>>)
      tpu.yield
    }) : () -> ()
    %mul3A_3 = arith.constant 16 : i32
    %mul3A_4 = arith.muli %add3A, %mul3A_3 : i32
    "tpu.region"() ({
      %run_scoped3A = tpu.sem_alloc : memref<!tpu.dma_semaphore, #tpu.memory_space<semaphore_mem>>
      %dma_start3A_658 = arith.constant 0 : i32
      %dma_start3A_659 = tpu.memref_slice %arg5[%mul3A_4, %dma_start3A_658] : memref<512x128xi32, #tpu.memory_space<hbm>> -> memref<16x128xi32, #tpu.memory_space<hbm>>
      %dma_start3A_660 = arith.constant 0 : i32
      %dma_start3A_661 = tpu.memref_slice %arg5[%mul3A_4, %dma_start3A_660] : memref<512x128xi32, #tpu.memory_space<hbm>> -> memref<16x128xi32, #tpu.memory_space<hbm>>
      tpu.enqueue_dma source(%dma_start3A_661 : memref<16x128xi32, #tpu.memory_space<hbm>>) target(%arg8 : memref<16x128xi32, #tpu.memory_space<vmem>>) target_semaphore(%run_scoped3A : memref<!tpu.dma_semaphore, #tpu.memory_space<semaphore_mem>>)
      %dma_wait3A_662 = arith.constant 0 : i32
      %dma_wait3A_663 = tpu.memref_slice %arg5[%mul3A_4, %dma_wait3A_662] : memref<512x128xi32, #tpu.memory_space<hbm>> -> memref<16x128xi32, #tpu.memory_space<hbm>>
      %dma_wait3A_664 = arith.constant 0 : i32
      %dma_wait3A_665 = tpu.memref_slice %arg5[%mul3A_4, %dma_wait3A_664] : memref<512x128xi32, #tpu.memory_space<hbm>> -> memref<16x128xi32, #tpu.memory_space<hbm>>
      tpu.wait_dma2 semaphore(%run_scoped3A : memref<!tpu.dma_semaphore, #tpu.memory_space<semaphore_mem>>) src(%dma_wait3A_665 : memref<16x128xi32, #tpu.memory_space<hbm>>) dst(%arg8 : memref<16x128xi32, #tpu.memory_space<vmem>>)
      tpu.yield
    }) : () -> ()
    %dma_start3A = arith.constant 0 : i32
    %dma_start3A_5 = arith.constant 0 : i32
    %dma_start3A_6 = tpu.memref_slice %arg7[%dma_start3A, %dma_start3A_5] : memref<16x128xi32, #tpu.memory_space<vmem>> -> memref<1x128xi32, #tpu.memory_space<vmem>>
    %dma_start3A_7 = tpu.memref_squeeze %dma_start3A_6 : memref<1x128xi32, #tpu.memory_space<vmem>> -> memref<128xi32, #tpu.memory_space<vmem>>
    %dma_start3A_8 = arith.constant 0 : i32
    %dma_start3A_9 = arith.constant 0 : i32
    %dma_start3A_10 = tpu.memref_slice %arg2[%dma_start3A_8, %dma_start3A_9] : memref<16384x32xf32, #tpu.memory_space<hbm>> -> memref<16384x32xf32, #tpu.memory_space<hbm>>
    tpu.enqueue_indirect_dma source(%dma_start3A_10 : memref<16384x32xf32, #tpu.memory_space<hbm>>) target(%arg9 : memref<128x32xf32, #tpu.memory_space<vmem>>) offsets(%dma_start3A_7 : memref<128xi32, #tpu.memory_space<vmem>>) semaphore(%arg12 : memref<!tpu.dma_semaphore, #tpu.memory_space<semaphore_mem>>)
    %dma_start3A_11 = arith.constant 0 : i32
    %dma_start3A_12 = arith.constant 0 : i32
    %dma_start3A_13 = tpu.memref_slice %arg8[%dma_start3A_11, %dma_start3A_12] : memref<16x128xi32, #tpu.memory_space<vmem>> -> memref<1x128xi32, #tpu.memory_space<vmem>>
    %dma_start3A_14 = tpu.memref_squeeze %dma_start3A_13 : memref<1x128xi32, #tpu.memory_space<vmem>> -> memref<128xi32, #tpu.memory_space<vmem>>
    %dma_start3A_15 = arith.constant 0 : i32
    %dma_start3A_16 = arith.constant 0 : i32
    %dma_start3A_17 = tpu.memref_slice %arg3[%dma_start3A_15, %dma_start3A_16] : memref<16384x32xf32, #tpu.memory_space<hbm>> -> memref<16384x32xf32, #tpu.memory_space<hbm>>
    tpu.enqueue_indirect_dma source(%dma_start3A_17 : memref<16384x32xf32, #tpu.memory_space<hbm>>) target(%arg10 : memref<128x32xf32, #tpu.memory_space<vmem>>) offsets(%dma_start3A_14 : memref<128xi32, #tpu.memory_space<vmem>>) semaphore(%arg13 : memref<!tpu.dma_semaphore, #tpu.memory_space<semaphore_mem>>)
    %dma_wait3A = arith.constant 0 : i32
    %dma_wait3A_18 = arith.constant 0 : i32
    %dma_wait3A_19 = tpu.memref_slice %arg7[%dma_wait3A, %dma_wait3A_18] : memref<16x128xi32, #tpu.memory_space<vmem>> -> memref<1x128xi32, #tpu.memory_space<vmem>>
    %dma_wait3A_20 = tpu.memref_squeeze %dma_wait3A_19 : memref<1x128xi32, #tpu.memory_space<vmem>> -> memref<128xi32, #tpu.memory_space<vmem>>
    %dma_wait3A_21 = arith.constant 0 : i32
    %dma_wait3A_22 = arith.constant 0 : i32
    %dma_wait3A_23 = tpu.memref_slice %arg2[%dma_wait3A_21, %dma_wait3A_22] : memref<16384x32xf32, #tpu.memory_space<hbm>> -> memref<16384x32xf32, #tpu.memory_space<hbm>>
    tpu.wait_indirect_dma semaphore(%arg12 : memref<!tpu.dma_semaphore, #tpu.memory_space<semaphore_mem>>) src(%dma_wait3A_23 : memref<16384x32xf32, #tpu.memory_space<hbm>>) dst(%arg9 : memref<128x32xf32, #tpu.memory_space<vmem>>)
    %dma_wait3A_24 = arith.constant 0 : i32
    %dma_wait3A_25 = arith.constant 0 : i32
    %dma_wait3A_26 = tpu.memref_slice %arg8[%dma_wait3A_24, %dma_wait3A_25] : memref<16x128xi32, #tpu.memory_space<vmem>> -> memref<1x128xi32, #tpu.memory_space<vmem>>
    %dma_wait3A_27 = tpu.memref_squeeze %dma_wait3A_26 : memref<1x128xi32, #tpu.memory_space<vmem>> -> memref<128xi32, #tpu.memory_space<vmem>>
    %dma_wait3A_28 = arith.constant 0 : i32
    %dma_wait3A_29 = arith.constant 0 : i32
    %dma_wait3A_30 = tpu.memref_slice %arg3[%dma_wait3A_28, %dma_wait3A_29] : memref<16384x32xf32, #tpu.memory_space<hbm>> -> memref<16384x32xf32, #tpu.memory_space<hbm>>
    tpu.wait_indirect_dma semaphore(%arg13 : memref<!tpu.dma_semaphore, #tpu.memory_space<semaphore_mem>>) src(%dma_wait3A_30 : memref<16384x32xf32, #tpu.memory_space<hbm>>) dst(%arg10 : memref<128x32xf32, #tpu.memory_space<vmem>>)
    %scan3A = arith.constant 0 : i32
    %scan3A_31 = arith.constant 0 : i32
    %scan3A_32 = arith.constant 128 : i32
    %scan3A_33 = arith.addi %scan3A_31, %scan3A_32 : i32
    %scan3A_34 = arith.constant 1 : i32
    %scan3A_35 = scf.for %scan3A_658 = %scan3A_31 to %scan3A_33 step %scan3A_34 iter_args(%scan3A_659 = %scan3A) -> (i32)  : i32 {
      %get3A = arith.index_cast %scan3A_658 : i32 to index
      %get3A_660 = arith.constant 0 : index
      %get3A_661 = tpu.vector_load %arg9[%get3A, %get3A_660] {strides = array<i32>} : memref<128x32xf32, #tpu.memory_space<vmem>>, vector<1x16xf32>,
      %get3A_662 = vector.shape_cast %get3A_661 : vector<1x16xf32> to vector<16xf32>
      %get3A_663 = arith.index_cast %scan3A_658 : i32 to index
      %get3A_664 = arith.constant 0 : index
      %get3A_665 = tpu.vector_load %arg10[%get3A_663, %get3A_664] {strides = array<i32>} : memref<128x32xf32, #tpu.memory_space<vmem>>, vector<1x16xf32>,
      %get3A_666 = vector.shape_cast %get3A_665 : vector<1x16xf32> to vector<16xf32>
      %add3A_667 = arith.addf %get3A_662, %get3A_666 : vector<16xf32>
      %abs3A = math.absf %add3A_667 : vector<16xf32>
      %mul3A_668 = arith.constant -2.000000e+00 : f32
      %mul3A_669 = vector.broadcast %mul3A_668 : f32 to vector<16xf32>
      %mul3A_670 = arith.mulf %mul3A_669, %abs3A : vector<16xf32>
      %exp3A = math.exp %mul3A_670 : vector<16xf32>
      %sub3A = arith.constant 1.000000e+00 : f32
      %sub3A_671 = vector.broadcast %sub3A : f32 to vector<16xf32>
      %sub3A_672 = arith.subf %sub3A_671, %exp3A : vector<16xf32>
      %add3A_673 = arith.constant 1.000000e+00 : f32
      %add3A_674 = vector.broadcast %add3A_673 : f32 to vector<16xf32>
      %add3A_675 = arith.addf %add3A_674, %exp3A : vector<16xf32>
      %div3A = arith.divf %sub3A_672, %add3A_675 : vector<16xf32>
      %lt3A = arith.constant 0.000000e+00 : f32
      %lt3A_676 = vector.broadcast %lt3A : f32 to vector<16xf32>
      %lt3A_677 = arith.cmpf olt, %add3A_667, %lt3A_676 : vector<16xf32>
      %neg3A = arith.constant 0.000000e+00 : f32
      %neg3A_678 = vector.broadcast %neg3A : f32 to vector<16xf32>
      %neg3A_679 = arith.subf %neg3A_678, %div3A : vector<16xf32>
      %select_n3A = arith.select %lt3A_677, %neg3A_679, %div3A : vector<16xi1>, vector<16xf32>
      %swap3A = arith.index_cast %scan3A_658 : i32 to index
      %swap3A_680 = arith.constant 0 : index
      %swap3A_681 = tpu.vector_load %arg11[%swap3A, %swap3A_680] {strides = array<i32>} : memref<128x32xf32, #tpu.memory_space<vmem>>, vector<1x16xf32>,
      %swap3A_682 = vector.shape_cast %swap3A_681 : vector<1x16xf32> to vector<16xf32>
      %swap3A_683 = vector.shape_cast %select_n3A : vector<16xf32> to vector<1x16xf32>
      tpu.vector_store %arg11[%swap3A, %swap3A_680], %swap3A_683 {strides = array<i32>} : memref<128x32xf32, #tpu.memory_space<vmem>>, vector<1x16xf32>,
      %get3A_684 = arith.index_cast %scan3A_658 : i32 to index
      %get3A_685 = arith.constant 16 : index
      %get3A_686 = tpu.vector_load %arg9[%get3A_684, %get3A_685] {strides = array<i32>} : memref<128x32xf32, #tpu.memory_space<vmem>>, vector<1x16xf32>,
      %get3A_687 = vector.shape_cast %get3A_686 : vector<1x16xf32> to vector<16xf32>
      %get3A_688 = arith.index_cast %scan3A_658 : i32 to index
      %get3A_689 = arith.constant 16 : index
      %get3A_690 = tpu.vector_load %arg10[%get3A_688, %get3A_689] {strides = array<i32>} : memref<128x32xf32, #tpu.memory_space<vmem>>, vector<1x16xf32>,
      %get3A_691 = vector.shape_cast %get3A_690 : vector<1x16xf32> to vector<16xf32>
      %add3A_692 = arith.addf %get3A_687, %get3A_691 : vector<16xf32>
      %abs3A_693 = math.absf %add3A_692 : vector<16xf32>
      %mul3A_694 = arith.constant -2.000000e+00 : f32
      %mul3A_695 = vector.broadcast %mul3A_694 : f32 to vector<16xf32>
      %mul3A_696 = arith.mulf %mul3A_695, %abs3A_693 : vector<16xf32>
      %exp3A_697 = math.exp %mul3A_696 : vector<16xf32>
      %sub3A_698 = arith.constant 1.000000e+00 : f32
      %sub3A_699 = vector.broadcast %sub3A_698 : f32 to vector<16xf32>
      %sub3A_700 = arith.subf %sub3A_699, %exp3A_697 : vector<16xf32>
      %add3A_701 = arith.constant 1.000000e+00 : f32
      %add3A_702 = vector.broadcast %add3A_701 : f32 to vector<16xf32>
      %add3A_703 = arith.addf %add3A_702, %exp3A_697 : vector<16xf32>
      %div3A_704 = arith.divf %sub3A_700, %add3A_703 : vector<16xf32>
      %lt3A_705 = arith.constant 0.000000e+00 : f32
      %lt3A_706 = vector.broadcast %lt3A_705 : f32 to vector<16xf32>
      %lt3A_707 = arith.cmpf olt, %add3A_692, %lt3A_706 : vector<16xf32>
      %neg3A_708 = arith.constant 0.000000e+00 : f32
      %neg3A_709 = vector.broadcast %neg3A_708 : f32 to vector<16xf32>
      %neg3A_710 = arith.subf %neg3A_709, %div3A_704 : vector<16xf32>
      %select_n3A_711 = arith.select %lt3A_707, %neg3A_710, %div3A_704 : vector<16xi1>, vector<16xf32>
      %swap3A_712 = arith.index_cast %scan3A_658 : i32 to index
      %swap3A_713 = arith.constant 16 : index
      %swap3A_714 = tpu.vector_load %arg11[%swap3A_712, %swap3A_713] {strides = array<i32>} : memref<128x32xf32, #tpu.memory_space<vmem>>, vector<1x16xf32>,
      %swap3A_715 = vector.shape_cast %swap3A_714 : vector<1x16xf32> to vector<16xf32>
      %swap3A_716 = vector.shape_cast %select_n3A_711 : vector<16xf32> to vector<1x16xf32>
      tpu.vector_store %arg11[%swap3A_712, %swap3A_713], %swap3A_716 {strides = array<i32>} : memref<128x32xf32, #tpu.memory_space<vmem>>, vector<1x16xf32>,
      %scan3A_717 = arith.constant 0 : i32
      scf.yield %scan3A_717 : i32
    }
    %scan3A_36 = arith.constant 128 : i32
    %mul3A_37 = arith.constant 16 : i32
    %mul3A_38 = arith.muli %add3A, %mul3A_37 : i32
    %add3A_39 = arith.constant 0 : i32
    %add3A_40 = arith.addi %mul3A_38, %add3A_39 : i32
    %mul3A_41 = arith.constant 128 : i32
    %mul3A_42 = arith.muli %add3A_40, %mul3A_41 : i32
    "tpu.region"() ({
      %run_scoped3A = tpu.sem_alloc : memref<!tpu.dma_semaphore, #tpu.memory_space<semaphore_mem>>
      %dma_start3A_658 = arith.constant 0 : i32
      %dma_start3A_659 = tpu.memref_slice %arg6[%mul3A_42, %dma_start3A_658] : memref<65536x32xf32, #tpu.memory_space<hbm>> -> memref<128x32xf32, #tpu.memory_space<hbm>>
      %dma_start3A_660 = arith.constant 0 : i32
      %dma_start3A_661 = tpu.memref_slice %arg6[%mul3A_42, %dma_start3A_660] : memref<65536x32xf32, #tpu.memory_space<hbm>> -> memref<128x32xf32, #tpu.memory_space<hbm>>
      tpu.enqueue_dma source(%arg11 : memref<128x32xf32, #tpu.memory_space<vmem>>) target(%dma_start3A_661 : memref<128x32xf32, #tpu.memory_space<hbm>>) target_semaphore(%run_scoped3A : memref<!tpu.dma_semaphore, #tpu.memory_space<semaphore_mem>>)
      %dma_wait3A_662 = arith.constant 0 : i32
      %dma_wait3A_663 = tpu.memref_slice %arg6[%mul3A_42, %dma_wait3A_662] : memref<65536x32xf32, #tpu.memory_space<hbm>> -> memref<128x32xf32, #tpu.memory_space<hbm>>
      %dma_wait3A_664 = arith.constant 0 : i32
      %dma_wait3A_665 = tpu.memref_slice %arg6[%mul3A_42, %dma_wait3A_664] : memref<65536x32xf32, #tpu.memory_space<hbm>> -> memref<128x32xf32, #tpu.memory_space<hbm>>
      tpu.wait_dma2 semaphore(%run_scoped3A : memref<!tpu.dma_semaphore, #tpu.memory_space<semaphore_mem>>) src(%arg11 : memref<128x32xf32, #tpu.memory_space<vmem>>) dst(%dma_wait3A_665 : memref<128x32xf32, #tpu.memory_space<hbm>>)
      tpu.yield
    }) : () -> ()
    %dma_start3A_43 = arith.constant 1 : i32
    %dma_start3A_44 = arith.constant 0 : i32
    %dma_start3A_45 = tpu.memref_slice %arg7[%dma_start3A_43, %dma_start3A_44] : memref<16x128xi32, #tpu.memory_space<vmem>> -> memref<1x128xi32, #tpu.memory_space<vmem>>
    %dma_start3A_46 = tpu.memref_squeeze %dma_start3A_45 : memref<1x128xi32, #tpu.memory_space<vmem>> -> memref<128xi32, #tpu.memory_space<vmem>>
    %dma_start3A_47 = arith.constant 0 : i32
    %dma_start3A_48 = arith.constant 0 : i32
    %dma_start3A_49 = tpu.memref_slice %arg2[%dma_start3A_47, %dma_start3A_48] : memref<16384x32xf32, #tpu.memory_space<hbm>> -> memref<16384x32xf32, #tpu.memory_space<hbm>>
    tpu.enqueue_indirect_dma source(%dma_start3A_49 : memref<16384x32xf32, #tpu.memory_space<hbm>>) target(%arg9 : memref<128x32xf32, #tpu.memory_space<vmem>>) offsets(%dma_start3A_46 : memref<128xi32, #tpu.memory_space<vmem>>) semaphore(%arg12 : memref<!tpu.dma_semaphore, #tpu.memory_space<semaphore_mem>>)
    %dma_start3A_50 = arith.constant 1 : i32
    %dma_start3A_51 = arith.constant 0 : i32
    %dma_start3A_52 = tpu.memref_slice %arg8[%dma_start3A_50, %dma_start3A_51] : memref<16x128xi32, #tpu.memory_space<vmem>> -> memref<1x128xi32, #tpu.memory_space<vmem>>
    %dma_start3A_53 = tpu.memref_squeeze %dma_start3A_52 : memref<1x128xi32, #tpu.memory_space<vmem>> -> memref<128xi32, #tpu.memory_space<vmem>>
    %dma_start3A_54 = arith.constant 0 : i32
    %dma_start3A_55 = arith.constant 0 : i32
    %dma_start3A_56 = tpu.memref_slice %arg3[%dma_start3A_54, %dma_start3A_55] : memref<16384x32xf32, #tpu.memory_space<hbm>> -> memref<16384x32xf32, #tpu.memory_space<hbm>>
    tpu.enqueue_indirect_dma source(%dma_start3A_56 : memref<16384x32xf32, #tpu.memory_space<hbm>>) target(%arg10 : memref<128x32xf32, #tpu.memory_space<vmem>>) offsets(%dma_start3A_53 : memref<128xi32, #tpu.memory_space<vmem>>) semaphore(%arg13 : memref<!tpu.dma_semaphore, #tpu.memory_space<semaphore_mem>>)
    %dma_wait3A_57 = arith.constant 1 : i32
    %dma_wait3A_58 = arith.constant 0 : i32
    %dma_wait3A_59 = tpu.memref_slice %arg7[%dma_wait3A_57, %dma_wait3A_58] : memref<16x128xi32, #tpu.memory_space<vmem>> -> memref<1x128xi32, #tpu.memory_space<vmem>>
    %dma_wait3A_60 = tpu.memref_squeeze %dma_wait3A_59 : memref<1x128xi32, #tpu.memory_space<vmem>> -> memref<128xi32, #tpu.memory_space<vmem>>
    %dma_wait3A_61 = arith.constant 0 : i32
    %dma_wait3A_62 = arith.constant 0 : i32
    %dma_wait3A_63 = tpu.memref_slice %arg2[%dma_wait3A_61, %dma_wait3A_62] : memref<16384x32xf32, #tpu.memory_space<hbm>> -> memref<16384x32xf32, #tpu.memory_space<hbm>>
    tpu.wait_indirect_dma semaphore(%arg12 : memref<!tpu.dma_semaphore, #tpu.memory_space<semaphore_mem>>) src(%dma_wait3A_63 : memref<16384x32xf32, #tpu.memory_space<hbm>>) dst(%arg9 : memref<128x32xf32, #tpu.memory_space<vmem>>)
    %dma_wait3A_64 = arith.constant 1 : i32
    %dma_wait3A_65 = arith.constant 0 : i32
    %dma_wait3A_66 = tpu.memref_slice %arg8[%dma_wait3A_64, %dma_wait3A_65] : memref<16x128xi32, #tpu.memory_space<vmem>> -> memref<1x128xi32, #tpu.memory_space<vmem>>
    %dma_wait3A_67 = tpu.memref_squeeze %dma_wait3A_66 : memref<1x128xi32, #tpu.memory_space<vmem>> -> memref<128xi32, #tpu.memory_space<vmem>>
    %dma_wait3A_68 = arith.constant 0 : i32
    %dma_wait3A_69 = arith.constant 0 : i32
    %dma_wait3A_70 = tpu.memref_slice %arg3[%dma_wait3A_68, %dma_wait3A_69] : memref<16384x32xf32, #tpu.memory_space<hbm>> -> memref<16384x32xf32, #tpu.memory_space<hbm>>
    tpu.wait_indirect_dma semaphore(%arg13 : memref<!tpu.dma_semaphore, #tpu.memory_space<semaphore_mem>>) src(%dma_wait3A_70 : memref<16384x32xf32, #tpu.memory_space<hbm>>) dst(%arg10 : memref<128x32xf32, #tpu.memory_space<vmem>>)
    %scan3A_71 = arith.constant 0 : i32
    %scan3A_72 = arith.constant 0 : i32
    %scan3A_73 = arith.constant 128 : i32
    %scan3A_74 = arith.addi %scan3A_72, %scan3A_73 : i32
    %scan3A_75 = arith.constant 1 : i32
    %scan3A_76 = scf.for %scan3A_658 = %scan3A_72 to %scan3A_74 step %scan3A_75 iter_args(%scan3A_659 = %scan3A_71) -> (i32)  : i32 {
      %get3A = arith.index_cast %scan3A_658 : i32 to index
      %get3A_660 = arith.constant 0 : index
      %get3A_661 = tpu.vector_load %arg9[%get3A, %get3A_660] {strides = array<i32>} : memref<128x32xf32, #tpu.memory_space<vmem>>, vector<1x16xf32>,
      %get3A_662 = vector.shape_cast %get3A_661 : vector<1x16xf32> to vector<16xf32>
      %get3A_663 = arith.index_cast %scan3A_658 : i32 to index
      %get3A_664 = arith.constant 0 : index
      %get3A_665 = tpu.vector_load %arg10[%get3A_663, %get3A_664] {strides = array<i32>} : memref<128x32xf32, #tpu.memory_space<vmem>>, vector<1x16xf32>,
      %get3A_666 = vector.shape_cast %get3A_665 : vector<1x16xf32> to vector<16xf32>
      %add3A_667 = arith.addf %get3A_662, %get3A_666 : vector<16xf32>
      %abs3A = math.absf %add3A_667 : vector<16xf32>
      %mul3A_668 = arith.constant -2.000000e+00 : f32
      %mul3A_669 = vector.broadcast %mul3A_668 : f32 to vector<16xf32>
      %mul3A_670 = arith.mulf %mul3A_669, %abs3A : vector<16xf32>
      %exp3A = math.exp %mul3A_670 : vector<16xf32>
      %sub3A = arith.constant 1.000000e+00 : f32
      %sub3A_671 = vector.broadcast %sub3A : f32 to vector<16xf32>
      %sub3A_672 = arith.subf %sub3A_671, %exp3A : vector<16xf32>
      %add3A_673 = arith.constant 1.000000e+00 : f32
      %add3A_674 = vector.broadcast %add3A_673 : f32 to vector<16xf32>
      %add3A_675 = arith.addf %add3A_674, %exp3A : vector<16xf32>
      %div3A = arith.divf %sub3A_672, %add3A_675 : vector<16xf32>
      %lt3A = arith.constant 0.000000e+00 : f32
      %lt3A_676 = vector.broadcast %lt3A : f32 to vector<16xf32>
      %lt3A_677 = arith.cmpf olt, %add3A_667, %lt3A_676 : vector<16xf32>
      %neg3A = arith.constant 0.000000e+00 : f32
      %neg3A_678 = vector.broadcast %neg3A : f32 to vector<16xf32>
      %neg3A_679 = arith.subf %neg3A_678, %div3A : vector<16xf32>
      %select_n3A = arith.select %lt3A_677, %neg3A_679, %div3A : vector<16xi1>, vector<16xf32>
      %swap3A = arith.index_cast %scan3A_658 : i32 to index
      %swap3A_680 = arith.constant 0 : index
      %swap3A_681 = tpu.vector_load %arg11[%swap3A, %swap3A_680] {strides = array<i32>} : memref<128x32xf32, #tpu.memory_space<vmem>>, vector<1x16xf32>,
      %swap3A_682 = vector.shape_cast %swap3A_681 : vector<1x16xf32> to vector<16xf32>
      %swap3A_683 = vector.shape_cast %select_n3A : vector<16xf32> to vector<1x16xf32>
      tpu.vector_store %arg11[%swap3A, %swap3A_680], %swap3A_683 {strides = array<i32>} : memref<128x32xf32, #tpu.memory_space<vmem>>, vector<1x16xf32>,
      %get3A_684 = arith.index_cast %scan3A_658 : i32 to index
      %get3A_685 = arith.constant 16 : index
      %get3A_686 = tpu.vector_load %arg9[%get3A_684, %get3A_685] {strides = array<i32>} : memref<128x32xf32, #tpu.memory_space<vmem>>, vector<1x16xf32>,
      %get3A_687 = vector.shape_cast %get3A_686 : vector<1x16xf32> to vector<16xf32>
      %get3A_688 = arith.index_cast %scan3A_658 : i32 to index
      %get3A_689 = arith.constant 16 : index
      %get3A_690 = tpu.vector_load %arg10[%get3A_688, %get3A_689] {strides = array<i32>} : memref<128x32xf32, #tpu.memory_space<vmem>>, vector<1x16xf32>,
      %get3A_691 = vector.shape_cast %get3A_690 : vector<1x16xf32> to vector<16xf32>
      %add3A_692 = arith.addf %get3A_687, %get3A_691 : vector<16xf32>
      %abs3A_693 = math.absf %add3A_692 : vector<16xf32>
      %mul3A_694 = arith.constant -2.000000e+00 : f32
      %mul3A_695 = vector.broadcast %mul3A_694 : f32 to vector<16xf32>
      %mul3A_696 = arith.mulf %mul3A_695, %abs3A_693 : vector<16xf32>
      %exp3A_697 = math.exp %mul3A_696 : vector<16xf32>
      %sub3A_698 = arith.constant 1.000000e+00 : f32
      %sub3A_699 = vector.broadcast %sub3A_698 : f32 to vector<16xf32>
      %sub3A_700 = arith.subf %sub3A_699, %exp3A_697 : vector<16xf32>
      %add3A_701 = arith.constant 1.000000e+00 : f32
      %add3A_702 = vector.broadcast %add3A_701 : f32 to vector<16xf32>
      %add3A_703 = arith.addf %add3A_702, %exp3A_697 : vector<16xf32>
      %div3A_704 = arith.divf %sub3A_700, %add3A_703 : vector<16xf32>
      %lt3A_705 = arith.constant 0.000000e+00 : f32
      %lt3A_706 = vector.broadcast %lt3A_705 : f32 to vector<16xf32>
      %lt3A_707 = arith.cmpf olt, %add3A_692, %lt3A_706 : vector<16xf32>
      %neg3A_708 = arith.constant 0.000000e+00 : f32
      %neg3A_709 = vector.broadcast %neg3A_708 : f32 to vector<16xf32>
      %neg3A_710 = arith.subf %neg3A_709, %div3A_704 : vector<16xf32>
      %select_n3A_711 = arith.select %lt3A_707, %neg3A_710, %div3A_704 : vector<16xi1>, vector<16xf32>
      %swap3A_712 = arith.index_cast %scan3A_658 : i32 to index
      %swap3A_713 = arith.constant 16 : index
      %swap3A_714 = tpu.vector_load %arg11[%swap3A_712, %swap3A_713] {strides = array<i32>} : memref<128x32xf32, #tpu.memory_space<vmem>>, vector<1x16xf32>,
      %swap3A_715 = vector.shape_cast %swap3A_714 : vector<1x16xf32> to vector<16xf32>
      %swap3A_716 = vector.shape_cast %select_n3A_711 : vector<16xf32> to vector<1x16xf32>
      tpu.vector_store %arg11[%swap3A_712, %swap3A_713], %swap3A_716 {strides = array<i32>} : memref<128x32xf32, #tpu.memory_space<vmem>>, vector<1x16xf32>,
      %scan3A_717 = arith.constant 0 : i32
      scf.yield %scan3A_717 : i32
    }
    %scan3A_77 = arith.constant 128 : i32
    %mul3A_78 = arith.constant 16 : i32
    %mul3A_79 = arith.muli %add3A, %mul3A_78 : i32
    %add3A_80 = arith.constant 1 : i32
    %add3A_81 = arith.addi %mul3A_79, %add3A_80 : i32
    %mul3A_82 = arith.constant 128 : i32
    %mul3A_83 = arith.muli %add3A_81, %mul3A_82 : i32
    "tpu.region"() ({
      %run_scoped3A = tpu.sem_alloc : memref<!tpu.dma_semaphore, #tpu.memory_space<semaphore_mem>>
      %dma_start3A_658 = arith.constant 0 : i32
      %dma_start3A_659 = tpu.memref_slice %arg6[%mul3A_83, %dma_start3A_658] : memref<65536x32xf32, #tpu.memory_space<hbm>> -> memref<128x32xf32, #tpu.memory_space<hbm>>
      %dma_start3A_660 = arith.constant 0 : i32
      %dma_start3A_661 = tpu.memref_slice %arg6[%mul3A_83, %dma_start3A_660] : memref<65536x32xf32, #tpu.memory_space<hbm>> -> memref<128x32xf32, #tpu.memory_space<hbm>>
      tpu.enqueue_dma source(%arg11 : memref<128x32xf32, #tpu.memory_space<vmem>>) target(%dma_start3A_661 : memref<128x32xf32, #tpu.memory_space<hbm>>) target_semaphore(%run_scoped3A : memref<!tpu.dma_semaphore, #tpu.memory_space<semaphore_mem>>)
      %dma_wait3A_662 = arith.constant 0 : i32
      %dma_wait3A_663 = tpu.memref_slice %arg6[%mul3A_83, %dma_wait3A_662] : memref<65536x32xf32, #tpu.memory_space<hbm>> -> memref<128x32xf32, #tpu.memory_space<hbm>>
      %dma_wait3A_664 = arith.constant 0 : i32
      %dma_wait3A_665 = tpu.memref_slice %arg6[%mul3A_83, %dma_wait3A_664] : memref<65536x32xf32, #tpu.memory_space<hbm>> -> memref<128x32xf32, #tpu.memory_space<hbm>>
      tpu.wait_dma2 semaphore(%run_scoped3A : memref<!tpu.dma_semaphore, #tpu.memory_space<semaphore_mem>>) src(%arg11 : memref<128x32xf32, #tpu.memory_space<vmem>>) dst(%dma_wait3A_665 : memref<128x32xf32, #tpu.memory_space<hbm>>)
      tpu.yield
    }) : () -> ()
    %dma_start3A_84 = arith.constant 2 : i32
    %dma_start3A_85 = arith.constant 0 : i32
    %dma_start3A_86 = tpu.memref_slice %arg7[%dma_start3A_84, %dma_start3A_85] : memref<16x128xi32, #tpu.memory_space<vmem>> -> memref<1x128xi32, #tpu.memory_space<vmem>>
    %dma_start3A_87 = tpu.memref_squeeze %dma_start3A_86 : memref<1x128xi32, #tpu.memory_space<vmem>> -> memref<128xi32, #tpu.memory_space<vmem>>
    %dma_start3A_88 = arith.constant 0 : i32
    %dma_start3A_89 = arith.constant 0 : i32
    %dma_start3A_90 = tpu.memref_slice %arg2[%dma_start3A_88, %dma_start3A_89] : memref<16384x32xf32, #tpu.memory_space<hbm>> -> memref<16384x32xf32, #tpu.memory_space<hbm>>
    tpu.enqueue_indirect_dma source(%dma_start3A_90 : memref<16384x32xf32, #tpu.memory_space<hbm>>) target(%arg9 : memref<128x32xf32, #tpu.memory_space<vmem>>) offsets(%dma_start3A_87 : memref<128xi32, #tpu.memory_space<vmem>>) semaphore(%arg12 : memref<!tpu.dma_semaphore, #tpu.memory_space<semaphore_mem>>)
    %dma_start3A_91 = arith.constant 2 : i32
    %dma_start3A_92 = arith.constant 0 : i32
    %dma_start3A_93 = tpu.memref_slice %arg8[%dma_start3A_91, %dma_start3A_92] : memref<16x128xi32, #tpu.memory_space<vmem>> -> memref<1x128xi32, #tpu.memory_space<vmem>>
    %dma_start3A_94 = tpu.memref_squeeze %dma_start3A_93 : memref<1x128xi32, #tpu.memory_space<vmem>> -> memref<128xi32, #tpu.memory_space<vmem>>
    %dma_start3A_95 = arith.constant 0 : i32
    %dma_start3A_96 = arith.constant 0 : i32
    %dma_start3A_97 = tpu.memref_slice %arg3[%dma_start3A_95, %dma_start3A_96] : memref<16384x32xf32, #tpu.memory_space<hbm>> -> memref<16384x32xf32, #tpu.memory_space<hbm>>
    tpu.enqueue_indirect_dma source(%dma_start3A_97 : memref<16384x32xf32, #tpu.memory_space<hbm>>) target(%arg10 : memref<128x32xf32, #tpu.memory_space<vmem>>) offsets(%dma_start3A_94 : memref<128xi32, #tpu.memory_space<vmem>>) semaphore(%arg13 : memref<!tpu.dma_semaphore, #tpu.memory_space<semaphore_mem>>)
    %dma_wait3A_98 = arith.constant 2 : i32
    %dma_wait3A_99 = arith.constant 0 : i32
    %dma_wait3A_100 = tpu.memref_slice %arg7[%dma_wait3A_98, %dma_wait3A_99] : memref<16x128xi32, #tpu.memory_space<vmem>> -> memref<1x128xi32, #tpu.memory_space<vmem>>
    %dma_wait3A_101 = tpu.memref_squeeze %dma_wait3A_100 : memref<1x128xi32, #tpu.memory_space<vmem>> -> memref<128xi32, #tpu.memory_space<vmem>>
    %dma_wait3A_102 = arith.constant 0 : i32
    %dma_wait3A_103 = arith.constant 0 : i32
    %dma_wait3A_104 = tpu.memref_slice %arg2[%dma_wait3A_102, %dma_wait3A_103] : memref<16384x32xf32, #tpu.memory_space<hbm>> -> memref<16384x32xf32, #tpu.memory_space<hbm>>
    tpu.wait_indirect_dma semaphore(%arg12 : memref<!tpu.dma_semaphore, #tpu.memory_space<semaphore_mem>>) src(%dma_wait3A_104 : memref<16384x32xf32, #tpu.memory_space<hbm>>) dst(%arg9 : memref<128x32xf32, #tpu.memory_space<vmem>>)
    %dma_wait3A_105 = arith.constant 2 : i32
    %dma_wait3A_106 = arith.constant 0 : i32
    %dma_wait3A_107 = tpu.memref_slice %arg8[%dma_wait3A_105, %dma_wait3A_106] : memref<16x128xi32, #tpu.memory_space<vmem>> -> memref<1x128xi32, #tpu.memory_space<vmem>>
    %dma_wait3A_108 = tpu.memref_squeeze %dma_wait3A_107 : memref<1x128xi32, #tpu.memory_space<vmem>> -> memref<128xi32, #tpu.memory_space<vmem>>
    %dma_wait3A_109 = arith.constant 0 : i32
    %dma_wait3A_110 = arith.constant 0 : i32
    %dma_wait3A_111 = tpu.memref_slice %arg3[%dma_wait3A_109, %dma_wait3A_110] : memref<16384x32xf32, #tpu.memory_space<hbm>> -> memref<16384x32xf32, #tpu.memory_space<hbm>>
    tpu.wait_indirect_dma semaphore(%arg13 : memref<!tpu.dma_semaphore, #tpu.memory_space<semaphore_mem>>) src(%dma_wait3A_111 : memref<16384x32xf32, #tpu.memory_space<hbm>>) dst(%arg10 : memref<128x32xf32, #tpu.memory_space<vmem>>)
    %scan3A_112 = arith.constant 0 : i32
    %scan3A_113 = arith.constant 0 : i32
    %scan3A_114 = arith.constant 128 : i32
    %scan3A_115 = arith.addi %scan3A_113, %scan3A_114 : i32
    %scan3A_116 = arith.constant 1 : i32
    %scan3A_117 = scf.for %scan3A_658 = %scan3A_113 to %scan3A_115 step %scan3A_116 iter_args(%scan3A_659 = %scan3A_112) -> (i32)  : i32 {
      %get3A = arith.index_cast %scan3A_658 : i32 to index
      %get3A_660 = arith.constant 0 : index
      %get3A_661 = tpu.vector_load %arg9[%get3A, %get3A_660] {strides = array<i32>} : memref<128x32xf32, #tpu.memory_space<vmem>>, vector<1x16xf32>,
      %get3A_662 = vector.shape_cast %get3A_661 : vector<1x16xf32> to vector<16xf32>
      %get3A_663 = arith.index_cast %scan3A_658 : i32 to index
      %get3A_664 = arith.constant 0 : index
      %get3A_665 = tpu.vector_load %arg10[%get3A_663, %get3A_664] {strides = array<i32>} : memref<128x32xf32, #tpu.memory_space<vmem>>, vector<1x16xf32>,
      %get3A_666 = vector.shape_cast %get3A_665 : vector<1x16xf32> to vector<16xf32>
      %add3A_667 = arith.addf %get3A_662, %get3A_666 : vector<16xf32>
      %abs3A = math.absf %add3A_667 : vector<16xf32>
      %mul3A_668 = arith.constant -2.000000e+00 : f32
      %mul3A_669 = vector.broadcast %mul3A_668 : f32 to vector<16xf32>
      %mul3A_670 = arith.mulf %mul3A_669, %abs3A : vector<16xf32>
      %exp3A = math.exp %mul3A_670 : vector<16xf32>
      %sub3A = arith.constant 1.000000e+00 : f32
      %sub3A_671 = vector.broadcast %sub3A : f32 to vector<16xf32>
      %sub3A_672 = arith.subf %sub3A_671, %exp3A : vector<16xf32>
      %add3A_673 = arith.constant 1.000000e+00 : f32
      %add3A_674 = vector.broadcast %add3A_673 : f32 to vector<16xf32>
      %add3A_675 = arith.addf %add3A_674, %exp3A : vector<16xf32>
      %div3A = arith.divf %sub3A_672, %add3A_675 : vector<16xf32>
      %lt3A = arith.constant 0.000000e+00 : f32
      %lt3A_676 = vector.broadcast %lt3A : f32 to vector<16xf32>
      %lt3A_677 = arith.cmpf olt, %add3A_667, %lt3A_676 : vector<16xf32>
      %neg3A = arith.constant 0.000000e+00 : f32
      %neg3A_678 = vector.broadcast %neg3A : f32 to vector<16xf32>
      %neg3A_679 = arith.subf %neg3A_678, %div3A : vector<16xf32>
      %select_n3A = arith.select %lt3A_677, %neg3A_679, %div3A : vector<16xi1>, vector<16xf32>
      %swap3A = arith.index_cast %scan3A_658 : i32 to index
      %swap3A_680 = arith.constant 0 : index
      %swap3A_681 = tpu.vector_load %arg11[%swap3A, %swap3A_680] {strides = array<i32>} : memref<128x32xf32, #tpu.memory_space<vmem>>, vector<1x16xf32>,
      %swap3A_682 = vector.shape_cast %swap3A_681 : vector<1x16xf32> to vector<16xf32>
      %swap3A_683 = vector.shape_cast %select_n3A : vector<16xf32> to vector<1x16xf32>
      tpu.vector_store %arg11[%swap3A, %swap3A_680], %swap3A_683 {strides = array<i32>} : memref<128x32xf32, #tpu.memory_space<vmem>>, vector<1x16xf32>,
      %get3A_684 = arith.index_cast %scan3A_658 : i32 to index
      %get3A_685 = arith.constant 16 : index
      %get3A_686 = tpu.vector_load %arg9[%get3A_684, %get3A_685] {strides = array<i32>} : memref<128x32xf32, #tpu.memory_space<vmem>>, vector<1x16xf32>,
      %get3A_687 = vector.shape_cast %get3A_686 : vector<1x16xf32> to vector<16xf32>
      %get3A_688 = arith.index_cast %scan3A_658 : i32 to index
      %get3A_689 = arith.constant 16 : index
      %get3A_690 = tpu.vector_load %arg10[%get3A_688, %get3A_689] {strides = array<i32>} : memref<128x32xf32, #tpu.memory_space<vmem>>, vector<1x16xf32>,
      %get3A_691 = vector.shape_cast %get3A_690 : vector<1x16xf32> to vector<16xf32>
      %add3A_692 = arith.addf %get3A_687, %get3A_691 : vector<16xf32>
      %abs3A_693 = math.absf %add3A_692 : vector<16xf32>
      %mul3A_694 = arith.constant -2.000000e+00 : f32
      %mul3A_695 = vector.broadcast %mul3A_694 : f32 to vector<16xf32>
      %mul3A_696 = arith.mulf %mul3A_695, %abs3A_693 : vector<16xf32>
      %exp3A_697 = math.exp %mul3A_696 : vector<16xf32>
      %sub3A_698 = arith.constant 1.000000e+00 : f32
      %sub3A_699 = vector.broadcast %sub3A_698 : f32 to vector<16xf32>
      %sub3A_700 = arith.subf %sub3A_699, %exp3A_697 : vector<16xf32>
      %add3A_701 = arith.constant 1.000000e+00 : f32
      %add3A_702 = vector.broadcast %add3A_701 : f32 to vector<16xf32>
      %add3A_703 = arith.addf %add3A_702, %exp3A_697 : vector<16xf32>
      %div3A_704 = arith.divf %sub3A_700, %add3A_703 : vector<16xf32>
      %lt3A_705 = arith.constant 0.000000e+00 : f32
      %lt3A_706 = vector.broadcast %lt3A_705 : f32 to vector<16xf32>
      %lt3A_707 = arith.cmpf olt, %add3A_692, %lt3A_706 : vector<16xf32>
      %neg3A_708 = arith.constant 0.000000e+00 : f32
      %neg3A_709 = vector.broadcast %neg3A_708 : f32 to vector<16xf32>
      %neg3A_710 = arith.subf %neg3A_709, %div3A_704 : vector<16xf32>
      %select_n3A_711 = arith.select %lt3A_707, %neg3A_710, %div3A_704 : vector<16xi1>, vector<16xf32>
      %swap3A_712 = arith.index_cast %scan3A_658 : i32 to index
      %swap3A_713 = arith.constant 16 : index
      %swap3A_714 = tpu.vector_load %arg11[%swap3A_712, %swap3A_713] {strides = array<i32>} : memref<128x32xf32, #tpu.memory_space<vmem>>, vector<1x16xf32>,
      %swap3A_715 = vector.shape_cast %swap3A_714 : vector<1x16xf32> to vector<16xf32>
      %swap3A_716 = vector.shape_cast %select_n3A_711 : vector<16xf32> to vector<1x16xf32>
      tpu.vector_store %arg11[%swap3A_712, %swap3A_713], %swap3A_716 {strides = array<i32>} : memref<128x32xf32, #tpu.memory_space<vmem>>, vector<1x16xf32>,
      %scan3A_717 = arith.constant 0 : i32
      scf.yield %scan3A_717 : i32
    }
    %scan3A_118 = arith.constant 128 : i32
    %mul3A_119 = arith.constant 16 : i32
    %mul3A_120 = arith.muli %add3A, %mul3A_119 : i32
    %add3A_121 = arith.constant 2 : i32
    %add3A_122 = arith.addi %mul3A_120, %add3A_121 : i32
    %mul3A_123 = arith.constant 128 : i32
    %mul3A_124 = arith.muli %add3A_122, %mul3A_123 : i32
    "tpu.region"() ({
      %run_scoped3A = tpu.sem_alloc : memref<!tpu.dma_semaphore, #tpu.memory_space<semaphore_mem>>
      %dma_start3A_658 = arith.constant 0 : i32
      %dma_start3A_659 = tpu.memref_slice %arg6[%mul3A_124, %dma_start3A_658] : memref<65536x32xf32, #tpu.memory_space<hbm>> -> memref<128x32xf32, #tpu.memory_space<hbm>>
      %dma_start3A_660 = arith.constant 0 : i32
      %dma_start3A_661 = tpu.memref_slice %arg6[%mul3A_124, %dma_start3A_660] : memref<65536x32xf32, #tpu.memory_space<hbm>> -> memref<128x32xf32, #tpu.memory_space<hbm>>
      tpu.enqueue_dma source(%arg11 : memref<128x32xf32, #tpu.memory_space<vmem>>) target(%dma_start3A_661 : memref<128x32xf32, #tpu.memory_space<hbm>>) target_semaphore(%run_scoped3A : memref<!tpu.dma_semaphore, #tpu.memory_space<semaphore_mem>>)
      %dma_wait3A_662 = arith.constant 0 : i32
      %dma_wait3A_663 = tpu.memref_slice %arg6[%mul3A_124, %dma_wait3A_662] : memref<65536x32xf32, #tpu.memory_space<hbm>> -> memref<128x32xf32, #tpu.memory_space<hbm>>
      %dma_wait3A_664 = arith.constant 0 : i32
      %dma_wait3A_665 = tpu.memref_slice %arg6[%mul3A_124, %dma_wait3A_664] : memref<65536x32xf32, #tpu.memory_space<hbm>> -> memref<128x32xf32, #tpu.memory_space<hbm>>
      tpu.wait_dma2 semaphore(%run_scoped3A : memref<!tpu.dma_semaphore, #tpu.memory_space<semaphore_mem>>) src(%arg11 : memref<128x32xf32, #tpu.memory_space<vmem>>) dst(%dma_wait3A_665 : memref<128x32xf32, #tpu.memory_space<hbm>>)
      tpu.yield
    }) : () -> ()
    %dma_start3A_125 = arith.constant 3 : i32
    %dma_start3A_126 = arith.constant 0 : i32
    %dma_start3A_127 = tpu.memref_slice %arg7[%dma_start3A_125, %dma_start3A_126] : memref<16x128xi32, #tpu.memory_space<vmem>> -> memref<1x128xi32, #tpu.memory_space<vmem>>
    %dma_start3A_128 = tpu.memref_squeeze %dma_start3A_127 : memref<1x128xi32, #tpu.memory_space<vmem>> -> memref<128xi32, #tpu.memory_space<vmem>>
    %dma_start3A_129 = arith.constant 0 : i32
    %dma_start3A_130 = arith.constant 0 : i32
    %dma_start3A_131 = tpu.memref_slice %arg2[%dma_start3A_129, %dma_start3A_130] : memref<16384x32xf32, #tpu.memory_space<hbm>> -> memref<16384x32xf32, #tpu.memory_space<hbm>>
    tpu.enqueue_indirect_dma source(%dma_start3A_131 : memref<16384x32xf32, #tpu.memory_space<hbm>>) target(%arg9 : memref<128x32xf32, #tpu.memory_space<vmem>>) offsets(%dma_start3A_128 : memref<128xi32, #tpu.memory_space<vmem>>) semaphore(%arg12 : memref<!tpu.dma_semaphore, #tpu.memory_space<semaphore_mem>>)
    %dma_start3A_132 = arith.constant 3 : i32
    %dma_start3A_133 = arith.constant 0 : i32
    %dma_start3A_134 = tpu.memref_slice %arg8[%dma_start3A_132, %dma_start3A_133] : memref<16x128xi32, #tpu.memory_space<vmem>> -> memref<1x128xi32, #tpu.memory_space<vmem>>
    %dma_start3A_135 = tpu.memref_squeeze %dma_start3A_134 : memref<1x128xi32, #tpu.memory_space<vmem>> -> memref<128xi32, #tpu.memory_space<vmem>>
    %dma_start3A_136 = arith.constant 0 : i32
    %dma_start3A_137 = arith.constant 0 : i32
    %dma_start3A_138 = tpu.memref_slice %arg3[%dma_start3A_136, %dma_start3A_137] : memref<16384x32xf32, #tpu.memory_space<hbm>> -> memref<16384x32xf32, #tpu.memory_space<hbm>>
    tpu.enqueue_indirect_dma source(%dma_start3A_138 : memref<16384x32xf32, #tpu.memory_space<hbm>>) target(%arg10 : memref<128x32xf32, #tpu.memory_space<vmem>>) offsets(%dma_start3A_135 : memref<128xi32, #tpu.memory_space<vmem>>) semaphore(%arg13 : memref<!tpu.dma_semaphore, #tpu.memory_space<semaphore_mem>>)
    %dma_wait3A_139 = arith.constant 3 : i32
    %dma_wait3A_140 = arith.constant 0 : i32
    %dma_wait3A_141 = tpu.memref_slice %arg7[%dma_wait3A_139, %dma_wait3A_140] : memref<16x128xi32, #tpu.memory_space<vmem>> -> memref<1x128xi32, #tpu.memory_space<vmem>>
    %dma_wait3A_142 = tpu.memref_squeeze %dma_wait3A_141 : memref<1x128xi32, #tpu.memory_space<vmem>> -> memref<128xi32, #tpu.memory_space<vmem>>
    %dma_wait3A_143 = arith.constant 0 : i32
    %dma_wait3A_144 = arith.constant 0 : i32
    %dma_wait3A_145 = tpu.memref_slice %arg2[%dma_wait3A_143, %dma_wait3A_144] : memref<16384x32xf32, #tpu.memory_space<hbm>> -> memref<16384x32xf32, #tpu.memory_space<hbm>>
    tpu.wait_indirect_dma semaphore(%arg12 : memref<!tpu.dma_semaphore, #tpu.memory_space<semaphore_mem>>) src(%dma_wait3A_145 : memref<16384x32xf32, #tpu.memory_space<hbm>>) dst(%arg9 : memref<128x32xf32, #tpu.memory_space<vmem>>)
    %dma_wait3A_146 = arith.constant 3 : i32
    %dma_wait3A_147 = arith.constant 0 : i32
    %dma_wait3A_148 = tpu.memref_slice %arg8[%dma_wait3A_146, %dma_wait3A_147] : memref<16x128xi32, #tpu.memory_space<vmem>> -> memref<1x128xi32, #tpu.memory_space<vmem>>
    %dma_wait3A_149 = tpu.memref_squeeze %dma_wait3A_148 : memref<1x128xi32, #tpu.memory_space<vmem>> -> memref<128xi32, #tpu.memory_space<vmem>>
    %dma_wait3A_150 = arith.constant 0 : i32
    %dma_wait3A_151 = arith.constant 0 : i32
    %dma_wait3A_152 = tpu.memref_slice %arg3[%dma_wait3A_150, %dma_wait3A_151] : memref<16384x32xf32, #tpu.memory_space<hbm>> -> memref<16384x32xf32, #tpu.memory_space<hbm>>
    tpu.wait_indirect_dma semaphore(%arg13 : memref<!tpu.dma_semaphore, #tpu.memory_space<semaphore_mem>>) src(%dma_wait3A_152 : memref<16384x32xf32, #tpu.memory_space<hbm>>) dst(%arg10 : memref<128x32xf32, #tpu.memory_space<vmem>>)
    %scan3A_153 = arith.constant 0 : i32
    %scan3A_154 = arith.constant 0 : i32
    %scan3A_155 = arith.constant 128 : i32
    %scan3A_156 = arith.addi %scan3A_154, %scan3A_155 : i32
    %scan3A_157 = arith.constant 1 : i32
    %scan3A_158 = scf.for %scan3A_658 = %scan3A_154 to %scan3A_156 step %scan3A_157 iter_args(%scan3A_659 = %scan3A_153) -> (i32)  : i32 {
      %get3A = arith.index_cast %scan3A_658 : i32 to index
      %get3A_660 = arith.constant 0 : index
      %get3A_661 = tpu.vector_load %arg9[%get3A, %get3A_660] {strides = array<i32>} : memref<128x32xf32, #tpu.memory_space<vmem>>, vector<1x16xf32>,
      %get3A_662 = vector.shape_cast %get3A_661 : vector<1x16xf32> to vector<16xf32>
      %get3A_663 = arith.index_cast %scan3A_658 : i32 to index
      %get3A_664 = arith.constant 0 : index
      %get3A_665 = tpu.vector_load %arg10[%get3A_663, %get3A_664] {strides = array<i32>} : memref<128x32xf32, #tpu.memory_space<vmem>>, vector<1x16xf32>,
      %get3A_666 = vector.shape_cast %get3A_665 : vector<1x16xf32> to vector<16xf32>
      %add3A_667 = arith.addf %get3A_662, %get3A_666 : vector<16xf32>
      %abs3A = math.absf %add3A_667 : vector<16xf32>
      %mul3A_668 = arith.constant -2.000000e+00 : f32
      %mul3A_669 = vector.broadcast %mul3A_668 : f32 to vector<16xf32>
      %mul3A_670 = arith.mulf %mul3A_669, %abs3A : vector<16xf32>
      %exp3A = math.exp %mul3A_670 : vector<16xf32>
      %sub3A = arith.constant 1.000000e+00 : f32
      %sub3A_671 = vector.broadcast %sub3A : f32 to vector<16xf32>
      %sub3A_672 = arith.subf %sub3A_671, %exp3A : vector<16xf32>
      %add3A_673 = arith.constant 1.000000e+00 : f32
      %add3A_674 = vector.broadcast %add3A_673 : f32 to vector<16xf32>
      %add3A_675 = arith.addf %add3A_674, %exp3A : vector<16xf32>
      %div3A = arith.divf %sub3A_672, %add3A_675 : vector<16xf32>
      %lt3A = arith.constant 0.000000e+00 : f32
      %lt3A_676 = vector.broadcast %lt3A : f32 to vector<16xf32>
      %lt3A_677 = arith.cmpf olt, %add3A_667, %lt3A_676 : vector<16xf32>
      %neg3A = arith.constant 0.000000e+00 : f32
      %neg3A_678 = vector.broadcast %neg3A : f32 to vector<16xf32>
      %neg3A_679 = arith.subf %neg3A_678, %div3A : vector<16xf32>
      %select_n3A = arith.select %lt3A_677, %neg3A_679, %div3A : vector<16xi1>, vector<16xf32>
      %swap3A = arith.index_cast %scan3A_658 : i32 to index
      %swap3A_680 = arith.constant 0 : index
      %swap3A_681 = tpu.vector_load %arg11[%swap3A, %swap3A_680] {strides = array<i32>} : memref<128x32xf32, #tpu.memory_space<vmem>>, vector<1x16xf32>,
      %swap3A_682 = vector.shape_cast %swap3A_681 : vector<1x16xf32> to vector<16xf32>
      %swap3A_683 = vector.shape_cast %select_n3A : vector<16xf32> to vector<1x16xf32>
      tpu.vector_store %arg11[%swap3A, %swap3A_680], %swap3A_683 {strides = array<i32>} : memref<128x32xf32, #tpu.memory_space<vmem>>, vector<1x16xf32>,
      %get3A_684 = arith.index_cast %scan3A_658 : i32 to index
      %get3A_685 = arith.constant 16 : index
      %get3A_686 = tpu.vector_load %arg9[%get3A_684, %get3A_685] {strides = array<i32>} : memref<128x32xf32, #tpu.memory_space<vmem>>, vector<1x16xf32>,
      %get3A_687 = vector.shape_cast %get3A_686 : vector<1x16xf32> to vector<16xf32>
      %get3A_688 = arith.index_cast %scan3A_658 : i32 to index
      %get3A_689 = arith.constant 16 : index
      %get3A_690 = tpu.vector_load %arg10[%get3A_688, %get3A_689] {strides = array<i32>} : memref<128x32xf32, #tpu.memory_space<vmem>>, vector<1x16xf32>,
      %get3A_691 = vector.shape_cast %get3A_690 : vector<1x16xf32> to vector<16xf32>
      %add3A_692 = arith.addf %get3A_687, %get3A_691 : vector<16xf32>
      %abs3A_693 = math.absf %add3A_692 : vector<16xf32>
      %mul3A_694 = arith.constant -2.000000e+00 : f32
      %mul3A_695 = vector.broadcast %mul3A_694 : f32 to vector<16xf32>
      %mul3A_696 = arith.mulf %mul3A_695, %abs3A_693 : vector<16xf32>
      %exp3A_697 = math.exp %mul3A_696 : vector<16xf32>
      %sub3A_698 = arith.constant 1.000000e+00 : f32
      %sub3A_699 = vector.broadcast %sub3A_698 : f32 to vector<16xf32>
      %sub3A_700 = arith.subf %sub3A_699, %exp3A_697 : vector<16xf32>
      %add3A_701 = arith.constant 1.000000e+00 : f32
      %add3A_702 = vector.broadcast %add3A_701 : f32 to vector<16xf32>
      %add3A_703 = arith.addf %add3A_702, %exp3A_697 : vector<16xf32>
      %div3A_704 = arith.divf %sub3A_700, %add3A_703 : vector<16xf32>
      %lt3A_705 = arith.constant 0.000000e+00 : f32
      %lt3A_706 = vector.broadcast %lt3A_705 : f32 to vector<16xf32>
      %lt3A_707 = arith.cmpf olt, %add3A_692, %lt3A_706 : vector<16xf32>
      %neg3A_708 = arith.constant 0.000000e+00 : f32
      %neg3A_709 = vector.broadcast %neg3A_708 : f32 to vector<16xf32>
      %neg3A_710 = arith.subf %neg3A_709, %div3A_704 : vector<16xf32>
      %select_n3A_711 = arith.select %lt3A_707, %neg3A_710, %div3A_704 : vector<16xi1>, vector<16xf32>
      %swap3A_712 = arith.index_cast %scan3A_658 : i32 to index
      %swap3A_713 = arith.constant 16 : index
      %swap3A_714 = tpu.vector_load %arg11[%swap3A_712, %swap3A_713] {strides = array<i32>} : memref<128x32xf32, #tpu.memory_space<vmem>>, vector<1x16xf32>,
      %swap3A_715 = vector.shape_cast %swap3A_714 : vector<1x16xf32> to vector<16xf32>
      %swap3A_716 = vector.shape_cast %select_n3A_711 : vector<16xf32> to vector<1x16xf32>
      tpu.vector_store %arg11[%swap3A_712, %swap3A_713], %swap3A_716 {strides = array<i32>} : memref<128x32xf32, #tpu.memory_space<vmem>>, vector<1x16xf32>,
      %scan3A_717 = arith.constant 0 : i32
      scf.yield %scan3A_717 : i32
    }
    %scan3A_159 = arith.constant 128 : i32
    %mul3A_160 = arith.constant 16 : i32
    %mul3A_161 = arith.muli %add3A, %mul3A_160 : i32
    %add3A_162 = arith.constant 3 : i32
    %add3A_163 = arith.addi %mul3A_161, %add3A_162 : i32
    %mul3A_164 = arith.constant 128 : i32
    %mul3A_165 = arith.muli %add3A_163, %mul3A_164 : i32
    "tpu.region"() ({
      %run_scoped3A = tpu.sem_alloc : memref<!tpu.dma_semaphore, #tpu.memory_space<semaphore_mem>>
      %dma_start3A_658 = arith.constant 0 : i32
      %dma_start3A_659 = tpu.memref_slice %arg6[%mul3A_165, %dma_start3A_658] : memref<65536x32xf32, #tpu.memory_space<hbm>> -> memref<128x32xf32, #tpu.memory_space<hbm>>
      %dma_start3A_660 = arith.constant 0 : i32
      %dma_start3A_661 = tpu.memref_slice %arg6[%mul3A_165, %dma_start3A_660] : memref<65536x32xf32, #tpu.memory_space<hbm>> -> memref<128x32xf32, #tpu.memory_space<hbm>>
      tpu.enqueue_dma source(%arg11 : memref<128x32xf32, #tpu.memory_space<vmem>>) target(%dma_start3A_661 : memref<128x32xf32, #tpu.memory_space<hbm>>) target_semaphore(%run_scoped3A : memref<!tpu.dma_semaphore, #tpu.memory_space<semaphore_mem>>)
      %dma_wait3A_662 = arith.constant 0 : i32
      %dma_wait3A_663 = tpu.memref_slice %arg6[%mul3A_165, %dma_wait3A_662] : memref<65536x32xf32, #tpu.memory_space<hbm>> -> memref<128x32xf32, #tpu.memory_space<hbm>>
      %dma_wait3A_664 = arith.constant 0 : i32
      %dma_wait3A_665 = tpu.memref_slice %arg6[%mul3A_165, %dma_wait3A_664] : memref<65536x32xf32, #tpu.memory_space<hbm>> -> memref<128x32xf32, #tpu.memory_space<hbm>>
      tpu.wait_dma2 semaphore(%run_scoped3A : memref<!tpu.dma_semaphore, #tpu.memory_space<semaphore_mem>>) src(%arg11 : memref<128x32xf32, #tpu.memory_space<vmem>>) dst(%dma_wait3A_665 : memref<128x32xf32, #tpu.memory_space<hbm>>)
      tpu.yield
    }) : () -> ()
    %dma_start3A_166 = arith.constant 4 : i32
    %dma_start3A_167 = arith.constant 0 : i32
    %dma_start3A_168 = tpu.memref_slice %arg7[%dma_start3A_166, %dma_start3A_167] : memref<16x128xi32, #tpu.memory_space<vmem>> -> memref<1x128xi32, #tpu.memory_space<vmem>>
    %dma_start3A_169 = tpu.memref_squeeze %dma_start3A_168 : memref<1x128xi32, #tpu.memory_space<vmem>> -> memref<128xi32, #tpu.memory_space<vmem>>
    %dma_start3A_170 = arith.constant 0 : i32
    %dma_start3A_171 = arith.constant 0 : i32
    %dma_start3A_172 = tpu.memref_slice %arg2[%dma_start3A_170, %dma_start3A_171] : memref<16384x32xf32, #tpu.memory_space<hbm>> -> memref<16384x32xf32, #tpu.memory_space<hbm>>
    tpu.enqueue_indirect_dma source(%dma_start3A_172 : memref<16384x32xf32, #tpu.memory_space<hbm>>) target(%arg9 : memref<128x32xf32, #tpu.memory_space<vmem>>) offsets(%dma_start3A_169 : memref<128xi32, #tpu.memory_space<vmem>>) semaphore(%arg12 : memref<!tpu.dma_semaphore, #tpu.memory_space<semaphore_mem>>)
    %dma_start3A_173 = arith.constant 4 : i32
    %dma_start3A_174 = arith.constant 0 : i32
    %dma_start3A_175 = tpu.memref_slice %arg8[%dma_start3A_173, %dma_start3A_174] : memref<16x128xi32, #tpu.memory_space<vmem>> -> memref<1x128xi32, #tpu.memory_space<vmem>>
    %dma_start3A_176 = tpu.memref_squeeze %dma_start3A_175 : memref<1x128xi32, #tpu.memory_space<vmem>> -> memref<128xi32, #tpu.memory_space<vmem>>
    %dma_start3A_177 = arith.constant 0 : i32
    %dma_start3A_178 = arith.constant 0 : i32
    %dma_start3A_179 = tpu.memref_slice %arg3[%dma_start3A_177, %dma_start3A_178] : memref<16384x32xf32, #tpu.memory_space<hbm>> -> memref<16384x32xf32, #tpu.memory_space<hbm>>
    tpu.enqueue_indirect_dma source(%dma_start3A_179 : memref<16384x32xf32, #tpu.memory_space<hbm>>) target(%arg10 : memref<128x32xf32, #tpu.memory_space<vmem>>) offsets(%dma_start3A_176 : memref<128xi32, #tpu.memory_space<vmem>>) semaphore(%arg13 : memref<!tpu.dma_semaphore, #tpu.memory_space<semaphore_mem>>)
    %dma_wait3A_180 = arith.constant 4 : i32
    %dma_wait3A_181 = arith.constant 0 : i32
    %dma_wait3A_182 = tpu.memref_slice %arg7[%dma_wait3A_180, %dma_wait3A_181] : memref<16x128xi32, #tpu.memory_space<vmem>> -> memref<1x128xi32, #tpu.memory_space<vmem>>
    %dma_wait3A_183 = tpu.memref_squeeze %dma_wait3A_182 : memref<1x128xi32, #tpu.memory_space<vmem>> -> memref<128xi32, #tpu.memory_space<vmem>>
    %dma_wait3A_184 = arith.constant 0 : i32
    %dma_wait3A_185 = arith.constant 0 : i32
    %dma_wait3A_186 = tpu.memref_slice %arg2[%dma_wait3A_184, %dma_wait3A_185] : memref<16384x32xf32, #tpu.memory_space<hbm>> -> memref<16384x32xf32, #tpu.memory_space<hbm>>
    tpu.wait_indirect_dma semaphore(%arg12 : memref<!tpu.dma_semaphore, #tpu.memory_space<semaphore_mem>>) src(%dma_wait3A_186 : memref<16384x32xf32, #tpu.memory_space<hbm>>) dst(%arg9 : memref<128x32xf32, #tpu.memory_space<vmem>>)
    %dma_wait3A_187 = arith.constant 4 : i32
    %dma_wait3A_188 = arith.constant 0 : i32
    %dma_wait3A_189 = tpu.memref_slice %arg8[%dma_wait3A_187, %dma_wait3A_188] : memref<16x128xi32, #tpu.memory_space<vmem>> -> memref<1x128xi32, #tpu.memory_space<vmem>>
    %dma_wait3A_190 = tpu.memref_squeeze %dma_wait3A_189 : memref<1x128xi32, #tpu.memory_space<vmem>> -> memref<128xi32, #tpu.memory_space<vmem>>
    %dma_wait3A_191 = arith.constant 0 : i32
    %dma_wait3A_192 = arith.constant 0 : i32
    %dma_wait3A_193 = tpu.memref_slice %arg3[%dma_wait3A_191, %dma_wait3A_192] : memref<16384x32xf32, #tpu.memory_space<hbm>> -> memref<16384x32xf32, #tpu.memory_space<hbm>>
    tpu.wait_indirect_dma semaphore(%arg13 : memref<!tpu.dma_semaphore, #tpu.memory_space<semaphore_mem>>) src(%dma_wait3A_193 : memref<16384x32xf32, #tpu.memory_space<hbm>>) dst(%arg10 : memref<128x32xf32, #tpu.memory_space<vmem>>)
    %scan3A_194 = arith.constant 0 : i32
    %scan3A_195 = arith.constant 0 : i32
    %scan3A_196 = arith.constant 128 : i32
    %scan3A_197 = arith.addi %scan3A_195, %scan3A_196 : i32
    %scan3A_198 = arith.constant 1 : i32
    %scan3A_199 = scf.for %scan3A_658 = %scan3A_195 to %scan3A_197 step %scan3A_198 iter_args(%scan3A_659 = %scan3A_194) -> (i32)  : i32 {
      %get3A = arith.index_cast %scan3A_658 : i32 to index
      %get3A_660 = arith.constant 0 : index
      %get3A_661 = tpu.vector_load %arg9[%get3A, %get3A_660] {strides = array<i32>} : memref<128x32xf32, #tpu.memory_space<vmem>>, vector<1x16xf32>,
      %get3A_662 = vector.shape_cast %get3A_661 : vector<1x16xf32> to vector<16xf32>
      %get3A_663 = arith.index_cast %scan3A_658 : i32 to index
      %get3A_664 = arith.constant 0 : index
      %get3A_665 = tpu.vector_load %arg10[%get3A_663, %get3A_664] {strides = array<i32>} : memref<128x32xf32, #tpu.memory_space<vmem>>, vector<1x16xf32>,
      %get3A_666 = vector.shape_cast %get3A_665 : vector<1x16xf32> to vector<16xf32>
      %add3A_667 = arith.addf %get3A_662, %get3A_666 : vector<16xf32>
      %abs3A = math.absf %add3A_667 : vector<16xf32>
      %mul3A_668 = arith.constant -2.000000e+00 : f32
      %mul3A_669 = vector.broadcast %mul3A_668 : f32 to vector<16xf32>
      %mul3A_670 = arith.mulf %mul3A_669, %abs3A : vector<16xf32>
      %exp3A = math.exp %mul3A_670 : vector<16xf32>
      %sub3A = arith.constant 1.000000e+00 : f32
      %sub3A_671 = vector.broadcast %sub3A : f32 to vector<16xf32>
      %sub3A_672 = arith.subf %sub3A_671, %exp3A : vector<16xf32>
      %add3A_673 = arith.constant 1.000000e+00 : f32
      %add3A_674 = vector.broadcast %add3A_673 : f32 to vector<16xf32>
      %add3A_675 = arith.addf %add3A_674, %exp3A : vector<16xf32>
      %div3A = arith.divf %sub3A_672, %add3A_675 : vector<16xf32>
      %lt3A = arith.constant 0.000000e+00 : f32
      %lt3A_676 = vector.broadcast %lt3A : f32 to vector<16xf32>
      %lt3A_677 = arith.cmpf olt, %add3A_667, %lt3A_676 : vector<16xf32>
      %neg3A = arith.constant 0.000000e+00 : f32
      %neg3A_678 = vector.broadcast %neg3A : f32 to vector<16xf32>
      %neg3A_679 = arith.subf %neg3A_678, %div3A : vector<16xf32>
      %select_n3A = arith.select %lt3A_677, %neg3A_679, %div3A : vector<16xi1>, vector<16xf32>
      %swap3A = arith.index_cast %scan3A_658 : i32 to index
      %swap3A_680 = arith.constant 0 : index
      %swap3A_681 = tpu.vector_load %arg11[%swap3A, %swap3A_680] {strides = array<i32>} : memref<128x32xf32, #tpu.memory_space<vmem>>, vector<1x16xf32>,
      %swap3A_682 = vector.shape_cast %swap3A_681 : vector<1x16xf32> to vector<16xf32>
      %swap3A_683 = vector.shape_cast %select_n3A : vector<16xf32> to vector<1x16xf32>
      tpu.vector_store %arg11[%swap3A, %swap3A_680], %swap3A_683 {strides = array<i32>} : memref<128x32xf32, #tpu.memory_space<vmem>>, vector<1x16xf32>,
      %get3A_684 = arith.index_cast %scan3A_658 : i32 to index
      %get3A_685 = arith.constant 16 : index
      %get3A_686 = tpu.vector_load %arg9[%get3A_684, %get3A_685] {strides = array<i32>} : memref<128x32xf32, #tpu.memory_space<vmem>>, vector<1x16xf32>,
      %get3A_687 = vector.shape_cast %get3A_686 : vector<1x16xf32> to vector<16xf32>
      %get3A_688 = arith.index_cast %scan3A_658 : i32 to index
      %get3A_689 = arith.constant 16 : index
      %get3A_690 = tpu.vector_load %arg10[%get3A_688, %get3A_689] {strides = array<i32>} : memref<128x32xf32, #tpu.memory_space<vmem>>, vector<1x16xf32>,
      %get3A_691 = vector.shape_cast %get3A_690 : vector<1x16xf32> to vector<16xf32>
      %add3A_692 = arith.addf %get3A_687, %get3A_691 : vector<16xf32>
      %abs3A_693 = math.absf %add3A_692 : vector<16xf32>
      %mul3A_694 = arith.constant -2.000000e+00 : f32
      %mul3A_695 = vector.broadcast %mul3A_694 : f32 to vector<16xf32>
      %mul3A_696 = arith.mulf %mul3A_695, %abs3A_693 : vector<16xf32>
      %exp3A_697 = math.exp %mul3A_696 : vector<16xf32>
      %sub3A_698 = arith.constant 1.000000e+00 : f32
      %sub3A_699 = vector.broadcast %sub3A_698 : f32 to vector<16xf32>
      %sub3A_700 = arith.subf %sub3A_699, %exp3A_697 : vector<16xf32>
      %add3A_701 = arith.constant 1.000000e+00 : f32
      %add3A_702 = vector.broadcast %add3A_701 : f32 to vector<16xf32>
      %add3A_703 = arith.addf %add3A_702, %exp3A_697 : vector<16xf32>
      %div3A_704 = arith.divf %sub3A_700, %add3A_703 : vector<16xf32>
      %lt3A_705 = arith.constant 0.000000e+00 : f32
      %lt3A_706 = vector.broadcast %lt3A_705 : f32 to vector<16xf32>
      %lt3A_707 = arith.cmpf olt, %add3A_692, %lt3A_706 : vector<16xf32>
      %neg3A_708 = arith.constant 0.000000e+00 : f32
      %neg3A_709 = vector.broadcast %neg3A_708 : f32 to vector<16xf32>
      %neg3A_710 = arith.subf %neg3A_709, %div3A_704 : vector<16xf32>
      %select_n3A_711 = arith.select %lt3A_707, %neg3A_710, %div3A_704 : vector<16xi1>, vector<16xf32>
      %swap3A_712 = arith.index_cast %scan3A_658 : i32 to index
      %swap3A_713 = arith.constant 16 : index
      %swap3A_714 = tpu.vector_load %arg11[%swap3A_712, %swap3A_713] {strides = array<i32>} : memref<128x32xf32, #tpu.memory_space<vmem>>, vector<1x16xf32>,
      %swap3A_715 = vector.shape_cast %swap3A_714 : vector<1x16xf32> to vector<16xf32>
      %swap3A_716 = vector.shape_cast %select_n3A_711 : vector<16xf32> to vector<1x16xf32>
      tpu.vector_store %arg11[%swap3A_712, %swap3A_713], %swap3A_716 {strides = array<i32>} : memref<128x32xf32, #tpu.memory_space<vmem>>, vector<1x16xf32>,
      %scan3A_717 = arith.constant 0 : i32
      scf.yield %scan3A_717 : i32
    }
    %scan3A_200 = arith.constant 128 : i32
    %mul3A_201 = arith.constant 16 : i32
    %mul3A_202 = arith.muli %add3A, %mul3A_201 : i32
    %add3A_203 = arith.constant 4 : i32
    %add3A_204 = arith.addi %mul3A_202, %add3A_203 : i32
    %mul3A_205 = arith.constant 128 : i32
    %mul3A_206 = arith.muli %add3A_204, %mul3A_205 : i32
    "tpu.region"() ({
      %run_scoped3A = tpu.sem_alloc : memref<!tpu.dma_semaphore, #tpu.memory_space<semaphore_mem>>
      %dma_start3A_658 = arith.constant 0 : i32
      %dma_start3A_659 = tpu.memref_slice %arg6[%mul3A_206, %dma_start3A_658] : memref<65536x32xf32, #tpu.memory_space<hbm>> -> memref<128x32xf32, #tpu.memory_space<hbm>>
      %dma_start3A_660 = arith.constant 0 : i32
      %dma_start3A_661 = tpu.memref_slice %arg6[%mul3A_206, %dma_start3A_660] : memref<65536x32xf32, #tpu.memory_space<hbm>> -> memref<128x32xf32, #tpu.memory_space<hbm>>
      tpu.enqueue_dma source(%arg11 : memref<128x32xf32, #tpu.memory_space<vmem>>) target(%dma_start3A_661 : memref<128x32xf32, #tpu.memory_space<hbm>>) target_semaphore(%run_scoped3A : memref<!tpu.dma_semaphore, #tpu.memory_space<semaphore_mem>>)
      %dma_wait3A_662 = arith.constant 0 : i32
      %dma_wait3A_663 = tpu.memref_slice %arg6[%mul3A_206, %dma_wait3A_662] : memref<65536x32xf32, #tpu.memory_space<hbm>> -> memref<128x32xf32, #tpu.memory_space<hbm>>
      %dma_wait3A_664 = arith.constant 0 : i32
      %dma_wait3A_665 = tpu.memref_slice %arg6[%mul3A_206, %dma_wait3A_664] : memref<65536x32xf32, #tpu.memory_space<hbm>> -> memref<128x32xf32, #tpu.memory_space<hbm>>
      tpu.wait_dma2 semaphore(%run_scoped3A : memref<!tpu.dma_semaphore, #tpu.memory_space<semaphore_mem>>) src(%arg11 : memref<128x32xf32, #tpu.memory_space<vmem>>) dst(%dma_wait3A_665 : memref<128x32xf32, #tpu.memory_space<hbm>>)
      tpu.yield
    }) : () -> ()
    %dma_start3A_207 = arith.constant 5 : i32
    %dma_start3A_208 = arith.constant 0 : i32
    %dma_start3A_209 = tpu.memref_slice %arg7[%dma_start3A_207, %dma_start3A_208] : memref<16x128xi32, #tpu.memory_space<vmem>> -> memref<1x128xi32, #tpu.memory_space<vmem>>
    %dma_start3A_210 = tpu.memref_squeeze %dma_start3A_209 : memref<1x128xi32, #tpu.memory_space<vmem>> -> memref<128xi32, #tpu.memory_space<vmem>>
    %dma_start3A_211 = arith.constant 0 : i32
    %dma_start3A_212 = arith.constant 0 : i32
    %dma_start3A_213 = tpu.memref_slice %arg2[%dma_start3A_211, %dma_start3A_212] : memref<16384x32xf32, #tpu.memory_space<hbm>> -> memref<16384x32xf32, #tpu.memory_space<hbm>>
    tpu.enqueue_indirect_dma source(%dma_start3A_213 : memref<16384x32xf32, #tpu.memory_space<hbm>>) target(%arg9 : memref<128x32xf32, #tpu.memory_space<vmem>>) offsets(%dma_start3A_210 : memref<128xi32, #tpu.memory_space<vmem>>) semaphore(%arg12 : memref<!tpu.dma_semaphore, #tpu.memory_space<semaphore_mem>>)
    %dma_start3A_214 = arith.constant 5 : i32
    %dma_start3A_215 = arith.constant 0 : i32
    %dma_start3A_216 = tpu.memref_slice %arg8[%dma_start3A_214, %dma_start3A_215] : memref<16x128xi32, #tpu.memory_space<vmem>> -> memref<1x128xi32, #tpu.memory_space<vmem>>
    %dma_start3A_217 = tpu.memref_squeeze %dma_start3A_216 : memref<1x128xi32, #tpu.memory_space<vmem>> -> memref<128xi32, #tpu.memory_space<vmem>>
    %dma_start3A_218 = arith.constant 0 : i32
    %dma_start3A_219 = arith.constant 0 : i32
    %dma_start3A_220 = tpu.memref_slice %arg3[%dma_start3A_218, %dma_start3A_219] : memref<16384x32xf32, #tpu.memory_space<hbm>> -> memref<16384x32xf32, #tpu.memory_space<hbm>>
    tpu.enqueue_indirect_dma source(%dma_start3A_220 : memref<16384x32xf32, #tpu.memory_space<hbm>>) target(%arg10 : memref<128x32xf32, #tpu.memory_space<vmem>>) offsets(%dma_start3A_217 : memref<128xi32, #tpu.memory_space<vmem>>) semaphore(%arg13 : memref<!tpu.dma_semaphore, #tpu.memory_space<semaphore_mem>>)
    %dma_wait3A_221 = arith.constant 5 : i32
    %dma_wait3A_222 = arith.constant 0 : i32
    %dma_wait3A_223 = tpu.memref_slice %arg7[%dma_wait3A_221, %dma_wait3A_222] : memref<16x128xi32, #tpu.memory_space<vmem>> -> memref<1x128xi32, #tpu.memory_space<vmem>>
    %dma_wait3A_224 = tpu.memref_squeeze %dma_wait3A_223 : memref<1x128xi32, #tpu.memory_space<vmem>> -> memref<128xi32, #tpu.memory_space<vmem>>
    %dma_wait3A_225 = arith.constant 0 : i32
    %dma_wait3A_226 = arith.constant 0 : i32
    %dma_wait3A_227 = tpu.memref_slice %arg2[%dma_wait3A_225, %dma_wait3A_226] : memref<16384x32xf32, #tpu.memory_space<hbm>> -> memref<16384x32xf32, #tpu.memory_space<hbm>>
    tpu.wait_indirect_dma semaphore(%arg12 : memref<!tpu.dma_semaphore, #tpu.memory_space<semaphore_mem>>) src(%dma_wait3A_227 : memref<16384x32xf32, #tpu.memory_space<hbm>>) dst(%arg9 : memref<128x32xf32, #tpu.memory_space<vmem>>)
    %dma_wait3A_228 = arith.constant 5 : i32
    %dma_wait3A_229 = arith.constant 0 : i32
    %dma_wait3A_230 = tpu.memref_slice %arg8[%dma_wait3A_228, %dma_wait3A_229] : memref<16x128xi32, #tpu.memory_space<vmem>> -> memref<1x128xi32, #tpu.memory_space<vmem>>
    %dma_wait3A_231 = tpu.memref_squeeze %dma_wait3A_230 : memref<1x128xi32, #tpu.memory_space<vmem>> -> memref<128xi32, #tpu.memory_space<vmem>>
    %dma_wait3A_232 = arith.constant 0 : i32
    %dma_wait3A_233 = arith.constant 0 : i32
    %dma_wait3A_234 = tpu.memref_slice %arg3[%dma_wait3A_232, %dma_wait3A_233] : memref<16384x32xf32, #tpu.memory_space<hbm>> -> memref<16384x32xf32, #tpu.memory_space<hbm>>
    tpu.wait_indirect_dma semaphore(%arg13 : memref<!tpu.dma_semaphore, #tpu.memory_space<semaphore_mem>>) src(%dma_wait3A_234 : memref<16384x32xf32, #tpu.memory_space<hbm>>) dst(%arg10 : memref<128x32xf32, #tpu.memory_space<vmem>>)
    %scan3A_235 = arith.constant 0 : i32
    %scan3A_236 = arith.constant 0 : i32
    %scan3A_237 = arith.constant 128 : i32
    %scan3A_238 = arith.addi %scan3A_236, %scan3A_237 : i32
    %scan3A_239 = arith.constant 1 : i32
    %scan3A_240 = scf.for %scan3A_658 = %scan3A_236 to %scan3A_238 step %scan3A_239 iter_args(%scan3A_659 = %scan3A_235) -> (i32)  : i32 {
      %get3A = arith.index_cast %scan3A_658 : i32 to index
      %get3A_660 = arith.constant 0 : index
      %get3A_661 = tpu.vector_load %arg9[%get3A, %get3A_660] {strides = array<i32>} : memref<128x32xf32, #tpu.memory_space<vmem>>, vector<1x16xf32>,
      %get3A_662 = vector.shape_cast %get3A_661 : vector<1x16xf32> to vector<16xf32>
      %get3A_663 = arith.index_cast %scan3A_658 : i32 to index
      %get3A_664 = arith.constant 0 : index
      %get3A_665 = tpu.vector_load %arg10[%get3A_663, %get3A_664] {strides = array<i32>} : memref<128x32xf32, #tpu.memory_space<vmem>>, vector<1x16xf32>,
      %get3A_666 = vector.shape_cast %get3A_665 : vector<1x16xf32> to vector<16xf32>
      %add3A_667 = arith.addf %get3A_662, %get3A_666 : vector<16xf32>
      %abs3A = math.absf %add3A_667 : vector<16xf32>
      %mul3A_668 = arith.constant -2.000000e+00 : f32
      %mul3A_669 = vector.broadcast %mul3A_668 : f32 to vector<16xf32>
      %mul3A_670 = arith.mulf %mul3A_669, %abs3A : vector<16xf32>
      %exp3A = math.exp %mul3A_670 : vector<16xf32>
      %sub3A = arith.constant 1.000000e+00 : f32
      %sub3A_671 = vector.broadcast %sub3A : f32 to vector<16xf32>
      %sub3A_672 = arith.subf %sub3A_671, %exp3A : vector<16xf32>
      %add3A_673 = arith.constant 1.000000e+00 : f32
      %add3A_674 = vector.broadcast %add3A_673 : f32 to vector<16xf32>
      %add3A_675 = arith.addf %add3A_674, %exp3A : vector<16xf32>
      %div3A = arith.divf %sub3A_672, %add3A_675 : vector<16xf32>
      %lt3A = arith.constant 0.000000e+00 : f32
      %lt3A_676 = vector.broadcast %lt3A : f32 to vector<16xf32>
      %lt3A_677 = arith.cmpf olt, %add3A_667, %lt3A_676 : vector<16xf32>
      %neg3A = arith.constant 0.000000e+00 : f32
      %neg3A_678 = vector.broadcast %neg3A : f32 to vector<16xf32>
      %neg3A_679 = arith.subf %neg3A_678, %div3A : vector<16xf32>
      %select_n3A = arith.select %lt3A_677, %neg3A_679, %div3A : vector<16xi1>, vector<16xf32>
      %swap3A = arith.index_cast %scan3A_658 : i32 to index
      %swap3A_680 = arith.constant 0 : index
      %swap3A_681 = tpu.vector_load %arg11[%swap3A, %swap3A_680] {strides = array<i32>} : memref<128x32xf32, #tpu.memory_space<vmem>>, vector<1x16xf32>,
      %swap3A_682 = vector.shape_cast %swap3A_681 : vector<1x16xf32> to vector<16xf32>
      %swap3A_683 = vector.shape_cast %select_n3A : vector<16xf32> to vector<1x16xf32>
      tpu.vector_store %arg11[%swap3A, %swap3A_680], %swap3A_683 {strides = array<i32>} : memref<128x32xf32, #tpu.memory_space<vmem>>, vector<1x16xf32>,
      %get3A_684 = arith.index_cast %scan3A_658 : i32 to index
      %get3A_685 = arith.constant 16 : index
      %get3A_686 = tpu.vector_load %arg9[%get3A_684, %get3A_685] {strides = array<i32>} : memref<128x32xf32, #tpu.memory_space<vmem>>, vector<1x16xf32>,
      %get3A_687 = vector.shape_cast %get3A_686 : vector<1x16xf32> to vector<16xf32>
      %get3A_688 = arith.index_cast %scan3A_658 : i32 to index
      %get3A_689 = arith.constant 16 : index
      %get3A_690 = tpu.vector_load %arg10[%get3A_688, %get3A_689] {strides = array<i32>} : memref<128x32xf32, #tpu.memory_space<vmem>>, vector<1x16xf32>,
      %get3A_691 = vector.shape_cast %get3A_690 : vector<1x16xf32> to vector<16xf32>
      %add3A_692 = arith.addf %get3A_687, %get3A_691 : vector<16xf32>
      %abs3A_693 = math.absf %add3A_692 : vector<16xf32>
      %mul3A_694 = arith.constant -2.000000e+00 : f32
      %mul3A_695 = vector.broadcast %mul3A_694 : f32 to vector<16xf32>
      %mul3A_696 = arith.mulf %mul3A_695, %abs3A_693 : vector<16xf32>
      %exp3A_697 = math.exp %mul3A_696 : vector<16xf32>
      %sub3A_698 = arith.constant 1.000000e+00 : f32
      %sub3A_699 = vector.broadcast %sub3A_698 : f32 to vector<16xf32>
      %sub3A_700 = arith.subf %sub3A_699, %exp3A_697 : vector<16xf32>
      %add3A_701 = arith.constant 1.000000e+00 : f32
      %add3A_702 = vector.broadcast %add3A_701 : f32 to vector<16xf32>
      %add3A_703 = arith.addf %add3A_702, %exp3A_697 : vector<16xf32>
      %div3A_704 = arith.divf %sub3A_700, %add3A_703 : vector<16xf32>
      %lt3A_705 = arith.constant 0.000000e+00 : f32
      %lt3A_706 = vector.broadcast %lt3A_705 : f32 to vector<16xf32>
      %lt3A_707 = arith.cmpf olt, %add3A_692, %lt3A_706 : vector<16xf32>
      %neg3A_708 = arith.constant 0.000000e+00 : f32
      %neg3A_709 = vector.broadcast %neg3A_708 : f32 to vector<16xf32>
      %neg3A_710 = arith.subf %neg3A_709, %div3A_704 : vector<16xf32>
      %select_n3A_711 = arith.select %lt3A_707, %neg3A_710, %div3A_704 : vector<16xi1>, vector<16xf32>
      %swap3A_712 = arith.index_cast %scan3A_658 : i32 to index
      %swap3A_713 = arith.constant 16 : index
      %swap3A_714 = tpu.vector_load %arg11[%swap3A_712, %swap3A_713] {strides = array<i32>} : memref<128x32xf32, #tpu.memory_space<vmem>>, vector<1x16xf32>,
      %swap3A_715 = vector.shape_cast %swap3A_714 : vector<1x16xf32> to vector<16xf32>
      %swap3A_716 = vector.shape_cast %select_n3A_711 : vector<16xf32> to vector<1x16xf32>
      tpu.vector_store %arg11[%swap3A_712, %swap3A_713], %swap3A_716 {strides = array<i32>} : memref<128x32xf32, #tpu.memory_space<vmem>>, vector<1x16xf32>,
      %scan3A_717 = arith.constant 0 : i32
      scf.yield %scan3A_717 : i32
    }
    %scan3A_241 = arith.constant 128 : i32
    %mul3A_242 = arith.constant 16 : i32
    %mul3A_243 = arith.muli %add3A, %mul3A_242 : i32
    %add3A_244 = arith.constant 5 : i32
    %add3A_245 = arith.addi %mul3A_243, %add3A_244 : i32
    %mul3A_246 = arith.constant 128 : i32
    %mul3A_247 = arith.muli %add3A_245, %mul3A_246 : i32
    "tpu.region"() ({
      %run_scoped3A = tpu.sem_alloc : memref<!tpu.dma_semaphore, #tpu.memory_space<semaphore_mem>>
      %dma_start3A_658 = arith.constant 0 : i32
      %dma_start3A_659 = tpu.memref_slice %arg6[%mul3A_247, %dma_start3A_658] : memref<65536x32xf32, #tpu.memory_space<hbm>> -> memref<128x32xf32, #tpu.memory_space<hbm>>
      %dma_start3A_660 = arith.constant 0 : i32
      %dma_start3A_661 = tpu.memref_slice %arg6[%mul3A_247, %dma_start3A_660] : memref<65536x32xf32, #tpu.memory_space<hbm>> -> memref<128x32xf32, #tpu.memory_space<hbm>>
      tpu.enqueue_dma source(%arg11 : memref<128x32xf32, #tpu.memory_space<vmem>>) target(%dma_start3A_661 : memref<128x32xf32, #tpu.memory_space<hbm>>) target_semaphore(%run_scoped3A : memref<!tpu.dma_semaphore, #tpu.memory_space<semaphore_mem>>)
      %dma_wait3A_662 = arith.constant 0 : i32
      %dma_wait3A_663 = tpu.memref_slice %arg6[%mul3A_247, %dma_wait3A_662] : memref<65536x32xf32, #tpu.memory_space<hbm>> -> memref<128x32xf32, #tpu.memory_space<hbm>>
      %dma_wait3A_664 = arith.constant 0 : i32
      %dma_wait3A_665 = tpu.memref_slice %arg6[%mul3A_247, %dma_wait3A_664] : memref<65536x32xf32, #tpu.memory_space<hbm>> -> memref<128x32xf32, #tpu.memory_space<hbm>>
      tpu.wait_dma2 semaphore(%run_scoped3A : memref<!tpu.dma_semaphore, #tpu.memory_space<semaphore_mem>>) src(%arg11 : memref<128x32xf32, #tpu.memory_space<vmem>>) dst(%dma_wait3A_665 : memref<128x32xf32, #tpu.memory_space<hbm>>)
      tpu.yield
    }) : () -> ()
    %dma_start3A_248 = arith.constant 6 : i32
    %dma_start3A_249 = arith.constant 0 : i32
    %dma_start3A_250 = tpu.memref_slice %arg7[%dma_start3A_248, %dma_start3A_249] : memref<16x128xi32, #tpu.memory_space<vmem>> -> memref<1x128xi32, #tpu.memory_space<vmem>>
    %dma_start3A_251 = tpu.memref_squeeze %dma_start3A_250 : memref<1x128xi32, #tpu.memory_space<vmem>> -> memref<128xi32, #tpu.memory_space<vmem>>
    %dma_start3A_252 = arith.constant 0 : i32
    %dma_start3A_253 = arith.constant 0 : i32
    %dma_start3A_254 = tpu.memref_slice %arg2[%dma_start3A_252, %dma_start3A_253] : memref<16384x32xf32, #tpu.memory_space<hbm>> -> memref<16384x32xf32, #tpu.memory_space<hbm>>
    tpu.enqueue_indirect_dma source(%dma_start3A_254 : memref<16384x32xf32, #tpu.memory_space<hbm>>) target(%arg9 : memref<128x32xf32, #tpu.memory_space<vmem>>) offsets(%dma_start3A_251 : memref<128xi32, #tpu.memory_space<vmem>>) semaphore(%arg12 : memref<!tpu.dma_semaphore, #tpu.memory_space<semaphore_mem>>)
    %dma_start3A_255 = arith.constant 6 : i32
    %dma_start3A_256 = arith.constant 0 : i32
    %dma_start3A_257 = tpu.memref_slice %arg8[%dma_start3A_255, %dma_start3A_256] : memref<16x128xi32, #tpu.memory_space<vmem>> -> memref<1x128xi32, #tpu.memory_space<vmem>>
    %dma_start3A_258 = tpu.memref_squeeze %dma_start3A_257 : memref<1x128xi32, #tpu.memory_space<vmem>> -> memref<128xi32, #tpu.memory_space<vmem>>
    %dma_start3A_259 = arith.constant 0 : i32
    %dma_start3A_260 = arith.constant 0 : i32
    %dma_start3A_261 = tpu.memref_slice %arg3[%dma_start3A_259, %dma_start3A_260] : memref<16384x32xf32, #tpu.memory_space<hbm>> -> memref<16384x32xf32, #tpu.memory_space<hbm>>
    tpu.enqueue_indirect_dma source(%dma_start3A_261 : memref<16384x32xf32, #tpu.memory_space<hbm>>) target(%arg10 : memref<128x32xf32, #tpu.memory_space<vmem>>) offsets(%dma_start3A_258 : memref<128xi32, #tpu.memory_space<vmem>>) semaphore(%arg13 : memref<!tpu.dma_semaphore, #tpu.memory_space<semaphore_mem>>)
    %dma_wait3A_262 = arith.constant 6 : i32
    %dma_wait3A_263 = arith.constant 0 : i32
    %dma_wait3A_264 = tpu.memref_slice %arg7[%dma_wait3A_262, %dma_wait3A_263] : memref<16x128xi32, #tpu.memory_space<vmem>> -> memref<1x128xi32, #tpu.memory_space<vmem>>
    %dma_wait3A_265 = tpu.memref_squeeze %dma_wait3A_264 : memref<1x128xi32, #tpu.memory_space<vmem>> -> memref<128xi32, #tpu.memory_space<vmem>>
    %dma_wait3A_266 = arith.constant 0 : i32
    %dma_wait3A_267 = arith.constant 0 : i32
    %dma_wait3A_268 = tpu.memref_slice %arg2[%dma_wait3A_266, %dma_wait3A_267] : memref<16384x32xf32, #tpu.memory_space<hbm>> -> memref<16384x32xf32, #tpu.memory_space<hbm>>
    tpu.wait_indirect_dma semaphore(%arg12 : memref<!tpu.dma_semaphore, #tpu.memory_space<semaphore_mem>>) src(%dma_wait3A_268 : memref<16384x32xf32, #tpu.memory_space<hbm>>) dst(%arg9 : memref<128x32xf32, #tpu.memory_space<vmem>>)
    %dma_wait3A_269 = arith.constant 6 : i32
    %dma_wait3A_270 = arith.constant 0 : i32
    %dma_wait3A_271 = tpu.memref_slice %arg8[%dma_wait3A_269, %dma_wait3A_270] : memref<16x128xi32, #tpu.memory_space<vmem>> -> memref<1x128xi32, #tpu.memory_space<vmem>>
    %dma_wait3A_272 = tpu.memref_squeeze %dma_wait3A_271 : memref<1x128xi32, #tpu.memory_space<vmem>> -> memref<128xi32, #tpu.memory_space<vmem>>
    %dma_wait3A_273 = arith.constant 0 : i32
    %dma_wait3A_274 = arith.constant 0 : i32
    %dma_wait3A_275 = tpu.memref_slice %arg3[%dma_wait3A_273, %dma_wait3A_274] : memref<16384x32xf32, #tpu.memory_space<hbm>> -> memref<16384x32xf32, #tpu.memory_space<hbm>>
    tpu.wait_indirect_dma semaphore(%arg13 : memref<!tpu.dma_semaphore, #tpu.memory_space<semaphore_mem>>) src(%dma_wait3A_275 : memref<16384x32xf32, #tpu.memory_space<hbm>>) dst(%arg10 : memref<128x32xf32, #tpu.memory_space<vmem>>)
    %scan3A_276 = arith.constant 0 : i32
    %scan3A_277 = arith.constant 0 : i32
    %scan3A_278 = arith.constant 128 : i32
    %scan3A_279 = arith.addi %scan3A_277, %scan3A_278 : i32
    %scan3A_280 = arith.constant 1 : i32
    %scan3A_281 = scf.for %scan3A_658 = %scan3A_277 to %scan3A_279 step %scan3A_280 iter_args(%scan3A_659 = %scan3A_276) -> (i32)  : i32 {
      %get3A = arith.index_cast %scan3A_658 : i32 to index
      %get3A_660 = arith.constant 0 : index
      %get3A_661 = tpu.vector_load %arg9[%get3A, %get3A_660] {strides = array<i32>} : memref<128x32xf32, #tpu.memory_space<vmem>>, vector<1x16xf32>,
      %get3A_662 = vector.shape_cast %get3A_661 : vector<1x16xf32> to vector<16xf32>
      %get3A_663 = arith.index_cast %scan3A_658 : i32 to index
      %get3A_664 = arith.constant 0 : index
      %get3A_665 = tpu.vector_load %arg10[%get3A_663, %get3A_664] {strides = array<i32>} : memref<128x32xf32, #tpu.memory_space<vmem>>, vector<1x16xf32>,
      %get3A_666 = vector.shape_cast %get3A_665 : vector<1x16xf32> to vector<16xf32>
      %add3A_667 = arith.addf %get3A_662, %get3A_666 : vector<16xf32>
      %abs3A = math.absf %add3A_667 : vector<16xf32>
      %mul3A_668 = arith.constant -2.000000e+00 : f32
      %mul3A_669 = vector.broadcast %mul3A_668 : f32 to vector<16xf32>
      %mul3A_670 = arith.mulf %mul3A_669, %abs3A : vector<16xf32>
      %exp3A = math.exp %mul3A_670 : vector<16xf32>
      %sub3A = arith.constant 1.000000e+00 : f32
      %sub3A_671 = vector.broadcast %sub3A : f32 to vector<16xf32>
      %sub3A_672 = arith.subf %sub3A_671, %exp3A : vector<16xf32>
      %add3A_673 = arith.constant 1.000000e+00 : f32
      %add3A_674 = vector.broadcast %add3A_673 : f32 to vector<16xf32>
      %add3A_675 = arith.addf %add3A_674, %exp3A : vector<16xf32>
      %div3A = arith.divf %sub3A_672, %add3A_675 : vector<16xf32>
      %lt3A = arith.constant 0.000000e+00 : f32
      %lt3A_676 = vector.broadcast %lt3A : f32 to vector<16xf32>
      %lt3A_677 = arith.cmpf olt, %add3A_667, %lt3A_676 : vector<16xf32>
      %neg3A = arith.constant 0.000000e+00 : f32
      %neg3A_678 = vector.broadcast %neg3A : f32 to vector<16xf32>
      %neg3A_679 = arith.subf %neg3A_678, %div3A : vector<16xf32>
      %select_n3A = arith.select %lt3A_677, %neg3A_679, %div3A : vector<16xi1>, vector<16xf32>
      %swap3A = arith.index_cast %scan3A_658 : i32 to index
      %swap3A_680 = arith.constant 0 : index
      %swap3A_681 = tpu.vector_load %arg11[%swap3A, %swap3A_680] {strides = array<i32>} : memref<128x32xf32, #tpu.memory_space<vmem>>, vector<1x16xf32>,
      %swap3A_682 = vector.shape_cast %swap3A_681 : vector<1x16xf32> to vector<16xf32>
      %swap3A_683 = vector.shape_cast %select_n3A : vector<16xf32> to vector<1x16xf32>
      tpu.vector_store %arg11[%swap3A, %swap3A_680], %swap3A_683 {strides = array<i32>} : memref<128x32xf32, #tpu.memory_space<vmem>>, vector<1x16xf32>,
      %get3A_684 = arith.index_cast %scan3A_658 : i32 to index
      %get3A_685 = arith.constant 16 : index
      %get3A_686 = tpu.vector_load %arg9[%get3A_684, %get3A_685] {strides = array<i32>} : memref<128x32xf32, #tpu.memory_space<vmem>>, vector<1x16xf32>,
      %get3A_687 = vector.shape_cast %get3A_686 : vector<1x16xf32> to vector<16xf32>
      %get3A_688 = arith.index_cast %scan3A_658 : i32 to index
      %get3A_689 = arith.constant 16 : index
      %get3A_690 = tpu.vector_load %arg10[%get3A_688, %get3A_689] {strides = array<i32>} : memref<128x32xf32, #tpu.memory_space<vmem>>, vector<1x16xf32>,
      %get3A_691 = vector.shape_cast %get3A_690 : vector<1x16xf32> to vector<16xf32>
      %add3A_692 = arith.addf %get3A_687, %get3A_691 : vector<16xf32>
      %abs3A_693 = math.absf %add3A_692 : vector<16xf32>
      %mul3A_694 = arith.constant -2.000000e+00 : f32
      %mul3A_695 = vector.broadcast %mul3A_694 : f32 to vector<16xf32>
      %mul3A_696 = arith.mulf %mul3A_695, %abs3A_693 : vector<16xf32>
      %exp3A_697 = math.exp %mul3A_696 : vector<16xf32>
      %sub3A_698 = arith.constant 1.000000e+00 : f32
      %sub3A_699 = vector.broadcast %sub3A_698 : f32 to vector<16xf32>
      %sub3A_700 = arith.subf %sub3A_699, %exp3A_697 : vector<16xf32>
      %add3A_701 = arith.constant 1.000000e+00 : f32
      %add3A_702 = vector.broadcast %add3A_701 : f32 to vector<16xf32>
      %add3A_703 = arith.addf %add3A_702, %exp3A_697 : vector<16xf32>
      %div3A_704 = arith.divf %sub3A_700, %add3A_703 : vector<16xf32>
      %lt3A_705 = arith.constant 0.000000e+00 : f32
      %lt3A_706 = vector.broadcast %lt3A_705 : f32 to vector<16xf32>
      %lt3A_707 = arith.cmpf olt, %add3A_692, %lt3A_706 : vector<16xf32>
      %neg3A_708 = arith.constant 0.000000e+00 : f32
      %neg3A_709 = vector.broadcast %neg3A_708 : f32 to vector<16xf32>
      %neg3A_710 = arith.subf %neg3A_709, %div3A_704 : vector<16xf32>
      %select_n3A_711 = arith.select %lt3A_707, %neg3A_710, %div3A_704 : vector<16xi1>, vector<16xf32>
      %swap3A_712 = arith.index_cast %scan3A_658 : i32 to index
      %swap3A_713 = arith.constant 16 : index
      %swap3A_714 = tpu.vector_load %arg11[%swap3A_712, %swap3A_713] {strides = array<i32>} : memref<128x32xf32, #tpu.memory_space<vmem>>, vector<1x16xf32>,
      %swap3A_715 = vector.shape_cast %swap3A_714 : vector<1x16xf32> to vector<16xf32>
      %swap3A_716 = vector.shape_cast %select_n3A_711 : vector<16xf32> to vector<1x16xf32>
      tpu.vector_store %arg11[%swap3A_712, %swap3A_713], %swap3A_716 {strides = array<i32>} : memref<128x32xf32, #tpu.memory_space<vmem>>, vector<1x16xf32>,
      %scan3A_717 = arith.constant 0 : i32
      scf.yield %scan3A_717 : i32
    }
    %scan3A_282 = arith.constant 128 : i32
    %mul3A_283 = arith.constant 16 : i32
    %mul3A_284 = arith.muli %add3A, %mul3A_283 : i32
    %add3A_285 = arith.constant 6 : i32
    %add3A_286 = arith.addi %mul3A_284, %add3A_285 : i32
    %mul3A_287 = arith.constant 128 : i32
    %mul3A_288 = arith.muli %add3A_286, %mul3A_287 : i32
    "tpu.region"() ({
      %run_scoped3A = tpu.sem_alloc : memref<!tpu.dma_semaphore, #tpu.memory_space<semaphore_mem>>
      %dma_start3A_658 = arith.constant 0 : i32
      %dma_start3A_659 = tpu.memref_slice %arg6[%mul3A_288, %dma_start3A_658] : memref<65536x32xf32, #tpu.memory_space<hbm>> -> memref<128x32xf32, #tpu.memory_space<hbm>>
      %dma_start3A_660 = arith.constant 0 : i32
      %dma_start3A_661 = tpu.memref_slice %arg6[%mul3A_288, %dma_start3A_660] : memref<65536x32xf32, #tpu.memory_space<hbm>> -> memref<128x32xf32, #tpu.memory_space<hbm>>
      tpu.enqueue_dma source(%arg11 : memref<128x32xf32, #tpu.memory_space<vmem>>) target(%dma_start3A_661 : memref<128x32xf32, #tpu.memory_space<hbm>>) target_semaphore(%run_scoped3A : memref<!tpu.dma_semaphore, #tpu.memory_space<semaphore_mem>>)
      %dma_wait3A_662 = arith.constant 0 : i32
      %dma_wait3A_663 = tpu.memref_slice %arg6[%mul3A_288, %dma_wait3A_662] : memref<65536x32xf32, #tpu.memory_space<hbm>> -> memref<128x32xf32, #tpu.memory_space<hbm>>
      %dma_wait3A_664 = arith.constant 0 : i32
      %dma_wait3A_665 = tpu.memref_slice %arg6[%mul3A_288, %dma_wait3A_664] : memref<65536x32xf32, #tpu.memory_space<hbm>> -> memref<128x32xf32, #tpu.memory_space<hbm>>
      tpu.wait_dma2 semaphore(%run_scoped3A : memref<!tpu.dma_semaphore, #tpu.memory_space<semaphore_mem>>) src(%arg11 : memref<128x32xf32, #tpu.memory_space<vmem>>) dst(%dma_wait3A_665 : memref<128x32xf32, #tpu.memory_space<hbm>>)
      tpu.yield
    }) : () -> ()
    %dma_start3A_289 = arith.constant 7 : i32
    %dma_start3A_290 = arith.constant 0 : i32
    %dma_start3A_291 = tpu.memref_slice %arg7[%dma_start3A_289, %dma_start3A_290] : memref<16x128xi32, #tpu.memory_space<vmem>> -> memref<1x128xi32, #tpu.memory_space<vmem>>
    %dma_start3A_292 = tpu.memref_squeeze %dma_start3A_291 : memref<1x128xi32, #tpu.memory_space<vmem>> -> memref<128xi32, #tpu.memory_space<vmem>>
    %dma_start3A_293 = arith.constant 0 : i32
    %dma_start3A_294 = arith.constant 0 : i32
    %dma_start3A_295 = tpu.memref_slice %arg2[%dma_start3A_293, %dma_start3A_294] : memref<16384x32xf32, #tpu.memory_space<hbm>> -> memref<16384x32xf32, #tpu.memory_space<hbm>>
    tpu.enqueue_indirect_dma source(%dma_start3A_295 : memref<16384x32xf32, #tpu.memory_space<hbm>>) target(%arg9 : memref<128x32xf32, #tpu.memory_space<vmem>>) offsets(%dma_start3A_292 : memref<128xi32, #tpu.memory_space<vmem>>) semaphore(%arg12 : memref<!tpu.dma_semaphore, #tpu.memory_space<semaphore_mem>>)
    %dma_start3A_296 = arith.constant 7 : i32
    %dma_start3A_297 = arith.constant 0 : i32
    %dma_start3A_298 = tpu.memref_slice %arg8[%dma_start3A_296, %dma_start3A_297] : memref<16x128xi32, #tpu.memory_space<vmem>> -> memref<1x128xi32, #tpu.memory_space<vmem>>
    %dma_start3A_299 = tpu.memref_squeeze %dma_start3A_298 : memref<1x128xi32, #tpu.memory_space<vmem>> -> memref<128xi32, #tpu.memory_space<vmem>>
    %dma_start3A_300 = arith.constant 0 : i32
    %dma_start3A_301 = arith.constant 0 : i32
    %dma_start3A_302 = tpu.memref_slice %arg3[%dma_start3A_300, %dma_start3A_301] : memref<16384x32xf32, #tpu.memory_space<hbm>> -> memref<16384x32xf32, #tpu.memory_space<hbm>>
    tpu.enqueue_indirect_dma source(%dma_start3A_302 : memref<16384x32xf32, #tpu.memory_space<hbm>>) target(%arg10 : memref<128x32xf32, #tpu.memory_space<vmem>>) offsets(%dma_start3A_299 : memref<128xi32, #tpu.memory_space<vmem>>) semaphore(%arg13 : memref<!tpu.dma_semaphore, #tpu.memory_space<semaphore_mem>>)
    %dma_wait3A_303 = arith.constant 7 : i32
    %dma_wait3A_304 = arith.constant 0 : i32
    %dma_wait3A_305 = tpu.memref_slice %arg7[%dma_wait3A_303, %dma_wait3A_304] : memref<16x128xi32, #tpu.memory_space<vmem>> -> memref<1x128xi32, #tpu.memory_space<vmem>>
    %dma_wait3A_306 = tpu.memref_squeeze %dma_wait3A_305 : memref<1x128xi32, #tpu.memory_space<vmem>> -> memref<128xi32, #tpu.memory_space<vmem>>
    %dma_wait3A_307 = arith.constant 0 : i32
    %dma_wait3A_308 = arith.constant 0 : i32
    %dma_wait3A_309 = tpu.memref_slice %arg2[%dma_wait3A_307, %dma_wait3A_308] : memref<16384x32xf32, #tpu.memory_space<hbm>> -> memref<16384x32xf32, #tpu.memory_space<hbm>>
    tpu.wait_indirect_dma semaphore(%arg12 : memref<!tpu.dma_semaphore, #tpu.memory_space<semaphore_mem>>) src(%dma_wait3A_309 : memref<16384x32xf32, #tpu.memory_space<hbm>>) dst(%arg9 : memref<128x32xf32, #tpu.memory_space<vmem>>)
    %dma_wait3A_310 = arith.constant 7 : i32
    %dma_wait3A_311 = arith.constant 0 : i32
    %dma_wait3A_312 = tpu.memref_slice %arg8[%dma_wait3A_310, %dma_wait3A_311] : memref<16x128xi32, #tpu.memory_space<vmem>> -> memref<1x128xi32, #tpu.memory_space<vmem>>
    %dma_wait3A_313 = tpu.memref_squeeze %dma_wait3A_312 : memref<1x128xi32, #tpu.memory_space<vmem>> -> memref<128xi32, #tpu.memory_space<vmem>>
    %dma_wait3A_314 = arith.constant 0 : i32
    %dma_wait3A_315 = arith.constant 0 : i32
    %dma_wait3A_316 = tpu.memref_slice %arg3[%dma_wait3A_314, %dma_wait3A_315] : memref<16384x32xf32, #tpu.memory_space<hbm>> -> memref<16384x32xf32, #tpu.memory_space<hbm>>
    tpu.wait_indirect_dma semaphore(%arg13 : memref<!tpu.dma_semaphore, #tpu.memory_space<semaphore_mem>>) src(%dma_wait3A_316 : memref<16384x32xf32, #tpu.memory_space<hbm>>) dst(%arg10 : memref<128x32xf32, #tpu.memory_space<vmem>>)
    %scan3A_317 = arith.constant 0 : i32
    %scan3A_318 = arith.constant 0 : i32
    %scan3A_319 = arith.constant 128 : i32
    %scan3A_320 = arith.addi %scan3A_318, %scan3A_319 : i32
    %scan3A_321 = arith.constant 1 : i32
    %scan3A_322 = scf.for %scan3A_658 = %scan3A_318 to %scan3A_320 step %scan3A_321 iter_args(%scan3A_659 = %scan3A_317) -> (i32)  : i32 {
      %get3A = arith.index_cast %scan3A_658 : i32 to index
      %get3A_660 = arith.constant 0 : index
      %get3A_661 = tpu.vector_load %arg9[%get3A, %get3A_660] {strides = array<i32>} : memref<128x32xf32, #tpu.memory_space<vmem>>, vector<1x16xf32>,
      %get3A_662 = vector.shape_cast %get3A_661 : vector<1x16xf32> to vector<16xf32>
      %get3A_663 = arith.index_cast %scan3A_658 : i32 to index
      %get3A_664 = arith.constant 0 : index
      %get3A_665 = tpu.vector_load %arg10[%get3A_663, %get3A_664] {strides = array<i32>} : memref<128x32xf32, #tpu.memory_space<vmem>>, vector<1x16xf32>,
      %get3A_666 = vector.shape_cast %get3A_665 : vector<1x16xf32> to vector<16xf32>
      %add3A_667 = arith.addf %get3A_662, %get3A_666 : vector<16xf32>
      %abs3A = math.absf %add3A_667 : vector<16xf32>
      %mul3A_668 = arith.constant -2.000000e+00 : f32
      %mul3A_669 = vector.broadcast %mul3A_668 : f32 to vector<16xf32>
      %mul3A_670 = arith.mulf %mul3A_669, %abs3A : vector<16xf32>
      %exp3A = math.exp %mul3A_670 : vector<16xf32>
      %sub3A = arith.constant 1.000000e+00 : f32
      %sub3A_671 = vector.broadcast %sub3A : f32 to vector<16xf32>
      %sub3A_672 = arith.subf %sub3A_671, %exp3A : vector<16xf32>
      %add3A_673 = arith.constant 1.000000e+00 : f32
      %add3A_674 = vector.broadcast %add3A_673 : f32 to vector<16xf32>
      %add3A_675 = arith.addf %add3A_674, %exp3A : vector<16xf32>
      %div3A = arith.divf %sub3A_672, %add3A_675 : vector<16xf32>
      %lt3A = arith.constant 0.000000e+00 : f32
      %lt3A_676 = vector.broadcast %lt3A : f32 to vector<16xf32>
      %lt3A_677 = arith.cmpf olt, %add3A_667, %lt3A_676 : vector<16xf32>
      %neg3A = arith.constant 0.000000e+00 : f32
      %neg3A_678 = vector.broadcast %neg3A : f32 to vector<16xf32>
      %neg3A_679 = arith.subf %neg3A_678, %div3A : vector<16xf32>
      %select_n3A = arith.select %lt3A_677, %neg3A_679, %div3A : vector<16xi1>, vector<16xf32>
      %swap3A = arith.index_cast %scan3A_658 : i32 to index
      %swap3A_680 = arith.constant 0 : index
      %swap3A_681 = tpu.vector_load %arg11[%swap3A, %swap3A_680] {strides = array<i32>} : memref<128x32xf32, #tpu.memory_space<vmem>>, vector<1x16xf32>,
      %swap3A_682 = vector.shape_cast %swap3A_681 : vector<1x16xf32> to vector<16xf32>
      %swap3A_683 = vector.shape_cast %select_n3A : vector<16xf32> to vector<1x16xf32>
      tpu.vector_store %arg11[%swap3A, %swap3A_680], %swap3A_683 {strides = array<i32>} : memref<128x32xf32, #tpu.memory_space<vmem>>, vector<1x16xf32>,
      %get3A_684 = arith.index_cast %scan3A_658 : i32 to index
      %get3A_685 = arith.constant 16 : index
      %get3A_686 = tpu.vector_load %arg9[%get3A_684, %get3A_685] {strides = array<i32>} : memref<128x32xf32, #tpu.memory_space<vmem>>, vector<1x16xf32>,
      %get3A_687 = vector.shape_cast %get3A_686 : vector<1x16xf32> to vector<16xf32>
      %get3A_688 = arith.index_cast %scan3A_658 : i32 to index
      %get3A_689 = arith.constant 16 : index
      %get3A_690 = tpu.vector_load %arg10[%get3A_688, %get3A_689] {strides = array<i32>} : memref<128x32xf32, #tpu.memory_space<vmem>>, vector<1x16xf32>,
      %get3A_691 = vector.shape_cast %get3A_690 : vector<1x16xf32> to vector<16xf32>
      %add3A_692 = arith.addf %get3A_687, %get3A_691 : vector<16xf32>
      %abs3A_693 = math.absf %add3A_692 : vector<16xf32>
      %mul3A_694 = arith.constant -2.000000e+00 : f32
      %mul3A_695 = vector.broadcast %mul3A_694 : f32 to vector<16xf32>
      %mul3A_696 = arith.mulf %mul3A_695, %abs3A_693 : vector<16xf32>
      %exp3A_697 = math.exp %mul3A_696 : vector<16xf32>
      %sub3A_698 = arith.constant 1.000000e+00 : f32
      %sub3A_699 = vector.broadcast %sub3A_698 : f32 to vector<16xf32>
      %sub3A_700 = arith.subf %sub3A_699, %exp3A_697 : vector<16xf32>
      %add3A_701 = arith.constant 1.000000e+00 : f32
      %add3A_702 = vector.broadcast %add3A_701 : f32 to vector<16xf32>
      %add3A_703 = arith.addf %add3A_702, %exp3A_697 : vector<16xf32>
      %div3A_704 = arith.divf %sub3A_700, %add3A_703 : vector<16xf32>
      %lt3A_705 = arith.constant 0.000000e+00 : f32
      %lt3A_706 = vector.broadcast %lt3A_705 : f32 to vector<16xf32>
      %lt3A_707 = arith.cmpf olt, %add3A_692, %lt3A_706 : vector<16xf32>
      %neg3A_708 = arith.constant 0.000000e+00 : f32
      %neg3A_709 = vector.broadcast %neg3A_708 : f32 to vector<16xf32>
      %neg3A_710 = arith.subf %neg3A_709, %div3A_704 : vector<16xf32>
      %select_n3A_711 = arith.select %lt3A_707, %neg3A_710, %div3A_704 : vector<16xi1>, vector<16xf32>
      %swap3A_712 = arith.index_cast %scan3A_658 : i32 to index
      %swap3A_713 = arith.constant 16 : index
      %swap3A_714 = tpu.vector_load %arg11[%swap3A_712, %swap3A_713] {strides = array<i32>} : memref<128x32xf32, #tpu.memory_space<vmem>>, vector<1x16xf32>,
      %swap3A_715 = vector.shape_cast %swap3A_714 : vector<1x16xf32> to vector<16xf32>
      %swap3A_716 = vector.shape_cast %select_n3A_711 : vector<16xf32> to vector<1x16xf32>
      tpu.vector_store %arg11[%swap3A_712, %swap3A_713], %swap3A_716 {strides = array<i32>} : memref<128x32xf32, #tpu.memory_space<vmem>>, vector<1x16xf32>,
      %scan3A_717 = arith.constant 0 : i32
      scf.yield %scan3A_717 : i32
    }
    %scan3A_323 = arith.constant 128 : i32
    %mul3A_324 = arith.constant 16 : i32
    %mul3A_325 = arith.muli %add3A, %mul3A_324 : i32
    %add3A_326 = arith.constant 7 : i32
    %add3A_327 = arith.addi %mul3A_325, %add3A_326 : i32
    %mul3A_328 = arith.constant 128 : i32
    %mul3A_329 = arith.muli %add3A_327, %mul3A_328 : i32
    "tpu.region"() ({
      %run_scoped3A = tpu.sem_alloc : memref<!tpu.dma_semaphore, #tpu.memory_space<semaphore_mem>>
      %dma_start3A_658 = arith.constant 0 : i32
      %dma_start3A_659 = tpu.memref_slice %arg6[%mul3A_329, %dma_start3A_658] : memref<65536x32xf32, #tpu.memory_space<hbm>> -> memref<128x32xf32, #tpu.memory_space<hbm>>
      %dma_start3A_660 = arith.constant 0 : i32
      %dma_start3A_661 = tpu.memref_slice %arg6[%mul3A_329, %dma_start3A_660] : memref<65536x32xf32, #tpu.memory_space<hbm>> -> memref<128x32xf32, #tpu.memory_space<hbm>>
      tpu.enqueue_dma source(%arg11 : memref<128x32xf32, #tpu.memory_space<vmem>>) target(%dma_start3A_661 : memref<128x32xf32, #tpu.memory_space<hbm>>) target_semaphore(%run_scoped3A : memref<!tpu.dma_semaphore, #tpu.memory_space<semaphore_mem>>)
      %dma_wait3A_662 = arith.constant 0 : i32
      %dma_wait3A_663 = tpu.memref_slice %arg6[%mul3A_329, %dma_wait3A_662] : memref<65536x32xf32, #tpu.memory_space<hbm>> -> memref<128x32xf32, #tpu.memory_space<hbm>>
      %dma_wait3A_664 = arith.constant 0 : i32
      %dma_wait3A_665 = tpu.memref_slice %arg6[%mul3A_329, %dma_wait3A_664] : memref<65536x32xf32, #tpu.memory_space<hbm>> -> memref<128x32xf32, #tpu.memory_space<hbm>>
      tpu.wait_dma2 semaphore(%run_scoped3A : memref<!tpu.dma_semaphore, #tpu.memory_space<semaphore_mem>>) src(%arg11 : memref<128x32xf32, #tpu.memory_space<vmem>>) dst(%dma_wait3A_665 : memref<128x32xf32, #tpu.memory_space<hbm>>)
      tpu.yield
    }) : () -> ()
    %dma_start3A_330 = arith.constant 8 : i32
    %dma_start3A_331 = arith.constant 0 : i32
    %dma_start3A_332 = tpu.memref_slice %arg7[%dma_start3A_330, %dma_start3A_331] : memref<16x128xi32, #tpu.memory_space<vmem>> -> memref<1x128xi32, #tpu.memory_space<vmem>>
    %dma_start3A_333 = tpu.memref_squeeze %dma_start3A_332 : memref<1x128xi32, #tpu.memory_space<vmem>> -> memref<128xi32, #tpu.memory_space<vmem>>
    %dma_start3A_334 = arith.constant 0 : i32
    %dma_start3A_335 = arith.constant 0 : i32
    %dma_start3A_336 = tpu.memref_slice %arg2[%dma_start3A_334, %dma_start3A_335] : memref<16384x32xf32, #tpu.memory_space<hbm>> -> memref<16384x32xf32, #tpu.memory_space<hbm>>
    tpu.enqueue_indirect_dma source(%dma_start3A_336 : memref<16384x32xf32, #tpu.memory_space<hbm>>) target(%arg9 : memref<128x32xf32, #tpu.memory_space<vmem>>) offsets(%dma_start3A_333 : memref<128xi32, #tpu.memory_space<vmem>>) semaphore(%arg12 : memref<!tpu.dma_semaphore, #tpu.memory_space<semaphore_mem>>)
    %dma_start3A_337 = arith.constant 8 : i32
    %dma_start3A_338 = arith.constant 0 : i32
    %dma_start3A_339 = tpu.memref_slice %arg8[%dma_start3A_337, %dma_start3A_338] : memref<16x128xi32, #tpu.memory_space<vmem>> -> memref<1x128xi32, #tpu.memory_space<vmem>>
    %dma_start3A_340 = tpu.memref_squeeze %dma_start3A_339 : memref<1x128xi32, #tpu.memory_space<vmem>> -> memref<128xi32, #tpu.memory_space<vmem>>
    %dma_start3A_341 = arith.constant 0 : i32
    %dma_start3A_342 = arith.constant 0 : i32
    %dma_start3A_343 = tpu.memref_slice %arg3[%dma_start3A_341, %dma_start3A_342] : memref<16384x32xf32, #tpu.memory_space<hbm>> -> memref<16384x32xf32, #tpu.memory_space<hbm>>
    tpu.enqueue_indirect_dma source(%dma_start3A_343 : memref<16384x32xf32, #tpu.memory_space<hbm>>) target(%arg10 : memref<128x32xf32, #tpu.memory_space<vmem>>) offsets(%dma_start3A_340 : memref<128xi32, #tpu.memory_space<vmem>>) semaphore(%arg13 : memref<!tpu.dma_semaphore, #tpu.memory_space<semaphore_mem>>)
    %dma_wait3A_344 = arith.constant 8 : i32
    %dma_wait3A_345 = arith.constant 0 : i32
    %dma_wait3A_346 = tpu.memref_slice %arg7[%dma_wait3A_344, %dma_wait3A_345] : memref<16x128xi32, #tpu.memory_space<vmem>> -> memref<1x128xi32, #tpu.memory_space<vmem>>
    %dma_wait3A_347 = tpu.memref_squeeze %dma_wait3A_346 : memref<1x128xi32, #tpu.memory_space<vmem>> -> memref<128xi32, #tpu.memory_space<vmem>>
    %dma_wait3A_348 = arith.constant 0 : i32
    %dma_wait3A_349 = arith.constant 0 : i32
    %dma_wait3A_350 = tpu.memref_slice %arg2[%dma_wait3A_348, %dma_wait3A_349] : memref<16384x32xf32, #tpu.memory_space<hbm>> -> memref<16384x32xf32, #tpu.memory_space<hbm>>
    tpu.wait_indirect_dma semaphore(%arg12 : memref<!tpu.dma_semaphore, #tpu.memory_space<semaphore_mem>>) src(%dma_wait3A_350 : memref<16384x32xf32, #tpu.memory_space<hbm>>) dst(%arg9 : memref<128x32xf32, #tpu.memory_space<vmem>>)
    %dma_wait3A_351 = arith.constant 8 : i32
    %dma_wait3A_352 = arith.constant 0 : i32
    %dma_wait3A_353 = tpu.memref_slice %arg8[%dma_wait3A_351, %dma_wait3A_352] : memref<16x128xi32, #tpu.memory_space<vmem>> -> memref<1x128xi32, #tpu.memory_space<vmem>>
    %dma_wait3A_354 = tpu.memref_squeeze %dma_wait3A_353 : memref<1x128xi32, #tpu.memory_space<vmem>> -> memref<128xi32, #tpu.memory_space<vmem>>
    %dma_wait3A_355 = arith.constant 0 : i32
    %dma_wait3A_356 = arith.constant 0 : i32
    %dma_wait3A_357 = tpu.memref_slice %arg3[%dma_wait3A_355, %dma_wait3A_356] : memref<16384x32xf32, #tpu.memory_space<hbm>> -> memref<16384x32xf32, #tpu.memory_space<hbm>>
    tpu.wait_indirect_dma semaphore(%arg13 : memref<!tpu.dma_semaphore, #tpu.memory_space<semaphore_mem>>) src(%dma_wait3A_357 : memref<16384x32xf32, #tpu.memory_space<hbm>>) dst(%arg10 : memref<128x32xf32, #tpu.memory_space<vmem>>)
    %scan3A_358 = arith.constant 0 : i32
    %scan3A_359 = arith.constant 0 : i32
    %scan3A_360 = arith.constant 128 : i32
    %scan3A_361 = arith.addi %scan3A_359, %scan3A_360 : i32
    %scan3A_362 = arith.constant 1 : i32
    %scan3A_363 = scf.for %scan3A_658 = %scan3A_359 to %scan3A_361 step %scan3A_362 iter_args(%scan3A_659 = %scan3A_358) -> (i32)  : i32 {
      %get3A = arith.index_cast %scan3A_658 : i32 to index
      %get3A_660 = arith.constant 0 : index
      %get3A_661 = tpu.vector_load %arg9[%get3A, %get3A_660] {strides = array<i32>} : memref<128x32xf32, #tpu.memory_space<vmem>>, vector<1x16xf32>,
      %get3A_662 = vector.shape_cast %get3A_661 : vector<1x16xf32> to vector<16xf32>
      %get3A_663 = arith.index_cast %scan3A_658 : i32 to index
      %get3A_664 = arith.constant 0 : index
      %get3A_665 = tpu.vector_load %arg10[%get3A_663, %get3A_664] {strides = array<i32>} : memref<128x32xf32, #tpu.memory_space<vmem>>, vector<1x16xf32>,
      %get3A_666 = vector.shape_cast %get3A_665 : vector<1x16xf32> to vector<16xf32>
      %add3A_667 = arith.addf %get3A_662, %get3A_666 : vector<16xf32>
      %abs3A = math.absf %add3A_667 : vector<16xf32>
      %mul3A_668 = arith.constant -2.000000e+00 : f32
      %mul3A_669 = vector.broadcast %mul3A_668 : f32 to vector<16xf32>
      %mul3A_670 = arith.mulf %mul3A_669, %abs3A : vector<16xf32>
      %exp3A = math.exp %mul3A_670 : vector<16xf32>
      %sub3A = arith.constant 1.000000e+00 : f32
      %sub3A_671 = vector.broadcast %sub3A : f32 to vector<16xf32>
      %sub3A_672 = arith.subf %sub3A_671, %exp3A : vector<16xf32>
      %add3A_673 = arith.constant 1.000000e+00 : f32
      %add3A_674 = vector.broadcast %add3A_673 : f32 to vector<16xf32>
      %add3A_675 = arith.addf %add3A_674, %exp3A : vector<16xf32>
      %div3A = arith.divf %sub3A_672, %add3A_675 : vector<16xf32>
      %lt3A = arith.constant 0.000000e+00 : f32
      %lt3A_676 = vector.broadcast %lt3A : f32 to vector<16xf32>
      %lt3A_677 = arith.cmpf olt, %add3A_667, %lt3A_676 : vector<16xf32>
      %neg3A = arith.constant 0.000000e+00 : f32
      %neg3A_678 = vector.broadcast %neg3A : f32 to vector<16xf32>
      %neg3A_679 = arith.subf %neg3A_678, %div3A : vector<16xf32>
      %select_n3A = arith.select %lt3A_677, %neg3A_679, %div3A : vector<16xi1>, vector<16xf32>
      %swap3A = arith.index_cast %scan3A_658 : i32 to index
      %swap3A_680 = arith.constant 0 : index
      %swap3A_681 = tpu.vector_load %arg11[%swap3A, %swap3A_680] {strides = array<i32>} : memref<128x32xf32, #tpu.memory_space<vmem>>, vector<1x16xf32>,
      %swap3A_682 = vector.shape_cast %swap3A_681 : vector<1x16xf32> to vector<16xf32>
      %swap3A_683 = vector.shape_cast %select_n3A : vector<16xf32> to vector<1x16xf32>
      tpu.vector_store %arg11[%swap3A, %swap3A_680], %swap3A_683 {strides = array<i32>} : memref<128x32xf32, #tpu.memory_space<vmem>>, vector<1x16xf32>,
      %get3A_684 = arith.index_cast %scan3A_658 : i32 to index
      %get3A_685 = arith.constant 16 : index
      %get3A_686 = tpu.vector_load %arg9[%get3A_684, %get3A_685] {strides = array<i32>} : memref<128x32xf32, #tpu.memory_space<vmem>>, vector<1x16xf32>,
      %get3A_687 = vector.shape_cast %get3A_686 : vector<1x16xf32> to vector<16xf32>
      %get3A_688 = arith.index_cast %scan3A_658 : i32 to index
      %get3A_689 = arith.constant 16 : index
      %get3A_690 = tpu.vector_load %arg10[%get3A_688, %get3A_689] {strides = array<i32>} : memref<128x32xf32, #tpu.memory_space<vmem>>, vector<1x16xf32>,
      %get3A_691 = vector.shape_cast %get3A_690 : vector<1x16xf32> to vector<16xf32>
      %add3A_692 = arith.addf %get3A_687, %get3A_691 : vector<16xf32>
      %abs3A_693 = math.absf %add3A_692 : vector<16xf32>
      %mul3A_694 = arith.constant -2.000000e+00 : f32
      %mul3A_695 = vector.broadcast %mul3A_694 : f32 to vector<16xf32>
      %mul3A_696 = arith.mulf %mul3A_695, %abs3A_693 : vector<16xf32>
      %exp3A_697 = math.exp %mul3A_696 : vector<16xf32>
      %sub3A_698 = arith.constant 1.000000e+00 : f32
      %sub3A_699 = vector.broadcast %sub3A_698 : f32 to vector<16xf32>
      %sub3A_700 = arith.subf %sub3A_699, %exp3A_697 : vector<16xf32>
      %add3A_701 = arith.constant 1.000000e+00 : f32
      %add3A_702 = vector.broadcast %add3A_701 : f32 to vector<16xf32>
      %add3A_703 = arith.addf %add3A_702, %exp3A_697 : vector<16xf32>
      %div3A_704 = arith.divf %sub3A_700, %add3A_703 : vector<16xf32>
      %lt3A_705 = arith.constant 0.000000e+00 : f32
      %lt3A_706 = vector.broadcast %lt3A_705 : f32 to vector<16xf32>
      %lt3A_707 = arith.cmpf olt, %add3A_692, %lt3A_706 : vector<16xf32>
      %neg3A_708 = arith.constant 0.000000e+00 : f32
      %neg3A_709 = vector.broadcast %neg3A_708 : f32 to vector<16xf32>
      %neg3A_710 = arith.subf %neg3A_709, %div3A_704 : vector<16xf32>
      %select_n3A_711 = arith.select %lt3A_707, %neg3A_710, %div3A_704 : vector<16xi1>, vector<16xf32>
      %swap3A_712 = arith.index_cast %scan3A_658 : i32 to index
      %swap3A_713 = arith.constant 16 : index
      %swap3A_714 = tpu.vector_load %arg11[%swap3A_712, %swap3A_713] {strides = array<i32>} : memref<128x32xf32, #tpu.memory_space<vmem>>, vector<1x16xf32>,
      %swap3A_715 = vector.shape_cast %swap3A_714 : vector<1x16xf32> to vector<16xf32>
      %swap3A_716 = vector.shape_cast %select_n3A_711 : vector<16xf32> to vector<1x16xf32>
      tpu.vector_store %arg11[%swap3A_712, %swap3A_713], %swap3A_716 {strides = array<i32>} : memref<128x32xf32, #tpu.memory_space<vmem>>, vector<1x16xf32>,
      %scan3A_717 = arith.constant 0 : i32
      scf.yield %scan3A_717 : i32
    }
    %scan3A_364 = arith.constant 128 : i32
    %mul3A_365 = arith.constant 16 : i32
    %mul3A_366 = arith.muli %add3A, %mul3A_365 : i32
    %add3A_367 = arith.constant 8 : i32
    %add3A_368 = arith.addi %mul3A_366, %add3A_367 : i32
    %mul3A_369 = arith.constant 128 : i32
    %mul3A_370 = arith.muli %add3A_368, %mul3A_369 : i32
    "tpu.region"() ({
      %run_scoped3A = tpu.sem_alloc : memref<!tpu.dma_semaphore, #tpu.memory_space<semaphore_mem>>
      %dma_start3A_658 = arith.constant 0 : i32
      %dma_start3A_659 = tpu.memref_slice %arg6[%mul3A_370, %dma_start3A_658] : memref<65536x32xf32, #tpu.memory_space<hbm>> -> memref<128x32xf32, #tpu.memory_space<hbm>>
      %dma_start3A_660 = arith.constant 0 : i32
      %dma_start3A_661 = tpu.memref_slice %arg6[%mul3A_370, %dma_start3A_660] : memref<65536x32xf32, #tpu.memory_space<hbm>> -> memref<128x32xf32, #tpu.memory_space<hbm>>
      tpu.enqueue_dma source(%arg11 : memref<128x32xf32, #tpu.memory_space<vmem>>) target(%dma_start3A_661 : memref<128x32xf32, #tpu.memory_space<hbm>>) target_semaphore(%run_scoped3A : memref<!tpu.dma_semaphore, #tpu.memory_space<semaphore_mem>>)
      %dma_wait3A_662 = arith.constant 0 : i32
      %dma_wait3A_663 = tpu.memref_slice %arg6[%mul3A_370, %dma_wait3A_662] : memref<65536x32xf32, #tpu.memory_space<hbm>> -> memref<128x32xf32, #tpu.memory_space<hbm>>
      %dma_wait3A_664 = arith.constant 0 : i32
      %dma_wait3A_665 = tpu.memref_slice %arg6[%mul3A_370, %dma_wait3A_664] : memref<65536x32xf32, #tpu.memory_space<hbm>> -> memref<128x32xf32, #tpu.memory_space<hbm>>
      tpu.wait_dma2 semaphore(%run_scoped3A : memref<!tpu.dma_semaphore, #tpu.memory_space<semaphore_mem>>) src(%arg11 : memref<128x32xf32, #tpu.memory_space<vmem>>) dst(%dma_wait3A_665 : memref<128x32xf32, #tpu.memory_space<hbm>>)
      tpu.yield
    }) : () -> ()
    %dma_start3A_371 = arith.constant 9 : i32
    %dma_start3A_372 = arith.constant 0 : i32
    %dma_start3A_373 = tpu.memref_slice %arg7[%dma_start3A_371, %dma_start3A_372] : memref<16x128xi32, #tpu.memory_space<vmem>> -> memref<1x128xi32, #tpu.memory_space<vmem>>
    %dma_start3A_374 = tpu.memref_squeeze %dma_start3A_373 : memref<1x128xi32, #tpu.memory_space<vmem>> -> memref<128xi32, #tpu.memory_space<vmem>>
    %dma_start3A_375 = arith.constant 0 : i32
    %dma_start3A_376 = arith.constant 0 : i32
    %dma_start3A_377 = tpu.memref_slice %arg2[%dma_start3A_375, %dma_start3A_376] : memref<16384x32xf32, #tpu.memory_space<hbm>> -> memref<16384x32xf32, #tpu.memory_space<hbm>>
    tpu.enqueue_indirect_dma source(%dma_start3A_377 : memref<16384x32xf32, #tpu.memory_space<hbm>>) target(%arg9 : memref<128x32xf32, #tpu.memory_space<vmem>>) offsets(%dma_start3A_374 : memref<128xi32, #tpu.memory_space<vmem>>) semaphore(%arg12 : memref<!tpu.dma_semaphore, #tpu.memory_space<semaphore_mem>>)
    %dma_start3A_378 = arith.constant 9 : i32
    %dma_start3A_379 = arith.constant 0 : i32
    %dma_start3A_380 = tpu.memref_slice %arg8[%dma_start3A_378, %dma_start3A_379] : memref<16x128xi32, #tpu.memory_space<vmem>> -> memref<1x128xi32, #tpu.memory_space<vmem>>
    %dma_start3A_381 = tpu.memref_squeeze %dma_start3A_380 : memref<1x128xi32, #tpu.memory_space<vmem>> -> memref<128xi32, #tpu.memory_space<vmem>>
    %dma_start3A_382 = arith.constant 0 : i32
    %dma_start3A_383 = arith.constant 0 : i32
    %dma_start3A_384 = tpu.memref_slice %arg3[%dma_start3A_382, %dma_start3A_383] : memref<16384x32xf32, #tpu.memory_space<hbm>> -> memref<16384x32xf32, #tpu.memory_space<hbm>>
    tpu.enqueue_indirect_dma source(%dma_start3A_384 : memref<16384x32xf32, #tpu.memory_space<hbm>>) target(%arg10 : memref<128x32xf32, #tpu.memory_space<vmem>>) offsets(%dma_start3A_381 : memref<128xi32, #tpu.memory_space<vmem>>) semaphore(%arg13 : memref<!tpu.dma_semaphore, #tpu.memory_space<semaphore_mem>>)
    %dma_wait3A_385 = arith.constant 9 : i32
    %dma_wait3A_386 = arith.constant 0 : i32
    %dma_wait3A_387 = tpu.memref_slice %arg7[%dma_wait3A_385, %dma_wait3A_386] : memref<16x128xi32, #tpu.memory_space<vmem>> -> memref<1x128xi32, #tpu.memory_space<vmem>>
    %dma_wait3A_388 = tpu.memref_squeeze %dma_wait3A_387 : memref<1x128xi32, #tpu.memory_space<vmem>> -> memref<128xi32, #tpu.memory_space<vmem>>
    %dma_wait3A_389 = arith.constant 0 : i32
    %dma_wait3A_390 = arith.constant 0 : i32
    %dma_wait3A_391 = tpu.memref_slice %arg2[%dma_wait3A_389, %dma_wait3A_390] : memref<16384x32xf32, #tpu.memory_space<hbm>> -> memref<16384x32xf32, #tpu.memory_space<hbm>>
    tpu.wait_indirect_dma semaphore(%arg12 : memref<!tpu.dma_semaphore, #tpu.memory_space<semaphore_mem>>) src(%dma_wait3A_391 : memref<16384x32xf32, #tpu.memory_space<hbm>>) dst(%arg9 : memref<128x32xf32, #tpu.memory_space<vmem>>)
    %dma_wait3A_392 = arith.constant 9 : i32
    %dma_wait3A_393 = arith.constant 0 : i32
    %dma_wait3A_394 = tpu.memref_slice %arg8[%dma_wait3A_392, %dma_wait3A_393] : memref<16x128xi32, #tpu.memory_space<vmem>> -> memref<1x128xi32, #tpu.memory_space<vmem>>
    %dma_wait3A_395 = tpu.memref_squeeze %dma_wait3A_394 : memref<1x128xi32, #tpu.memory_space<vmem>> -> memref<128xi32, #tpu.memory_space<vmem>>
    %dma_wait3A_396 = arith.constant 0 : i32
    %dma_wait3A_397 = arith.constant 0 : i32
    %dma_wait3A_398 = tpu.memref_slice %arg3[%dma_wait3A_396, %dma_wait3A_397] : memref<16384x32xf32, #tpu.memory_space<hbm>> -> memref<16384x32xf32, #tpu.memory_space<hbm>>
    tpu.wait_indirect_dma semaphore(%arg13 : memref<!tpu.dma_semaphore, #tpu.memory_space<semaphore_mem>>) src(%dma_wait3A_398 : memref<16384x32xf32, #tpu.memory_space<hbm>>) dst(%arg10 : memref<128x32xf32, #tpu.memory_space<vmem>>)
    %scan3A_399 = arith.constant 0 : i32
    %scan3A_400 = arith.constant 0 : i32
    %scan3A_401 = arith.constant 128 : i32
    %scan3A_402 = arith.addi %scan3A_400, %scan3A_401 : i32
    %scan3A_403 = arith.constant 1 : i32
    %scan3A_404 = scf.for %scan3A_658 = %scan3A_400 to %scan3A_402 step %scan3A_403 iter_args(%scan3A_659 = %scan3A_399) -> (i32)  : i32 {
      %get3A = arith.index_cast %scan3A_658 : i32 to index
      %get3A_660 = arith.constant 0 : index
      %get3A_661 = tpu.vector_load %arg9[%get3A, %get3A_660] {strides = array<i32>} : memref<128x32xf32, #tpu.memory_space<vmem>>, vector<1x16xf32>,
      %get3A_662 = vector.shape_cast %get3A_661 : vector<1x16xf32> to vector<16xf32>
      %get3A_663 = arith.index_cast %scan3A_658 : i32 to index
      %get3A_664 = arith.constant 0 : index
      %get3A_665 = tpu.vector_load %arg10[%get3A_663, %get3A_664] {strides = array<i32>} : memref<128x32xf32, #tpu.memory_space<vmem>>, vector<1x16xf32>,
      %get3A_666 = vector.shape_cast %get3A_665 : vector<1x16xf32> to vector<16xf32>
      %add3A_667 = arith.addf %get3A_662, %get3A_666 : vector<16xf32>
      %abs3A = math.absf %add3A_667 : vector<16xf32>
      %mul3A_668 = arith.constant -2.000000e+00 : f32
      %mul3A_669 = vector.broadcast %mul3A_668 : f32 to vector<16xf32>
      %mul3A_670 = arith.mulf %mul3A_669, %abs3A : vector<16xf32>
      %exp3A = math.exp %mul3A_670 : vector<16xf32>
      %sub3A = arith.constant 1.000000e+00 : f32
      %sub3A_671 = vector.broadcast %sub3A : f32 to vector<16xf32>
      %sub3A_672 = arith.subf %sub3A_671, %exp3A : vector<16xf32>
      %add3A_673 = arith.constant 1.000000e+00 : f32
      %add3A_674 = vector.broadcast %add3A_673 : f32 to vector<16xf32>
      %add3A_675 = arith.addf %add3A_674, %exp3A : vector<16xf32>
      %div3A = arith.divf %sub3A_672, %add3A_675 : vector<16xf32>
      %lt3A = arith.constant 0.000000e+00 : f32
      %lt3A_676 = vector.broadcast %lt3A : f32 to vector<16xf32>
      %lt3A_677 = arith.cmpf olt, %add3A_667, %lt3A_676 : vector<16xf32>
      %neg3A = arith.constant 0.000000e+00 : f32
      %neg3A_678 = vector.broadcast %neg3A : f32 to vector<16xf32>
      %neg3A_679 = arith.subf %neg3A_678, %div3A : vector<16xf32>
      %select_n3A = arith.select %lt3A_677, %neg3A_679, %div3A : vector<16xi1>, vector<16xf32>
      %swap3A = arith.index_cast %scan3A_658 : i32 to index
      %swap3A_680 = arith.constant 0 : index
      %swap3A_681 = tpu.vector_load %arg11[%swap3A, %swap3A_680] {strides = array<i32>} : memref<128x32xf32, #tpu.memory_space<vmem>>, vector<1x16xf32>,
      %swap3A_682 = vector.shape_cast %swap3A_681 : vector<1x16xf32> to vector<16xf32>
      %swap3A_683 = vector.shape_cast %select_n3A : vector<16xf32> to vector<1x16xf32>
      tpu.vector_store %arg11[%swap3A, %swap3A_680], %swap3A_683 {strides = array<i32>} : memref<128x32xf32, #tpu.memory_space<vmem>>, vector<1x16xf32>,
      %get3A_684 = arith.index_cast %scan3A_658 : i32 to index
      %get3A_685 = arith.constant 16 : index
      %get3A_686 = tpu.vector_load %arg9[%get3A_684, %get3A_685] {strides = array<i32>} : memref<128x32xf32, #tpu.memory_space<vmem>>, vector<1x16xf32>,
      %get3A_687 = vector.shape_cast %get3A_686 : vector<1x16xf32> to vector<16xf32>
      %get3A_688 = arith.index_cast %scan3A_658 : i32 to index
      %get3A_689 = arith.constant 16 : index
      %get3A_690 = tpu.vector_load %arg10[%get3A_688, %get3A_689] {strides = array<i32>} : memref<128x32xf32, #tpu.memory_space<vmem>>, vector<1x16xf32>,
      %get3A_691 = vector.shape_cast %get3A_690 : vector<1x16xf32> to vector<16xf32>
      %add3A_692 = arith.addf %get3A_687, %get3A_691 : vector<16xf32>
      %abs3A_693 = math.absf %add3A_692 : vector<16xf32>
      %mul3A_694 = arith.constant -2.000000e+00 : f32
      %mul3A_695 = vector.broadcast %mul3A_694 : f32 to vector<16xf32>
      %mul3A_696 = arith.mulf %mul3A_695, %abs3A_693 : vector<16xf32>
      %exp3A_697 = math.exp %mul3A_696 : vector<16xf32>
      %sub3A_698 = arith.constant 1.000000e+00 : f32
      %sub3A_699 = vector.broadcast %sub3A_698 : f32 to vector<16xf32>
      %sub3A_700 = arith.subf %sub3A_699, %exp3A_697 : vector<16xf32>
      %add3A_701 = arith.constant 1.000000e+00 : f32
      %add3A_702 = vector.broadcast %add3A_701 : f32 to vector<16xf32>
      %add3A_703 = arith.addf %add3A_702, %exp3A_697 : vector<16xf32>
      %div3A_704 = arith.divf %sub3A_700, %add3A_703 : vector<16xf32>
      %lt3A_705 = arith.constant 0.000000e+00 : f32
      %lt3A_706 = vector.broadcast %lt3A_705 : f32 to vector<16xf32>
      %lt3A_707 = arith.cmpf olt, %add3A_692, %lt3A_706 : vector<16xf32>
      %neg3A_708 = arith.constant 0.000000e+00 : f32
      %neg3A_709 = vector.broadcast %neg3A_708 : f32 to vector<16xf32>
      %neg3A_710 = arith.subf %neg3A_709, %div3A_704 : vector<16xf32>
      %select_n3A_711 = arith.select %lt3A_707, %neg3A_710, %div3A_704 : vector<16xi1>, vector<16xf32>
      %swap3A_712 = arith.index_cast %scan3A_658 : i32 to index
      %swap3A_713 = arith.constant 16 : index
      %swap3A_714 = tpu.vector_load %arg11[%swap3A_712, %swap3A_713] {strides = array<i32>} : memref<128x32xf32, #tpu.memory_space<vmem>>, vector<1x16xf32>,
      %swap3A_715 = vector.shape_cast %swap3A_714 : vector<1x16xf32> to vector<16xf32>
      %swap3A_716 = vector.shape_cast %select_n3A_711 : vector<16xf32> to vector<1x16xf32>
      tpu.vector_store %arg11[%swap3A_712, %swap3A_713], %swap3A_716 {strides = array<i32>} : memref<128x32xf32, #tpu.memory_space<vmem>>, vector<1x16xf32>,
      %scan3A_717 = arith.constant 0 : i32
      scf.yield %scan3A_717 : i32
    }
    %scan3A_405 = arith.constant 128 : i32
    %mul3A_406 = arith.constant 16 : i32
    %mul3A_407 = arith.muli %add3A, %mul3A_406 : i32
    %add3A_408 = arith.constant 9 : i32
    %add3A_409 = arith.addi %mul3A_407, %add3A_408 : i32
    %mul3A_410 = arith.constant 128 : i32
    %mul3A_411 = arith.muli %add3A_409, %mul3A_410 : i32
    "tpu.region"() ({
      %run_scoped3A = tpu.sem_alloc : memref<!tpu.dma_semaphore, #tpu.memory_space<semaphore_mem>>
      %dma_start3A_658 = arith.constant 0 : i32
      %dma_start3A_659 = tpu.memref_slice %arg6[%mul3A_411, %dma_start3A_658] : memref<65536x32xf32, #tpu.memory_space<hbm>> -> memref<128x32xf32, #tpu.memory_space<hbm>>
      %dma_start3A_660 = arith.constant 0 : i32
      %dma_start3A_661 = tpu.memref_slice %arg6[%mul3A_411, %dma_start3A_660] : memref<65536x32xf32, #tpu.memory_space<hbm>> -> memref<128x32xf32, #tpu.memory_space<hbm>>
      tpu.enqueue_dma source(%arg11 : memref<128x32xf32, #tpu.memory_space<vmem>>) target(%dma_start3A_661 : memref<128x32xf32, #tpu.memory_space<hbm>>) target_semaphore(%run_scoped3A : memref<!tpu.dma_semaphore, #tpu.memory_space<semaphore_mem>>)
      %dma_wait3A_662 = arith.constant 0 : i32
      %dma_wait3A_663 = tpu.memref_slice %arg6[%mul3A_411, %dma_wait3A_662] : memref<65536x32xf32, #tpu.memory_space<hbm>> -> memref<128x32xf32, #tpu.memory_space<hbm>>
      %dma_wait3A_664 = arith.constant 0 : i32
      %dma_wait3A_665 = tpu.memref_slice %arg6[%mul3A_411, %dma_wait3A_664] : memref<65536x32xf32, #tpu.memory_space<hbm>> -> memref<128x32xf32, #tpu.memory_space<hbm>>
      tpu.wait_dma2 semaphore(%run_scoped3A : memref<!tpu.dma_semaphore, #tpu.memory_space<semaphore_mem>>) src(%arg11 : memref<128x32xf32, #tpu.memory_space<vmem>>) dst(%dma_wait3A_665 : memref<128x32xf32, #tpu.memory_space<hbm>>)
      tpu.yield
    }) : () -> ()
    %dma_start3A_412 = arith.constant 10 : i32
    %dma_start3A_413 = arith.constant 0 : i32
    %dma_start3A_414 = tpu.memref_slice %arg7[%dma_start3A_412, %dma_start3A_413] : memref<16x128xi32, #tpu.memory_space<vmem>> -> memref<1x128xi32, #tpu.memory_space<vmem>>
    %dma_start3A_415 = tpu.memref_squeeze %dma_start3A_414 : memref<1x128xi32, #tpu.memory_space<vmem>> -> memref<128xi32, #tpu.memory_space<vmem>>
    %dma_start3A_416 = arith.constant 0 : i32
    %dma_start3A_417 = arith.constant 0 : i32
    %dma_start3A_418 = tpu.memref_slice %arg2[%dma_start3A_416, %dma_start3A_417] : memref<16384x32xf32, #tpu.memory_space<hbm>> -> memref<16384x32xf32, #tpu.memory_space<hbm>>
    tpu.enqueue_indirect_dma source(%dma_start3A_418 : memref<16384x32xf32, #tpu.memory_space<hbm>>) target(%arg9 : memref<128x32xf32, #tpu.memory_space<vmem>>) offsets(%dma_start3A_415 : memref<128xi32, #tpu.memory_space<vmem>>) semaphore(%arg12 : memref<!tpu.dma_semaphore, #tpu.memory_space<semaphore_mem>>)
    %dma_start3A_419 = arith.constant 10 : i32
    %dma_start3A_420 = arith.constant 0 : i32
    %dma_start3A_421 = tpu.memref_slice %arg8[%dma_start3A_419, %dma_start3A_420] : memref<16x128xi32, #tpu.memory_space<vmem>> -> memref<1x128xi32, #tpu.memory_space<vmem>>
    %dma_start3A_422 = tpu.memref_squeeze %dma_start3A_421 : memref<1x128xi32, #tpu.memory_space<vmem>> -> memref<128xi32, #tpu.memory_space<vmem>>
    %dma_start3A_423 = arith.constant 0 : i32
    %dma_start3A_424 = arith.constant 0 : i32
    %dma_start3A_425 = tpu.memref_slice %arg3[%dma_start3A_423, %dma_start3A_424] : memref<16384x32xf32, #tpu.memory_space<hbm>> -> memref<16384x32xf32, #tpu.memory_space<hbm>>
    tpu.enqueue_indirect_dma source(%dma_start3A_425 : memref<16384x32xf32, #tpu.memory_space<hbm>>) target(%arg10 : memref<128x32xf32, #tpu.memory_space<vmem>>) offsets(%dma_start3A_422 : memref<128xi32, #tpu.memory_space<vmem>>) semaphore(%arg13 : memref<!tpu.dma_semaphore, #tpu.memory_space<semaphore_mem>>)
    %dma_wait3A_426 = arith.constant 10 : i32
    %dma_wait3A_427 = arith.constant 0 : i32
    %dma_wait3A_428 = tpu.memref_slice %arg7[%dma_wait3A_426, %dma_wait3A_427] : memref<16x128xi32, #tpu.memory_space<vmem>> -> memref<1x128xi32, #tpu.memory_space<vmem>>
    %dma_wait3A_429 = tpu.memref_squeeze %dma_wait3A_428 : memref<1x128xi32, #tpu.memory_space<vmem>> -> memref<128xi32, #tpu.memory_space<vmem>>
    %dma_wait3A_430 = arith.constant 0 : i32
    %dma_wait3A_431 = arith.constant 0 : i32
    %dma_wait3A_432 = tpu.memref_slice %arg2[%dma_wait3A_430, %dma_wait3A_431] : memref<16384x32xf32, #tpu.memory_space<hbm>> -> memref<16384x32xf32, #tpu.memory_space<hbm>>
    tpu.wait_indirect_dma semaphore(%arg12 : memref<!tpu.dma_semaphore, #tpu.memory_space<semaphore_mem>>) src(%dma_wait3A_432 : memref<16384x32xf32, #tpu.memory_space<hbm>>) dst(%arg9 : memref<128x32xf32, #tpu.memory_space<vmem>>)
    %dma_wait3A_433 = arith.constant 10 : i32
    %dma_wait3A_434 = arith.constant 0 : i32
    %dma_wait3A_435 = tpu.memref_slice %arg8[%dma_wait3A_433, %dma_wait3A_434] : memref<16x128xi32, #tpu.memory_space<vmem>> -> memref<1x128xi32, #tpu.memory_space<vmem>>
    %dma_wait3A_436 = tpu.memref_squeeze %dma_wait3A_435 : memref<1x128xi32, #tpu.memory_space<vmem>> -> memref<128xi32, #tpu.memory_space<vmem>>
    %dma_wait3A_437 = arith.constant 0 : i32
    %dma_wait3A_438 = arith.constant 0 : i32
    %dma_wait3A_439 = tpu.memref_slice %arg3[%dma_wait3A_437, %dma_wait3A_438] : memref<16384x32xf32, #tpu.memory_space<hbm>> -> memref<16384x32xf32, #tpu.memory_space<hbm>>
    tpu.wait_indirect_dma semaphore(%arg13 : memref<!tpu.dma_semaphore, #tpu.memory_space<semaphore_mem>>) src(%dma_wait3A_439 : memref<16384x32xf32, #tpu.memory_space<hbm>>) dst(%arg10 : memref<128x32xf32, #tpu.memory_space<vmem>>)
    %scan3A_440 = arith.constant 0 : i32
    %scan3A_441 = arith.constant 0 : i32
    %scan3A_442 = arith.constant 128 : i32
    %scan3A_443 = arith.addi %scan3A_441, %scan3A_442 : i32
    %scan3A_444 = arith.constant 1 : i32
    %scan3A_445 = scf.for %scan3A_658 = %scan3A_441 to %scan3A_443 step %scan3A_444 iter_args(%scan3A_659 = %scan3A_440) -> (i32)  : i32 {
      %get3A = arith.index_cast %scan3A_658 : i32 to index
      %get3A_660 = arith.constant 0 : index
      %get3A_661 = tpu.vector_load %arg9[%get3A, %get3A_660] {strides = array<i32>} : memref<128x32xf32, #tpu.memory_space<vmem>>, vector<1x16xf32>,
      %get3A_662 = vector.shape_cast %get3A_661 : vector<1x16xf32> to vector<16xf32>
      %get3A_663 = arith.index_cast %scan3A_658 : i32 to index
      %get3A_664 = arith.constant 0 : index
      %get3A_665 = tpu.vector_load %arg10[%get3A_663, %get3A_664] {strides = array<i32>} : memref<128x32xf32, #tpu.memory_space<vmem>>, vector<1x16xf32>,
      %get3A_666 = vector.shape_cast %get3A_665 : vector<1x16xf32> to vector<16xf32>
      %add3A_667 = arith.addf %get3A_662, %get3A_666 : vector<16xf32>
      %abs3A = math.absf %add3A_667 : vector<16xf32>
      %mul3A_668 = arith.constant -2.000000e+00 : f32
      %mul3A_669 = vector.broadcast %mul3A_668 : f32 to vector<16xf32>
      %mul3A_670 = arith.mulf %mul3A_669, %abs3A : vector<16xf32>
      %exp3A = math.exp %mul3A_670 : vector<16xf32>
      %sub3A = arith.constant 1.000000e+00 : f32
      %sub3A_671 = vector.broadcast %sub3A : f32 to vector<16xf32>
      %sub3A_672 = arith.subf %sub3A_671, %exp3A : vector<16xf32>
      %add3A_673 = arith.constant 1.000000e+00 : f32
      %add3A_674 = vector.broadcast %add3A_673 : f32 to vector<16xf32>
      %add3A_675 = arith.addf %add3A_674, %exp3A : vector<16xf32>
      %div3A = arith.divf %sub3A_672, %add3A_675 : vector<16xf32>
      %lt3A = arith.constant 0.000000e+00 : f32
      %lt3A_676 = vector.broadcast %lt3A : f32 to vector<16xf32>
      %lt3A_677 = arith.cmpf olt, %add3A_667, %lt3A_676 : vector<16xf32>
      %neg3A = arith.constant 0.000000e+00 : f32
      %neg3A_678 = vector.broadcast %neg3A : f32 to vector<16xf32>
      %neg3A_679 = arith.subf %neg3A_678, %div3A : vector<16xf32>
      %select_n3A = arith.select %lt3A_677, %neg3A_679, %div3A : vector<16xi1>, vector<16xf32>
      %swap3A = arith.index_cast %scan3A_658 : i32 to index
      %swap3A_680 = arith.constant 0 : index
      %swap3A_681 = tpu.vector_load %arg11[%swap3A, %swap3A_680] {strides = array<i32>} : memref<128x32xf32, #tpu.memory_space<vmem>>, vector<1x16xf32>,
      %swap3A_682 = vector.shape_cast %swap3A_681 : vector<1x16xf32> to vector<16xf32>
      %swap3A_683 = vector.shape_cast %select_n3A : vector<16xf32> to vector<1x16xf32>
      tpu.vector_store %arg11[%swap3A, %swap3A_680], %swap3A_683 {strides = array<i32>} : memref<128x32xf32, #tpu.memory_space<vmem>>, vector<1x16xf32>,
      %get3A_684 = arith.index_cast %scan3A_658 : i32 to index
      %get3A_685 = arith.constant 16 : index
      %get3A_686 = tpu.vector_load %arg9[%get3A_684, %get3A_685] {strides = array<i32>} : memref<128x32xf32, #tpu.memory_space<vmem>>, vector<1x16xf32>,
      %get3A_687 = vector.shape_cast %get3A_686 : vector<1x16xf32> to vector<16xf32>
      %get3A_688 = arith.index_cast %scan3A_658 : i32 to index
      %get3A_689 = arith.constant 16 : index
      %get3A_690 = tpu.vector_load %arg10[%get3A_688, %get3A_689] {strides = array<i32>} : memref<128x32xf32, #tpu.memory_space<vmem>>, vector<1x16xf32>,
      %get3A_691 = vector.shape_cast %get3A_690 : vector<1x16xf32> to vector<16xf32>
      %add3A_692 = arith.addf %get3A_687, %get3A_691 : vector<16xf32>
      %abs3A_693 = math.absf %add3A_692 : vector<16xf32>
      %mul3A_694 = arith.constant -2.000000e+00 : f32
      %mul3A_695 = vector.broadcast %mul3A_694 : f32 to vector<16xf32>
      %mul3A_696 = arith.mulf %mul3A_695, %abs3A_693 : vector<16xf32>
      %exp3A_697 = math.exp %mul3A_696 : vector<16xf32>
      %sub3A_698 = arith.constant 1.000000e+00 : f32
      %sub3A_699 = vector.broadcast %sub3A_698 : f32 to vector<16xf32>
      %sub3A_700 = arith.subf %sub3A_699, %exp3A_697 : vector<16xf32>
      %add3A_701 = arith.constant 1.000000e+00 : f32
      %add3A_702 = vector.broadcast %add3A_701 : f32 to vector<16xf32>
      %add3A_703 = arith.addf %add3A_702, %exp3A_697 : vector<16xf32>
      %div3A_704 = arith.divf %sub3A_700, %add3A_703 : vector<16xf32>
      %lt3A_705 = arith.constant 0.000000e+00 : f32
      %lt3A_706 = vector.broadcast %lt3A_705 : f32 to vector<16xf32>
      %lt3A_707 = arith.cmpf olt, %add3A_692, %lt3A_706 : vector<16xf32>
      %neg3A_708 = arith.constant 0.000000e+00 : f32
      %neg3A_709 = vector.broadcast %neg3A_708 : f32 to vector<16xf32>
      %neg3A_710 = arith.subf %neg3A_709, %div3A_704 : vector<16xf32>
      %select_n3A_711 = arith.select %lt3A_707, %neg3A_710, %div3A_704 : vector<16xi1>, vector<16xf32>
      %swap3A_712 = arith.index_cast %scan3A_658 : i32 to index
      %swap3A_713 = arith.constant 16 : index
      %swap3A_714 = tpu.vector_load %arg11[%swap3A_712, %swap3A_713] {strides = array<i32>} : memref<128x32xf32, #tpu.memory_space<vmem>>, vector<1x16xf32>,
      %swap3A_715 = vector.shape_cast %swap3A_714 : vector<1x16xf32> to vector<16xf32>
      %swap3A_716 = vector.shape_cast %select_n3A_711 : vector<16xf32> to vector<1x16xf32>
      tpu.vector_store %arg11[%swap3A_712, %swap3A_713], %swap3A_716 {strides = array<i32>} : memref<128x32xf32, #tpu.memory_space<vmem>>, vector<1x16xf32>,
      %scan3A_717 = arith.constant 0 : i32
      scf.yield %scan3A_717 : i32
    }
    %scan3A_446 = arith.constant 128 : i32
    %mul3A_447 = arith.constant 16 : i32
    %mul3A_448 = arith.muli %add3A, %mul3A_447 : i32
    %add3A_449 = arith.constant 10 : i32
    %add3A_450 = arith.addi %mul3A_448, %add3A_449 : i32
    %mul3A_451 = arith.constant 128 : i32
    %mul3A_452 = arith.muli %add3A_450, %mul3A_451 : i32
    "tpu.region"() ({
      %run_scoped3A = tpu.sem_alloc : memref<!tpu.dma_semaphore, #tpu.memory_space<semaphore_mem>>
      %dma_start3A_658 = arith.constant 0 : i32
      %dma_start3A_659 = tpu.memref_slice %arg6[%mul3A_452, %dma_start3A_658] : memref<65536x32xf32, #tpu.memory_space<hbm>> -> memref<128x32xf32, #tpu.memory_space<hbm>>
      %dma_start3A_660 = arith.constant 0 : i32
      %dma_start3A_661 = tpu.memref_slice %arg6[%mul3A_452, %dma_start3A_660] : memref<65536x32xf32, #tpu.memory_space<hbm>> -> memref<128x32xf32, #tpu.memory_space<hbm>>
      tpu.enqueue_dma source(%arg11 : memref<128x32xf32, #tpu.memory_space<vmem>>) target(%dma_start3A_661 : memref<128x32xf32, #tpu.memory_space<hbm>>) target_semaphore(%run_scoped3A : memref<!tpu.dma_semaphore, #tpu.memory_space<semaphore_mem>>)
      %dma_wait3A_662 = arith.constant 0 : i32
      %dma_wait3A_663 = tpu.memref_slice %arg6[%mul3A_452, %dma_wait3A_662] : memref<65536x32xf32, #tpu.memory_space<hbm>> -> memref<128x32xf32, #tpu.memory_space<hbm>>
      %dma_wait3A_664 = arith.constant 0 : i32
      %dma_wait3A_665 = tpu.memref_slice %arg6[%mul3A_452, %dma_wait3A_664] : memref<65536x32xf32, #tpu.memory_space<hbm>> -> memref<128x32xf32, #tpu.memory_space<hbm>>
      tpu.wait_dma2 semaphore(%run_scoped3A : memref<!tpu.dma_semaphore, #tpu.memory_space<semaphore_mem>>) src(%arg11 : memref<128x32xf32, #tpu.memory_space<vmem>>) dst(%dma_wait3A_665 : memref<128x32xf32, #tpu.memory_space<hbm>>)
      tpu.yield
    }) : () -> ()
    %dma_start3A_453 = arith.constant 11 : i32
    %dma_start3A_454 = arith.constant 0 : i32
    %dma_start3A_455 = tpu.memref_slice %arg7[%dma_start3A_453, %dma_start3A_454] : memref<16x128xi32, #tpu.memory_space<vmem>> -> memref<1x128xi32, #tpu.memory_space<vmem>>
    %dma_start3A_456 = tpu.memref_squeeze %dma_start3A_455 : memref<1x128xi32, #tpu.memory_space<vmem>> -> memref<128xi32, #tpu.memory_space<vmem>>
    %dma_start3A_457 = arith.constant 0 : i32
    %dma_start3A_458 = arith.constant 0 : i32
    %dma_start3A_459 = tpu.memref_slice %arg2[%dma_start3A_457, %dma_start3A_458] : memref<16384x32xf32, #tpu.memory_space<hbm>> -> memref<16384x32xf32, #tpu.memory_space<hbm>>
    tpu.enqueue_indirect_dma source(%dma_start3A_459 : memref<16384x32xf32, #tpu.memory_space<hbm>>) target(%arg9 : memref<128x32xf32, #tpu.memory_space<vmem>>) offsets(%dma_start3A_456 : memref<128xi32, #tpu.memory_space<vmem>>) semaphore(%arg12 : memref<!tpu.dma_semaphore, #tpu.memory_space<semaphore_mem>>)
    %dma_start3A_460 = arith.constant 11 : i32
    %dma_start3A_461 = arith.constant 0 : i32
    %dma_start3A_462 = tpu.memref_slice %arg8[%dma_start3A_460, %dma_start3A_461] : memref<16x128xi32, #tpu.memory_space<vmem>> -> memref<1x128xi32, #tpu.memory_space<vmem>>
    %dma_start3A_463 = tpu.memref_squeeze %dma_start3A_462 : memref<1x128xi32, #tpu.memory_space<vmem>> -> memref<128xi32, #tpu.memory_space<vmem>>
    %dma_start3A_464 = arith.constant 0 : i32
    %dma_start3A_465 = arith.constant 0 : i32
    %dma_start3A_466 = tpu.memref_slice %arg3[%dma_start3A_464, %dma_start3A_465] : memref<16384x32xf32, #tpu.memory_space<hbm>> -> memref<16384x32xf32, #tpu.memory_space<hbm>>
    tpu.enqueue_indirect_dma source(%dma_start3A_466 : memref<16384x32xf32, #tpu.memory_space<hbm>>) target(%arg10 : memref<128x32xf32, #tpu.memory_space<vmem>>) offsets(%dma_start3A_463 : memref<128xi32, #tpu.memory_space<vmem>>) semaphore(%arg13 : memref<!tpu.dma_semaphore, #tpu.memory_space<semaphore_mem>>)
    %dma_wait3A_467 = arith.constant 11 : i32
    %dma_wait3A_468 = arith.constant 0 : i32
    %dma_wait3A_469 = tpu.memref_slice %arg7[%dma_wait3A_467, %dma_wait3A_468] : memref<16x128xi32, #tpu.memory_space<vmem>> -> memref<1x128xi32, #tpu.memory_space<vmem>>
    %dma_wait3A_470 = tpu.memref_squeeze %dma_wait3A_469 : memref<1x128xi32, #tpu.memory_space<vmem>> -> memref<128xi32, #tpu.memory_space<vmem>>
    %dma_wait3A_471 = arith.constant 0 : i32
    %dma_wait3A_472 = arith.constant 0 : i32
    %dma_wait3A_473 = tpu.memref_slice %arg2[%dma_wait3A_471, %dma_wait3A_472] : memref<16384x32xf32, #tpu.memory_space<hbm>> -> memref<16384x32xf32, #tpu.memory_space<hbm>>
    tpu.wait_indirect_dma semaphore(%arg12 : memref<!tpu.dma_semaphore, #tpu.memory_space<semaphore_mem>>) src(%dma_wait3A_473 : memref<16384x32xf32, #tpu.memory_space<hbm>>) dst(%arg9 : memref<128x32xf32, #tpu.memory_space<vmem>>)
    %dma_wait3A_474 = arith.constant 11 : i32
    %dma_wait3A_475 = arith.constant 0 : i32
    %dma_wait3A_476 = tpu.memref_slice %arg8[%dma_wait3A_474, %dma_wait3A_475] : memref<16x128xi32, #tpu.memory_space<vmem>> -> memref<1x128xi32, #tpu.memory_space<vmem>>
    %dma_wait3A_477 = tpu.memref_squeeze %dma_wait3A_476 : memref<1x128xi32, #tpu.memory_space<vmem>> -> memref<128xi32, #tpu.memory_space<vmem>>
    %dma_wait3A_478 = arith.constant 0 : i32
    %dma_wait3A_479 = arith.constant 0 : i32
    %dma_wait3A_480 = tpu.memref_slice %arg3[%dma_wait3A_478, %dma_wait3A_479] : memref<16384x32xf32, #tpu.memory_space<hbm>> -> memref<16384x32xf32, #tpu.memory_space<hbm>>
    tpu.wait_indirect_dma semaphore(%arg13 : memref<!tpu.dma_semaphore, #tpu.memory_space<semaphore_mem>>) src(%dma_wait3A_480 : memref<16384x32xf32, #tpu.memory_space<hbm>>) dst(%arg10 : memref<128x32xf32, #tpu.memory_space<vmem>>)
    %scan3A_481 = arith.constant 0 : i32
    %scan3A_482 = arith.constant 0 : i32
    %scan3A_483 = arith.constant 128 : i32
    %scan3A_484 = arith.addi %scan3A_482, %scan3A_483 : i32
    %scan3A_485 = arith.constant 1 : i32
    %scan3A_486 = scf.for %scan3A_658 = %scan3A_482 to %scan3A_484 step %scan3A_485 iter_args(%scan3A_659 = %scan3A_481) -> (i32)  : i32 {
      %get3A = arith.index_cast %scan3A_658 : i32 to index
      %get3A_660 = arith.constant 0 : index
      %get3A_661 = tpu.vector_load %arg9[%get3A, %get3A_660] {strides = array<i32>} : memref<128x32xf32, #tpu.memory_space<vmem>>, vector<1x16xf32>,
      %get3A_662 = vector.shape_cast %get3A_661 : vector<1x16xf32> to vector<16xf32>
      %get3A_663 = arith.index_cast %scan3A_658 : i32 to index
      %get3A_664 = arith.constant 0 : index
      %get3A_665 = tpu.vector_load %arg10[%get3A_663, %get3A_664] {strides = array<i32>} : memref<128x32xf32, #tpu.memory_space<vmem>>, vector<1x16xf32>,
      %get3A_666 = vector.shape_cast %get3A_665 : vector<1x16xf32> to vector<16xf32>
      %add3A_667 = arith.addf %get3A_662, %get3A_666 : vector<16xf32>
      %abs3A = math.absf %add3A_667 : vector<16xf32>
      %mul3A_668 = arith.constant -2.000000e+00 : f32
      %mul3A_669 = vector.broadcast %mul3A_668 : f32 to vector<16xf32>
      %mul3A_670 = arith.mulf %mul3A_669, %abs3A : vector<16xf32>
      %exp3A = math.exp %mul3A_670 : vector<16xf32>
      %sub3A = arith.constant 1.000000e+00 : f32
      %sub3A_671 = vector.broadcast %sub3A : f32 to vector<16xf32>
      %sub3A_672 = arith.subf %sub3A_671, %exp3A : vector<16xf32>
      %add3A_673 = arith.constant 1.000000e+00 : f32
      %add3A_674 = vector.broadcast %add3A_673 : f32 to vector<16xf32>
      %add3A_675 = arith.addf %add3A_674, %exp3A : vector<16xf32>
      %div3A = arith.divf %sub3A_672, %add3A_675 : vector<16xf32>
      %lt3A = arith.constant 0.000000e+00 : f32
      %lt3A_676 = vector.broadcast %lt3A : f32 to vector<16xf32>
      %lt3A_677 = arith.cmpf olt, %add3A_667, %lt3A_676 : vector<16xf32>
      %neg3A = arith.constant 0.000000e+00 : f32
      %neg3A_678 = vector.broadcast %neg3A : f32 to vector<16xf32>
      %neg3A_679 = arith.subf %neg3A_678, %div3A : vector<16xf32>
      %select_n3A = arith.select %lt3A_677, %neg3A_679, %div3A : vector<16xi1>, vector<16xf32>
      %swap3A = arith.index_cast %scan3A_658 : i32 to index
      %swap3A_680 = arith.constant 0 : index
      %swap3A_681 = tpu.vector_load %arg11[%swap3A, %swap3A_680] {strides = array<i32>} : memref<128x32xf32, #tpu.memory_space<vmem>>, vector<1x16xf32>,
      %swap3A_682 = vector.shape_cast %swap3A_681 : vector<1x16xf32> to vector<16xf32>
      %swap3A_683 = vector.shape_cast %select_n3A : vector<16xf32> to vector<1x16xf32>
      tpu.vector_store %arg11[%swap3A, %swap3A_680], %swap3A_683 {strides = array<i32>} : memref<128x32xf32, #tpu.memory_space<vmem>>, vector<1x16xf32>,
      %get3A_684 = arith.index_cast %scan3A_658 : i32 to index
      %get3A_685 = arith.constant 16 : index
      %get3A_686 = tpu.vector_load %arg9[%get3A_684, %get3A_685] {strides = array<i32>} : memref<128x32xf32, #tpu.memory_space<vmem>>, vector<1x16xf32>,
      %get3A_687 = vector.shape_cast %get3A_686 : vector<1x16xf32> to vector<16xf32>
      %get3A_688 = arith.index_cast %scan3A_658 : i32 to index
      %get3A_689 = arith.constant 16 : index
      %get3A_690 = tpu.vector_load %arg10[%get3A_688, %get3A_689] {strides = array<i32>} : memref<128x32xf32, #tpu.memory_space<vmem>>, vector<1x16xf32>,
      %get3A_691 = vector.shape_cast %get3A_690 : vector<1x16xf32> to vector<16xf32>
      %add3A_692 = arith.addf %get3A_687, %get3A_691 : vector<16xf32>
      %abs3A_693 = math.absf %add3A_692 : vector<16xf32>
      %mul3A_694 = arith.constant -2.000000e+00 : f32
      %mul3A_695 = vector.broadcast %mul3A_694 : f32 to vector<16xf32>
      %mul3A_696 = arith.mulf %mul3A_695, %abs3A_693 : vector<16xf32>
      %exp3A_697 = math.exp %mul3A_696 : vector<16xf32>
      %sub3A_698 = arith.constant 1.000000e+00 : f32
      %sub3A_699 = vector.broadcast %sub3A_698 : f32 to vector<16xf32>
      %sub3A_700 = arith.subf %sub3A_699, %exp3A_697 : vector<16xf32>
      %add3A_701 = arith.constant 1.000000e+00 : f32
      %add3A_702 = vector.broadcast %add3A_701 : f32 to vector<16xf32>
      %add3A_703 = arith.addf %add3A_702, %exp3A_697 : vector<16xf32>
      %div3A_704 = arith.divf %sub3A_700, %add3A_703 : vector<16xf32>
      %lt3A_705 = arith.constant 0.000000e+00 : f32
      %lt3A_706 = vector.broadcast %lt3A_705 : f32 to vector<16xf32>
      %lt3A_707 = arith.cmpf olt, %add3A_692, %lt3A_706 : vector<16xf32>
      %neg3A_708 = arith.constant 0.000000e+00 : f32
      %neg3A_709 = vector.broadcast %neg3A_708 : f32 to vector<16xf32>
      %neg3A_710 = arith.subf %neg3A_709, %div3A_704 : vector<16xf32>
      %select_n3A_711 = arith.select %lt3A_707, %neg3A_710, %div3A_704 : vector<16xi1>, vector<16xf32>
      %swap3A_712 = arith.index_cast %scan3A_658 : i32 to index
      %swap3A_713 = arith.constant 16 : index
      %swap3A_714 = tpu.vector_load %arg11[%swap3A_712, %swap3A_713] {strides = array<i32>} : memref<128x32xf32, #tpu.memory_space<vmem>>, vector<1x16xf32>,
      %swap3A_715 = vector.shape_cast %swap3A_714 : vector<1x16xf32> to vector<16xf32>
      %swap3A_716 = vector.shape_cast %select_n3A_711 : vector<16xf32> to vector<1x16xf32>
      tpu.vector_store %arg11[%swap3A_712, %swap3A_713], %swap3A_716 {strides = array<i32>} : memref<128x32xf32, #tpu.memory_space<vmem>>, vector<1x16xf32>,
      %scan3A_717 = arith.constant 0 : i32
      scf.yield %scan3A_717 : i32
    }
    %scan3A_487 = arith.constant 128 : i32
    %mul3A_488 = arith.constant 16 : i32
    %mul3A_489 = arith.muli %add3A, %mul3A_488 : i32
    %add3A_490 = arith.constant 11 : i32
    %add3A_491 = arith.addi %mul3A_489, %add3A_490 : i32
    %mul3A_492 = arith.constant 128 : i32
    %mul3A_493 = arith.muli %add3A_491, %mul3A_492 : i32
    "tpu.region"() ({
      %run_scoped3A = tpu.sem_alloc : memref<!tpu.dma_semaphore, #tpu.memory_space<semaphore_mem>>
      %dma_start3A_658 = arith.constant 0 : i32
      %dma_start3A_659 = tpu.memref_slice %arg6[%mul3A_493, %dma_start3A_658] : memref<65536x32xf32, #tpu.memory_space<hbm>> -> memref<128x32xf32, #tpu.memory_space<hbm>>
      %dma_start3A_660 = arith.constant 0 : i32
      %dma_start3A_661 = tpu.memref_slice %arg6[%mul3A_493, %dma_start3A_660] : memref<65536x32xf32, #tpu.memory_space<hbm>> -> memref<128x32xf32, #tpu.memory_space<hbm>>
      tpu.enqueue_dma source(%arg11 : memref<128x32xf32, #tpu.memory_space<vmem>>) target(%dma_start3A_661 : memref<128x32xf32, #tpu.memory_space<hbm>>) target_semaphore(%run_scoped3A : memref<!tpu.dma_semaphore, #tpu.memory_space<semaphore_mem>>)
      %dma_wait3A_662 = arith.constant 0 : i32
      %dma_wait3A_663 = tpu.memref_slice %arg6[%mul3A_493, %dma_wait3A_662] : memref<65536x32xf32, #tpu.memory_space<hbm>> -> memref<128x32xf32, #tpu.memory_space<hbm>>
      %dma_wait3A_664 = arith.constant 0 : i32
      %dma_wait3A_665 = tpu.memref_slice %arg6[%mul3A_493, %dma_wait3A_664] : memref<65536x32xf32, #tpu.memory_space<hbm>> -> memref<128x32xf32, #tpu.memory_space<hbm>>
      tpu.wait_dma2 semaphore(%run_scoped3A : memref<!tpu.dma_semaphore, #tpu.memory_space<semaphore_mem>>) src(%arg11 : memref<128x32xf32, #tpu.memory_space<vmem>>) dst(%dma_wait3A_665 : memref<128x32xf32, #tpu.memory_space<hbm>>)
      tpu.yield
    }) : () -> ()
    %dma_start3A_494 = arith.constant 12 : i32
    %dma_start3A_495 = arith.constant 0 : i32
    %dma_start3A_496 = tpu.memref_slice %arg7[%dma_start3A_494, %dma_start3A_495] : memref<16x128xi32, #tpu.memory_space<vmem>> -> memref<1x128xi32, #tpu.memory_space<vmem>>
    %dma_start3A_497 = tpu.memref_squeeze %dma_start3A_496 : memref<1x128xi32, #tpu.memory_space<vmem>> -> memref<128xi32, #tpu.memory_space<vmem>>
    %dma_start3A_498 = arith.constant 0 : i32
    %dma_start3A_499 = arith.constant 0 : i32
    %dma_start3A_500 = tpu.memref_slice %arg2[%dma_start3A_498, %dma_start3A_499] : memref<16384x32xf32, #tpu.memory_space<hbm>> -> memref<16384x32xf32, #tpu.memory_space<hbm>>
    tpu.enqueue_indirect_dma source(%dma_start3A_500 : memref<16384x32xf32, #tpu.memory_space<hbm>>) target(%arg9 : memref<128x32xf32, #tpu.memory_space<vmem>>) offsets(%dma_start3A_497 : memref<128xi32, #tpu.memory_space<vmem>>) semaphore(%arg12 : memref<!tpu.dma_semaphore, #tpu.memory_space<semaphore_mem>>)
    %dma_start3A_501 = arith.constant 12 : i32
    %dma_start3A_502 = arith.constant 0 : i32
    %dma_start3A_503 = tpu.memref_slice %arg8[%dma_start3A_501, %dma_start3A_502] : memref<16x128xi32, #tpu.memory_space<vmem>> -> memref<1x128xi32, #tpu.memory_space<vmem>>
    %dma_start3A_504 = tpu.memref_squeeze %dma_start3A_503 : memref<1x128xi32, #tpu.memory_space<vmem>> -> memref<128xi32, #tpu.memory_space<vmem>>
    %dma_start3A_505 = arith.constant 0 : i32
    %dma_start3A_506 = arith.constant 0 : i32
    %dma_start3A_507 = tpu.memref_slice %arg3[%dma_start3A_505, %dma_start3A_506] : memref<16384x32xf32, #tpu.memory_space<hbm>> -> memref<16384x32xf32, #tpu.memory_space<hbm>>
    tpu.enqueue_indirect_dma source(%dma_start3A_507 : memref<16384x32xf32, #tpu.memory_space<hbm>>) target(%arg10 : memref<128x32xf32, #tpu.memory_space<vmem>>) offsets(%dma_start3A_504 : memref<128xi32, #tpu.memory_space<vmem>>) semaphore(%arg13 : memref<!tpu.dma_semaphore, #tpu.memory_space<semaphore_mem>>)
    %dma_wait3A_508 = arith.constant 12 : i32
    %dma_wait3A_509 = arith.constant 0 : i32
    %dma_wait3A_510 = tpu.memref_slice %arg7[%dma_wait3A_508, %dma_wait3A_509] : memref<16x128xi32, #tpu.memory_space<vmem>> -> memref<1x128xi32, #tpu.memory_space<vmem>>
    %dma_wait3A_511 = tpu.memref_squeeze %dma_wait3A_510 : memref<1x128xi32, #tpu.memory_space<vmem>> -> memref<128xi32, #tpu.memory_space<vmem>>
    %dma_wait3A_512 = arith.constant 0 : i32
    %dma_wait3A_513 = arith.constant 0 : i32
    %dma_wait3A_514 = tpu.memref_slice %arg2[%dma_wait3A_512, %dma_wait3A_513] : memref<16384x32xf32, #tpu.memory_space<hbm>> -> memref<16384x32xf32, #tpu.memory_space<hbm>>
    tpu.wait_indirect_dma semaphore(%arg12 : memref<!tpu.dma_semaphore, #tpu.memory_space<semaphore_mem>>) src(%dma_wait3A_514 : memref<16384x32xf32, #tpu.memory_space<hbm>>) dst(%arg9 : memref<128x32xf32, #tpu.memory_space<vmem>>)
    %dma_wait3A_515 = arith.constant 12 : i32
    %dma_wait3A_516 = arith.constant 0 : i32
    %dma_wait3A_517 = tpu.memref_slice %arg8[%dma_wait3A_515, %dma_wait3A_516] : memref<16x128xi32, #tpu.memory_space<vmem>> -> memref<1x128xi32, #tpu.memory_space<vmem>>
    %dma_wait3A_518 = tpu.memref_squeeze %dma_wait3A_517 : memref<1x128xi32, #tpu.memory_space<vmem>> -> memref<128xi32, #tpu.memory_space<vmem>>
    %dma_wait3A_519 = arith.constant 0 : i32
    %dma_wait3A_520 = arith.constant 0 : i32
    %dma_wait3A_521 = tpu.memref_slice %arg3[%dma_wait3A_519, %dma_wait3A_520] : memref<16384x32xf32, #tpu.memory_space<hbm>> -> memref<16384x32xf32, #tpu.memory_space<hbm>>
    tpu.wait_indirect_dma semaphore(%arg13 : memref<!tpu.dma_semaphore, #tpu.memory_space<semaphore_mem>>) src(%dma_wait3A_521 : memref<16384x32xf32, #tpu.memory_space<hbm>>) dst(%arg10 : memref<128x32xf32, #tpu.memory_space<vmem>>)
    %scan3A_522 = arith.constant 0 : i32
    %scan3A_523 = arith.constant 0 : i32
    %scan3A_524 = arith.constant 128 : i32
    %scan3A_525 = arith.addi %scan3A_523, %scan3A_524 : i32
    %scan3A_526 = arith.constant 1 : i32
    %scan3A_527 = scf.for %scan3A_658 = %scan3A_523 to %scan3A_525 step %scan3A_526 iter_args(%scan3A_659 = %scan3A_522) -> (i32)  : i32 {
      %get3A = arith.index_cast %scan3A_658 : i32 to index
      %get3A_660 = arith.constant 0 : index
      %get3A_661 = tpu.vector_load %arg9[%get3A, %get3A_660] {strides = array<i32>} : memref<128x32xf32, #tpu.memory_space<vmem>>, vector<1x16xf32>,
      %get3A_662 = vector.shape_cast %get3A_661 : vector<1x16xf32> to vector<16xf32>
      %get3A_663 = arith.index_cast %scan3A_658 : i32 to index
      %get3A_664 = arith.constant 0 : index
      %get3A_665 = tpu.vector_load %arg10[%get3A_663, %get3A_664] {strides = array<i32>} : memref<128x32xf32, #tpu.memory_space<vmem>>, vector<1x16xf32>,
      %get3A_666 = vector.shape_cast %get3A_665 : vector<1x16xf32> to vector<16xf32>
      %add3A_667 = arith.addf %get3A_662, %get3A_666 : vector<16xf32>
      %abs3A = math.absf %add3A_667 : vector<16xf32>
      %mul3A_668 = arith.constant -2.000000e+00 : f32
      %mul3A_669 = vector.broadcast %mul3A_668 : f32 to vector<16xf32>
      %mul3A_670 = arith.mulf %mul3A_669, %abs3A : vector<16xf32>
      %exp3A = math.exp %mul3A_670 : vector<16xf32>
      %sub3A = arith.constant 1.000000e+00 : f32
      %sub3A_671 = vector.broadcast %sub3A : f32 to vector<16xf32>
      %sub3A_672 = arith.subf %sub3A_671, %exp3A : vector<16xf32>
      %add3A_673 = arith.constant 1.000000e+00 : f32
      %add3A_674 = vector.broadcast %add3A_673 : f32 to vector<16xf32>
      %add3A_675 = arith.addf %add3A_674, %exp3A : vector<16xf32>
      %div3A = arith.divf %sub3A_672, %add3A_675 : vector<16xf32>
      %lt3A = arith.constant 0.000000e+00 : f32
      %lt3A_676 = vector.broadcast %lt3A : f32 to vector<16xf32>
      %lt3A_677 = arith.cmpf olt, %add3A_667, %lt3A_676 : vector<16xf32>
      %neg3A = arith.constant 0.000000e+00 : f32
      %neg3A_678 = vector.broadcast %neg3A : f32 to vector<16xf32>
      %neg3A_679 = arith.subf %neg3A_678, %div3A : vector<16xf32>
      %select_n3A = arith.select %lt3A_677, %neg3A_679, %div3A : vector<16xi1>, vector<16xf32>
      %swap3A = arith.index_cast %scan3A_658 : i32 to index
      %swap3A_680 = arith.constant 0 : index
      %swap3A_681 = tpu.vector_load %arg11[%swap3A, %swap3A_680] {strides = array<i32>} : memref<128x32xf32, #tpu.memory_space<vmem>>, vector<1x16xf32>,
      %swap3A_682 = vector.shape_cast %swap3A_681 : vector<1x16xf32> to vector<16xf32>
      %swap3A_683 = vector.shape_cast %select_n3A : vector<16xf32> to vector<1x16xf32>
      tpu.vector_store %arg11[%swap3A, %swap3A_680], %swap3A_683 {strides = array<i32>} : memref<128x32xf32, #tpu.memory_space<vmem>>, vector<1x16xf32>,
      %get3A_684 = arith.index_cast %scan3A_658 : i32 to index
      %get3A_685 = arith.constant 16 : index
      %get3A_686 = tpu.vector_load %arg9[%get3A_684, %get3A_685] {strides = array<i32>} : memref<128x32xf32, #tpu.memory_space<vmem>>, vector<1x16xf32>,
      %get3A_687 = vector.shape_cast %get3A_686 : vector<1x16xf32> to vector<16xf32>
      %get3A_688 = arith.index_cast %scan3A_658 : i32 to index
      %get3A_689 = arith.constant 16 : index
      %get3A_690 = tpu.vector_load %arg10[%get3A_688, %get3A_689] {strides = array<i32>} : memref<128x32xf32, #tpu.memory_space<vmem>>, vector<1x16xf32>,
      %get3A_691 = vector.shape_cast %get3A_690 : vector<1x16xf32> to vector<16xf32>
      %add3A_692 = arith.addf %get3A_687, %get3A_691 : vector<16xf32>
      %abs3A_693 = math.absf %add3A_692 : vector<16xf32>
      %mul3A_694 = arith.constant -2.000000e+00 : f32
      %mul3A_695 = vector.broadcast %mul3A_694 : f32 to vector<16xf32>
      %mul3A_696 = arith.mulf %mul3A_695, %abs3A_693 : vector<16xf32>
      %exp3A_697 = math.exp %mul3A_696 : vector<16xf32>
      %sub3A_698 = arith.constant 1.000000e+00 : f32
      %sub3A_699 = vector.broadcast %sub3A_698 : f32 to vector<16xf32>
      %sub3A_700 = arith.subf %sub3A_699, %exp3A_697 : vector<16xf32>
      %add3A_701 = arith.constant 1.000000e+00 : f32
      %add3A_702 = vector.broadcast %add3A_701 : f32 to vector<16xf32>
      %add3A_703 = arith.addf %add3A_702, %exp3A_697 : vector<16xf32>
      %div3A_704 = arith.divf %sub3A_700, %add3A_703 : vector<16xf32>
      %lt3A_705 = arith.constant 0.000000e+00 : f32
      %lt3A_706 = vector.broadcast %lt3A_705 : f32 to vector<16xf32>
      %lt3A_707 = arith.cmpf olt, %add3A_692, %lt3A_706 : vector<16xf32>
      %neg3A_708 = arith.constant 0.000000e+00 : f32
      %neg3A_709 = vector.broadcast %neg3A_708 : f32 to vector<16xf32>
      %neg3A_710 = arith.subf %neg3A_709, %div3A_704 : vector<16xf32>
      %select_n3A_711 = arith.select %lt3A_707, %neg3A_710, %div3A_704 : vector<16xi1>, vector<16xf32>
      %swap3A_712 = arith.index_cast %scan3A_658 : i32 to index
      %swap3A_713 = arith.constant 16 : index
      %swap3A_714 = tpu.vector_load %arg11[%swap3A_712, %swap3A_713] {strides = array<i32>} : memref<128x32xf32, #tpu.memory_space<vmem>>, vector<1x16xf32>,
      %swap3A_715 = vector.shape_cast %swap3A_714 : vector<1x16xf32> to vector<16xf32>
      %swap3A_716 = vector.shape_cast %select_n3A_711 : vector<16xf32> to vector<1x16xf32>
      tpu.vector_store %arg11[%swap3A_712, %swap3A_713], %swap3A_716 {strides = array<i32>} : memref<128x32xf32, #tpu.memory_space<vmem>>, vector<1x16xf32>,
      %scan3A_717 = arith.constant 0 : i32
      scf.yield %scan3A_717 : i32
    }
    %scan3A_528 = arith.constant 128 : i32
    %mul3A_529 = arith.constant 16 : i32
    %mul3A_530 = arith.muli %add3A, %mul3A_529 : i32
    %add3A_531 = arith.constant 12 : i32
    %add3A_532 = arith.addi %mul3A_530, %add3A_531 : i32
    %mul3A_533 = arith.constant 128 : i32
    %mul3A_534 = arith.muli %add3A_532, %mul3A_533 : i32
    "tpu.region"() ({
      %run_scoped3A = tpu.sem_alloc : memref<!tpu.dma_semaphore, #tpu.memory_space<semaphore_mem>>
      %dma_start3A_658 = arith.constant 0 : i32
      %dma_start3A_659 = tpu.memref_slice %arg6[%mul3A_534, %dma_start3A_658] : memref<65536x32xf32, #tpu.memory_space<hbm>> -> memref<128x32xf32, #tpu.memory_space<hbm>>
      %dma_start3A_660 = arith.constant 0 : i32
      %dma_start3A_661 = tpu.memref_slice %arg6[%mul3A_534, %dma_start3A_660] : memref<65536x32xf32, #tpu.memory_space<hbm>> -> memref<128x32xf32, #tpu.memory_space<hbm>>
      tpu.enqueue_dma source(%arg11 : memref<128x32xf32, #tpu.memory_space<vmem>>) target(%dma_start3A_661 : memref<128x32xf32, #tpu.memory_space<hbm>>) target_semaphore(%run_scoped3A : memref<!tpu.dma_semaphore, #tpu.memory_space<semaphore_mem>>)
      %dma_wait3A_662 = arith.constant 0 : i32
      %dma_wait3A_663 = tpu.memref_slice %arg6[%mul3A_534, %dma_wait3A_662] : memref<65536x32xf32, #tpu.memory_space<hbm>> -> memref<128x32xf32, #tpu.memory_space<hbm>>
      %dma_wait3A_664 = arith.constant 0 : i32
      %dma_wait3A_665 = tpu.memref_slice %arg6[%mul3A_534, %dma_wait3A_664] : memref<65536x32xf32, #tpu.memory_space<hbm>> -> memref<128x32xf32, #tpu.memory_space<hbm>>
      tpu.wait_dma2 semaphore(%run_scoped3A : memref<!tpu.dma_semaphore, #tpu.memory_space<semaphore_mem>>) src(%arg11 : memref<128x32xf32, #tpu.memory_space<vmem>>) dst(%dma_wait3A_665 : memref<128x32xf32, #tpu.memory_space<hbm>>)
      tpu.yield
    }) : () -> ()
    %dma_start3A_535 = arith.constant 13 : i32
    %dma_start3A_536 = arith.constant 0 : i32
    %dma_start3A_537 = tpu.memref_slice %arg7[%dma_start3A_535, %dma_start3A_536] : memref<16x128xi32, #tpu.memory_space<vmem>> -> memref<1x128xi32, #tpu.memory_space<vmem>>
    %dma_start3A_538 = tpu.memref_squeeze %dma_start3A_537 : memref<1x128xi32, #tpu.memory_space<vmem>> -> memref<128xi32, #tpu.memory_space<vmem>>
    %dma_start3A_539 = arith.constant 0 : i32
    %dma_start3A_540 = arith.constant 0 : i32
    %dma_start3A_541 = tpu.memref_slice %arg2[%dma_start3A_539, %dma_start3A_540] : memref<16384x32xf32, #tpu.memory_space<hbm>> -> memref<16384x32xf32, #tpu.memory_space<hbm>>
    tpu.enqueue_indirect_dma source(%dma_start3A_541 : memref<16384x32xf32, #tpu.memory_space<hbm>>) target(%arg9 : memref<128x32xf32, #tpu.memory_space<vmem>>) offsets(%dma_start3A_538 : memref<128xi32, #tpu.memory_space<vmem>>) semaphore(%arg12 : memref<!tpu.dma_semaphore, #tpu.memory_space<semaphore_mem>>)
    %dma_start3A_542 = arith.constant 13 : i32
    %dma_start3A_543 = arith.constant 0 : i32
    %dma_start3A_544 = tpu.memref_slice %arg8[%dma_start3A_542, %dma_start3A_543] : memref<16x128xi32, #tpu.memory_space<vmem>> -> memref<1x128xi32, #tpu.memory_space<vmem>>
    %dma_start3A_545 = tpu.memref_squeeze %dma_start3A_544 : memref<1x128xi32, #tpu.memory_space<vmem>> -> memref<128xi32, #tpu.memory_space<vmem>>
    %dma_start3A_546 = arith.constant 0 : i32
    %dma_start3A_547 = arith.constant 0 : i32
    %dma_start3A_548 = tpu.memref_slice %arg3[%dma_start3A_546, %dma_start3A_547] : memref<16384x32xf32, #tpu.memory_space<hbm>> -> memref<16384x32xf32, #tpu.memory_space<hbm>>
    tpu.enqueue_indirect_dma source(%dma_start3A_548 : memref<16384x32xf32, #tpu.memory_space<hbm>>) target(%arg10 : memref<128x32xf32, #tpu.memory_space<vmem>>) offsets(%dma_start3A_545 : memref<128xi32, #tpu.memory_space<vmem>>) semaphore(%arg13 : memref<!tpu.dma_semaphore, #tpu.memory_space<semaphore_mem>>)
    %dma_wait3A_549 = arith.constant 13 : i32
    %dma_wait3A_550 = arith.constant 0 : i32
    %dma_wait3A_551 = tpu.memref_slice %arg7[%dma_wait3A_549, %dma_wait3A_550] : memref<16x128xi32, #tpu.memory_space<vmem>> -> memref<1x128xi32, #tpu.memory_space<vmem>>
    %dma_wait3A_552 = tpu.memref_squeeze %dma_wait3A_551 : memref<1x128xi32, #tpu.memory_space<vmem>> -> memref<128xi32, #tpu.memory_space<vmem>>
    %dma_wait3A_553 = arith.constant 0 : i32
    %dma_wait3A_554 = arith.constant 0 : i32
    %dma_wait3A_555 = tpu.memref_slice %arg2[%dma_wait3A_553, %dma_wait3A_554] : memref<16384x32xf32, #tpu.memory_space<hbm>> -> memref<16384x32xf32, #tpu.memory_space<hbm>>
    tpu.wait_indirect_dma semaphore(%arg12 : memref<!tpu.dma_semaphore, #tpu.memory_space<semaphore_mem>>) src(%dma_wait3A_555 : memref<16384x32xf32, #tpu.memory_space<hbm>>) dst(%arg9 : memref<128x32xf32, #tpu.memory_space<vmem>>)
    %dma_wait3A_556 = arith.constant 13 : i32
    %dma_wait3A_557 = arith.constant 0 : i32
    %dma_wait3A_558 = tpu.memref_slice %arg8[%dma_wait3A_556, %dma_wait3A_557] : memref<16x128xi32, #tpu.memory_space<vmem>> -> memref<1x128xi32, #tpu.memory_space<vmem>>
    %dma_wait3A_559 = tpu.memref_squeeze %dma_wait3A_558 : memref<1x128xi32, #tpu.memory_space<vmem>> -> memref<128xi32, #tpu.memory_space<vmem>>
    %dma_wait3A_560 = arith.constant 0 : i32
    %dma_wait3A_561 = arith.constant 0 : i32
    %dma_wait3A_562 = tpu.memref_slice %arg3[%dma_wait3A_560, %dma_wait3A_561] : memref<16384x32xf32, #tpu.memory_space<hbm>> -> memref<16384x32xf32, #tpu.memory_space<hbm>>
    tpu.wait_indirect_dma semaphore(%arg13 : memref<!tpu.dma_semaphore, #tpu.memory_space<semaphore_mem>>) src(%dma_wait3A_562 : memref<16384x32xf32, #tpu.memory_space<hbm>>) dst(%arg10 : memref<128x32xf32, #tpu.memory_space<vmem>>)
    %scan3A_563 = arith.constant 0 : i32
    %scan3A_564 = arith.constant 0 : i32
    %scan3A_565 = arith.constant 128 : i32
    %scan3A_566 = arith.addi %scan3A_564, %scan3A_565 : i32
    %scan3A_567 = arith.constant 1 : i32
    %scan3A_568 = scf.for %scan3A_658 = %scan3A_564 to %scan3A_566 step %scan3A_567 iter_args(%scan3A_659 = %scan3A_563) -> (i32)  : i32 {
      %get3A = arith.index_cast %scan3A_658 : i32 to index
      %get3A_660 = arith.constant 0 : index
      %get3A_661 = tpu.vector_load %arg9[%get3A, %get3A_660] {strides = array<i32>} : memref<128x32xf32, #tpu.memory_space<vmem>>, vector<1x16xf32>,
      %get3A_662 = vector.shape_cast %get3A_661 : vector<1x16xf32> to vector<16xf32>
      %get3A_663 = arith.index_cast %scan3A_658 : i32 to index
      %get3A_664 = arith.constant 0 : index
      %get3A_665 = tpu.vector_load %arg10[%get3A_663, %get3A_664] {strides = array<i32>} : memref<128x32xf32, #tpu.memory_space<vmem>>, vector<1x16xf32>,
      %get3A_666 = vector.shape_cast %get3A_665 : vector<1x16xf32> to vector<16xf32>
      %add3A_667 = arith.addf %get3A_662, %get3A_666 : vector<16xf32>
      %abs3A = math.absf %add3A_667 : vector<16xf32>
      %mul3A_668 = arith.constant -2.000000e+00 : f32
      %mul3A_669 = vector.broadcast %mul3A_668 : f32 to vector<16xf32>
      %mul3A_670 = arith.mulf %mul3A_669, %abs3A : vector<16xf32>
      %exp3A = math.exp %mul3A_670 : vector<16xf32>
      %sub3A = arith.constant 1.000000e+00 : f32
      %sub3A_671 = vector.broadcast %sub3A : f32 to vector<16xf32>
      %sub3A_672 = arith.subf %sub3A_671, %exp3A : vector<16xf32>
      %add3A_673 = arith.constant 1.000000e+00 : f32
      %add3A_674 = vector.broadcast %add3A_673 : f32 to vector<16xf32>
      %add3A_675 = arith.addf %add3A_674, %exp3A : vector<16xf32>
      %div3A = arith.divf %sub3A_672, %add3A_675 : vector<16xf32>
      %lt3A = arith.constant 0.000000e+00 : f32
      %lt3A_676 = vector.broadcast %lt3A : f32 to vector<16xf32>
      %lt3A_677 = arith.cmpf olt, %add3A_667, %lt3A_676 : vector<16xf32>
      %neg3A = arith.constant 0.000000e+00 : f32
      %neg3A_678 = vector.broadcast %neg3A : f32 to vector<16xf32>
      %neg3A_679 = arith.subf %neg3A_678, %div3A : vector<16xf32>
      %select_n3A = arith.select %lt3A_677, %neg3A_679, %div3A : vector<16xi1>, vector<16xf32>
      %swap3A = arith.index_cast %scan3A_658 : i32 to index
      %swap3A_680 = arith.constant 0 : index
      %swap3A_681 = tpu.vector_load %arg11[%swap3A, %swap3A_680] {strides = array<i32>} : memref<128x32xf32, #tpu.memory_space<vmem>>, vector<1x16xf32>,
      %swap3A_682 = vector.shape_cast %swap3A_681 : vector<1x16xf32> to vector<16xf32>
      %swap3A_683 = vector.shape_cast %select_n3A : vector<16xf32> to vector<1x16xf32>
      tpu.vector_store %arg11[%swap3A, %swap3A_680], %swap3A_683 {strides = array<i32>} : memref<128x32xf32, #tpu.memory_space<vmem>>, vector<1x16xf32>,
      %get3A_684 = arith.index_cast %scan3A_658 : i32 to index
      %get3A_685 = arith.constant 16 : index
      %get3A_686 = tpu.vector_load %arg9[%get3A_684, %get3A_685] {strides = array<i32>} : memref<128x32xf32, #tpu.memory_space<vmem>>, vector<1x16xf32>,
      %get3A_687 = vector.shape_cast %get3A_686 : vector<1x16xf32> to vector<16xf32>
      %get3A_688 = arith.index_cast %scan3A_658 : i32 to index
      %get3A_689 = arith.constant 16 : index
      %get3A_690 = tpu.vector_load %arg10[%get3A_688, %get3A_689] {strides = array<i32>} : memref<128x32xf32, #tpu.memory_space<vmem>>, vector<1x16xf32>,
      %get3A_691 = vector.shape_cast %get3A_690 : vector<1x16xf32> to vector<16xf32>
      %add3A_692 = arith.addf %get3A_687, %get3A_691 : vector<16xf32>
      %abs3A_693 = math.absf %add3A_692 : vector<16xf32>
      %mul3A_694 = arith.constant -2.000000e+00 : f32
      %mul3A_695 = vector.broadcast %mul3A_694 : f32 to vector<16xf32>
      %mul3A_696 = arith.mulf %mul3A_695, %abs3A_693 : vector<16xf32>
      %exp3A_697 = math.exp %mul3A_696 : vector<16xf32>
      %sub3A_698 = arith.constant 1.000000e+00 : f32
      %sub3A_699 = vector.broadcast %sub3A_698 : f32 to vector<16xf32>
      %sub3A_700 = arith.subf %sub3A_699, %exp3A_697 : vector<16xf32>
      %add3A_701 = arith.constant 1.000000e+00 : f32
      %add3A_702 = vector.broadcast %add3A_701 : f32 to vector<16xf32>
      %add3A_703 = arith.addf %add3A_702, %exp3A_697 : vector<16xf32>
      %div3A_704 = arith.divf %sub3A_700, %add3A_703 : vector<16xf32>
      %lt3A_705 = arith.constant 0.000000e+00 : f32
      %lt3A_706 = vector.broadcast %lt3A_705 : f32 to vector<16xf32>
      %lt3A_707 = arith.cmpf olt, %add3A_692, %lt3A_706 : vector<16xf32>
      %neg3A_708 = arith.constant 0.000000e+00 : f32
      %neg3A_709 = vector.broadcast %neg3A_708 : f32 to vector<16xf32>
      %neg3A_710 = arith.subf %neg3A_709, %div3A_704 : vector<16xf32>
      %select_n3A_711 = arith.select %lt3A_707, %neg3A_710, %div3A_704 : vector<16xi1>, vector<16xf32>
      %swap3A_712 = arith.index_cast %scan3A_658 : i32 to index
      %swap3A_713 = arith.constant 16 : index
      %swap3A_714 = tpu.vector_load %arg11[%swap3A_712, %swap3A_713] {strides = array<i32>} : memref<128x32xf32, #tpu.memory_space<vmem>>, vector<1x16xf32>,
      %swap3A_715 = vector.shape_cast %swap3A_714 : vector<1x16xf32> to vector<16xf32>
      %swap3A_716 = vector.shape_cast %select_n3A_711 : vector<16xf32> to vector<1x16xf32>
      tpu.vector_store %arg11[%swap3A_712, %swap3A_713], %swap3A_716 {strides = array<i32>} : memref<128x32xf32, #tpu.memory_space<vmem>>, vector<1x16xf32>,
      %scan3A_717 = arith.constant 0 : i32
      scf.yield %scan3A_717 : i32
    }
    %scan3A_569 = arith.constant 128 : i32
    %mul3A_570 = arith.constant 16 : i32
    %mul3A_571 = arith.muli %add3A, %mul3A_570 : i32
    %add3A_572 = arith.constant 13 : i32
    %add3A_573 = arith.addi %mul3A_571, %add3A_572 : i32
    %mul3A_574 = arith.constant 128 : i32
    %mul3A_575 = arith.muli %add3A_573, %mul3A_574 : i32
    "tpu.region"() ({
      %run_scoped3A = tpu.sem_alloc : memref<!tpu.dma_semaphore, #tpu.memory_space<semaphore_mem>>
      %dma_start3A_658 = arith.constant 0 : i32
      %dma_start3A_659 = tpu.memref_slice %arg6[%mul3A_575, %dma_start3A_658] : memref<65536x32xf32, #tpu.memory_space<hbm>> -> memref<128x32xf32, #tpu.memory_space<hbm>>
      %dma_start3A_660 = arith.constant 0 : i32
      %dma_start3A_661 = tpu.memref_slice %arg6[%mul3A_575, %dma_start3A_660] : memref<65536x32xf32, #tpu.memory_space<hbm>> -> memref<128x32xf32, #tpu.memory_space<hbm>>
      tpu.enqueue_dma source(%arg11 : memref<128x32xf32, #tpu.memory_space<vmem>>) target(%dma_start3A_661 : memref<128x32xf32, #tpu.memory_space<hbm>>) target_semaphore(%run_scoped3A : memref<!tpu.dma_semaphore, #tpu.memory_space<semaphore_mem>>)
      %dma_wait3A_662 = arith.constant 0 : i32
      %dma_wait3A_663 = tpu.memref_slice %arg6[%mul3A_575, %dma_wait3A_662] : memref<65536x32xf32, #tpu.memory_space<hbm>> -> memref<128x32xf32, #tpu.memory_space<hbm>>
      %dma_wait3A_664 = arith.constant 0 : i32
      %dma_wait3A_665 = tpu.memref_slice %arg6[%mul3A_575, %dma_wait3A_664] : memref<65536x32xf32, #tpu.memory_space<hbm>> -> memref<128x32xf32, #tpu.memory_space<hbm>>
      tpu.wait_dma2 semaphore(%run_scoped3A : memref<!tpu.dma_semaphore, #tpu.memory_space<semaphore_mem>>) src(%arg11 : memref<128x32xf32, #tpu.memory_space<vmem>>) dst(%dma_wait3A_665 : memref<128x32xf32, #tpu.memory_space<hbm>>)
      tpu.yield
    }) : () -> ()
    %dma_start3A_576 = arith.constant 14 : i32
    %dma_start3A_577 = arith.constant 0 : i32
    %dma_start3A_578 = tpu.memref_slice %arg7[%dma_start3A_576, %dma_start3A_577] : memref<16x128xi32, #tpu.memory_space<vmem>> -> memref<1x128xi32, #tpu.memory_space<vmem>>
    %dma_start3A_579 = tpu.memref_squeeze %dma_start3A_578 : memref<1x128xi32, #tpu.memory_space<vmem>> -> memref<128xi32, #tpu.memory_space<vmem>>
    %dma_start3A_580 = arith.constant 0 : i32
    %dma_start3A_581 = arith.constant 0 : i32
    %dma_start3A_582 = tpu.memref_slice %arg2[%dma_start3A_580, %dma_start3A_581] : memref<16384x32xf32, #tpu.memory_space<hbm>> -> memref<16384x32xf32, #tpu.memory_space<hbm>>
    tpu.enqueue_indirect_dma source(%dma_start3A_582 : memref<16384x32xf32, #tpu.memory_space<hbm>>) target(%arg9 : memref<128x32xf32, #tpu.memory_space<vmem>>) offsets(%dma_start3A_579 : memref<128xi32, #tpu.memory_space<vmem>>) semaphore(%arg12 : memref<!tpu.dma_semaphore, #tpu.memory_space<semaphore_mem>>)
    %dma_start3A_583 = arith.constant 14 : i32
    %dma_start3A_584 = arith.constant 0 : i32
    %dma_start3A_585 = tpu.memref_slice %arg8[%dma_start3A_583, %dma_start3A_584] : memref<16x128xi32, #tpu.memory_space<vmem>> -> memref<1x128xi32, #tpu.memory_space<vmem>>
    %dma_start3A_586 = tpu.memref_squeeze %dma_start3A_585 : memref<1x128xi32, #tpu.memory_space<vmem>> -> memref<128xi32, #tpu.memory_space<vmem>>
    %dma_start3A_587 = arith.constant 0 : i32
    %dma_start3A_588 = arith.constant 0 : i32
    %dma_start3A_589 = tpu.memref_slice %arg3[%dma_start3A_587, %dma_start3A_588] : memref<16384x32xf32, #tpu.memory_space<hbm>> -> memref<16384x32xf32, #tpu.memory_space<hbm>>
    tpu.enqueue_indirect_dma source(%dma_start3A_589 : memref<16384x32xf32, #tpu.memory_space<hbm>>) target(%arg10 : memref<128x32xf32, #tpu.memory_space<vmem>>) offsets(%dma_start3A_586 : memref<128xi32, #tpu.memory_space<vmem>>) semaphore(%arg13 : memref<!tpu.dma_semaphore, #tpu.memory_space<semaphore_mem>>)
    %dma_wait3A_590 = arith.constant 14 : i32
    %dma_wait3A_591 = arith.constant 0 : i32
    %dma_wait3A_592 = tpu.memref_slice %arg7[%dma_wait3A_590, %dma_wait3A_591] : memref<16x128xi32, #tpu.memory_space<vmem>> -> memref<1x128xi32, #tpu.memory_space<vmem>>
    %dma_wait3A_593 = tpu.memref_squeeze %dma_wait3A_592 : memref<1x128xi32, #tpu.memory_space<vmem>> -> memref<128xi32, #tpu.memory_space<vmem>>
    %dma_wait3A_594 = arith.constant 0 : i32
    %dma_wait3A_595 = arith.constant 0 : i32
    %dma_wait3A_596 = tpu.memref_slice %arg2[%dma_wait3A_594, %dma_wait3A_595] : memref<16384x32xf32, #tpu.memory_space<hbm>> -> memref<16384x32xf32, #tpu.memory_space<hbm>>
    tpu.wait_indirect_dma semaphore(%arg12 : memref<!tpu.dma_semaphore, #tpu.memory_space<semaphore_mem>>) src(%dma_wait3A_596 : memref<16384x32xf32, #tpu.memory_space<hbm>>) dst(%arg9 : memref<128x32xf32, #tpu.memory_space<vmem>>)
    %dma_wait3A_597 = arith.constant 14 : i32
    %dma_wait3A_598 = arith.constant 0 : i32
    %dma_wait3A_599 = tpu.memref_slice %arg8[%dma_wait3A_597, %dma_wait3A_598] : memref<16x128xi32, #tpu.memory_space<vmem>> -> memref<1x128xi32, #tpu.memory_space<vmem>>
    %dma_wait3A_600 = tpu.memref_squeeze %dma_wait3A_599 : memref<1x128xi32, #tpu.memory_space<vmem>> -> memref<128xi32, #tpu.memory_space<vmem>>
    %dma_wait3A_601 = arith.constant 0 : i32
    %dma_wait3A_602 = arith.constant 0 : i32
    %dma_wait3A_603 = tpu.memref_slice %arg3[%dma_wait3A_601, %dma_wait3A_602] : memref<16384x32xf32, #tpu.memory_space<hbm>> -> memref<16384x32xf32, #tpu.memory_space<hbm>>
    tpu.wait_indirect_dma semaphore(%arg13 : memref<!tpu.dma_semaphore, #tpu.memory_space<semaphore_mem>>) src(%dma_wait3A_603 : memref<16384x32xf32, #tpu.memory_space<hbm>>) dst(%arg10 : memref<128x32xf32, #tpu.memory_space<vmem>>)
    %scan3A_604 = arith.constant 0 : i32
    %scan3A_605 = arith.constant 0 : i32
    %scan3A_606 = arith.constant 128 : i32
    %scan3A_607 = arith.addi %scan3A_605, %scan3A_606 : i32
    %scan3A_608 = arith.constant 1 : i32
    %scan3A_609 = scf.for %scan3A_658 = %scan3A_605 to %scan3A_607 step %scan3A_608 iter_args(%scan3A_659 = %scan3A_604) -> (i32)  : i32 {
      %get3A = arith.index_cast %scan3A_658 : i32 to index
      %get3A_660 = arith.constant 0 : index
      %get3A_661 = tpu.vector_load %arg9[%get3A, %get3A_660] {strides = array<i32>} : memref<128x32xf32, #tpu.memory_space<vmem>>, vector<1x16xf32>,
      %get3A_662 = vector.shape_cast %get3A_661 : vector<1x16xf32> to vector<16xf32>
      %get3A_663 = arith.index_cast %scan3A_658 : i32 to index
      %get3A_664 = arith.constant 0 : index
      %get3A_665 = tpu.vector_load %arg10[%get3A_663, %get3A_664] {strides = array<i32>} : memref<128x32xf32, #tpu.memory_space<vmem>>, vector<1x16xf32>,
      %get3A_666 = vector.shape_cast %get3A_665 : vector<1x16xf32> to vector<16xf32>
      %add3A_667 = arith.addf %get3A_662, %get3A_666 : vector<16xf32>
      %abs3A = math.absf %add3A_667 : vector<16xf32>
      %mul3A_668 = arith.constant -2.000000e+00 : f32
      %mul3A_669 = vector.broadcast %mul3A_668 : f32 to vector<16xf32>
      %mul3A_670 = arith.mulf %mul3A_669, %abs3A : vector<16xf32>
      %exp3A = math.exp %mul3A_670 : vector<16xf32>
      %sub3A = arith.constant 1.000000e+00 : f32
      %sub3A_671 = vector.broadcast %sub3A : f32 to vector<16xf32>
      %sub3A_672 = arith.subf %sub3A_671, %exp3A : vector<16xf32>
      %add3A_673 = arith.constant 1.000000e+00 : f32
      %add3A_674 = vector.broadcast %add3A_673 : f32 to vector<16xf32>
      %add3A_675 = arith.addf %add3A_674, %exp3A : vector<16xf32>
      %div3A = arith.divf %sub3A_672, %add3A_675 : vector<16xf32>
      %lt3A = arith.constant 0.000000e+00 : f32
      %lt3A_676 = vector.broadcast %lt3A : f32 to vector<16xf32>
      %lt3A_677 = arith.cmpf olt, %add3A_667, %lt3A_676 : vector<16xf32>
      %neg3A = arith.constant 0.000000e+00 : f32
      %neg3A_678 = vector.broadcast %neg3A : f32 to vector<16xf32>
      %neg3A_679 = arith.subf %neg3A_678, %div3A : vector<16xf32>
      %select_n3A = arith.select %lt3A_677, %neg3A_679, %div3A : vector<16xi1>, vector<16xf32>
      %swap3A = arith.index_cast %scan3A_658 : i32 to index
      %swap3A_680 = arith.constant 0 : index
      %swap3A_681 = tpu.vector_load %arg11[%swap3A, %swap3A_680] {strides = array<i32>} : memref<128x32xf32, #tpu.memory_space<vmem>>, vector<1x16xf32>,
      %swap3A_682 = vector.shape_cast %swap3A_681 : vector<1x16xf32> to vector<16xf32>
      %swap3A_683 = vector.shape_cast %select_n3A : vector<16xf32> to vector<1x16xf32>
      tpu.vector_store %arg11[%swap3A, %swap3A_680], %swap3A_683 {strides = array<i32>} : memref<128x32xf32, #tpu.memory_space<vmem>>, vector<1x16xf32>,
      %get3A_684 = arith.index_cast %scan3A_658 : i32 to index
      %get3A_685 = arith.constant 16 : index
      %get3A_686 = tpu.vector_load %arg9[%get3A_684, %get3A_685] {strides = array<i32>} : memref<128x32xf32, #tpu.memory_space<vmem>>, vector<1x16xf32>,
      %get3A_687 = vector.shape_cast %get3A_686 : vector<1x16xf32> to vector<16xf32>
      %get3A_688 = arith.index_cast %scan3A_658 : i32 to index
      %get3A_689 = arith.constant 16 : index
      %get3A_690 = tpu.vector_load %arg10[%get3A_688, %get3A_689] {strides = array<i32>} : memref<128x32xf32, #tpu.memory_space<vmem>>, vector<1x16xf32>,
      %get3A_691 = vector.shape_cast %get3A_690 : vector<1x16xf32> to vector<16xf32>
      %add3A_692 = arith.addf %get3A_687, %get3A_691 : vector<16xf32>
      %abs3A_693 = math.absf %add3A_692 : vector<16xf32>
      %mul3A_694 = arith.constant -2.000000e+00 : f32
      %mul3A_695 = vector.broadcast %mul3A_694 : f32 to vector<16xf32>
      %mul3A_696 = arith.mulf %mul3A_695, %abs3A_693 : vector<16xf32>
      %exp3A_697 = math.exp %mul3A_696 : vector<16xf32>
      %sub3A_698 = arith.constant 1.000000e+00 : f32
      %sub3A_699 = vector.broadcast %sub3A_698 : f32 to vector<16xf32>
      %sub3A_700 = arith.subf %sub3A_699, %exp3A_697 : vector<16xf32>
      %add3A_701 = arith.constant 1.000000e+00 : f32
      %add3A_702 = vector.broadcast %add3A_701 : f32 to vector<16xf32>
      %add3A_703 = arith.addf %add3A_702, %exp3A_697 : vector<16xf32>
      %div3A_704 = arith.divf %sub3A_700, %add3A_703 : vector<16xf32>
      %lt3A_705 = arith.constant 0.000000e+00 : f32
      %lt3A_706 = vector.broadcast %lt3A_705 : f32 to vector<16xf32>
      %lt3A_707 = arith.cmpf olt, %add3A_692, %lt3A_706 : vector<16xf32>
      %neg3A_708 = arith.constant 0.000000e+00 : f32
      %neg3A_709 = vector.broadcast %neg3A_708 : f32 to vector<16xf32>
      %neg3A_710 = arith.subf %neg3A_709, %div3A_704 : vector<16xf32>
      %select_n3A_711 = arith.select %lt3A_707, %neg3A_710, %div3A_704 : vector<16xi1>, vector<16xf32>
      %swap3A_712 = arith.index_cast %scan3A_658 : i32 to index
      %swap3A_713 = arith.constant 16 : index
      %swap3A_714 = tpu.vector_load %arg11[%swap3A_712, %swap3A_713] {strides = array<i32>} : memref<128x32xf32, #tpu.memory_space<vmem>>, vector<1x16xf32>,
      %swap3A_715 = vector.shape_cast %swap3A_714 : vector<1x16xf32> to vector<16xf32>
      %swap3A_716 = vector.shape_cast %select_n3A_711 : vector<16xf32> to vector<1x16xf32>
      tpu.vector_store %arg11[%swap3A_712, %swap3A_713], %swap3A_716 {strides = array<i32>} : memref<128x32xf32, #tpu.memory_space<vmem>>, vector<1x16xf32>,
      %scan3A_717 = arith.constant 0 : i32
      scf.yield %scan3A_717 : i32
    }
    %scan3A_610 = arith.constant 128 : i32
    %mul3A_611 = arith.constant 16 : i32
    %mul3A_612 = arith.muli %add3A, %mul3A_611 : i32
    %add3A_613 = arith.constant 14 : i32
    %add3A_614 = arith.addi %mul3A_612, %add3A_613 : i32
    %mul3A_615 = arith.constant 128 : i32
    %mul3A_616 = arith.muli %add3A_614, %mul3A_615 : i32
    "tpu.region"() ({
      %run_scoped3A = tpu.sem_alloc : memref<!tpu.dma_semaphore, #tpu.memory_space<semaphore_mem>>
      %dma_start3A_658 = arith.constant 0 : i32
      %dma_start3A_659 = tpu.memref_slice %arg6[%mul3A_616, %dma_start3A_658] : memref<65536x32xf32, #tpu.memory_space<hbm>> -> memref<128x32xf32, #tpu.memory_space<hbm>>
      %dma_start3A_660 = arith.constant 0 : i32
      %dma_start3A_661 = tpu.memref_slice %arg6[%mul3A_616, %dma_start3A_660] : memref<65536x32xf32, #tpu.memory_space<hbm>> -> memref<128x32xf32, #tpu.memory_space<hbm>>
      tpu.enqueue_dma source(%arg11 : memref<128x32xf32, #tpu.memory_space<vmem>>) target(%dma_start3A_661 : memref<128x32xf32, #tpu.memory_space<hbm>>) target_semaphore(%run_scoped3A : memref<!tpu.dma_semaphore, #tpu.memory_space<semaphore_mem>>)
      %dma_wait3A_662 = arith.constant 0 : i32
      %dma_wait3A_663 = tpu.memref_slice %arg6[%mul3A_616, %dma_wait3A_662] : memref<65536x32xf32, #tpu.memory_space<hbm>> -> memref<128x32xf32, #tpu.memory_space<hbm>>
      %dma_wait3A_664 = arith.constant 0 : i32
      %dma_wait3A_665 = tpu.memref_slice %arg6[%mul3A_616, %dma_wait3A_664] : memref<65536x32xf32, #tpu.memory_space<hbm>> -> memref<128x32xf32, #tpu.memory_space<hbm>>
      tpu.wait_dma2 semaphore(%run_scoped3A : memref<!tpu.dma_semaphore, #tpu.memory_space<semaphore_mem>>) src(%arg11 : memref<128x32xf32, #tpu.memory_space<vmem>>) dst(%dma_wait3A_665 : memref<128x32xf32, #tpu.memory_space<hbm>>)
      tpu.yield
    }) : () -> ()
    %dma_start3A_617 = arith.constant 15 : i32
    %dma_start3A_618 = arith.constant 0 : i32
    %dma_start3A_619 = tpu.memref_slice %arg7[%dma_start3A_617, %dma_start3A_618] : memref<16x128xi32, #tpu.memory_space<vmem>> -> memref<1x128xi32, #tpu.memory_space<vmem>>
    %dma_start3A_620 = tpu.memref_squeeze %dma_start3A_619 : memref<1x128xi32, #tpu.memory_space<vmem>> -> memref<128xi32, #tpu.memory_space<vmem>>
    %dma_start3A_621 = arith.constant 0 : i32
    %dma_start3A_622 = arith.constant 0 : i32
    %dma_start3A_623 = tpu.memref_slice %arg2[%dma_start3A_621, %dma_start3A_622] : memref<16384x32xf32, #tpu.memory_space<hbm>> -> memref<16384x32xf32, #tpu.memory_space<hbm>>
    tpu.enqueue_indirect_dma source(%dma_start3A_623 : memref<16384x32xf32, #tpu.memory_space<hbm>>) target(%arg9 : memref<128x32xf32, #tpu.memory_space<vmem>>) offsets(%dma_start3A_620 : memref<128xi32, #tpu.memory_space<vmem>>) semaphore(%arg12 : memref<!tpu.dma_semaphore, #tpu.memory_space<semaphore_mem>>)
    %dma_start3A_624 = arith.constant 15 : i32
    %dma_start3A_625 = arith.constant 0 : i32
    %dma_start3A_626 = tpu.memref_slice %arg8[%dma_start3A_624, %dma_start3A_625] : memref<16x128xi32, #tpu.memory_space<vmem>> -> memref<1x128xi32, #tpu.memory_space<vmem>>
    %dma_start3A_627 = tpu.memref_squeeze %dma_start3A_626 : memref<1x128xi32, #tpu.memory_space<vmem>> -> memref<128xi32, #tpu.memory_space<vmem>>
    %dma_start3A_628 = arith.constant 0 : i32
    %dma_start3A_629 = arith.constant 0 : i32
    %dma_start3A_630 = tpu.memref_slice %arg3[%dma_start3A_628, %dma_start3A_629] : memref<16384x32xf32, #tpu.memory_space<hbm>> -> memref<16384x32xf32, #tpu.memory_space<hbm>>
    tpu.enqueue_indirect_dma source(%dma_start3A_630 : memref<16384x32xf32, #tpu.memory_space<hbm>>) target(%arg10 : memref<128x32xf32, #tpu.memory_space<vmem>>) offsets(%dma_start3A_627 : memref<128xi32, #tpu.memory_space<vmem>>) semaphore(%arg13 : memref<!tpu.dma_semaphore, #tpu.memory_space<semaphore_mem>>)
    %dma_wait3A_631 = arith.constant 15 : i32
    %dma_wait3A_632 = arith.constant 0 : i32
    %dma_wait3A_633 = tpu.memref_slice %arg7[%dma_wait3A_631, %dma_wait3A_632] : memref<16x128xi32, #tpu.memory_space<vmem>> -> memref<1x128xi32, #tpu.memory_space<vmem>>
    %dma_wait3A_634 = tpu.memref_squeeze %dma_wait3A_633 : memref<1x128xi32, #tpu.memory_space<vmem>> -> memref<128xi32, #tpu.memory_space<vmem>>
    %dma_wait3A_635 = arith.constant 0 : i32
    %dma_wait3A_636 = arith.constant 0 : i32
    %dma_wait3A_637 = tpu.memref_slice %arg2[%dma_wait3A_635, %dma_wait3A_636] : memref<16384x32xf32, #tpu.memory_space<hbm>> -> memref<16384x32xf32, #tpu.memory_space<hbm>>
    tpu.wait_indirect_dma semaphore(%arg12 : memref<!tpu.dma_semaphore, #tpu.memory_space<semaphore_mem>>) src(%dma_wait3A_637 : memref<16384x32xf32, #tpu.memory_space<hbm>>) dst(%arg9 : memref<128x32xf32, #tpu.memory_space<vmem>>)
    %dma_wait3A_638 = arith.constant 15 : i32
    %dma_wait3A_639 = arith.constant 0 : i32
    %dma_wait3A_640 = tpu.memref_slice %arg8[%dma_wait3A_638, %dma_wait3A_639] : memref<16x128xi32, #tpu.memory_space<vmem>> -> memref<1x128xi32, #tpu.memory_space<vmem>>
    %dma_wait3A_641 = tpu.memref_squeeze %dma_wait3A_640 : memref<1x128xi32, #tpu.memory_space<vmem>> -> memref<128xi32, #tpu.memory_space<vmem>>
    %dma_wait3A_642 = arith.constant 0 : i32
    %dma_wait3A_643 = arith.constant 0 : i32
    %dma_wait3A_644 = tpu.memref_slice %arg3[%dma_wait3A_642, %dma_wait3A_643] : memref<16384x32xf32, #tpu.memory_space<hbm>> -> memref<16384x32xf32, #tpu.memory_space<hbm>>
    tpu.wait_indirect_dma semaphore(%arg13 : memref<!tpu.dma_semaphore, #tpu.memory_space<semaphore_mem>>) src(%dma_wait3A_644 : memref<16384x32xf32, #tpu.memory_space<hbm>>) dst(%arg10 : memref<128x32xf32, #tpu.memory_space<vmem>>)
    %scan3A_645 = arith.constant 0 : i32
    %scan3A_646 = arith.constant 0 : i32
    %scan3A_647 = arith.constant 128 : i32
    %scan3A_648 = arith.addi %scan3A_646, %scan3A_647 : i32
    %scan3A_649 = arith.constant 1 : i32
    %scan3A_650 = scf.for %scan3A_658 = %scan3A_646 to %scan3A_648 step %scan3A_649 iter_args(%scan3A_659 = %scan3A_645) -> (i32)  : i32 {
      %get3A = arith.index_cast %scan3A_658 : i32 to index
      %get3A_660 = arith.constant 0 : index
      %get3A_661 = tpu.vector_load %arg9[%get3A, %get3A_660] {strides = array<i32>} : memref<128x32xf32, #tpu.memory_space<vmem>>, vector<1x16xf32>,
      %get3A_662 = vector.shape_cast %get3A_661 : vector<1x16xf32> to vector<16xf32>
      %get3A_663 = arith.index_cast %scan3A_658 : i32 to index
      %get3A_664 = arith.constant 0 : index
      %get3A_665 = tpu.vector_load %arg10[%get3A_663, %get3A_664] {strides = array<i32>} : memref<128x32xf32, #tpu.memory_space<vmem>>, vector<1x16xf32>,
      %get3A_666 = vector.shape_cast %get3A_665 : vector<1x16xf32> to vector<16xf32>
      %add3A_667 = arith.addf %get3A_662, %get3A_666 : vector<16xf32>
      %abs3A = math.absf %add3A_667 : vector<16xf32>
      %mul3A_668 = arith.constant -2.000000e+00 : f32
      %mul3A_669 = vector.broadcast %mul3A_668 : f32 to vector<16xf32>
      %mul3A_670 = arith.mulf %mul3A_669, %abs3A : vector<16xf32>
      %exp3A = math.exp %mul3A_670 : vector<16xf32>
      %sub3A = arith.constant 1.000000e+00 : f32
      %sub3A_671 = vector.broadcast %sub3A : f32 to vector<16xf32>
      %sub3A_672 = arith.subf %sub3A_671, %exp3A : vector<16xf32>
      %add3A_673 = arith.constant 1.000000e+00 : f32
      %add3A_674 = vector.broadcast %add3A_673 : f32 to vector<16xf32>
      %add3A_675 = arith.addf %add3A_674, %exp3A : vector<16xf32>
      %div3A = arith.divf %sub3A_672, %add3A_675 : vector<16xf32>
      %lt3A = arith.constant 0.000000e+00 : f32
      %lt3A_676 = vector.broadcast %lt3A : f32 to vector<16xf32>
      %lt3A_677 = arith.cmpf olt, %add3A_667, %lt3A_676 : vector<16xf32>
      %neg3A = arith.constant 0.000000e+00 : f32
      %neg3A_678 = vector.broadcast %neg3A : f32 to vector<16xf32>
      %neg3A_679 = arith.subf %neg3A_678, %div3A : vector<16xf32>
      %select_n3A = arith.select %lt3A_677, %neg3A_679, %div3A : vector<16xi1>, vector<16xf32>
      %swap3A = arith.index_cast %scan3A_658 : i32 to index
      %swap3A_680 = arith.constant 0 : index
      %swap3A_681 = tpu.vector_load %arg11[%swap3A, %swap3A_680] {strides = array<i32>} : memref<128x32xf32, #tpu.memory_space<vmem>>, vector<1x16xf32>,
      %swap3A_682 = vector.shape_cast %swap3A_681 : vector<1x16xf32> to vector<16xf32>
      %swap3A_683 = vector.shape_cast %select_n3A : vector<16xf32> to vector<1x16xf32>
      tpu.vector_store %arg11[%swap3A, %swap3A_680], %swap3A_683 {strides = array<i32>} : memref<128x32xf32, #tpu.memory_space<vmem>>, vector<1x16xf32>,
      %get3A_684 = arith.index_cast %scan3A_658 : i32 to index
      %get3A_685 = arith.constant 16 : index
      %get3A_686 = tpu.vector_load %arg9[%get3A_684, %get3A_685] {strides = array<i32>} : memref<128x32xf32, #tpu.memory_space<vmem>>, vector<1x16xf32>,
      %get3A_687 = vector.shape_cast %get3A_686 : vector<1x16xf32> to vector<16xf32>
      %get3A_688 = arith.index_cast %scan3A_658 : i32 to index
      %get3A_689 = arith.constant 16 : index
      %get3A_690 = tpu.vector_load %arg10[%get3A_688, %get3A_689] {strides = array<i32>} : memref<128x32xf32, #tpu.memory_space<vmem>>, vector<1x16xf32>,
      %get3A_691 = vector.shape_cast %get3A_690 : vector<1x16xf32> to vector<16xf32>
      %add3A_692 = arith.addf %get3A_687, %get3A_691 : vector<16xf32>
      %abs3A_693 = math.absf %add3A_692 : vector<16xf32>
      %mul3A_694 = arith.constant -2.000000e+00 : f32
      %mul3A_695 = vector.broadcast %mul3A_694 : f32 to vector<16xf32>
      %mul3A_696 = arith.mulf %mul3A_695, %abs3A_693 : vector<16xf32>
      %exp3A_697 = math.exp %mul3A_696 : vector<16xf32>
      %sub3A_698 = arith.constant 1.000000e+00 : f32
      %sub3A_699 = vector.broadcast %sub3A_698 : f32 to vector<16xf32>
      %sub3A_700 = arith.subf %sub3A_699, %exp3A_697 : vector<16xf32>
      %add3A_701 = arith.constant 1.000000e+00 : f32
      %add3A_702 = vector.broadcast %add3A_701 : f32 to vector<16xf32>
      %add3A_703 = arith.addf %add3A_702, %exp3A_697 : vector<16xf32>
      %div3A_704 = arith.divf %sub3A_700, %add3A_703 : vector<16xf32>
      %lt3A_705 = arith.constant 0.000000e+00 : f32
      %lt3A_706 = vector.broadcast %lt3A_705 : f32 to vector<16xf32>
      %lt3A_707 = arith.cmpf olt, %add3A_692, %lt3A_706 : vector<16xf32>
      %neg3A_708 = arith.constant 0.000000e+00 : f32
      %neg3A_709 = vector.broadcast %neg3A_708 : f32 to vector<16xf32>
      %neg3A_710 = arith.subf %neg3A_709, %div3A_704 : vector<16xf32>
      %select_n3A_711 = arith.select %lt3A_707, %neg3A_710, %div3A_704 : vector<16xi1>, vector<16xf32>
      %swap3A_712 = arith.index_cast %scan3A_658 : i32 to index
      %swap3A_713 = arith.constant 16 : index
      %swap3A_714 = tpu.vector_load %arg11[%swap3A_712, %swap3A_713] {strides = array<i32>} : memref<128x32xf32, #tpu.memory_space<vmem>>, vector<1x16xf32>,
      %swap3A_715 = vector.shape_cast %swap3A_714 : vector<1x16xf32> to vector<16xf32>
      %swap3A_716 = vector.shape_cast %select_n3A_711 : vector<16xf32> to vector<1x16xf32>
      tpu.vector_store %arg11[%swap3A_712, %swap3A_713], %swap3A_716 {strides = array<i32>} : memref<128x32xf32, #tpu.memory_space<vmem>>, vector<1x16xf32>,
      %scan3A_717 = arith.constant 0 : i32
      scf.yield %scan3A_717 : i32
    }
    %scan3A_651 = arith.constant 128 : i32
    %mul3A_652 = arith.constant 16 : i32
    %mul3A_653 = arith.muli %add3A, %mul3A_652 : i32
    %add3A_654 = arith.constant 15 : i32
    %add3A_655 = arith.addi %mul3A_653, %add3A_654 : i32
    %mul3A_656 = arith.constant 128 : i32
    %mul3A_657 = arith.muli %add3A_655, %mul3A_656 : i32
    "tpu.region"() ({
      %run_scoped3A = tpu.sem_alloc : memref<!tpu.dma_semaphore, #tpu.memory_space<semaphore_mem>>
      %dma_start3A_658 = arith.constant 0 : i32
      %dma_start3A_659 = tpu.memref_slice %arg6[%mul3A_657, %dma_start3A_658] : memref<65536x32xf32, #tpu.memory_space<hbm>> -> memref<128x32xf32, #tpu.memory_space<hbm>>
      %dma_start3A_660 = arith.constant 0 : i32
      %dma_start3A_661 = tpu.memref_slice %arg6[%mul3A_657, %dma_start3A_660] : memref<65536x32xf32, #tpu.memory_space<hbm>> -> memref<128x32xf32, #tpu.memory_space<hbm>>
      tpu.enqueue_dma source(%arg11 : memref<128x32xf32, #tpu.memory_space<vmem>>) target(%dma_start3A_661 : memref<128x32xf32, #tpu.memory_space<hbm>>) target_semaphore(%run_scoped3A : memref<!tpu.dma_semaphore, #tpu.memory_space<semaphore_mem>>)
      %dma_wait3A_662 = arith.constant 0 : i32
      %dma_wait3A_663 = tpu.memref_slice %arg6[%mul3A_657, %dma_wait3A_662] : memref<65536x32xf32, #tpu.memory_space<hbm>> -> memref<128x32xf32, #tpu.memory_space<hbm>>
      %dma_wait3A_664 = arith.constant 0 : i32
      %dma_wait3A_665 = tpu.memref_slice %arg6[%mul3A_657, %dma_wait3A_664] : memref<65536x32xf32, #tpu.memory_space<hbm>> -> memref<128x32xf32, #tpu.memory_space<hbm>>
      tpu.wait_dma2 semaphore(%run_scoped3A : memref<!tpu.dma_semaphore, #tpu.memory_space<semaphore_mem>>) src(%arg11 : memref<128x32xf32, #tpu.memory_space<vmem>>) dst(%dma_wait3A_665 : memref<128x32xf32, #tpu.memory_space<hbm>>)
      tpu.yield
    }) : () -> ()
    return
  }
}

#map = affine_map<(d0, d1) -> (0, 0)>
#map1 = affine_map<(d0, d1) -> (0)>
module attributes {stable_mosaic.version = 14 : i64} {
  func.func @k(%arg0: i32, %arg1: i32, %arg2: memref<1000000x32xf32, #tpu.memory_space<hbm>>, %arg3: memref<16384xi32, #tpu.memory_space<hbm>>, %arg4: memref<16384x32xf32, #tpu.memory_space<hbm>>, %arg5: memref<512xi32, #tpu.memory_space<vmem>>, %arg6: memref<128x32xf32, #tpu.memory_space<vmem>>, %arg7: memref<!tpu.dma_semaphore, #tpu.memory_space<semaphore_mem>>) attributes {dimension_semantics = [#tpu.dimension_semantics<core_parallel>, #tpu.dimension_semantics<subcore_parallel>], iteration_bounds = array<i64: 2, 16>, scalar_prefetch = 0 : i64, scratch_operands = 3 : i64, tpu.core_type = #tpu.core_type<sc_vector_subcore>, window_params = [{transform_indices = #map}, {transform_indices = #map1}, {transform_indices = #map}]} {
    %mul3A = arith.constant 2 : i32
    %mul3A_0 = arith.muli %arg1, %mul3A : i32
    %add3A = arith.addi %mul3A_0, %arg0 : i32
    %mul3A_1 = arith.constant 512 : i32
    %mul3A_2 = arith.muli %add3A, %mul3A_1 : i32
    "tpu.region"() ({
      %run_scoped3A = tpu.sem_alloc : memref<!tpu.dma_semaphore, #tpu.memory_space<semaphore_mem>>
      %dma_start3A = tpu.memref_slice %arg3[%mul3A_2] : memref<16384xi32, #tpu.memory_space<hbm>> -> memref<512xi32, #tpu.memory_space<hbm>>
      %dma_start3A_9 = tpu.memref_slice %arg3[%mul3A_2] : memref<16384xi32, #tpu.memory_space<hbm>> -> memref<512xi32, #tpu.memory_space<hbm>>
      tpu.enqueue_dma source(%dma_start3A_9 : memref<512xi32, #tpu.memory_space<hbm>>) target(%arg5 : memref<512xi32, #tpu.memory_space<vmem>>) target_semaphore(%run_scoped3A : memref<!tpu.dma_semaphore, #tpu.memory_space<semaphore_mem>>)
      %dma_wait3A = tpu.memref_slice %arg3[%mul3A_2] : memref<16384xi32, #tpu.memory_space<hbm>> -> memref<512xi32, #tpu.memory_space<hbm>>
      %dma_wait3A_10 = tpu.memref_slice %arg3[%mul3A_2] : memref<16384xi32, #tpu.memory_space<hbm>> -> memref<512xi32, #tpu.memory_space<hbm>>
      tpu.wait_dma2 semaphore(%run_scoped3A : memref<!tpu.dma_semaphore, #tpu.memory_space<semaphore_mem>>) src(%dma_wait3A_10 : memref<512xi32, #tpu.memory_space<hbm>>) dst(%arg5 : memref<512xi32, #tpu.memory_space<vmem>>)
      tpu.yield
    }) : () -> ()
    %scan3A = arith.constant 0 : i32
    %scan3A_3 = arith.constant 0 : i32
    %scan3A_4 = arith.constant 4 : i32
    %scan3A_5 = arith.addi %scan3A_3, %scan3A_4 : i32
    %scan3A_6 = arith.constant 1 : i32
    %scan3A_7 = scf.for %scan3A_9 = %scan3A_3 to %scan3A_5 step %scan3A_6 iter_args(%scan3A_10 = %scan3A) -> (i32)  : i32 {
      %scan3A_11 = arith.constant 0 : i32
      %scan3A_12 = arith.constant 0 : i32
      %scan3A_13 = arith.constant 8 : i32
      %scan3A_14 = arith.addi %scan3A_12, %scan3A_13 : i32
      %scan3A_15 = arith.constant 1 : i32
      %scan3A_16 = scf.for %scan3A_31 = %scan3A_12 to %scan3A_14 step %scan3A_15 iter_args(%scan3A_32 = %scan3A_11) -> (i32)  : i32 {
        %mul3A_33 = arith.constant 128 : i32
        %mul3A_34 = arith.muli %scan3A_9, %mul3A_33 : i32
        %mul3A_35 = arith.constant 16 : i32
        %mul3A_36 = arith.muli %scan3A_31, %mul3A_35 : i32
        %add3A_37 = arith.addi %mul3A_34, %mul3A_36 : i32
        %get3A = arith.index_cast %add3A_37 : i32 to index
        %get3A_38 = tpu.vector_load %arg5[%get3A] {strides = array<i32>} : memref<512xi32, #tpu.memory_space<vmem>>, vector<16xi32>,
        %get3A_39 = vector.shape_cast %get3A_38 : vector<16xi32> to vector<16xi32>
        %slice3A = vector.extract_strided_slice %get3A_39 {offsets = [0], sizes = [1], strides = [1]} : vector<16xi32> to vector<1xi32>
        %squeeze3A = vector.extract %slice3A[0] : i32 from vector<1xi32>
        %mul3A_40 = arith.constant 16 : i32
        %mul3A_41 = arith.muli %scan3A_31, %mul3A_40 : i32
        %add3A_42 = arith.constant 0 : i32
        %add3A_43 = arith.addi %mul3A_41, %add3A_42 : i32
        %dma_start3A = arith.constant 0 : i32
        %dma_start3A_44 = tpu.memref_slice %arg6[%add3A_43, %dma_start3A] : memref<128x32xf32, #tpu.memory_space<vmem>> -> memref<1x32xf32, #tpu.memory_space<vmem>>
        %dma_start3A_45 = tpu.memref_squeeze %dma_start3A_44 : memref<1x32xf32, #tpu.memory_space<vmem>> -> memref<32xf32, #tpu.memory_space<vmem>>
        %dma_start3A_46 = arith.constant 0 : i32
        %dma_start3A_47 = tpu.memref_slice %arg2[%squeeze3A, %dma_start3A_46] : memref<1000000x32xf32, #tpu.memory_space<hbm>> -> memref<1x32xf32, #tpu.memory_space<hbm>>
        %dma_start3A_48 = tpu.memref_squeeze %dma_start3A_47 : memref<1x32xf32, #tpu.memory_space<hbm>> -> memref<32xf32, #tpu.memory_space<hbm>>
        %dma_start3A_49 = arith.constant 0 : i32
        %dma_start3A_50 = tpu.memref_slice %arg6[%add3A_43, %dma_start3A_49] : memref<128x32xf32, #tpu.memory_space<vmem>> -> memref<1x32xf32, #tpu.memory_space<vmem>>
        %dma_start3A_51 = tpu.memref_squeeze %dma_start3A_50 : memref<1x32xf32, #tpu.memory_space<vmem>> -> memref<32xf32, #tpu.memory_space<vmem>>
        %dma_start3A_52 = arith.constant 0 : i32
        %dma_start3A_53 = tpu.memref_slice %arg2[%squeeze3A, %dma_start3A_52] : memref<1000000x32xf32, #tpu.memory_space<hbm>> -> memref<1x32xf32, #tpu.memory_space<hbm>>
        %dma_start3A_54 = tpu.memref_squeeze %dma_start3A_53 : memref<1x32xf32, #tpu.memory_space<hbm>> -> memref<32xf32, #tpu.memory_space<hbm>>
        tpu.enqueue_dma source(%dma_start3A_54 : memref<32xf32, #tpu.memory_space<hbm>>) target(%dma_start3A_51 : memref<32xf32, #tpu.memory_space<vmem>>) target_semaphore(%arg7 : memref<!tpu.dma_semaphore, #tpu.memory_space<semaphore_mem>>)
        %slice3A_55 = vector.extract_strided_slice %get3A_39 {offsets = [1], sizes = [1], strides = [1]} : vector<16xi32> to vector<1xi32>
        %squeeze3A_56 = vector.extract %slice3A_55[0] : i32 from vector<1xi32>
        %mul3A_57 = arith.constant 16 : i32
        %mul3A_58 = arith.muli %scan3A_31, %mul3A_57 : i32
        %add3A_59 = arith.constant 1 : i32
        %add3A_60 = arith.addi %mul3A_58, %add3A_59 : i32
        %dma_start3A_61 = arith.constant 0 : i32
        %dma_start3A_62 = tpu.memref_slice %arg6[%add3A_60, %dma_start3A_61] : memref<128x32xf32, #tpu.memory_space<vmem>> -> memref<1x32xf32, #tpu.memory_space<vmem>>
        %dma_start3A_63 = tpu.memref_squeeze %dma_start3A_62 : memref<1x32xf32, #tpu.memory_space<vmem>> -> memref<32xf32, #tpu.memory_space<vmem>>
        %dma_start3A_64 = arith.constant 0 : i32
        %dma_start3A_65 = tpu.memref_slice %arg2[%squeeze3A_56, %dma_start3A_64] : memref<1000000x32xf32, #tpu.memory_space<hbm>> -> memref<1x32xf32, #tpu.memory_space<hbm>>
        %dma_start3A_66 = tpu.memref_squeeze %dma_start3A_65 : memref<1x32xf32, #tpu.memory_space<hbm>> -> memref<32xf32, #tpu.memory_space<hbm>>
        %dma_start3A_67 = arith.constant 0 : i32
        %dma_start3A_68 = tpu.memref_slice %arg6[%add3A_60, %dma_start3A_67] : memref<128x32xf32, #tpu.memory_space<vmem>> -> memref<1x32xf32, #tpu.memory_space<vmem>>
        %dma_start3A_69 = tpu.memref_squeeze %dma_start3A_68 : memref<1x32xf32, #tpu.memory_space<vmem>> -> memref<32xf32, #tpu.memory_space<vmem>>
        %dma_start3A_70 = arith.constant 0 : i32
        %dma_start3A_71 = tpu.memref_slice %arg2[%squeeze3A_56, %dma_start3A_70] : memref<1000000x32xf32, #tpu.memory_space<hbm>> -> memref<1x32xf32, #tpu.memory_space<hbm>>
        %dma_start3A_72 = tpu.memref_squeeze %dma_start3A_71 : memref<1x32xf32, #tpu.memory_space<hbm>> -> memref<32xf32, #tpu.memory_space<hbm>>
        tpu.enqueue_dma source(%dma_start3A_72 : memref<32xf32, #tpu.memory_space<hbm>>) target(%dma_start3A_69 : memref<32xf32, #tpu.memory_space<vmem>>) target_semaphore(%arg7 : memref<!tpu.dma_semaphore, #tpu.memory_space<semaphore_mem>>)
        %slice3A_73 = vector.extract_strided_slice %get3A_39 {offsets = [2], sizes = [1], strides = [1]} : vector<16xi32> to vector<1xi32>
        %squeeze3A_74 = vector.extract %slice3A_73[0] : i32 from vector<1xi32>
        %mul3A_75 = arith.constant 16 : i32
        %mul3A_76 = arith.muli %scan3A_31, %mul3A_75 : i32
        %add3A_77 = arith.constant 2 : i32
        %add3A_78 = arith.addi %mul3A_76, %add3A_77 : i32
        %dma_start3A_79 = arith.constant 0 : i32
        %dma_start3A_80 = tpu.memref_slice %arg6[%add3A_78, %dma_start3A_79] : memref<128x32xf32, #tpu.memory_space<vmem>> -> memref<1x32xf32, #tpu.memory_space<vmem>>
        %dma_start3A_81 = tpu.memref_squeeze %dma_start3A_80 : memref<1x32xf32, #tpu.memory_space<vmem>> -> memref<32xf32, #tpu.memory_space<vmem>>
        %dma_start3A_82 = arith.constant 0 : i32
        %dma_start3A_83 = tpu.memref_slice %arg2[%squeeze3A_74, %dma_start3A_82] : memref<1000000x32xf32, #tpu.memory_space<hbm>> -> memref<1x32xf32, #tpu.memory_space<hbm>>
        %dma_start3A_84 = tpu.memref_squeeze %dma_start3A_83 : memref<1x32xf32, #tpu.memory_space<hbm>> -> memref<32xf32, #tpu.memory_space<hbm>>
        %dma_start3A_85 = arith.constant 0 : i32
        %dma_start3A_86 = tpu.memref_slice %arg6[%add3A_78, %dma_start3A_85] : memref<128x32xf32, #tpu.memory_space<vmem>> -> memref<1x32xf32, #tpu.memory_space<vmem>>
        %dma_start3A_87 = tpu.memref_squeeze %dma_start3A_86 : memref<1x32xf32, #tpu.memory_space<vmem>> -> memref<32xf32, #tpu.memory_space<vmem>>
        %dma_start3A_88 = arith.constant 0 : i32
        %dma_start3A_89 = tpu.memref_slice %arg2[%squeeze3A_74, %dma_start3A_88] : memref<1000000x32xf32, #tpu.memory_space<hbm>> -> memref<1x32xf32, #tpu.memory_space<hbm>>
        %dma_start3A_90 = tpu.memref_squeeze %dma_start3A_89 : memref<1x32xf32, #tpu.memory_space<hbm>> -> memref<32xf32, #tpu.memory_space<hbm>>
        tpu.enqueue_dma source(%dma_start3A_90 : memref<32xf32, #tpu.memory_space<hbm>>) target(%dma_start3A_87 : memref<32xf32, #tpu.memory_space<vmem>>) target_semaphore(%arg7 : memref<!tpu.dma_semaphore, #tpu.memory_space<semaphore_mem>>)
        %slice3A_91 = vector.extract_strided_slice %get3A_39 {offsets = [3], sizes = [1], strides = [1]} : vector<16xi32> to vector<1xi32>
        %squeeze3A_92 = vector.extract %slice3A_91[0] : i32 from vector<1xi32>
        %mul3A_93 = arith.constant 16 : i32
        %mul3A_94 = arith.muli %scan3A_31, %mul3A_93 : i32
        %add3A_95 = arith.constant 3 : i32
        %add3A_96 = arith.addi %mul3A_94, %add3A_95 : i32
        %dma_start3A_97 = arith.constant 0 : i32
        %dma_start3A_98 = tpu.memref_slice %arg6[%add3A_96, %dma_start3A_97] : memref<128x32xf32, #tpu.memory_space<vmem>> -> memref<1x32xf32, #tpu.memory_space<vmem>>
        %dma_start3A_99 = tpu.memref_squeeze %dma_start3A_98 : memref<1x32xf32, #tpu.memory_space<vmem>> -> memref<32xf32, #tpu.memory_space<vmem>>
        %dma_start3A_100 = arith.constant 0 : i32
        %dma_start3A_101 = tpu.memref_slice %arg2[%squeeze3A_92, %dma_start3A_100] : memref<1000000x32xf32, #tpu.memory_space<hbm>> -> memref<1x32xf32, #tpu.memory_space<hbm>>
        %dma_start3A_102 = tpu.memref_squeeze %dma_start3A_101 : memref<1x32xf32, #tpu.memory_space<hbm>> -> memref<32xf32, #tpu.memory_space<hbm>>
        %dma_start3A_103 = arith.constant 0 : i32
        %dma_start3A_104 = tpu.memref_slice %arg6[%add3A_96, %dma_start3A_103] : memref<128x32xf32, #tpu.memory_space<vmem>> -> memref<1x32xf32, #tpu.memory_space<vmem>>
        %dma_start3A_105 = tpu.memref_squeeze %dma_start3A_104 : memref<1x32xf32, #tpu.memory_space<vmem>> -> memref<32xf32, #tpu.memory_space<vmem>>
        %dma_start3A_106 = arith.constant 0 : i32
        %dma_start3A_107 = tpu.memref_slice %arg2[%squeeze3A_92, %dma_start3A_106] : memref<1000000x32xf32, #tpu.memory_space<hbm>> -> memref<1x32xf32, #tpu.memory_space<hbm>>
        %dma_start3A_108 = tpu.memref_squeeze %dma_start3A_107 : memref<1x32xf32, #tpu.memory_space<hbm>> -> memref<32xf32, #tpu.memory_space<hbm>>
        tpu.enqueue_dma source(%dma_start3A_108 : memref<32xf32, #tpu.memory_space<hbm>>) target(%dma_start3A_105 : memref<32xf32, #tpu.memory_space<vmem>>) target_semaphore(%arg7 : memref<!tpu.dma_semaphore, #tpu.memory_space<semaphore_mem>>)
        %slice3A_109 = vector.extract_strided_slice %get3A_39 {offsets = [4], sizes = [1], strides = [1]} : vector<16xi32> to vector<1xi32>
        %squeeze3A_110 = vector.extract %slice3A_109[0] : i32 from vector<1xi32>
        %mul3A_111 = arith.constant 16 : i32
        %mul3A_112 = arith.muli %scan3A_31, %mul3A_111 : i32
        %add3A_113 = arith.constant 4 : i32
        %add3A_114 = arith.addi %mul3A_112, %add3A_113 : i32
        %dma_start3A_115 = arith.constant 0 : i32
        %dma_start3A_116 = tpu.memref_slice %arg6[%add3A_114, %dma_start3A_115] : memref<128x32xf32, #tpu.memory_space<vmem>> -> memref<1x32xf32, #tpu.memory_space<vmem>>
        %dma_start3A_117 = tpu.memref_squeeze %dma_start3A_116 : memref<1x32xf32, #tpu.memory_space<vmem>> -> memref<32xf32, #tpu.memory_space<vmem>>
        %dma_start3A_118 = arith.constant 0 : i32
        %dma_start3A_119 = tpu.memref_slice %arg2[%squeeze3A_110, %dma_start3A_118] : memref<1000000x32xf32, #tpu.memory_space<hbm>> -> memref<1x32xf32, #tpu.memory_space<hbm>>
        %dma_start3A_120 = tpu.memref_squeeze %dma_start3A_119 : memref<1x32xf32, #tpu.memory_space<hbm>> -> memref<32xf32, #tpu.memory_space<hbm>>
        %dma_start3A_121 = arith.constant 0 : i32
        %dma_start3A_122 = tpu.memref_slice %arg6[%add3A_114, %dma_start3A_121] : memref<128x32xf32, #tpu.memory_space<vmem>> -> memref<1x32xf32, #tpu.memory_space<vmem>>
        %dma_start3A_123 = tpu.memref_squeeze %dma_start3A_122 : memref<1x32xf32, #tpu.memory_space<vmem>> -> memref<32xf32, #tpu.memory_space<vmem>>
        %dma_start3A_124 = arith.constant 0 : i32
        %dma_start3A_125 = tpu.memref_slice %arg2[%squeeze3A_110, %dma_start3A_124] : memref<1000000x32xf32, #tpu.memory_space<hbm>> -> memref<1x32xf32, #tpu.memory_space<hbm>>
        %dma_start3A_126 = tpu.memref_squeeze %dma_start3A_125 : memref<1x32xf32, #tpu.memory_space<hbm>> -> memref<32xf32, #tpu.memory_space<hbm>>
        tpu.enqueue_dma source(%dma_start3A_126 : memref<32xf32, #tpu.memory_space<hbm>>) target(%dma_start3A_123 : memref<32xf32, #tpu.memory_space<vmem>>) target_semaphore(%arg7 : memref<!tpu.dma_semaphore, #tpu.memory_space<semaphore_mem>>)
        %slice3A_127 = vector.extract_strided_slice %get3A_39 {offsets = [5], sizes = [1], strides = [1]} : vector<16xi32> to vector<1xi32>
        %squeeze3A_128 = vector.extract %slice3A_127[0] : i32 from vector<1xi32>
        %mul3A_129 = arith.constant 16 : i32
        %mul3A_130 = arith.muli %scan3A_31, %mul3A_129 : i32
        %add3A_131 = arith.constant 5 : i32
        %add3A_132 = arith.addi %mul3A_130, %add3A_131 : i32
        %dma_start3A_133 = arith.constant 0 : i32
        %dma_start3A_134 = tpu.memref_slice %arg6[%add3A_132, %dma_start3A_133] : memref<128x32xf32, #tpu.memory_space<vmem>> -> memref<1x32xf32, #tpu.memory_space<vmem>>
        %dma_start3A_135 = tpu.memref_squeeze %dma_start3A_134 : memref<1x32xf32, #tpu.memory_space<vmem>> -> memref<32xf32, #tpu.memory_space<vmem>>
        %dma_start3A_136 = arith.constant 0 : i32
        %dma_start3A_137 = tpu.memref_slice %arg2[%squeeze3A_128, %dma_start3A_136] : memref<1000000x32xf32, #tpu.memory_space<hbm>> -> memref<1x32xf32, #tpu.memory_space<hbm>>
        %dma_start3A_138 = tpu.memref_squeeze %dma_start3A_137 : memref<1x32xf32, #tpu.memory_space<hbm>> -> memref<32xf32, #tpu.memory_space<hbm>>
        %dma_start3A_139 = arith.constant 0 : i32
        %dma_start3A_140 = tpu.memref_slice %arg6[%add3A_132, %dma_start3A_139] : memref<128x32xf32, #tpu.memory_space<vmem>> -> memref<1x32xf32, #tpu.memory_space<vmem>>
        %dma_start3A_141 = tpu.memref_squeeze %dma_start3A_140 : memref<1x32xf32, #tpu.memory_space<vmem>> -> memref<32xf32, #tpu.memory_space<vmem>>
        %dma_start3A_142 = arith.constant 0 : i32
        %dma_start3A_143 = tpu.memref_slice %arg2[%squeeze3A_128, %dma_start3A_142] : memref<1000000x32xf32, #tpu.memory_space<hbm>> -> memref<1x32xf32, #tpu.memory_space<hbm>>
        %dma_start3A_144 = tpu.memref_squeeze %dma_start3A_143 : memref<1x32xf32, #tpu.memory_space<hbm>> -> memref<32xf32, #tpu.memory_space<hbm>>
        tpu.enqueue_dma source(%dma_start3A_144 : memref<32xf32, #tpu.memory_space<hbm>>) target(%dma_start3A_141 : memref<32xf32, #tpu.memory_space<vmem>>) target_semaphore(%arg7 : memref<!tpu.dma_semaphore, #tpu.memory_space<semaphore_mem>>)
        %slice3A_145 = vector.extract_strided_slice %get3A_39 {offsets = [6], sizes = [1], strides = [1]} : vector<16xi32> to vector<1xi32>
        %squeeze3A_146 = vector.extract %slice3A_145[0] : i32 from vector<1xi32>
        %mul3A_147 = arith.constant 16 : i32
        %mul3A_148 = arith.muli %scan3A_31, %mul3A_147 : i32
        %add3A_149 = arith.constant 6 : i32
        %add3A_150 = arith.addi %mul3A_148, %add3A_149 : i32
        %dma_start3A_151 = arith.constant 0 : i32
        %dma_start3A_152 = tpu.memref_slice %arg6[%add3A_150, %dma_start3A_151] : memref<128x32xf32, #tpu.memory_space<vmem>> -> memref<1x32xf32, #tpu.memory_space<vmem>>
        %dma_start3A_153 = tpu.memref_squeeze %dma_start3A_152 : memref<1x32xf32, #tpu.memory_space<vmem>> -> memref<32xf32, #tpu.memory_space<vmem>>
        %dma_start3A_154 = arith.constant 0 : i32
        %dma_start3A_155 = tpu.memref_slice %arg2[%squeeze3A_146, %dma_start3A_154] : memref<1000000x32xf32, #tpu.memory_space<hbm>> -> memref<1x32xf32, #tpu.memory_space<hbm>>
        %dma_start3A_156 = tpu.memref_squeeze %dma_start3A_155 : memref<1x32xf32, #tpu.memory_space<hbm>> -> memref<32xf32, #tpu.memory_space<hbm>>
        %dma_start3A_157 = arith.constant 0 : i32
        %dma_start3A_158 = tpu.memref_slice %arg6[%add3A_150, %dma_start3A_157] : memref<128x32xf32, #tpu.memory_space<vmem>> -> memref<1x32xf32, #tpu.memory_space<vmem>>
        %dma_start3A_159 = tpu.memref_squeeze %dma_start3A_158 : memref<1x32xf32, #tpu.memory_space<vmem>> -> memref<32xf32, #tpu.memory_space<vmem>>
        %dma_start3A_160 = arith.constant 0 : i32
        %dma_start3A_161 = tpu.memref_slice %arg2[%squeeze3A_146, %dma_start3A_160] : memref<1000000x32xf32, #tpu.memory_space<hbm>> -> memref<1x32xf32, #tpu.memory_space<hbm>>
        %dma_start3A_162 = tpu.memref_squeeze %dma_start3A_161 : memref<1x32xf32, #tpu.memory_space<hbm>> -> memref<32xf32, #tpu.memory_space<hbm>>
        tpu.enqueue_dma source(%dma_start3A_162 : memref<32xf32, #tpu.memory_space<hbm>>) target(%dma_start3A_159 : memref<32xf32, #tpu.memory_space<vmem>>) target_semaphore(%arg7 : memref<!tpu.dma_semaphore, #tpu.memory_space<semaphore_mem>>)
        %slice3A_163 = vector.extract_strided_slice %get3A_39 {offsets = [7], sizes = [1], strides = [1]} : vector<16xi32> to vector<1xi32>
        %squeeze3A_164 = vector.extract %slice3A_163[0] : i32 from vector<1xi32>
        %mul3A_165 = arith.constant 16 : i32
        %mul3A_166 = arith.muli %scan3A_31, %mul3A_165 : i32
        %add3A_167 = arith.constant 7 : i32
        %add3A_168 = arith.addi %mul3A_166, %add3A_167 : i32
        %dma_start3A_169 = arith.constant 0 : i32
        %dma_start3A_170 = tpu.memref_slice %arg6[%add3A_168, %dma_start3A_169] : memref<128x32xf32, #tpu.memory_space<vmem>> -> memref<1x32xf32, #tpu.memory_space<vmem>>
        %dma_start3A_171 = tpu.memref_squeeze %dma_start3A_170 : memref<1x32xf32, #tpu.memory_space<vmem>> -> memref<32xf32, #tpu.memory_space<vmem>>
        %dma_start3A_172 = arith.constant 0 : i32
        %dma_start3A_173 = tpu.memref_slice %arg2[%squeeze3A_164, %dma_start3A_172] : memref<1000000x32xf32, #tpu.memory_space<hbm>> -> memref<1x32xf32, #tpu.memory_space<hbm>>
        %dma_start3A_174 = tpu.memref_squeeze %dma_start3A_173 : memref<1x32xf32, #tpu.memory_space<hbm>> -> memref<32xf32, #tpu.memory_space<hbm>>
        %dma_start3A_175 = arith.constant 0 : i32
        %dma_start3A_176 = tpu.memref_slice %arg6[%add3A_168, %dma_start3A_175] : memref<128x32xf32, #tpu.memory_space<vmem>> -> memref<1x32xf32, #tpu.memory_space<vmem>>
        %dma_start3A_177 = tpu.memref_squeeze %dma_start3A_176 : memref<1x32xf32, #tpu.memory_space<vmem>> -> memref<32xf32, #tpu.memory_space<vmem>>
        %dma_start3A_178 = arith.constant 0 : i32
        %dma_start3A_179 = tpu.memref_slice %arg2[%squeeze3A_164, %dma_start3A_178] : memref<1000000x32xf32, #tpu.memory_space<hbm>> -> memref<1x32xf32, #tpu.memory_space<hbm>>
        %dma_start3A_180 = tpu.memref_squeeze %dma_start3A_179 : memref<1x32xf32, #tpu.memory_space<hbm>> -> memref<32xf32, #tpu.memory_space<hbm>>
        tpu.enqueue_dma source(%dma_start3A_180 : memref<32xf32, #tpu.memory_space<hbm>>) target(%dma_start3A_177 : memref<32xf32, #tpu.memory_space<vmem>>) target_semaphore(%arg7 : memref<!tpu.dma_semaphore, #tpu.memory_space<semaphore_mem>>)
        %slice3A_181 = vector.extract_strided_slice %get3A_39 {offsets = [8], sizes = [1], strides = [1]} : vector<16xi32> to vector<1xi32>
        %squeeze3A_182 = vector.extract %slice3A_181[0] : i32 from vector<1xi32>
        %mul3A_183 = arith.constant 16 : i32
        %mul3A_184 = arith.muli %scan3A_31, %mul3A_183 : i32
        %add3A_185 = arith.constant 8 : i32
        %add3A_186 = arith.addi %mul3A_184, %add3A_185 : i32
        %dma_start3A_187 = arith.constant 0 : i32
        %dma_start3A_188 = tpu.memref_slice %arg6[%add3A_186, %dma_start3A_187] : memref<128x32xf32, #tpu.memory_space<vmem>> -> memref<1x32xf32, #tpu.memory_space<vmem>>
        %dma_start3A_189 = tpu.memref_squeeze %dma_start3A_188 : memref<1x32xf32, #tpu.memory_space<vmem>> -> memref<32xf32, #tpu.memory_space<vmem>>
        %dma_start3A_190 = arith.constant 0 : i32
        %dma_start3A_191 = tpu.memref_slice %arg2[%squeeze3A_182, %dma_start3A_190] : memref<1000000x32xf32, #tpu.memory_space<hbm>> -> memref<1x32xf32, #tpu.memory_space<hbm>>
        %dma_start3A_192 = tpu.memref_squeeze %dma_start3A_191 : memref<1x32xf32, #tpu.memory_space<hbm>> -> memref<32xf32, #tpu.memory_space<hbm>>
        %dma_start3A_193 = arith.constant 0 : i32
        %dma_start3A_194 = tpu.memref_slice %arg6[%add3A_186, %dma_start3A_193] : memref<128x32xf32, #tpu.memory_space<vmem>> -> memref<1x32xf32, #tpu.memory_space<vmem>>
        %dma_start3A_195 = tpu.memref_squeeze %dma_start3A_194 : memref<1x32xf32, #tpu.memory_space<vmem>> -> memref<32xf32, #tpu.memory_space<vmem>>
        %dma_start3A_196 = arith.constant 0 : i32
        %dma_start3A_197 = tpu.memref_slice %arg2[%squeeze3A_182, %dma_start3A_196] : memref<1000000x32xf32, #tpu.memory_space<hbm>> -> memref<1x32xf32, #tpu.memory_space<hbm>>
        %dma_start3A_198 = tpu.memref_squeeze %dma_start3A_197 : memref<1x32xf32, #tpu.memory_space<hbm>> -> memref<32xf32, #tpu.memory_space<hbm>>
        tpu.enqueue_dma source(%dma_start3A_198 : memref<32xf32, #tpu.memory_space<hbm>>) target(%dma_start3A_195 : memref<32xf32, #tpu.memory_space<vmem>>) target_semaphore(%arg7 : memref<!tpu.dma_semaphore, #tpu.memory_space<semaphore_mem>>)
        %slice3A_199 = vector.extract_strided_slice %get3A_39 {offsets = [9], sizes = [1], strides = [1]} : vector<16xi32> to vector<1xi32>
        %squeeze3A_200 = vector.extract %slice3A_199[0] : i32 from vector<1xi32>
        %mul3A_201 = arith.constant 16 : i32
        %mul3A_202 = arith.muli %scan3A_31, %mul3A_201 : i32
        %add3A_203 = arith.constant 9 : i32
        %add3A_204 = arith.addi %mul3A_202, %add3A_203 : i32
        %dma_start3A_205 = arith.constant 0 : i32
        %dma_start3A_206 = tpu.memref_slice %arg6[%add3A_204, %dma_start3A_205] : memref<128x32xf32, #tpu.memory_space<vmem>> -> memref<1x32xf32, #tpu.memory_space<vmem>>
        %dma_start3A_207 = tpu.memref_squeeze %dma_start3A_206 : memref<1x32xf32, #tpu.memory_space<vmem>> -> memref<32xf32, #tpu.memory_space<vmem>>
        %dma_start3A_208 = arith.constant 0 : i32
        %dma_start3A_209 = tpu.memref_slice %arg2[%squeeze3A_200, %dma_start3A_208] : memref<1000000x32xf32, #tpu.memory_space<hbm>> -> memref<1x32xf32, #tpu.memory_space<hbm>>
        %dma_start3A_210 = tpu.memref_squeeze %dma_start3A_209 : memref<1x32xf32, #tpu.memory_space<hbm>> -> memref<32xf32, #tpu.memory_space<hbm>>
        %dma_start3A_211 = arith.constant 0 : i32
        %dma_start3A_212 = tpu.memref_slice %arg6[%add3A_204, %dma_start3A_211] : memref<128x32xf32, #tpu.memory_space<vmem>> -> memref<1x32xf32, #tpu.memory_space<vmem>>
        %dma_start3A_213 = tpu.memref_squeeze %dma_start3A_212 : memref<1x32xf32, #tpu.memory_space<vmem>> -> memref<32xf32, #tpu.memory_space<vmem>>
        %dma_start3A_214 = arith.constant 0 : i32
        %dma_start3A_215 = tpu.memref_slice %arg2[%squeeze3A_200, %dma_start3A_214] : memref<1000000x32xf32, #tpu.memory_space<hbm>> -> memref<1x32xf32, #tpu.memory_space<hbm>>
        %dma_start3A_216 = tpu.memref_squeeze %dma_start3A_215 : memref<1x32xf32, #tpu.memory_space<hbm>> -> memref<32xf32, #tpu.memory_space<hbm>>
        tpu.enqueue_dma source(%dma_start3A_216 : memref<32xf32, #tpu.memory_space<hbm>>) target(%dma_start3A_213 : memref<32xf32, #tpu.memory_space<vmem>>) target_semaphore(%arg7 : memref<!tpu.dma_semaphore, #tpu.memory_space<semaphore_mem>>)
        %slice3A_217 = vector.extract_strided_slice %get3A_39 {offsets = [10], sizes = [1], strides = [1]} : vector<16xi32> to vector<1xi32>
        %squeeze3A_218 = vector.extract %slice3A_217[0] : i32 from vector<1xi32>
        %mul3A_219 = arith.constant 16 : i32
        %mul3A_220 = arith.muli %scan3A_31, %mul3A_219 : i32
        %add3A_221 = arith.constant 10 : i32
        %add3A_222 = arith.addi %mul3A_220, %add3A_221 : i32
        %dma_start3A_223 = arith.constant 0 : i32
        %dma_start3A_224 = tpu.memref_slice %arg6[%add3A_222, %dma_start3A_223] : memref<128x32xf32, #tpu.memory_space<vmem>> -> memref<1x32xf32, #tpu.memory_space<vmem>>
        %dma_start3A_225 = tpu.memref_squeeze %dma_start3A_224 : memref<1x32xf32, #tpu.memory_space<vmem>> -> memref<32xf32, #tpu.memory_space<vmem>>
        %dma_start3A_226 = arith.constant 0 : i32
        %dma_start3A_227 = tpu.memref_slice %arg2[%squeeze3A_218, %dma_start3A_226] : memref<1000000x32xf32, #tpu.memory_space<hbm>> -> memref<1x32xf32, #tpu.memory_space<hbm>>
        %dma_start3A_228 = tpu.memref_squeeze %dma_start3A_227 : memref<1x32xf32, #tpu.memory_space<hbm>> -> memref<32xf32, #tpu.memory_space<hbm>>
        %dma_start3A_229 = arith.constant 0 : i32
        %dma_start3A_230 = tpu.memref_slice %arg6[%add3A_222, %dma_start3A_229] : memref<128x32xf32, #tpu.memory_space<vmem>> -> memref<1x32xf32, #tpu.memory_space<vmem>>
        %dma_start3A_231 = tpu.memref_squeeze %dma_start3A_230 : memref<1x32xf32, #tpu.memory_space<vmem>> -> memref<32xf32, #tpu.memory_space<vmem>>
        %dma_start3A_232 = arith.constant 0 : i32
        %dma_start3A_233 = tpu.memref_slice %arg2[%squeeze3A_218, %dma_start3A_232] : memref<1000000x32xf32, #tpu.memory_space<hbm>> -> memref<1x32xf32, #tpu.memory_space<hbm>>
        %dma_start3A_234 = tpu.memref_squeeze %dma_start3A_233 : memref<1x32xf32, #tpu.memory_space<hbm>> -> memref<32xf32, #tpu.memory_space<hbm>>
        tpu.enqueue_dma source(%dma_start3A_234 : memref<32xf32, #tpu.memory_space<hbm>>) target(%dma_start3A_231 : memref<32xf32, #tpu.memory_space<vmem>>) target_semaphore(%arg7 : memref<!tpu.dma_semaphore, #tpu.memory_space<semaphore_mem>>)
        %slice3A_235 = vector.extract_strided_slice %get3A_39 {offsets = [11], sizes = [1], strides = [1]} : vector<16xi32> to vector<1xi32>
        %squeeze3A_236 = vector.extract %slice3A_235[0] : i32 from vector<1xi32>
        %mul3A_237 = arith.constant 16 : i32
        %mul3A_238 = arith.muli %scan3A_31, %mul3A_237 : i32
        %add3A_239 = arith.constant 11 : i32
        %add3A_240 = arith.addi %mul3A_238, %add3A_239 : i32
        %dma_start3A_241 = arith.constant 0 : i32
        %dma_start3A_242 = tpu.memref_slice %arg6[%add3A_240, %dma_start3A_241] : memref<128x32xf32, #tpu.memory_space<vmem>> -> memref<1x32xf32, #tpu.memory_space<vmem>>
        %dma_start3A_243 = tpu.memref_squeeze %dma_start3A_242 : memref<1x32xf32, #tpu.memory_space<vmem>> -> memref<32xf32, #tpu.memory_space<vmem>>
        %dma_start3A_244 = arith.constant 0 : i32
        %dma_start3A_245 = tpu.memref_slice %arg2[%squeeze3A_236, %dma_start3A_244] : memref<1000000x32xf32, #tpu.memory_space<hbm>> -> memref<1x32xf32, #tpu.memory_space<hbm>>
        %dma_start3A_246 = tpu.memref_squeeze %dma_start3A_245 : memref<1x32xf32, #tpu.memory_space<hbm>> -> memref<32xf32, #tpu.memory_space<hbm>>
        %dma_start3A_247 = arith.constant 0 : i32
        %dma_start3A_248 = tpu.memref_slice %arg6[%add3A_240, %dma_start3A_247] : memref<128x32xf32, #tpu.memory_space<vmem>> -> memref<1x32xf32, #tpu.memory_space<vmem>>
        %dma_start3A_249 = tpu.memref_squeeze %dma_start3A_248 : memref<1x32xf32, #tpu.memory_space<vmem>> -> memref<32xf32, #tpu.memory_space<vmem>>
        %dma_start3A_250 = arith.constant 0 : i32
        %dma_start3A_251 = tpu.memref_slice %arg2[%squeeze3A_236, %dma_start3A_250] : memref<1000000x32xf32, #tpu.memory_space<hbm>> -> memref<1x32xf32, #tpu.memory_space<hbm>>
        %dma_start3A_252 = tpu.memref_squeeze %dma_start3A_251 : memref<1x32xf32, #tpu.memory_space<hbm>> -> memref<32xf32, #tpu.memory_space<hbm>>
        tpu.enqueue_dma source(%dma_start3A_252 : memref<32xf32, #tpu.memory_space<hbm>>) target(%dma_start3A_249 : memref<32xf32, #tpu.memory_space<vmem>>) target_semaphore(%arg7 : memref<!tpu.dma_semaphore, #tpu.memory_space<semaphore_mem>>)
        %slice3A_253 = vector.extract_strided_slice %get3A_39 {offsets = [12], sizes = [1], strides = [1]} : vector<16xi32> to vector<1xi32>
        %squeeze3A_254 = vector.extract %slice3A_253[0] : i32 from vector<1xi32>
        %mul3A_255 = arith.constant 16 : i32
        %mul3A_256 = arith.muli %scan3A_31, %mul3A_255 : i32
        %add3A_257 = arith.constant 12 : i32
        %add3A_258 = arith.addi %mul3A_256, %add3A_257 : i32
        %dma_start3A_259 = arith.constant 0 : i32
        %dma_start3A_260 = tpu.memref_slice %arg6[%add3A_258, %dma_start3A_259] : memref<128x32xf32, #tpu.memory_space<vmem>> -> memref<1x32xf32, #tpu.memory_space<vmem>>
        %dma_start3A_261 = tpu.memref_squeeze %dma_start3A_260 : memref<1x32xf32, #tpu.memory_space<vmem>> -> memref<32xf32, #tpu.memory_space<vmem>>
        %dma_start3A_262 = arith.constant 0 : i32
        %dma_start3A_263 = tpu.memref_slice %arg2[%squeeze3A_254, %dma_start3A_262] : memref<1000000x32xf32, #tpu.memory_space<hbm>> -> memref<1x32xf32, #tpu.memory_space<hbm>>
        %dma_start3A_264 = tpu.memref_squeeze %dma_start3A_263 : memref<1x32xf32, #tpu.memory_space<hbm>> -> memref<32xf32, #tpu.memory_space<hbm>>
        %dma_start3A_265 = arith.constant 0 : i32
        %dma_start3A_266 = tpu.memref_slice %arg6[%add3A_258, %dma_start3A_265] : memref<128x32xf32, #tpu.memory_space<vmem>> -> memref<1x32xf32, #tpu.memory_space<vmem>>
        %dma_start3A_267 = tpu.memref_squeeze %dma_start3A_266 : memref<1x32xf32, #tpu.memory_space<vmem>> -> memref<32xf32, #tpu.memory_space<vmem>>
        %dma_start3A_268 = arith.constant 0 : i32
        %dma_start3A_269 = tpu.memref_slice %arg2[%squeeze3A_254, %dma_start3A_268] : memref<1000000x32xf32, #tpu.memory_space<hbm>> -> memref<1x32xf32, #tpu.memory_space<hbm>>
        %dma_start3A_270 = tpu.memref_squeeze %dma_start3A_269 : memref<1x32xf32, #tpu.memory_space<hbm>> -> memref<32xf32, #tpu.memory_space<hbm>>
        tpu.enqueue_dma source(%dma_start3A_270 : memref<32xf32, #tpu.memory_space<hbm>>) target(%dma_start3A_267 : memref<32xf32, #tpu.memory_space<vmem>>) target_semaphore(%arg7 : memref<!tpu.dma_semaphore, #tpu.memory_space<semaphore_mem>>)
        %slice3A_271 = vector.extract_strided_slice %get3A_39 {offsets = [13], sizes = [1], strides = [1]} : vector<16xi32> to vector<1xi32>
        %squeeze3A_272 = vector.extract %slice3A_271[0] : i32 from vector<1xi32>
        %mul3A_273 = arith.constant 16 : i32
        %mul3A_274 = arith.muli %scan3A_31, %mul3A_273 : i32
        %add3A_275 = arith.constant 13 : i32
        %add3A_276 = arith.addi %mul3A_274, %add3A_275 : i32
        %dma_start3A_277 = arith.constant 0 : i32
        %dma_start3A_278 = tpu.memref_slice %arg6[%add3A_276, %dma_start3A_277] : memref<128x32xf32, #tpu.memory_space<vmem>> -> memref<1x32xf32, #tpu.memory_space<vmem>>
        %dma_start3A_279 = tpu.memref_squeeze %dma_start3A_278 : memref<1x32xf32, #tpu.memory_space<vmem>> -> memref<32xf32, #tpu.memory_space<vmem>>
        %dma_start3A_280 = arith.constant 0 : i32
        %dma_start3A_281 = tpu.memref_slice %arg2[%squeeze3A_272, %dma_start3A_280] : memref<1000000x32xf32, #tpu.memory_space<hbm>> -> memref<1x32xf32, #tpu.memory_space<hbm>>
        %dma_start3A_282 = tpu.memref_squeeze %dma_start3A_281 : memref<1x32xf32, #tpu.memory_space<hbm>> -> memref<32xf32, #tpu.memory_space<hbm>>
        %dma_start3A_283 = arith.constant 0 : i32
        %dma_start3A_284 = tpu.memref_slice %arg6[%add3A_276, %dma_start3A_283] : memref<128x32xf32, #tpu.memory_space<vmem>> -> memref<1x32xf32, #tpu.memory_space<vmem>>
        %dma_start3A_285 = tpu.memref_squeeze %dma_start3A_284 : memref<1x32xf32, #tpu.memory_space<vmem>> -> memref<32xf32, #tpu.memory_space<vmem>>
        %dma_start3A_286 = arith.constant 0 : i32
        %dma_start3A_287 = tpu.memref_slice %arg2[%squeeze3A_272, %dma_start3A_286] : memref<1000000x32xf32, #tpu.memory_space<hbm>> -> memref<1x32xf32, #tpu.memory_space<hbm>>
        %dma_start3A_288 = tpu.memref_squeeze %dma_start3A_287 : memref<1x32xf32, #tpu.memory_space<hbm>> -> memref<32xf32, #tpu.memory_space<hbm>>
        tpu.enqueue_dma source(%dma_start3A_288 : memref<32xf32, #tpu.memory_space<hbm>>) target(%dma_start3A_285 : memref<32xf32, #tpu.memory_space<vmem>>) target_semaphore(%arg7 : memref<!tpu.dma_semaphore, #tpu.memory_space<semaphore_mem>>)
        %slice3A_289 = vector.extract_strided_slice %get3A_39 {offsets = [14], sizes = [1], strides = [1]} : vector<16xi32> to vector<1xi32>
        %squeeze3A_290 = vector.extract %slice3A_289[0] : i32 from vector<1xi32>
        %mul3A_291 = arith.constant 16 : i32
        %mul3A_292 = arith.muli %scan3A_31, %mul3A_291 : i32
        %add3A_293 = arith.constant 14 : i32
        %add3A_294 = arith.addi %mul3A_292, %add3A_293 : i32
        %dma_start3A_295 = arith.constant 0 : i32
        %dma_start3A_296 = tpu.memref_slice %arg6[%add3A_294, %dma_start3A_295] : memref<128x32xf32, #tpu.memory_space<vmem>> -> memref<1x32xf32, #tpu.memory_space<vmem>>
        %dma_start3A_297 = tpu.memref_squeeze %dma_start3A_296 : memref<1x32xf32, #tpu.memory_space<vmem>> -> memref<32xf32, #tpu.memory_space<vmem>>
        %dma_start3A_298 = arith.constant 0 : i32
        %dma_start3A_299 = tpu.memref_slice %arg2[%squeeze3A_290, %dma_start3A_298] : memref<1000000x32xf32, #tpu.memory_space<hbm>> -> memref<1x32xf32, #tpu.memory_space<hbm>>
        %dma_start3A_300 = tpu.memref_squeeze %dma_start3A_299 : memref<1x32xf32, #tpu.memory_space<hbm>> -> memref<32xf32, #tpu.memory_space<hbm>>
        %dma_start3A_301 = arith.constant 0 : i32
        %dma_start3A_302 = tpu.memref_slice %arg6[%add3A_294, %dma_start3A_301] : memref<128x32xf32, #tpu.memory_space<vmem>> -> memref<1x32xf32, #tpu.memory_space<vmem>>
        %dma_start3A_303 = tpu.memref_squeeze %dma_start3A_302 : memref<1x32xf32, #tpu.memory_space<vmem>> -> memref<32xf32, #tpu.memory_space<vmem>>
        %dma_start3A_304 = arith.constant 0 : i32
        %dma_start3A_305 = tpu.memref_slice %arg2[%squeeze3A_290, %dma_start3A_304] : memref<1000000x32xf32, #tpu.memory_space<hbm>> -> memref<1x32xf32, #tpu.memory_space<hbm>>
        %dma_start3A_306 = tpu.memref_squeeze %dma_start3A_305 : memref<1x32xf32, #tpu.memory_space<hbm>> -> memref<32xf32, #tpu.memory_space<hbm>>
        tpu.enqueue_dma source(%dma_start3A_306 : memref<32xf32, #tpu.memory_space<hbm>>) target(%dma_start3A_303 : memref<32xf32, #tpu.memory_space<vmem>>) target_semaphore(%arg7 : memref<!tpu.dma_semaphore, #tpu.memory_space<semaphore_mem>>)
        %slice3A_307 = vector.extract_strided_slice %get3A_39 {offsets = [15], sizes = [1], strides = [1]} : vector<16xi32> to vector<1xi32>
        %squeeze3A_308 = vector.extract %slice3A_307[0] : i32 from vector<1xi32>
        %mul3A_309 = arith.constant 16 : i32
        %mul3A_310 = arith.muli %scan3A_31, %mul3A_309 : i32
        %add3A_311 = arith.constant 15 : i32
        %add3A_312 = arith.addi %mul3A_310, %add3A_311 : i32
        %dma_start3A_313 = arith.constant 0 : i32
        %dma_start3A_314 = tpu.memref_slice %arg6[%add3A_312, %dma_start3A_313] : memref<128x32xf32, #tpu.memory_space<vmem>> -> memref<1x32xf32, #tpu.memory_space<vmem>>
        %dma_start3A_315 = tpu.memref_squeeze %dma_start3A_314 : memref<1x32xf32, #tpu.memory_space<vmem>> -> memref<32xf32, #tpu.memory_space<vmem>>
        %dma_start3A_316 = arith.constant 0 : i32
        %dma_start3A_317 = tpu.memref_slice %arg2[%squeeze3A_308, %dma_start3A_316] : memref<1000000x32xf32, #tpu.memory_space<hbm>> -> memref<1x32xf32, #tpu.memory_space<hbm>>
        %dma_start3A_318 = tpu.memref_squeeze %dma_start3A_317 : memref<1x32xf32, #tpu.memory_space<hbm>> -> memref<32xf32, #tpu.memory_space<hbm>>
        %dma_start3A_319 = arith.constant 0 : i32
        %dma_start3A_320 = tpu.memref_slice %arg6[%add3A_312, %dma_start3A_319] : memref<128x32xf32, #tpu.memory_space<vmem>> -> memref<1x32xf32, #tpu.memory_space<vmem>>
        %dma_start3A_321 = tpu.memref_squeeze %dma_start3A_320 : memref<1x32xf32, #tpu.memory_space<vmem>> -> memref<32xf32, #tpu.memory_space<vmem>>
        %dma_start3A_322 = arith.constant 0 : i32
        %dma_start3A_323 = tpu.memref_slice %arg2[%squeeze3A_308, %dma_start3A_322] : memref<1000000x32xf32, #tpu.memory_space<hbm>> -> memref<1x32xf32, #tpu.memory_space<hbm>>
        %dma_start3A_324 = tpu.memref_squeeze %dma_start3A_323 : memref<1x32xf32, #tpu.memory_space<hbm>> -> memref<32xf32, #tpu.memory_space<hbm>>
        tpu.enqueue_dma source(%dma_start3A_324 : memref<32xf32, #tpu.memory_space<hbm>>) target(%dma_start3A_321 : memref<32xf32, #tpu.memory_space<vmem>>) target_semaphore(%arg7 : memref<!tpu.dma_semaphore, #tpu.memory_space<semaphore_mem>>)
        %scan3A_325 = arith.constant 0 : i32
        scf.yield %scan3A_325 : i32
      }
      %scan3A_17 = arith.constant 8 : i32
      %scan3A_18 = arith.constant 0 : i32
      %scan3A_19 = arith.constant 0 : i32
      %scan3A_20 = arith.constant 128 : i32
      %scan3A_21 = arith.addi %scan3A_19, %scan3A_20 : i32
      %scan3A_22 = arith.constant 1 : i32
      %scan3A_23 = scf.for %scan3A_31 = %scan3A_19 to %scan3A_21 step %scan3A_22 iter_args(%scan3A_32 = %scan3A_18) -> (i32)  : i32 {
        %dma_wait3A = arith.constant 0 : i32
        %dma_wait3A_33 = arith.constant 0 : i32
        %dma_wait3A_34 = arith.constant 0 : i32
        %dma_wait3A_35 = tpu.memref_slice %arg6[%dma_wait3A_33, %dma_wait3A_34] : memref<128x32xf32, #tpu.memory_space<vmem>> -> memref<1x32xf32, #tpu.memory_space<vmem>>
        %dma_wait3A_36 = tpu.memref_squeeze %dma_wait3A_35 : memref<1x32xf32, #tpu.memory_space<vmem>> -> memref<32xf32, #tpu.memory_space<vmem>>
        %dma_wait3A_37 = arith.constant 0 : i32
        %dma_wait3A_38 = tpu.memref_slice %arg2[%dma_wait3A, %dma_wait3A_37] : memref<1000000x32xf32, #tpu.memory_space<hbm>> -> memref<1x32xf32, #tpu.memory_space<hbm>>
        %dma_wait3A_39 = tpu.memref_squeeze %dma_wait3A_38 : memref<1x32xf32, #tpu.memory_space<hbm>> -> memref<32xf32, #tpu.memory_space<hbm>>
        %dma_wait3A_40 = arith.constant 0 : i32
        %dma_wait3A_41 = tpu.memref_slice %arg6[%dma_wait3A_33, %dma_wait3A_40] : memref<128x32xf32, #tpu.memory_space<vmem>> -> memref<1x32xf32, #tpu.memory_space<vmem>>
        %dma_wait3A_42 = tpu.memref_squeeze %dma_wait3A_41 : memref<1x32xf32, #tpu.memory_space<vmem>> -> memref<32xf32, #tpu.memory_space<vmem>>
        %dma_wait3A_43 = arith.constant 0 : i32
        %dma_wait3A_44 = tpu.memref_slice %arg2[%dma_wait3A, %dma_wait3A_43] : memref<1000000x32xf32, #tpu.memory_space<hbm>> -> memref<1x32xf32, #tpu.memory_space<hbm>>
        %dma_wait3A_45 = tpu.memref_squeeze %dma_wait3A_44 : memref<1x32xf32, #tpu.memory_space<hbm>> -> memref<32xf32, #tpu.memory_space<hbm>>
        tpu.wait_dma2 semaphore(%arg7 : memref<!tpu.dma_semaphore, #tpu.memory_space<semaphore_mem>>) src(%dma_wait3A_45 : memref<32xf32, #tpu.memory_space<hbm>>) dst(%dma_wait3A_42 : memref<32xf32, #tpu.memory_space<vmem>>)
        %scan3A_46 = arith.constant 0 : i32
        scf.yield %scan3A_46 : i32
      }
      %scan3A_24 = arith.constant 128 : i32
      %mul3A_25 = arith.constant 512 : i32
      %mul3A_26 = arith.muli %add3A, %mul3A_25 : i32
      %mul3A_27 = arith.constant 128 : i32
      %mul3A_28 = arith.muli %scan3A_9, %mul3A_27 : i32
      %add3A_29 = arith.addi %mul3A_26, %mul3A_28 : i32
      "tpu.region"() ({
        %run_scoped3A = tpu.sem_alloc : memref<!tpu.dma_semaphore, #tpu.memory_space<semaphore_mem>>
        %dma_start3A = arith.constant 0 : i32
        %dma_start3A_31 = tpu.memref_slice %arg4[%add3A_29, %dma_start3A] : memref<16384x32xf32, #tpu.memory_space<hbm>> -> memref<128x32xf32, #tpu.memory_space<hbm>>
        %dma_start3A_32 = arith.constant 0 : i32
        %dma_start3A_33 = tpu.memref_slice %arg4[%add3A_29, %dma_start3A_32] : memref<16384x32xf32, #tpu.memory_space<hbm>> -> memref<128x32xf32, #tpu.memory_space<hbm>>
        tpu.enqueue_dma source(%arg6 : memref<128x32xf32, #tpu.memory_space<vmem>>) target(%dma_start3A_33 : memref<128x32xf32, #tpu.memory_space<hbm>>) target_semaphore(%run_scoped3A : memref<!tpu.dma_semaphore, #tpu.memory_space<semaphore_mem>>)
        %dma_wait3A = arith.constant 0 : i32
        %dma_wait3A_34 = tpu.memref_slice %arg4[%add3A_29, %dma_wait3A] : memref<16384x32xf32, #tpu.memory_space<hbm>> -> memref<128x32xf32, #tpu.memory_space<hbm>>
        %dma_wait3A_35 = arith.constant 0 : i32
        %dma_wait3A_36 = tpu.memref_slice %arg4[%add3A_29, %dma_wait3A_35] : memref<16384x32xf32, #tpu.memory_space<hbm>> -> memref<128x32xf32, #tpu.memory_space<hbm>>
        tpu.wait_dma2 semaphore(%run_scoped3A : memref<!tpu.dma_semaphore, #tpu.memory_space<semaphore_mem>>) src(%arg6 : memref<128x32xf32, #tpu.memory_space<vmem>>) dst(%dma_wait3A_36 : memref<128x32xf32, #tpu.memory_space<hbm>>)
        tpu.yield
      }) : () -> ()
      %scan3A_30 = arith.constant 0 : i32
      scf.yield %scan3A_30 : i32
    }
    %scan3A_8 = arith.constant 4 : i32
    return
  }
}

module attributes {stable_mosaic.version = 14 : i64} {
  func.func @body(%arg0: i32, %arg1: memref<2048x32xf32, #tpu.memory_space<vmem>>, %arg2: memref<64x32xf32, #tpu.memory_space<vmem>>, %arg3: memref<1x32xf32, #tpu.memory_space<vmem>>, %arg4: memref<2048x32xf32, #tpu.memory_space<vmem>>, %arg5: memref<2048x32xf32, #tpu.memory_space<vmem>>) attributes {dimension_semantics = [#tpu.dimension_semantics<arbitrary>], iteration_bounds = array<i64: 8>, scalar_prefetch = 0 : i64, scratch_operands = 0 : i64, tpu.core_type = #tpu.core_type<tc>, window_params = [{transform_indices = @transform_0, window_bounds = array<i64: 2048, 32>}, {pipeline_mode = #tpu.pipeline_mode<synchronous>, transform_indices = @transform_1, window_bounds = array<i64: 64, 32>}, {pipeline_mode = #tpu.pipeline_mode<synchronous>, transform_indices = @transform_2, window_bounds = array<i64: 1, 32>}, {transform_indices = @transform_3, window_bounds = array<i64: 2048, 32>}, {transform_indices = @transform_4, window_bounds = array<i64: 2048, 32>}]} {
    %get3A = arith.constant 0 : index
    %get3A_0 = arith.constant 0 : index
    %get3A_1 = vector.load %arg1[%get3A, %get3A_0] : memref<2048x32xf32, #tpu.memory_space<vmem>>, vector<2048x32xf32>
    %get3A_2 = arith.constant 0 : index
    %get3A_3 = arith.constant 0 : index
    %get3A_4 = vector.load %arg2[%get3A_2, %get3A_3] : memref<64x32xf32, #tpu.memory_space<vmem>>, vector<64x32xf32>
    %slice3A = vector.extract_strided_slice %get3A_4 {offsets = [0, 0], sizes = [32, 32], strides = [1, 1]} : vector<64x32xf32> to vector<32x32xf32>
    %dot_general3A = arith.constant dense<0.000000e+00> : vector<2048x32xf32>
    %dot_general3A_5 = tpu.matmul %get3A_1, %slice3A, %dot_general3A {dimension_numbers = #tpu.dot_dimension_numbers<[1], [0], [0], [1], [0, 0, 1, 1], [], []>, transpose_lhs_hint = false} : vector<2048x32xf32>, vector<32x32xf32>, vector<2048x32xf32> -> vector<2048x32xf32>
    %get3A_6 = arith.constant 0 : index
    %get3A_7 = arith.constant 0 : index
    %get3A_8 = vector.load %arg3[%get3A_6, %get3A_7] : memref<1x32xf32, #tpu.memory_space<vmem>>, vector<1x32xf32>
    %add3A = vector.broadcast %get3A_8 : vector<1x32xf32> to vector<2048x32xf32>
    %add3A_9 = arith.addf %dot_general3A_5, %add3A : vector<2048x32xf32>
    %swap3A = arith.constant 0 : index
    %swap3A_10 = arith.constant 0 : index
    %swap3A_11 = vector.load %arg4[%swap3A, %swap3A_10] : memref<2048x32xf32, #tpu.memory_space<vmem>>, vector<2048x32xf32>
    tpu.vector_store %arg4[%swap3A, %swap3A_10], %add3A_9 {strides = array<i32>} : memref<2048x32xf32, #tpu.memory_space<vmem>>, vector<2048x32xf32>,
    %slice3A_12 = vector.extract_strided_slice %get3A_4 {offsets = [32, 0], sizes = [32, 32], strides = [1, 1]} : vector<64x32xf32> to vector<32x32xf32>
    %dot_general3A_13 = arith.constant dense<0.000000e+00> : vector<2048x32xf32>
    %dot_general3A_14 = tpu.matmul %get3A_1, %slice3A_12, %dot_general3A_13 {dimension_numbers = #tpu.dot_dimension_numbers<[1], [0], [0], [1], [0, 0, 1, 1], [], []>, transpose_lhs_hint = false} : vector<2048x32xf32>, vector<32x32xf32>, vector<2048x32xf32> -> vector<2048x32xf32>
    %swap3A_15 = arith.constant 0 : index
    %swap3A_16 = arith.constant 0 : index
    %swap3A_17 = vector.load %arg5[%swap3A_15, %swap3A_16] : memref<2048x32xf32, #tpu.memory_space<vmem>>, vector<2048x32xf32>
    tpu.vector_store %arg5[%swap3A_15, %swap3A_16], %dot_general3A_14 {strides = array<i32>} : memref<2048x32xf32, #tpu.memory_space<vmem>>, vector<2048x32xf32>,
    return
  }
  func.func @transform_0(%arg0: i32) -> (i32, i32) {
    %c0_i32 = arith.constant 0 : i32
    %c0_i32_0 = arith.constant 0 : i32
    return %arg0, %c0_i32 : i32, i32
  }
  func.func @transform_1(%arg0: i32) -> (i32, i32) {
    %c0_i32 = arith.constant 0 : i32
    %c0_i32_0 = arith.constant 0 : i32
    %c0_i32_1 = arith.constant 0 : i32
    return %c0_i32, %c0_i32_0 : i32, i32
  }
  func.func @transform_2(%arg0: i32) -> (i32, i32) {
    %c0_i32 = arith.constant 0 : i32
    %c0_i32_0 = arith.constant 0 : i32
    %c0_i32_1 = arith.constant 0 : i32
    return %c0_i32, %c0_i32_0 : i32, i32
  }
  func.func @transform_3(%arg0: i32) -> (i32, i32) {
    %c0_i32 = arith.constant 0 : i32
    %c0_i32_0 = arith.constant 0 : i32
    return %arg0, %c0_i32 : i32, i32
  }
  func.func @transform_4(%arg0: i32) -> (i32, i32) {
    %c0_i32 = arith.constant 0 : i32
    %c0_i32_0 = arith.constant 0 : i32
    return %arg0, %c0_i32 : i32, i32
  }
}

</mosaic_0001>

<sc_bundles>
// kernel: kernel.5.cloned.1.call-start
scs
__scs_entry_jumppad:
0x0: {  	(pc) =	sbr.rel $0x88, $3  }
0x1: {  	(tag) =	ssettag $0x0;
	lr =	simm.s32 $0x1  }
0x2: {  	[smem:$0x3F9C] =	sst lr;
	_ =	strace $0xD0000000  }
0x3: {  	_ = 	snop  }
0x4: {  	_ = 	snop  }
0x5: {  	_ = 	snop  }
0x6: {  	_ = 	snop  }
0x7: {  	_ = 	snop  }
__scs_overlays_trampoline_lowered:
0x8: {  	[smem:$0x3FAB] =	sst s0  }
0x9: {  	[smem:$0x3FAC] =	sst s1  }
0xa: {  	[smem:$0x3FAD] =	sst s2  }
0xb: {  	[smem:$0x3FAE] =	sst s3  }
0xc: {  	[smem:$0x3FAF] =	sst s4  }
0xd: {  	[smem:$0x3FB0] =	sst s5  }
0xe: {  	[smem:$0x3FB1] =	sst s6  }
0xf: {  	[smem:$0x3FB2] =	sst s7  }
0x10: {  	[smem:$0x3FB3] =	sst s8  }
0x11: {  	[smem:$0x3FB4] =	sst s9;
	s0 =	simm.s32 @!p0 $0x0  }
0x12: {  	s1 =	sld [smem:$0x3F9A];
	s0 =	simm.s32 @p0 $0x1  }
0x13: {  	[smem:$0x3FB5] =	sst s0;
	s0 =	simm.s32 @!p1 $0x0  }
0x14: {  	s2 =	sld [smem:$0x3F99];
	s0 =	simm.s32 @p1 $0x1  }
0x15: {  	[smem:$0x3FB6] =	sst s0;
	s0 =	simm.s32 @!p2 $0x0  }
0x16: {  	s3 =	sld [smem:$0x3FDB];
	s0 =	simm.s32 @p2 $0x1  }
0x17: {  	s4 =	simm.s32 $0x1BF5;
	[smem:$0x3FB8] =	sst s0  }
0x18: {  	s0 =	sld [smem:$0x3F9B];
	_ =	swait.ge [sflag:s4], $0x0  }
0x19: {  	s7 =	sld [smem:$0x3F9C]  }
0x1a: {  	s8 =	sadd.s32 $0xFFFFE003, lr  }
0x1b: {  	s9 =	sadd.s32 $0xFFFFFEF7, lr;
	s5 =	simm.s32 $0xFFFFFFFF;
	p2 =	slt.u32 s8, $0xFFFFF086  }
0x1c: {  	p1 =	slt.u32 s9, $0xF7A;
	s5 =	simm.s32 @!p2 $0x0  }
0x1d: {  	s5 =	simm.s32 @p1 $0x1;
	p0 =	seq.s32 s7, s2  }
0x1e: {  	s7 =	smul.u32 @!p0 $0xF7A, s2;
	p2 =	seq.s32 @!p0 s5, $0x0  }
0x1f: {  	s9 =	smul.u32 $0xF7A, s1;
	s8 =	simm.s32 @!p0 $0x1BF5;
	p2 =	por !p2, p0  }
0x20: {  	[sflag:s8] =	ssyncset.s32 @!p0 $0xFFFFF086;
	s6 =	sadd.s32 @!p0 s3, s7;
	s7 =	simm.s32 @!p0 $0x108  }
0x21: {  	s3 =	sadd.s32 s3, s9;
	s6 =	sadd.s32 @!p0 $0x88, s6;
	s7 =	simm.s32 @p2 $0x1082  }
0x22: {  	[simem:s7], [sflag:s8] =	dma.local @!p0 [hbm:s6], $0xF7A  }
0x23: {  	s9 =	sor.u32 $0xD0000000, s2;
	s6 =	simm.s32 $0x108;
	_ =	swait.ge @!p0 [sflag:s8], $0x0  }
0x24: {  	s3 =	sadd.s32 $0x88, s3;
	s6 =	simm.s32 @!p1 $0x1082;
	[sflag:s4] =	ssyncset.s32 $0xFFFFF086  }
0x25: {  	[simem:s6], [sflag:s4] =	dma.local [hbm:s3], $0xF7A  }
0x26: {  	[smem:$0x3F9C] =	sst s1;
	(tag) =	ssettag s2;
	_ =	strace s9  }
0x27: {  	s1 =	sld [smem:$0x3FAC]  }
0x28: {  	s2 =	sld [smem:$0x3FAD]  }
0x29: {  	s4 =	sld [smem:$0x3FAF]  }
0x2a: {  	p0 =	seq.s32 s5, $0x0;
	s5 =	sld [smem:$0x3FB0]  }
0x2b: {  	s6 =	sld [smem:$0x3FB1]  }
0x2c: {  	s7 =	sld [smem:$0x3FB2]  }
0x2d: {  	s3 =	simm.s32 $0x108;
	s8 =	sld [smem:$0x3FB3]  }
0x2e: {  	s3 =	simm.s32 @!p0 $0x1082;
	s9 =	sld [smem:$0x3FB4]  }
0x2f: {  	lr =	sadd.s32 s0, s3;
	s0 =	sld [smem:$0x3FAB]  }
0x30: {  	s3 =	sld [smem:$0x3FAE]  }
0x31: {  	[smem:$0x3FB7] =	sst s10  }
0x32: {  	s10 =	sld [smem:$0x3FB5];
	_ =	sdelay $0x3  }
0x33: {  	p0 =	seq.s32 s10, $0x1;
	s10 =	sld [smem:$0x3FB7];
	_ =	sdelay $0x3  }
0x34: {  	[smem:$0x3FB7] =	sst s10  }
0x35: {  	s10 =	sld [smem:$0x3FB6];
	_ =	sdelay $0x3  }
0x36: {  	p1 =	seq.s32 s10, $0x1;
	s10 =	sld [smem:$0x3FB7];
	_ =	sdelay $0x3  }
0x37: {  	[smem:$0x3FB7] =	sst s10  }
0x38: {  	s10 =	sld [smem:$0x3FB8]  }
0x39: {  	_ = 	snop;
	(pc) =	sbr.ind lr, $3  }
0x3a: {  	_ = 	snop  }
0x3b: {  	_ = 	snop  }
0x3c: {  	p2 =	seq.s32 s10, $0x1;
	s10 =	sld [smem:$0x3FB7]  }
0x3d: {  	_ =	shalt  }
0x3e: {  	_ =	shalt  }
0x3f: {  	_ =	shalt  }
0x40: {  	_ =	shalt  }
0x41: {  	_ =	shalt  }
0x42: {  	_ =	shalt  }
0x43: {  	_ =	shalt  }
0x44: {  	_ =	shalt  }
0x45: {  	_ =	shalt  }
0x46: {  	_ =	shalt  }
0x47: {  	_ =	shalt  }
0x48: {  	_ =	shalt  }
0x49: {  	_ =	shalt  }
0x4a: {  	_ =	shalt  }
0x4b: {  	_ =	shalt  }
0x4c: {  	_ =	shalt  }
0x4d: {  	_ =	shalt  }
0x4e: {  	_ =	shalt  }
0x4f: {  	_ =	shalt  }
0x50: {  	_ =	shalt  }
0x51: {  	_ =	shalt  }
0x52: {  	_ =	shalt  }
0x53: {  	_ =	shalt  }
0x54: {  	_ =	shalt  }
0x55: {  	_ =	shalt  }
0x56: {  	_ =	shalt  }
0x57: {  	_ =	shalt  }
0x58: {  	_ =	shalt  }
0x59: {  	_ =	shalt  }
0x5a: {  	_ =	shalt  }
0x5b: {  	_ =	shalt  }
0x5c: {  	_ =	shalt  }
0x5d: {  	_ =	shalt  }
0x5e: {  	_ =	shalt  }
0x5f: {  	_ =	shalt  }
0x60: {  	_ =	shalt  }
0x61: {  	_ =	shalt  }
0x62: {  	_ =	shalt  }
0x63: {  	_ =	shalt  }
0x64: {  	_ =	shalt  }
0x65: {  	_ =	shalt  }
0x66: {  	_ =	shalt  }
0x67: {  	_ =	shalt  }
0x68: {  	_ =	shalt  }
0x69: {  	_ =	shalt  }
0x6a: {  	_ =	shalt  }
0x6b: {  	_ =	shalt  }
0x6c: {  	_ =	shalt  }
0x6d: {  	_ =	shalt  }
0x6e: {  	_ =	shalt  }
0x6f: {  	_ =	shalt  }
0x70: {  	_ =	shalt  }
0x71: {  	_ =	shalt  }
0x72: {  	_ =	shalt  }
0x73: {  	_ =	shalt  }
0x74: {  	_ =	shalt  }
0x75: {  	_ =	shalt  }
0x76: {  	_ =	shalt  }
0x77: {  	_ =	shalt  }
0x78: {  	_ =	shalt  }
0x79: {  	_ =	shalt  }
0x7a: {  	_ =	shalt  }
0x7b: {  	_ =	shalt  }
0x7c: {  	_ =	shalt  }
0x7d: {  	_ =	shalt  }
0x7e: {  	_ =	shalt  }
0x7f: {  	_ =	shalt  }
0x80: {  	_ =	shalt  }
0x81: {  	_ =	shalt  }
0x82: {  	_ =	shalt  }
0x83: {  	_ =	shalt  }
0x84: {  	_ =	shalt  }
0x85: {  	_ =	shalt  }
0x86: {  	_ =	shalt  }
0x87: {  	_ =	shalt  }
.Lfunc_end0:
.L_simem_size_0:
called_computation_lowered:
.L_overlay_start_0:
0x88: {  	s2 =	sld [smem:$0x3FD9]  }
0x89: {  	s3 =	sld [smem:$0x3FFE];
	_ =	sdelay $0x1  }
0x8a: {  	s1 =	srdreg.scid  }
0x8b: {  	s0 =	sand.u32 $0x1, s1  }
0x8c: {  	s17 =	sshll.u32 s0, $0xA;
	s2 =	sadd.s32 s3, s2  }
0x8d: {  	s2 =	sadd.s32 s2, s17  }
0x8e: {  	[smem:$0x3FC3] =	sst s2  }
0x8f: {  	_ = 	snop  }
0x90: {  	s2 =	sld [smem:$0x3FC9]  }
0x91: {  	s18 =	sld [smem:$0x3FD0];
	(tm) =	ssettm $0x1  }
0x92: {  	s4 =	sld [smem:$0x3FFB];
	_ =	sdelay $0x3  }
0x93: {  	_ =	strace s4  }
0x94: {  	s4 =	sld [smem:$0x3FFC];
	_ =	sdelay $0x3  }
0x95: {  	_ =	strace s4  }
0x96: {  	s4 =	sld [smem:$0x3FFD];
	_ =	sdelay $0x3  }
0x97: {  	_ =	strace s4  }
0x98: {  	_ =	strace $0x8FFFFFFF  }
0x99: {  	s19 =	sld [smem:$0x3FDB];
	_ =	sdelay $0x1  }
0x9a: {  	s5 =	simm.s32 $_scs_section_size  }
0x9b: {  	s6 =	simm.s32 $_size__tile_overlayer_lowered;
	s7 =	simm.s32 $_tile_overlayer_lowered  }
0x9c: {  	s22 =	simm.s32 $0x1BFF;
	s21 =	sshll.u32 s7, $0x1;
	s4 =	sadd.s32 s5, s19  }
0x9d: {  	s8 =	simm.s32 $0x0;
	s20 =	sshll.u32 s6, $0x1;
	s6 =	sadd.s32 s21, s4  }
0x9e: {  	[timem:s8], [sflag:s22] =	dma.local [hbm:s6], s20  }
0x9f: {  	_ =	swait.ge [sflag:s22], s20  }
0xa0: {  	s5 =	ssub.s32 $0x0, s20;
	[sflag:s22] =	ssyncset.done $0x0  }
0xa1: {  	[sflag:s22] =	ssyncadd.s32 s5;
	_ =	sdelay $0x1  }
0xa2: {  	s23 =	simm.s32 $0x1B8B  }
0xa3: {  	_ =	swait.ge [sflag:s23], $0x1  }
0xa4: {  	[sflag:s23] =	ssyncset.done $0x0  }
0xa5: {  	s25 =	simm.s32 $0x1B8E;
	s24 =	sld [smem:$0x3FFE];
	[sflag:s23] =	ssyncadd.s32 $0xFFFFFFFF  }
0xa6: {  	s26 =	simm.s32 $execute0_lowered;
	[smem:$0x3FD2] =	sst s25  }
0xa7: {  	s6 =	sshll.u32 s26, $0x1;
	_ =	strace $0x80000046;
	[dreg:$0x1] =	wrdreg $0xFFFFFFFF  }
0xa8: {  	s28 =	simm.s32 $_size_execute0_lowered;
	s4 =	sadd.s32 s4, s6;
	[dreg:$0x0] =	wrdreg $0x0  }
0xa9: {  	s6 =	sshll.u32 s28, $0x1;
	[dreg:$0x2] =	wrdreg s4  }
0xaa: {  	[dreg:$0x3] =	wrdreg s6  }
0xab: {  	[dreg:$0x4] =	wrdreg $0xC0  }
0xac: {  	_ =	task [dreg:s8], $0x5FFFF  }
0xad: {  	[dreg:$0x1] =	wrdreg $0xFFFFFFFF  }
0xae: {  	[dreg:$0x0] =	wrdreg $0x60  }
0xaf: {  	[dreg:$0x2] =	wrdreg s24  }
0xb0: {  	[dreg:$0x3] =	wrdreg s2  }
0xb1: {  	[dreg:$0x4] =	wrdreg s18  }
0xb2: {  	[dreg:$0x5] =	wrdreg $0x9  }
0xb3: {  	_ =	task.clear_ibuf [dreg:s8], $0x6FFFF;
	_ =	strace $0x90000046  }
0xb4: {  	s29 =	simm.s32 $0x9;
	_ =	strace $0x80000048  }
0xb5: {  	_ =	swait.ge [sflag:s29], $0x1  }
0xb6: {  	[sflag:s29] =	ssyncadd.s32 $0xFFFFFFFF  }
0xb7: {  	_ =	strace $0x90000048  }
0xb8: {  	_ =	sfence  }
0xb9: {  	s30 =	sld [smem:$0x0];
	_ =	sdelay $0x2  }
0xba: {  	s31 =	sshll.u32 s1, $0xD;
	s1 =	sshrl.u32 s1, $0x2  }
0xbb: {  	s3 =	sand.u32 $0x4000, s31;
	s1 =	sadd.s32 s1, s30  }
0xbc: {  	s0 =	sor.u32 s3, s0;
	s1 =	sshll.u32 s1, $0x11  }
0xbd: {  	s0 =	sor.u32 s1, s0  }
0xbe: {  	s0 =	sadd.s32 $0x8F2B, s0  }
0xbf: {  	[sflag:s0] =	ssyncadd.remote.s32 $0x1  }
0xc0: {  	_ =	sfence.sel $0xFFFF  }
0xc1: {  	[dreg:$0x0] =	wrdreg $0xFFFFFFFF;
	(pc) =	sbr.abs _section_cstart, $3  }
0xc2: {  	[dreg:$0x1] =	wrdreg $0xFFFFFFFF  }
0xc3: {  	_ =	task.clear_ibuf [dreg:s8], $0x2FFFF;
	_ =	strace $0x9FFFFFFF  }
0xc4: {  	(tm) =	ssettm $0x7FFFFFFF  }
0xc5: {  	_ =	shalt  }
tec
execute0_lowered:
.L_overlay_start_1:
0x0: {  	(tag) =	ssettag $0x1  }
0x1: {  	s3 =	rddreg [dreg:$0x0]  }
0x2: {  	s4 =	rddreg [dreg:$0x1]  }
0x3: {  	s5 =	rddreg [dreg:$0x2];
	s6 =	srdreg.scid  }
0x4: {  	s2 =	simm.s32 $0x0;
	s0 =	stileid.u32;
	s10 =	simm.s32 $0x0  }
0x5: {  	s6 =	sand.u32 $0x1, s6;
	[smem:$0x7FF] =	sst s2;
	s7 =	sshll.u32 s0, $0xA  }
0x6: {  	s3 =	sadd.s32 $0x1200, s3;
	s8 =	sshll.u32 s6, $0x9;
	s6 =	ssub.s32 $0x2, s6  }
0x7: {  	_ =	strace $0x80000047;
	s7 =	sor.u32 s8, s7;
	s31 =	sshrl.u32 s6, $0x1  }
0x8: {  	s8 =	simm.s32 $0x1;
	s9 =	sshrl.u32 s7, $0x3;
	s7 =	sshll.u32 s7, $0x4  }
0x9: {  	s6 =	ssub.s32 s6, s31;
	s4 =	sadd.s32 s4, s9;
	s5 =	sadd.s32 s5, s7  }
0xa: {  	s6 =	smax.u32 s6, $0x1;
	s7 =	simm.s32 $0x2;
	s9 =	simm.s32 $0x200  }
.LBB2_1:
0xb: {  	[tilespmem:s2], [sflag:$0x2] =	stream.linear.gather [hbm4b:s4+s2], $0x200, $0x38;
	[tilespmem:$0x4200] =	vst v63  }
0xc: {  	_ =	swait.ge [sflag:s7], $0x200  }
0xd: {  	[sflag:s7] =	ssyncset.done $0x0  }
0xe: {  	s11 =	simm.s32 $0x0;
	s12 =	simm.s32 $0x0;
	[sflag:s7] =	ssyncadd.s32 $0xFFFFFE00  }
.LBB2_2:
0xf: {  	v0 =	vld [tilespmem:s11+$0x0];
	_ =	sdelay $0x4  }
0x10: {  	v0 =	vshll.u32 v0, $0x4  }
0x11: {  	(v2sf) =	vpush v0, $0x0  }
0x12: {  	(v2sf) =	vpush v0, $0x1  }
0x13: {  	(v2sf) =	vpush v0, $0x2;
	_ =	sdelay $0x1  }
0x14: {  	(v2sf) =	vpush v0, $0x4;
	_ =	sdelay $0x1  }
0x15: {  	(v2sf) =	vpush v0, $0x3  }
0x16: {  	(v2sf) =	vpush v0, $0x5  }
0x17: {  	s14 =	simm.s32 $0x2000;
	s13 =	simm.s32 $0x0;
	s15 =	smov.u32 s11;
	(v2sf) =	vpush v0, $0x6  }
.LBB2_3:
0x18: {  	p0 =	sne.s32 s14, $0xE000  }
0x19: {  	s25 =	sadd.s32 $0x280, s13;
	s19 =	sadd.s32 $0x780, s13;
	s16 =	smov.u32 s14  }
0x1a: {  	s14 =	sadd.s32 $0x2000, s14;
	s22 =	sadd.s32 $0x580, s13;
	s17 =	sadd.s32 $0x800, s13;
	(v2sf) =	vpush v0, $0x7  }
0x1b: {  	s24 =	sadd.s32 $0x480, s13;
	s21 =	sadd.s32 $0x600, s13;
	s18 =	sadd.s32 $0x880, s13  }
0x1c: {  	s26 =	sadd.s32 $0x200, s13;
	s28 =	sadd.s32 $0x400, s13;
	(v2sf) =	vpush v0, $0x8  }
0x1d: {  	s29 =	sadd.s32 $0x500, s13;
	s15 =	sadd.s32 $0x10, s15  }
0x1e: {  	s30 =	sadd.s32 $0x300, s13;
	s20 =	sadd.s32 $0x700, s13;
	s23 =	spop (v2sf);
	(v2sf) =	vpush v0, $0x9  }
0x1f: {  	s31 =	sand.u32 $0x1FFFFFF0, s23;
	s23 =	sadd.s32 $0x680, s13;
	s0 =	spop (v2sf)  }
0x20: {  	s31 =	sadd.s32 s3, s31;
	s0 =	sand.u32 $0x1FFFFFF0, s0;
	s1 =	spop (v2sf);
	(v2sf) =	vpush v0, $0xA  }
0x21: {  	[tilespmem:s26], [sflag:$0x1] =	stream.linear.gather [hbm4b:s31+s2], $0x80, $0x38;
	[tilespmem:$0x4200] =	vst v63  }
0x22: {  	s0 =	sadd.s32 s3, s0;
	s26 =	sadd.s32 $0x380, s13;
	s31 =	spop (v2sf);
	(v2sf) =	vpush v0, $0xB  }
0x23: {  	[tilespmem:s25], [sflag:$0x1] =	stream.linear.gather [hbm4b:s0+s2], $0x80, $0x38;
	[tilespmem:$0x4200] =	vst v63  }
0x24: {  	s0 =	sand.u32 $0x1FFFFFF0, s1;
	s1 =	sand.u32 $0x1FFFFFF0, s31;
	s25 =	spop (v2sf);
	(v2sf) =	vpush v0, $0xC  }
0x25: {  	s0 =	sadd.s32 s3, s0;
	s25 =	sand.u32 $0x1FFFFFF0, s25;
	s31 =	spop (v2sf)  }
0x26: {  	[tilespmem:s30], [sflag:$0x1] =	stream.linear.gather [hbm4b:s0+s2], $0x80, $0x38;
	(v2sf) =	vpush v0, $0xD;
	[tilespmem:$0x4200] =	vst v63  }
0x27: {  	s0 =	sadd.s32 s3, s25;
	s25 =	sand.u32 $0x1FFFFFF0, s31;
	s30 =	spop (v2sf)  }
0x28: {  	[tilespmem:s26], [sflag:$0x1] =	stream.linear.gather [hbm4b:s0+s2], $0x80, $0x38;
	(v2sf) =	vpush v0, $0xE;
	[tilespmem:$0x4200] =	vst v63  }
0x29: {  	s0 =	sadd.s32 s3, s1;
	s1 =	sand.u32 $0x1FFFFFF0, s30;
	s26 =	spop (v2sf)  }
0x2a: {  	[tilespmem:s28], [sflag:$0x1] =	stream.linear.gather [hbm4b:s0+s2], $0x80, $0x38;
	(v2sf) =	vpush v0, $0xF;
	[tilespmem:$0x4200] =	vst v63  }
0x2b: {  	s0 =	sadd.s32 s3, s25;
	s25 =	sand.u32 $0x1FFFFFF0, s26;
	s26 =	spop (v2sf)  }
0x2c: {  	[tilespmem:s24], [sflag:$0x1] =	stream.linear.gather [hbm4b:s0+s2], $0x80, $0x38;
	[tilespmem:$0x4200] =	vst v63  }
0x2d: {  	s0 =	sadd.s32 s3, s1;
	s1 =	sand.u32 $0x1FFFFFF0, s26;
	s24 =	spop (v2sf)  }
0x2e: {  	[tilespmem:s29], [sflag:$0x1] =	stream.linear.gather [hbm4b:s0+s2], $0x80, $0x38;
	[tilespmem:$0x4200] =	vst v63  }
0x2f: {  	s0 =	sadd.s32 s3, s25;
	s24 =	sand.u32 $0x1FFFFFF0, s24;
	s25 =	spop (v2sf)  }
0x30: {  	[tilespmem:s22], [sflag:$0x1] =	stream.linear.gather [hbm4b:s0+s2], $0x80, $0x38;
	[tilespmem:$0x4200] =	vst v63  }
0x31: {  	s0 =	sadd.s32 s3, s1;
	s1 =	sand.u32 $0x1FFFFFF0, s25;
	s22 =	spop (v2sf)  }
0x32: {  	[tilespmem:s21], [sflag:$0x1] =	stream.linear.gather [hbm4b:s0+s2], $0x80, $0x38;
	[tilespmem:$0x4200] =	vst v63  }
0x33: {  	s0 =	sadd.s32 s3, s24;
	s21 =	sand.u32 $0x1FFFFFF0, s22;
	s22 =	spop (v2sf)  }
0x34: {  	[tilespmem:s23], [sflag:$0x1] =	stream.linear.gather [hbm4b:s0+s2], $0x80, $0x38;
	[tilespmem:$0x4200] =	vst v63  }
0x35: {  	s0 =	sadd.s32 s3, s1;
	s1 =	sand.u32 $0x1FFFFFF0, s22;
	s22 =	spop (v2sf)  }
0x36: {  	[tilespmem:s20], [sflag:$0x1] =	stream.linear.gather [hbm4b:s0+s2], $0x80, $0x38;
	[tilespmem:$0x4200] =	vst v63  }
0x37: {  	s0 =	sadd.s32 s3, s21;
	s20 =	sand.u32 $0x1FFFFFF0, s22;
	s21 =	spop (v2sf)  }
0x38: {  	[tilespmem:s19], [sflag:$0x1] =	stream.linear.gather [hbm4b:s0+s2], $0x80, $0x38;
	[tilespmem:$0x4200] =	vst v63  }
0x39: {  	s0 =	sadd.s32 s3, s1;
	s1 =	sand.u32 $0x1FFFFFF0, s21;
	s19 =	spop (v2sf)  }
0x3a: {  	[tilespmem:s17], [sflag:$0x1] =	stream.linear.gather [hbm4b:s0+s2], $0x80, $0x38;
	[tilespmem:$0x4200] =	vst v63  }
0x3b: {  	s0 =	sadd.s32 s3, s20;
	s17 =	sand.u32 $0x1FFFFFF0, s19  }
0x3c: {  	[tilespmem:s18], [sflag:$0x1] =	stream.linear.gather [hbm4b:s0+s2], $0x80, $0x38;
	[tilespmem:$0x4200] =	vst v63  }
0x3d: {  	s1 =	sadd.s32 s3, s1;
	s0 =	sadd.s32 $0x900, s13  }
0x3e: {  	[tilespmem:s0], [sflag:$0x1] =	stream.linear.gather [hbm4b:s1+s2], $0x80, $0x38;
	[tilespmem:$0x4200] =	vst v63  }
0x3f: {  	s0 =	sadd.s32 $0x980, s13;
	s1 =	sadd.s32 s3, s17  }
0x40: {  	[tilespmem:s0], [sflag:$0x1] =	stream.linear.gather [hbm4b:s1+s2], $0x80, $0x38;
	[tilespmem:$0x4200] =	vst v63  }
0x41: {  	v0 =	vld [tilespmem:s15+$0x0];
	_ =	sdelay $0x4  }
0x42: {  	v0 =	vshll.u32 v0, $0x4  }
0x43: {  	(v2sf) =	vpush v0, $0x0  }
0x44: {  	(v2sf) =	vpush v0, $0x1  }
0x45: {  	(v2sf) =	vpush v0, $0x2;
	_ =	sdelay $0x1  }
0x46: {  	(v2sf) =	vpush v0, $0x4  }
.Ltmp0:
0x47: {  	(pc) =	sbr.rel @p0 .LBB2_3-.Ltmp0, $3  }
0x48: {  	(v2sf) =	vpush v0, $0x3  }
0x49: {  	(v2sf) =	vpush v0, $0x5;
	_ =	sdelay $0x1  }
0x4a: {  	s13 =	sshra.s32 s16, $0x2;
	(v2sf) =	vpush v0, $0x6  }
0x4b: {  	_ =	sdelay $0x1  }
0x4c: {  	s0 =	sadd.s32 $0x280, s13;
	s16 =	sadd.s32 $0x780, s13  }
0x4d: {  	s1 =	sadd.s32 $0x580, s13;
	s14 =	sadd.s32 $0x800, s13;
	(v2sf) =	vpush v0, $0x7;
	s17 =	sadd.s32 $0x480, s13  }
0x4e: {  	s18 =	sadd.s32 $0x600, s13;
	s15 =	sadd.s32 $0x880, s13;
	s19 =	sadd.s32 $0x200, s13  }
0x4f: {  	s20 =	sadd.s32 $0x400, s13;
	s21 =	sadd.s32 $0x500, s13;
	(v2sf) =	vpush v0, $0x8;
	s22 =	spop (v2sf)  }
0x50: {  	s23 =	sadd.s32 $0x300, s13;
	s22 =	sand.u32 $0x1FFFFFF0, s22;
	s24 =	spop (v2sf)  }
0x51: {  	(v2sf) =	vpush v0, $0x9;
	s22 =	sadd.s32 s3, s22;
	s24 =	sand.u32 $0x1FFFFFF0, s24;
	s25 =	spop (v2sf)  }
0x52: {  	[tilespmem:s19], [sflag:$0x1] =	stream.linear.gather [hbm4b:s22+s2], $0x80, $0x38;
	[tilespmem:$0x4200] =	vst v63  }
0x53: {  	(v2sf) =	vpush v0, $0xA;
	s26 =	sadd.s32 s3, s24;
	s29 =	sand.u32 $0x1FFFFFF0, s25;
	s28 =	spop (v2sf)  }
0x54: {  	[tilespmem:s0], [sflag:$0x1] =	stream.linear.gather [hbm4b:s26+s2], $0x80, $0x38;
	[tilespmem:$0x4200] =	vst v63  }
0x55: {  	s19 =	sadd.s32 $0x700, s13;
	(v2sf) =	vpush v0, $0xB;
	s22 =	sadd.s32 s3, s29;
	s30 =	spop (v2sf)  }
0x56: {  	s0 =	sadd.s32 $0x680, s13;
	s26 =	sadd.s32 $0x380, s13;
	s25 =	sand.u32 $0x1FFFFFF0, s30  }
0x57: {  	(v2sf) =	vpush v0, $0xC;
	[tilespmem:s23], [sflag:$0x1] =	stream.linear.gather [hbm4b:s22+s2], $0x80, $0x38;
	[tilespmem:$0x4200] =	vst v63  }
0x58: {  	s31 =	sand.u32 $0x1FFFFFF0, s28;
	s28 =	spop (v2sf);
	s29 =	sadd.s32 s3, s25  }
0x59: {  	(v2sf) =	vpush v0, $0xD;
	[tilespmem:s26], [sflag:$0x1] =	stream.linear.gather [hbm4b:s29+s2], $0x80, $0x38;
	[tilespmem:$0x4200] =	vst v63  }
0x5a: {  	s22 =	sadd.s32 s3, s31;
	s23 =	sand.u32 $0x1FFFFFF0, s28;
	s30 =	spop (v2sf)  }
0x5b: {  	(v2sf) =	vpush v0, $0xE;
	[tilespmem:s20], [sflag:$0x1] =	stream.linear.gather [hbm4b:s22+s2], $0x80, $0x38;
	[tilespmem:$0x4200] =	vst v63  }
0x5c: {  	s23 =	sadd.s32 s3, s23;
	s31 =	sand.u32 $0x1FFFFFF0, s30;
	s24 =	spop (v2sf)  }
0x5d: {  	(v2sf) =	vpush v0, $0xF;
	[tilespmem:s17], [sflag:$0x1] =	stream.linear.gather [hbm4b:s23+s2], $0x80, $0x38;
	[tilespmem:$0x4200] =	vst v63  }
0x5e: {  	s25 =	sand.u32 $0x1FFFFFF0, s24;
	s26 =	spop (v2sf);
	s20 =	sadd.s32 s3, s31  }
0x5f: {  	[tilespmem:s21], [sflag:$0x1] =	stream.linear.gather [hbm4b:s20+s2], $0x80, $0x38;
	[tilespmem:$0x4200] =	vst v63  }
0x60: {  	s28 =	sand.u32 $0x1FFFFFF0, s26;
	s17 =	sadd.s32 s3, s25;
	s29 =	spop (v2sf)  }
0x61: {  	[tilespmem:s1], [sflag:$0x1] =	stream.linear.gather [hbm4b:s17+s2], $0x80, $0x38;
	[tilespmem:$0x4200] =	vst v63  }
0x62: {  	s20 =	sadd.s32 s3, s28;
	s30 =	sand.u32 $0x1FFFFFF0, s29;
	s31 =	spop (v2sf)  }
0x63: {  	[tilespmem:s18], [sflag:$0x1] =	stream.linear.gather [hbm4b:s20+s2], $0x80, $0x38;
	[tilespmem:$0x4200] =	vst v63  }
0x64: {  	s17 =	sand.u32 $0x1FFFFFF0, s31;
	s1 =	sadd.s32 s3, s30;
	s20 =	spop (v2sf)  }
0x65: {  	[tilespmem:s0], [sflag:$0x1] =	stream.linear.gather [hbm4b:s1+s2], $0x80, $0x38;
	[tilespmem:$0x4200] =	vst v63  }
0x66: {  	s17 =	sadd.s32 s3, s17;
	s21 =	sand.u32 $0x1FFFFFF0, s20;
	s22 =	spop (v2sf)  }
0x67: {  	[tilespmem:s19], [sflag:$0x1] =	stream.linear.gather [hbm4b:s17+s2], $0x80, $0x38;
	[tilespmem:$0x4200] =	vst v63  }
0x68: {  	s0 =	sadd.s32 s3, s21;
	s1 =	sand.u32 $0x1FFFFFF0, s22;
	s23 =	spop (v2sf)  }
0x69: {  	[tilespmem:s16], [sflag:$0x1] =	stream.linear.gather [hbm4b:s0+s2], $0x80, $0x38;
	[tilespmem:$0x4200] =	vst v63  }
0x6a: {  	s24 =	sand.u32 $0x1FFFFFF0, s23;
	s1 =	sadd.s32 s3, s1;
	s25 =	spop (v2sf)  }
0x6b: {  	[tilespmem:s14], [sflag:$0x1] =	stream.linear.gather [hbm4b:s1+s2], $0x80, $0x38;
	[tilespmem:$0x4200] =	vst v63  }
0x6c: {  	s26 =	sand.u32 $0x1FFFFFF0, s25;
	s28 =	spop (v2sf);
	s0 =	sadd.s32 s3, s24  }
0x6d: {  	[tilespmem:s15], [sflag:$0x1] =	stream.linear.gather [hbm4b:s0+s2], $0x80, $0x38;
	[tilespmem:$0x4200] =	vst v63  }
0x6e: {  	s30 =	sadd.s32 $0x900, s13;
	s29 =	sand.u32 $0x1FFFFFF0, s28;
	s1 =	sadd.s32 s3, s26  }
0x6f: {  	[tilespmem:s30], [sflag:$0x1] =	stream.linear.gather [hbm4b:s1+s2], $0x80, $0x38;
	[tilespmem:$0x4200] =	vst v63  }
0x70: {  	s31 =	sadd.s32 $0x980, s13;
	s0 =	sadd.s32 s3, s29  }
0x71: {  	[tilespmem:s31], [sflag:$0x1] =	stream.linear.gather [hbm4b:s0+s2], $0x80, $0x38;
	[tilespmem:$0x4200] =	vst v63  }
0x72: {  	_ =	swait.ge [sflag:s8], $0x80  }
0x73: {  	s13 =	simm.s32 $0x7F;
	[sflag:s8] =	ssyncset.done $0x0  }
.LBB2_5:
0x74: {  	p0 =	sne.s32 s13, $0x1;
	s13 =	sadd.s32 $0xFFFFFFFF, s13;
	[sflag:s8] =	ssyncadd.s32 $0xFFFFFF80  }
.Ltmp1:
0x75: {  	(pc) =	sbr.rel @p0 .LBB2_5-.Ltmp1, $3  }
0x76: {  	_ =	sdelay $0x1  }
0x77: {  	_ =	swait.ge [sflag:s8], $0x80  }
0x78: {  	[sflag:s8] =	ssyncset.done $0x0  }
0x79: {  	s0 =	sshll.u32 s12, $0xB;
	s12 =	sadd.s32 $0x1, s12  }
0x7a: {  	p0 =	sne.s32 s12, $0x4  }
.Ltmp2:
0x7b: {  	[sflag:s8] =	ssyncadd.s32 $0xFFFFFF80;
	s0 =	sadd.s32 s0, s5;
	(pc) =	sbr.rel @p0 .LBB2_2-.Ltmp2, $4  }
0x7c: {  	[hbm4b:s0+s2] =	stream.linear.scatter [tilespmem:s9], [sflag:$0x2], $0x4000, $0x38;
	[tilespmem:$0x4200] =	vst v63  }
0x7d: {  	_ =	swait.ge [sflag:s7], $0x4000  }
0x7e: {  	[sflag:s7] =	ssyncset.done $0x0  }
0x7f: {  	s11 =	sadd.s32 $0x80, s11;
	[sflag:s7] =	ssyncadd.s32 $0xFFFFC000  }
0x80: {  	s10 =	sadd.s32 $0x1, s10  }
0x81: {  	p0 =	sne.s32 s10, s6  }
.Ltmp3:
0x82: {  	_ = 	snop;
	(pc) =	sbr.rel @p0 .LBB2_1-.Ltmp3, $1  }
0x83: {  	_ =	sdelay $0x3  }
0x84: {  	_ =	sfence.sel $0x180000  }
0x85: {  	[bflag:$0x0] =	sbarrier.arrive $0xFFFF  }
0x86: {  	_ =	strace $0x90000047  }
0x87: {  	s0 =	stileid.u32;
	[bflag:$0x2] =	sbarrier.arrive $0xFFFF  }
0x88: {  	p0 =	sne.s32 s0, $0x0;
	s0 =	rddreg [dreg:$0x3]  }
0x89: {  	s0 =	sadd.s32 @!p0 $0x100000, s0  }
0x8a: {  	[sflag:s0] =	ssyncadd.tile.s32 @!p0 $0x1;
	_ =	shalt  }
.Lfunc_end2:
_tile_overlayer_lowered:
.L_overlay_start_2:
0x8b: {  	(tag) =	ssettag $0x2  }
0x8c: {  	s0 =	rddreg [dreg:$0x0];
	s2 =	stileid.u32  }
0x8d: {  	s1 =	rddreg [dreg:$0x1];
	p0 =	sne.s32 s2, $0x0  }
0x8e: {  	s3 =	rddreg [dreg:$0x2];
	[bflag:$0x3] =	sbarrier.arrive $0xFFFF;
	s2 =	simm.s32 @!p0 $0x1C02  }
0x8f: {  	[timem:s3], [sflag:s2] =	dma.local @!p0 [hbm:s0], s1  }
0x90: {  	s0 =	simm.s32 @!p0 $0x2  }
0x91: {  	_ =	swait.ge @!p0 [sflag:s0], s1  }
0x92: {  	s1 =	ssub.s32 @!p0 $0x0, s1;
	[sflag:s0] =	ssyncset.done @!p0 $0x0  }
0x93: {  	[sflag:s0] =	ssyncadd.s32 @!p0 s1  }
0x94: {  	[bflag:$0x3] =	sbarrier.arrive $0xFFFF  }
0x95: {  	_ =	shalt  }

// kernel: kernel.8.cloned.1.call-start
scs
__scs_entry_jumppad:
0x0: {  	(pc) =	sbr.rel $0x88, $3  }
0x1: {  	(tag) =	ssettag $0x0;
	lr =	simm.s32 $0x1  }
0x2: {  	[smem:$0x3F9C] =	sst lr;
	_ =	strace $0xD0000000  }
0x3: {  	_ = 	snop  }
0x4: {  	_ = 	snop  }
0x5: {  	_ = 	snop  }
0x6: {  	_ = 	snop  }
0x7: {  	_ = 	snop  }
__scs_overlays_trampoline_lowered:
0x8: {  	[smem:$0x3FAB] =	sst s0  }
0x9: {  	[smem:$0x3FAC] =	sst s1  }
0xa: {  	[smem:$0x3FAD] =	sst s2  }
0xb: {  	[smem:$0x3FAE] =	sst s3  }
0xc: {  	[smem:$0x3FAF] =	sst s4  }
0xd: {  	[smem:$0x3FB0] =	sst s5  }
0xe: {  	[smem:$0x3FB1] =	sst s6  }
0xf: {  	[smem:$0x3FB2] =	sst s7  }
0x10: {  	[smem:$0x3FB3] =	sst s8  }
0x11: {  	[smem:$0x3FB4] =	sst s9;
	s0 =	simm.s32 @!p0 $0x0  }
0x12: {  	s1 =	sld [smem:$0x3F9A];
	s0 =	simm.s32 @p0 $0x1  }
0x13: {  	[smem:$0x3FB5] =	sst s0;
	s0 =	simm.s32 @!p1 $0x0  }
0x14: {  	s2 =	sld [smem:$0x3F99];
	s0 =	simm.s32 @p1 $0x1  }
0x15: {  	[smem:$0x3FB6] =	sst s0;
	s0 =	simm.s32 @!p2 $0x0  }
0x16: {  	s3 =	sld [smem:$0x3FDB];
	s0 =	simm.s32 @p2 $0x1  }
0x17: {  	s4 =	simm.s32 $0x1BF5;
	[smem:$0x3FB8] =	sst s0  }
0x18: {  	s0 =	sld [smem:$0x3F9B];
	_ =	swait.ge [sflag:s4], $0x0  }
0x19: {  	s7 =	sld [smem:$0x3F9C]  }
0x1a: {  	s8 =	sadd.s32 $0xFFFFE003, lr  }
0x1b: {  	s9 =	sadd.s32 $0xFFFFFEF7, lr;
	s5 =	simm.s32 $0xFFFFFFFF;
	p2 =	slt.u32 s8, $0xFFFFF086  }
0x1c: {  	p1 =	slt.u32 s9, $0xF7A;
	s5 =	simm.s32 @!p2 $0x0  }
0x1d: {  	s5 =	simm.s32 @p1 $0x1;
	p0 =	seq.s32 s7, s2  }
0x1e: {  	s7 =	smul.u32 @!p0 $0xF7A, s2;
	p2 =	seq.s32 @!p0 s5, $0x0  }
0x1f: {  	s9 =	smul.u32 $0xF7A, s1;
	s8 =	simm.s32 @!p0 $0x1BF5;
	p2 =	por !p2, p0  }
0x20: {  	[sflag:s8] =	ssyncset.s32 @!p0 $0xFFFFF086;
	s6 =	sadd.s32 @!p0 s3, s7;
	s7 =	simm.s32 @!p0 $0x108  }
0x21: {  	s3 =	sadd.s32 s3, s9;
	s6 =	sadd.s32 @!p0 $0x88, s6;
	s7 =	simm.s32 @p2 $0x1082  }
0x22: {  	[simem:s7], [sflag:s8] =	dma.local @!p0 [hbm:s6], $0xF7A  }
0x23: {  	s9 =	sor.u32 $0xD0000000, s2;
	s6 =	simm.s32 $0x108;
	_ =	swait.ge @!p0 [sflag:s8], $0x0  }
0x24: {  	s3 =	sadd.s32 $0x88, s3;
	s6 =	simm.s32 @!p1 $0x1082;
	[sflag:s4] =	ssyncset.s32 $0xFFFFF086  }
0x25: {  	[simem:s6], [sflag:s4] =	dma.local [hbm:s3], $0xF7A  }
0x26: {  	[smem:$0x3F9C] =	sst s1;
	(tag) =	ssettag s2;
	_ =	strace s9  }
0x27: {  	s1 =	sld [smem:$0x3FAC]  }
0x28: {  	s2 =	sld [smem:$0x3FAD]  }
0x29: {  	s4 =	sld [smem:$0x3FAF]  }
0x2a: {  	p0 =	seq.s32 s5, $0x0;
	s5 =	sld [smem:$0x3FB0]  }
0x2b: {  	s6 =	sld [smem:$0x3FB1]  }
0x2c: {  	s7 =	sld [smem:$0x3FB2]  }
0x2d: {  	s3 =	simm.s32 $0x108;
	s8 =	sld [smem:$0x3FB3]  }
0x2e: {  	s3 =	simm.s32 @!p0 $0x1082;
	s9 =	sld [smem:$0x3FB4]  }
0x2f: {  	lr =	sadd.s32 s0, s3;
	s0 =	sld [smem:$0x3FAB]  }
0x30: {  	s3 =	sld [smem:$0x3FAE]  }
0x31: {  	[smem:$0x3FB7] =	sst s10  }
0x32: {  	s10 =	sld [smem:$0x3FB5];
	_ =	sdelay $0x3  }
0x33: {  	p0 =	seq.s32 s10, $0x1;
	s10 =	sld [smem:$0x3FB7];
	_ =	sdelay $0x3  }
0x34: {  	[smem:$0x3FB7] =	sst s10  }
0x35: {  	s10 =	sld [smem:$0x3FB6];
	_ =	sdelay $0x3  }
0x36: {  	p1 =	seq.s32 s10, $0x1;
	s10 =	sld [smem:$0x3FB7];
	_ =	sdelay $0x3  }
0x37: {  	[smem:$0x3FB7] =	sst s10  }
0x38: {  	s10 =	sld [smem:$0x3FB8]  }
0x39: {  	_ = 	snop;
	(pc) =	sbr.ind lr, $3  }
0x3a: {  	_ = 	snop  }
0x3b: {  	_ = 	snop  }
0x3c: {  	p2 =	seq.s32 s10, $0x1;
	s10 =	sld [smem:$0x3FB7]  }
0x3d: {  	_ =	shalt  }
0x3e: {  	_ =	shalt  }
0x3f: {  	_ =	shalt  }
0x40: {  	_ =	shalt  }
0x41: {  	_ =	shalt  }
0x42: {  	_ =	shalt  }
0x43: {  	_ =	shalt  }
0x44: {  	_ =	shalt  }
0x45: {  	_ =	shalt  }
0x46: {  	_ =	shalt  }
0x47: {  	_ =	shalt  }
0x48: {  	_ =	shalt  }
0x49: {  	_ =	shalt  }
0x4a: {  	_ =	shalt  }
0x4b: {  	_ =	shalt  }
0x4c: {  	_ =	shalt  }
0x4d: {  	_ =	shalt  }
0x4e: {  	_ =	shalt  }
0x4f: {  	_ =	shalt  }
0x50: {  	_ =	shalt  }
0x51: {  	_ =	shalt  }
0x52: {  	_ =	shalt  }
0x53: {  	_ =	shalt  }
0x54: {  	_ =	shalt  }
0x55: {  	_ =	shalt  }
0x56: {  	_ =	shalt  }
0x57: {  	_ =	shalt  }
0x58: {  	_ =	shalt  }
0x59: {  	_ =	shalt  }
0x5a: {  	_ =	shalt  }
0x5b: {  	_ =	shalt  }
0x5c: {  	_ =	shalt  }
0x5d: {  	_ =	shalt  }
0x5e: {  	_ =	shalt  }
0x5f: {  	_ =	shalt  }
0x60: {  	_ =	shalt  }
0x61: {  	_ =	shalt  }
0x62: {  	_ =	shalt  }
0x63: {  	_ =	shalt  }
0x64: {  	_ =	shalt  }
0x65: {  	_ =	shalt  }
0x66: {  	_ =	shalt  }
0x67: {  	_ =	shalt  }
0x68: {  	_ =	shalt  }
0x69: {  	_ =	shalt  }
0x6a: {  	_ =	shalt  }
0x6b: {  	_ =	shalt  }
0x6c: {  	_ =	shalt  }
0x6d: {  	_ =	shalt  }
0x6e: {  	_ =	shalt  }
0x6f: {  	_ =	shalt  }
0x70: {  	_ =	shalt  }
0x71: {  	_ =	shalt  }
0x72: {  	_ =	shalt  }
0x73: {  	_ =	shalt  }
0x74: {  	_ =	shalt  }
0x75: {  	_ =	shalt  }
0x76: {  	_ =	shalt  }
0x77: {  	_ =	shalt  }
0x78: {  	_ =	shalt  }
0x79: {  	_ =	shalt  }
0x7a: {  	_ =	shalt  }
0x7b: {  	_ =	shalt  }
0x7c: {  	_ =	shalt  }
0x7d: {  	_ =	shalt  }
0x7e: {  	_ =	shalt  }
0x7f: {  	_ =	shalt  }
0x80: {  	_ =	shalt  }
0x81: {  	_ =	shalt  }
0x82: {  	_ =	shalt  }
0x83: {  	_ =	shalt  }
0x84: {  	_ =	shalt  }
0x85: {  	_ =	shalt  }
0x86: {  	_ =	shalt  }
0x87: {  	_ =	shalt  }
.Lfunc_end0:
.L_simem_size_0:
called_computation.1_lowered:
.L_overlay_start_0:
0x88: {  	s2 =	sld [smem:$0x3FD9]  }
0x89: {  	s3 =	sld [smem:$0x3FFE];
	_ =	sdelay $0x1  }
0x8a: {  	s1 =	srdreg.scid  }
0x8b: {  	s0 =	sand.u32 $0x1, s1  }
0x8c: {  	s17 =	sshll.u32 s0, $0xA;
	s2 =	sadd.s32 s3, s2  }
0x8d: {  	s2 =	sadd.s32 s2, s17  }
0x8e: {  	[smem:$0x3FC3] =	sst s2  }
0x8f: {  	_ = 	snop  }
0x90: {  	s2 =	sld [smem:$0x3FD0];
	(tm) =	ssettm $0x1  }
0x91: {  	s18 =	sld [smem:$0x3FFB];
	_ =	sdelay $0x3  }
0x92: {  	_ =	strace s18  }
0x93: {  	s3 =	sld [smem:$0x3FFC];
	_ =	sdelay $0x3  }
0x94: {  	_ =	strace s3  }
0x95: {  	s3 =	sld [smem:$0x3FFD];
	_ =	sdelay $0x3  }
0x96: {  	_ =	strace s3  }
0x97: {  	_ =	strace $0x8FFFFFFF  }
0x98: {  	s19 =	sld [smem:$0x3FDB];
	_ =	sdelay $0x1  }
0x99: {  	s4 =	simm.s32 $_scs_section_size  }
0x9a: {  	s5 =	simm.s32 $_size__tile_overlayer_lowered;
	s6 =	simm.s32 $_tile_overlayer_lowered  }
0x9b: {  	s22 =	simm.s32 $0x1BFF;
	s21 =	sshll.u32 s6, $0x1;
	s3 =	sadd.s32 s4, s19  }
0x9c: {  	s7 =	simm.s32 $0x0;
	s20 =	sshll.u32 s5, $0x1;
	s5 =	sadd.s32 s21, s3  }
0x9d: {  	[timem:s7], [sflag:s22] =	dma.local [hbm:s5], s20  }
0x9e: {  	_ =	swait.ge [sflag:s22], s20  }
0x9f: {  	s4 =	ssub.s32 $0x0, s20;
	[sflag:s22] =	ssyncset.done $0x0  }
0xa0: {  	[sflag:s22] =	ssyncadd.s32 s4;
	_ =	sdelay $0x1  }
0xa1: {  	s23 =	simm.s32 $0x1B8B  }
0xa2: {  	_ =	swait.ge [sflag:s23], $0x1  }
0xa3: {  	[sflag:s23] =	ssyncset.done $0x0  }
0xa4: {  	s25 =	simm.s32 $0x1B8E;
	s24 =	sld [smem:$0x3FFE];
	[sflag:s23] =	ssyncadd.s32 $0xFFFFFFFF  }
0xa5: {  	s26 =	simm.s32 $execute0_lowered;
	[smem:$0x3FD2] =	sst s25  }
0xa6: {  	s5 =	sshll.u32 s26, $0x1;
	_ =	strace $0x80000049;
	[dreg:$0x1] =	wrdreg $0xFFFFFFFF  }
0xa7: {  	s28 =	simm.s32 $_size_execute0_lowered;
	s3 =	sadd.s32 s3, s5;
	[dreg:$0x0] =	wrdreg $0x0  }
0xa8: {  	s5 =	sshll.u32 s28, $0x1;
	[dreg:$0x2] =	wrdreg s3  }
0xa9: {  	[dreg:$0x3] =	wrdreg s5  }
0xaa: {  	[dreg:$0x4] =	wrdreg $0xC0  }
0xab: {  	_ =	task [dreg:s7], $0x5FFFF  }
0xac: {  	[dreg:$0x1] =	wrdreg $0xFFFFFFFF  }
0xad: {  	[dreg:$0x0] =	wrdreg $0x60  }
0xae: {  	[dreg:$0x2] =	wrdreg s24  }
0xaf: {  	[dreg:$0x3] =	wrdreg s2  }
0xb0: {  	[dreg:$0x4] =	wrdreg $0x9  }
0xb1: {  	_ =	task.clear_ibuf [dreg:s7], $0x5FFFF;
	_ =	strace $0x90000049  }
0xb2: {  	s29 =	simm.s32 $0x9;
	_ =	strace $0x8000004B  }
0xb3: {  	_ =	swait.ge [sflag:s29], $0x1  }
0xb4: {  	[sflag:s29] =	ssyncadd.s32 $0xFFFFFFFF  }
0xb5: {  	_ =	strace $0x9000004B  }
0xb6: {  	_ =	sfence  }
0xb7: {  	s30 =	sld [smem:$0x0];
	_ =	sdelay $0x2  }
0xb8: {  	s31 =	sshll.u32 s1, $0xD;
	s1 =	sshrl.u32 s1, $0x2  }
0xb9: {  	s3 =	sand.u32 $0x4000, s31;
	s1 =	sadd.s32 s1, s30  }
0xba: {  	s0 =	sor.u32 s3, s0;
	s1 =	sshll.u32 s1, $0x11  }
0xbb: {  	s0 =	sor.u32 s1, s0  }
0xbc: {  	s0 =	sadd.s32 $0x8F2B, s0  }
0xbd: {  	[sflag:s0] =	ssyncadd.remote.s32 $0x1  }
0xbe: {  	_ =	sfence.sel $0xFFFF  }
0xbf: {  	[dreg:$0x0] =	wrdreg $0xFFFFFFFF;
	(pc) =	sbr.abs _section_cstart, $3  }
0xc0: {  	[dreg:$0x1] =	wrdreg $0xFFFFFFFF  }
0xc1: {  	_ =	task.clear_ibuf [dreg:s7], $0x2FFFF;
	_ =	strace $0x9FFFFFFF  }
0xc2: {  	(tm) =	ssettm $0x7FFFFFFF  }
0xc3: {  	_ =	shalt  }
tec
execute0_lowered:
.L_overlay_start_1:
0x0: {  	(tag) =	ssettag $0x1  }
0x1: {  	s0 =	rddreg [dreg:$0x0]  }
0x2: {  	s1 =	rddreg [dreg:$0x1]  }
0x3: {  	s2 =	simm.s32 $0x0;
	s3 =	srdreg.scid;
	s5 =	stileid.u32  }
0x4: {  	s28 =	simm.s32 $0x1000;
	s29 =	simm.s32 $0x2000;
	s30 =	simm.s32 $0x1  }
0x5: {  	s31 =	simm.s32 $0x2;
	s4 =	sand.u32 $0x1, s3;
	s5 =	sshll.u32 s5, $0x1  }
0x6: {  	[smem:$0x7FF] =	sst s2;
	s3 =	sadd.s32 $0x11200, s0;
	s5 =	sor.u32 s4, s5  }
0x7: {  	_ =	strace $0x8000004A;
	s6 =	ssub.s32 $0x2, s4;
	s7 =	sshll.u32 s5, $0x8  }
0x8: {  	s4 =	sadd.s32 $0x1200, s0;
	s8 =	sshrl.u32 s6, $0x1;
	s0 =	sadd.s32 s7, s0  }
0x9: {  	s5 =	sshll.u32 s5, $0xD;
	s6 =	ssub.s32 s6, s8;
	s7 =	sadd.s32 $0xF45600, s0  }
0xa: {  	s0 =	sadd.s32 $0xF43600, s0;
	s23 =	smax.u32 s6, $0x1;
	[dreg:$0x3] =	wrdreg s7  }
0xb: {  	[dreg:$0x4] =	wrdreg s0;
	s7 =	sadd.s32 s1, s5;
	s0 =	simm.s32 $0x3000  }
0xc: {  	s1 =	simm.s32 $0x0;
	s24 =	sadd.s32 $0x200, s7;
	s25 =	sadd.s32 $0x400, s7  }
0xd: {  	s26 =	sadd.s32 $0x600, s7;
	s11 =	sadd.s32 $0x800, s7;
	s12 =	sadd.s32 $0xA00, s7  }
0xe: {  	s13 =	sadd.s32 $0xC00, s7;
	s14 =	sadd.s32 $0xE00, s7;
	s15 =	sadd.s32 $0x1000, s7  }
0xf: {  	s16 =	sadd.s32 $0x1200, s7;
	s17 =	sadd.s32 $0x1400, s7;
	s18 =	sadd.s32 $0x1600, s7  }
0x10: {  	s19 =	sadd.s32 $0x1800, s7;
	s20 =	sadd.s32 $0x1A00, s7;
	[dreg:$0x5] =	wrdreg s24  }
0x11: {  	s21 =	sadd.s32 $0x1C00, s7;
	s22 =	sadd.s32 $0x1E00, s7;
	[dreg:$0x6] =	wrdreg s25  }
0x12: {  	[dreg:$0x7] =	wrdreg s26;
	s24 =	simm.s32 $0x3;
	s26 =	simm.s32 $0x80  }
.LBB2_1:
0x13: {  	s5 =	rddreg [dreg:$0x3]  }
0x14: {  	[tilespmem:s2], [sflag:$0x3] =	stream.linear.gather [hbm4b:s5+s2], $0x800, $0x38;
	[tilespmem:$0x4000] =	vst v63  }
0x15: {  	_ =	swait.ge [sflag:s24], $0x800  }
0x16: {  	[sflag:s24] =	ssyncset.done $0x0  }
0x17: {  	s6 =	simm.s32 $0x800;
	s25 =	rddreg [dreg:$0x4];
	[sflag:s24] =	ssyncadd.s32 $0xFFFFF800  }
0x18: {  	[tilespmem:s6], [sflag:$0x3] =	stream.linear.gather [hbm4b:s25+s2], $0x800, $0x38;
	[tilespmem:$0x4000] =	vst v63  }
0x19: {  	_ =	swait.ge [sflag:s24], $0x800  }
0x1a: {  	[sflag:s24] =	ssyncset.done $0x0  }
0x1b: {  	[sflag:s24] =	ssyncadd.s32 $0xFFFFF800  }
0x1c: {  	[tilespmem:s28], [sflag:$0x1] =	stream.indirect.gather [hbm4b:s3+s26], $0x20, s2, s26, $0xb8;
	[tilespmem:$0x4000] =	vst v63  }
0x1d: {  	_ = 	snop  }
0x1e: {  	[tilespmem:s29], [sflag:$0x2] =	stream.indirect.gather [hbm4b:s4+s26], $0x20, s6, s26, $0xb8;
	[tilespmem:$0x4000] =	vst v63  }
0x1f: {  	_ =	swait.ge [sflag:s30], $0x1000  }
0x20: {  	[sflag:s30] =	ssyncset.done $0x0  }
0x21: {  	[sflag:s30] =	ssyncadd.s32 $0xFFFFF000  }
0x22: {  	_ =	swait.ge [sflag:s31], $0x1000  }
0x23: {  	[sflag:s31] =	ssyncset.done $0x0  }
0x24: {  	s5 =	simm.s32 $0x0;
	[sflag:s31] =	ssyncadd.s32 $0xFFFFF000  }
0x25: {  	v0 =	vld [tilespmem:s5+$0x1010]  }
0x26: {  	v1 =	vld [tilespmem:s5+$0x2010]  }
0x27: {  	v3 =	vld [tilespmem:s5+$0x1000]  }
0x28: {  	v4 =	vld [tilespmem:s5+$0x2000];
	_ =	sdelay $0x2  }
0x29: {  	s25 =	simm.s32 $0x20  }
0x2a: {  	v6 =	vld [tilespmem:s25+$0x1000];
	v2 =	vadd.f32 v1, v0  }
0x2b: {  	v7 =	vld [tilespmem:s25+$0x2000];
	v3 =	vadd.f32 v4, v3  }
0x2c: {  	v1 =	vld [tilespmem:s25+$0x1010];
	v0 =	vand.u32 $0x7FFFFFFF, v2  }
0x2d: {  	v4 =	vld [tilespmem:s25+$0x2010];
	v5 =	vand.u32 $0x7FFFFFFF, v3;
	v0 =	vmul.f32 $-2.000000000e+00, v0  }
0x2e: {  	v5 =	vmul.f32 $-2.000000000e+00, v5  }
0x2f: {  	v0 =	vmul.f32 $1.442695020e+00, v0  }
0x30: {  	v5 =	vmul.f32 $1.442695020e+00, v5  }
0x31: {  	(erf) = vpow2.f32 v0  }
0x32: {  	v0 =	vadd.f32 v4, v1;
	v4 =	vadd.f32 v7, v6;
	(erf) = vpow2.f32 v5  }
0x33: {  	s6 =	simm.s32 $0x40  }
0x34: {  	v8 =	vld [tilespmem:s6+$0x1000];
	v7 =	vand.u32 $0x7FFFFFFF, v4  }
0x35: {  	v6 =	vld [tilespmem:s6+$0x2010];
	v1 =	vand.u32 $0x7FFFFFFF, v0;
	v7 =	vmul.f32 $-2.000000000e+00, v7  }
0x36: {  	v5 =	vld [tilespmem:s6+$0x1010];
	v1 =	vmul.f32 $-2.000000000e+00, v1  }
0x37: {  	v9 =	vld [tilespmem:s6+$0x2000];
	v7 =	vmul.f32 $1.442695020e+00, v7  }
0x38: {  	v1 =	vmul.f32 $1.442695020e+00, v1;
	_ =	sdelay $0x1  }
0x39: {  	(erf) = vpow2.f32 v1;
	v10 =	vpop (erf)  }
0x3a: {  	v1 =	vadd.f32 v6, v5;
	(erf) = vpow2.f32 v7;
	v11 =	vadd.f32 $1.000000000e+00, v10;
	v7 =	vpop (erf)  }
0x3b: {  	v6 =	vadd.f32 v9, v8;
	v5 =	vadd.f32 $1.000000000e+00, v7  }
0x3c: {  	s8 =	simm.s32 $0x60;
	(erf) = vrcp.f32 v11  }
0x3d: {  	v9 =	vld [tilespmem:s8+$0x1010];
	v8 =	vand.u32 $0x7FFFFFFF, v1;
	(erf) = vrcp.f32 v5;
	v5 =	vand.u32 $0x7FFFFFFF, v6  }
0x3e: {  	vm0 =	vlt.f32 v3, $0.0e+00;
	v3 =	vmul.f32 $-2.000000000e+00, v8;
	v8 =	vld [tilespmem:s8+$0x2010];
	v5 =	vmul.f32 $-2.000000000e+00, v5;
	_ =	sdelay $0x1  }
0x3f: {  	vm1 =	vlt.f32 v4, $0.0e+00;
	v4 =	vsub.f32 $1.000000000e+00, v7;
	v7 =	vld [tilespmem:s8+$0x2000]  }
0x40: {  	vm0 =	vmmov vm0;
	v11 =	vld [tilespmem:s8+$0x1000];
	v3 =	vmul.f32 $1.442695020e+00, v3  }
0x41: {  	vm2 =	vmmov vm0;
	vm0 =	vlt.f32 v6, $0.0e+00;
	v6 =	vmul.f32 $1.442695020e+00, v5;
	v5 =	vpop (erf)  }
0x42: {  	(erf) = vpow2.f32 v3;
	v3 =	vadd.f32 v8, v9;
	v8 =	vpop (erf)  }
0x43: {  	v9 =	vsub.f32 $1.000000000e+00, v10;
	v10 =	vadd.f32 $1.000000000e+00, v8  }
0x44: {  	vm3 =	vmmov vm1;
	vm1 =	vmmov vm2;
	v12 =	vadd.f32 $1.000000000e+00, v5  }
0x45: {  	v7 =	vadd.f32 v7, v11;
	v11 =	vand.u32 $0x7FFFFFFF, v3;
	(erf) = vpow2.f32 v6  }
0x46: {  	s9 =	simm.s32 $0x80;
	v11 =	vmul.f32 $-2.000000000e+00, v11;
	v6 =	vsub.f32 $1.000000000e+00, v8;
	(erf) = vrcp.f32 v12;
	v8 =	vpop (erf)  }
0x47: {  	s10 =	simm.s32 $0x280;
	vm2 =	vmmov vm3;
	v8 =	vmul.f32 v8, v9;
	v9 =	vld [tilespmem:s9+$0x1010];
	(erf) = vrcp.f32 v10;
	v10 =	vpop (erf)  }
.LBB2_2:
0x48: {  	v13 =	vand.u32 $0x7FFFFFFF, v7  }
0x49: {  	p0 =	sne.s32 s10, $0x3F80;
	v12 =	vld [tilespmem:s9+$0x2010];
	v10 =	vmul.f32 v10, v4;
	v14 =	vsub.f32 $0.0e+00, v8;
	v4 =	vmovc v6;
	vm3 =	vmmov vm0  }
0x4a: {  	vm4 =	vlt.f32 v2, $0.0e+00;
	v2 =	vmovc v0;
	v0 =	vmovc v1;
	v15 =	vld [tilespmem:s9+$0x1000];
	v6 =	vmul.f32 $-2.000000000e+00, v13;
	v16 =	vmul.f32 $1.442695020e+00, v11  }
0x4b: {  	vm0 =	vlt.f32 v7, $0.0e+00;
	v1 =	vmovc v3;
	v13 =	vld [tilespmem:s9+$0x2000];
	v7 =	vsub.f32 $0.0e+00, v10;
	v8 =	vsel vm4, v14, v8  }
0x4c: {  	v6 =	vmul.f32 $1.442695020e+00, v6;
	(erf) = vpow2.f32 v16;
	v11 =	vpop (erf);
	[tilespmem:s5+$0x3010] =	vst v8  }
.Ltmp0:
0x4d: {  	v14 =	vadd.f32 $1.000000000e+00, v11;
	v7 =	vsel vm1, v7, v10;
	vm1 =	vmmov vm2;
	(pc) =	sbr.rel @p0 .LBB2_2-.Ltmp0, $4  }
0x4e: {  	v16 =	vsub.f32 $1.000000000e+00, v5;
	v3 =	vadd.f32 v12, v9;
	(erf) = vpow2.f32 v6;
	v9 =	vpop (erf);
	[tilespmem:s5+$0x3000] =	vst v7;
	s5 =	smov.u32 s25;
	s25 =	smov.u32 s6;
	s6 =	smov.u32 s8  }
0x4f: {  	s8 =	smov.u32 s9;
	v6 =	vsub.f32 $1.000000000e+00, v9;
	v17 =	vadd.f32 $1.000000000e+00, v9;
	(erf) = vrcp.f32 v14;
	v8 =	vpop (erf)  }
0x50: {  	v5 =	vmovc v11;
	s9 =	sshra.s32 s10, $0x2;
	v7 =	vadd.f32 v13, v15;
	v12 =	vand.u32 $0x7FFFFFFF, v3;
	v8 =	vmul.f32 v8, v16  }
0x51: {  	vm2 =	vmmov vm3;
	s10 =	sadd.s32 $0x80, s10;
	v9 =	vld [tilespmem:s9+$0x1010];
	v11 =	vmul.f32 $-2.000000000e+00, v12;
	(erf) = vrcp.f32 v17;
	v10 =	vpop (erf)  }
0x52: {  	v12 =	vld [tilespmem:s9+$0x2010]  }
0x53: {  	v13 =	vld [tilespmem:s9+$0x1000]  }
0x54: {  	v14 =	vld [tilespmem:s9+$0x2000];
	_ =	sdelay $0x1  }
0x55: {  	v11 =	vmul.f32 $1.442695020e+00, v11  }
0x56: {  	v15 =	vand.u32 $0x7FFFFFFF, v7  }
0x57: {  	v15 =	vmul.f32 $-2.000000000e+00, v15;
	v9 =	vadd.f32 v12, v9  }
0x58: {  	v51 =	vadd.f32 v14, v13  }
0x59: {  	v52 =	vmul.f32 $1.442695020e+00, v15;
	(erf) = vpow2.f32 v11;
	v11 =	vpop (erf);
	v53 =	vand.u32 $0x7FFFFFFF, v9  }
0x5a: {  	v54 =	vadd.f32 $1.000000000e+00, v11;
	v16 =	vpop (erf);
	v17 =	vand.u32 $0x7FFFFFFF, v51;
	v14 =	vmul.f32 $-2.000000000e+00, v53  }
0x5b: {  	(erf) = vpow2.f32 v52;
	v55 =	vadd.f32 $1.000000000e+00, v16;
	v17 =	vmul.f32 $-2.000000000e+00, v17  }
0x5c: {  	(erf) = vrcp.f32 v54;
	v14 =	vmul.f32 $1.442695020e+00, v14  }
0x5d: {  	(erf) = vrcp.f32 v55;
	v56 =	vmul.f32 $1.442695020e+00, v17  }
0x5e: {  	(erf) = vpow2.f32 v14  }
0x5f: {  	(erf) = vpow2.f32 v56;
	_ =	sdelay $0x1  }
0x60: {  	v57 =	vpop (erf)  }
0x61: {  	v58 =	vpop (erf)  }
0x62: {  	v4 =	vmul.f32 v10, v4;
	v10 =	vsub.f32 $0.0e+00, v8;
	v59 =	vpop (erf)  }
0x63: {  	vm3 =	vlt.f32 v2, $0.0e+00;
	v5 =	vsub.f32 $1.000000000e+00, v5;
	v60 =	vpop (erf)  }
0x64: {  	v2 =	vsub.f32 $0.0e+00, v4;
	v8 =	vsel vm3, v10, v8;
	v18 =	vpop (erf)  }
0x65: {  	vm3 =	vlt.f32 v7, $0.0e+00;
	v5 =	vmul.f32 v57, v5;
	v10 =	vadd.f32 $1.000000000e+00, v59;
	v19 =	vpop (erf)  }
0x66: {  	v2 =	vsel vm1, v2, v4;
	vm1 =	vlt.f32 v0, $0.0e+00;
	v4 =	vadd.f32 $1.000000000e+00, v60;
	v7 =	vpop (erf)  }
0x67: {  	v0 =	vsub.f32 $0.0e+00, v5;
	(erf) = vrcp.f32 v10;
	v10 =	vadd.f32 $1.000000000e+00, v7;
	v61 =	vpop (erf)  }
0x68: {  	v6 =	vmul.f32 v58, v6;
	(erf) = vrcp.f32 v4;
	v4 =	vadd.f32 $1.000000000e+00, v61  }
0x69: {  	vm0 =	vmmov vm0;
	v0 =	vsel vm1, v0, v5;
	(erf) = vrcp.f32 v10  }
0x6a: {  	v5 =	vsub.f32 $1.000000000e+00, v11;
	(erf) = vrcp.f32 v4;
	v4 =	vsub.f32 $0.0e+00, v6  }
0x6b: {  	vm0 =	vmmov vm0;
	vm1 =	vmmov vm2  }
0x6c: {  	v5 =	vmul.f32 v18, v5;
	v4 =	vsel vm1, v4, v6;
	v6 =	vsub.f32 $1.000000000e+00, v16  }
0x6d: {  	vm0 =	vmmov vm0;
	vm4 =	vlt.f32 v51, $0.0e+00  }
0x6e: {  	v62 =	vsub.f32 $1.000000000e+00, v59;
	v11 =	vsub.f32 $0.0e+00, v5;
	v6 =	vmul.f32 v19, v6  }
0x6f: {  	vm2 =	vmmov vm4;
	v7 =	vsub.f32 $1.000000000e+00, v7;
	v10 =	vsub.f32 $1.000000000e+00, v60  }
0x70: {  	[tilespmem:s5+$0x3010] =	vst v8;
	v8 =	vpop (erf);
	vm1 =	vmmov vm3;
	vm3 =	vlt.f32 v1, $0.0e+00;
	v1 =	vsub.f32 $0.0e+00, v6  }
0x71: {  	[tilespmem:s5+$0x3000] =	vst v2;
	vm1 =	vmmov vm1;
	v2 =	vsel vm3, v11, v5;
	v5 =	vmul.f32 v8, v62;
	v8 =	vpop (erf)  }
0x72: {  	[tilespmem:s25+$0x3010] =	vst v0;
	v0 =	vsel vm0, v1, v6;
	v1 =	vsub.f32 $1.000000000e+00, v61;
	v6 =	vmul.f32 v8, v10;
	v8 =	vpop (erf)  }
0x73: {  	[tilespmem:s25+$0x3000] =	vst v4;
	v4 =	vsub.f32 $0.0e+00, v5;
	vm0 =	vmmov vm1;
	v7 =	vmul.f32 v8, v7;
	v8 =	vpop (erf)  }
0x74: {  	[tilespmem:s6+$0x3010] =	vst v2;
	vm1 =	vlt.f32 v3, $0.0e+00;
	v2 =	vsub.f32 $0.0e+00, v6;
	v1 =	vmul.f32 v8, v1  }
0x75: {  	vm2 =	vmmov vm2;
	[tilespmem:s6+$0x3000] =	vst v0;
	v0 =	vsel vm1, v4, v5;
	v3 =	vsub.f32 $0.0e+00, v7  }
0x76: {  	[tilespmem:s8+$0x3010] =	vst v0;
	v0 =	vsel vm0, v2, v6;
	vm0 =	vlt.f32 v9, $0.0e+00;
	v2 =	vsub.f32 $0.0e+00, v1  }
0x77: {  	vm1 =	vmmov vm2;
	[tilespmem:s8+$0x3000] =	vst v0;
	v0 =	vsel vm0, v3, v7  }
0x78: {  	[tilespmem:s9+$0x3010] =	vst v0;
	v0 =	vsel vm1, v2, v1  }
0x79: {  	s10 =	simm.s32 $0x0;
	[tilespmem:s9+$0x3000] =	vst v0  }
0x7a: {  	[hbm4b:s7+s10] =	stream.linear.scatter [tilespmem:s0], [sflag:$0x3], $0x1000, $0x38;
	[tilespmem:$0x4000] =	vst v63  }
0x7b: {  	_ =	swait.ge [sflag:s24], $0x1000  }
0x7c: {  	[sflag:s24] =	ssyncset.done $0x0  }
0x7d: {  	[sflag:s24] =	ssyncadd.s32 $0xFFFFF000  }
0x7e: {  	[tilespmem:s28], [sflag:$0x1] =	stream.indirect.gather [hbm4b:s3+s26], $0x20, s26, s26, $0xb8;
	[tilespmem:$0x4000] =	vst v63  }
0x7f: {  	s25 =	simm.s32 $0x880  }
0x80: {  	[tilespmem:s29], [sflag:$0x2] =	stream.indirect.gather [hbm4b:s4+s26], $0x20, s25, s26, $0xb8;
	[tilespmem:$0x4000] =	vst v63  }
0x81: {  	_ =	swait.ge [sflag:s30], $0x1000  }
0x82: {  	[sflag:s30] =	ssyncset.done $0x0  }
0x83: {  	[sflag:s30] =	ssyncadd.s32 $0xFFFFF000  }
0x84: {  	_ =	swait.ge [sflag:s31], $0x1000  }
0x85: {  	[sflag:s31] =	ssyncset.done $0x0  }
0x86: {  	s5 =	simm.s32 $0x0;
	[sflag:s31] =	ssyncadd.s32 $0xFFFFF000  }
0x87: {  	v0 =	vld [tilespmem:s5+$0x1010]  }
0x88: {  	v1 =	vld [tilespmem:s5+$0x2010]  }
0x89: {  	v3 =	vld [tilespmem:s5+$0x1000]  }
0x8a: {  	v4 =	vld [tilespmem:s5+$0x2000];
	_ =	sdelay $0x2  }
0x8b: {  	s25 =	simm.s32 $0x20  }
0x8c: {  	v6 =	vld [tilespmem:s25+$0x1000];
	v2 =	vadd.f32 v1, v0  }
0x8d: {  	v7 =	vld [tilespmem:s25+$0x2000];
	v3 =	vadd.f32 v4, v3  }
0x8e: {  	v1 =	vld [tilespmem:s25+$0x1010];
	v0 =	vand.u32 $0x7FFFFFFF, v2  }
0x8f: {  	v4 =	vld [tilespmem:s25+$0x2010];
	v5 =	vand.u32 $0x7FFFFFFF, v3;
	v0 =	vmul.f32 $-2.000000000e+00, v0  }
0x90: {  	v5 =	vmul.f32 $-2.000000000e+00, v5  }
0x91: {  	v0 =	vmul.f32 $1.442695020e+00, v0  }
0x92: {  	v5 =	vmul.f32 $1.442695020e+00, v5  }
0x93: {  	(erf) = vpow2.f32 v0  }
0x94: {  	v0 =	vadd.f32 v4, v1;
	v4 =	vadd.f32 v7, v6;
	(erf) = vpow2.f32 v5  }
0x95: {  	s6 =	simm.s32 $0x40  }
0x96: {  	v8 =	vld [tilespmem:s6+$0x1000];
	v7 =	vand.u32 $0x7FFFFFFF, v4  }
0x97: {  	v6 =	vld [tilespmem:s6+$0x2010];
	v1 =	vand.u32 $0x7FFFFFFF, v0;
	v7 =	vmul.f32 $-2.000000000e+00, v7  }
0x98: {  	v5 =	vld [tilespmem:s6+$0x1010];
	v1 =	vmul.f32 $-2.000000000e+00, v1  }
0x99: {  	v9 =	vld [tilespmem:s6+$0x2000];
	v7 =	vmul.f32 $1.442695020e+00, v7  }
0x9a: {  	v1 =	vmul.f32 $1.442695020e+00, v1;
	_ =	sdelay $0x1  }
0x9b: {  	(erf) = vpow2.f32 v1;
	v10 =	vpop (erf)  }
0x9c: {  	v1 =	vadd.f32 v6, v5;
	(erf) = vpow2.f32 v7;
	v11 =	vadd.f32 $1.000000000e+00, v10;
	v7 =	vpop (erf)  }
0x9d: {  	v6 =	vadd.f32 v9, v8;
	v5 =	vadd.f32 $1.000000000e+00, v7  }
0x9e: {  	s8 =	simm.s32 $0x60;
	(erf) = vrcp.f32 v11  }
0x9f: {  	v9 =	vld [tilespmem:s8+$0x1010];
	v8 =	vand.u32 $0x7FFFFFFF, v1;
	(erf) = vrcp.f32 v5;
	v5 =	vand.u32 $0x7FFFFFFF, v6  }
0xa0: {  	vm0 =	vlt.f32 v3, $0.0e+00;
	v3 =	vmul.f32 $-2.000000000e+00, v8;
	v8 =	vld [tilespmem:s8+$0x2010];
	v5 =	vmul.f32 $-2.000000000e+00, v5;
	_ =	sdelay $0x1  }
0xa1: {  	vm1 =	vlt.f32 v4, $0.0e+00;
	v4 =	vsub.f32 $1.000000000e+00, v7;
	v7 =	vld [tilespmem:s8+$0x2000]  }
0xa2: {  	vm0 =	vmmov vm0;
	v11 =	vld [tilespmem:s8+$0x1000];
	v3 =	vmul.f32 $1.442695020e+00, v3  }
0xa3: {  	vm2 =	vmmov vm0;
	vm0 =	vlt.f32 v6, $0.0e+00;
	v6 =	vmul.f32 $1.442695020e+00, v5;
	v5 =	vpop (erf)  }
0xa4: {  	(erf) = vpow2.f32 v3;
	v3 =	vadd.f32 v8, v9;
	v8 =	vpop (erf)  }
0xa5: {  	v9 =	vsub.f32 $1.000000000e+00, v10;
	v10 =	vadd.f32 $1.000000000e+00, v8  }
0xa6: {  	vm3 =	vmmov vm1;
	vm1 =	vmmov vm2;
	v63 =	vadd.f32 $1.000000000e+00, v5  }
0xa7: {  	v7 =	vadd.f32 v7, v11;
	v11 =	vand.u32 $0x7FFFFFFF, v3;
	(erf) = vpow2.f32 v6  }
0xa8: {  	s9 =	simm.s32 $0x80;
	v11 =	vmul.f32 $-2.000000000e+00, v11;
	v6 =	vsub.f32 $1.000000000e+00, v8;
	(erf) = vrcp.f32 v63;
	v8 =	vpop (erf)  }
0xa9: {  	s10 =	simm.s32 $0x280;
	vm2 =	vmmov vm3;
	v8 =	vmul.f32 v8, v9;
	v9 =	vld [tilespmem:s9+$0x1010];
	(erf) = vrcp.f32 v10;
	v10 =	vpop (erf)  }
.LBB2_4:
0xaa: {  	v13 =	vand.u32 $0x7FFFFFFF, v7  }
0xab: {  	p0 =	sne.s32 s10, $0x3F80;
	v12 =	vld [tilespmem:s9+$0x2010];
	v10 =	vmul.f32 v10, v4;
	v14 =	vsub.f32 $0.0e+00, v8;
	v4 =	vmovc v6;
	vm3 =	vmmov vm0  }
0xac: {  	vm4 =	vlt.f32 v2, $0.0e+00;
	v2 =	vmovc v0;
	v0 =	vmovc v1;
	v15 =	vld [tilespmem:s9+$0x1000];
	v6 =	vmul.f32 $-2.000000000e+00, v13;
	v16 =	vmul.f32 $1.442695020e+00, v11  }
0xad: {  	vm0 =	vlt.f32 v7, $0.0e+00;
	v1 =	vmovc v3;
	v13 =	vld [tilespmem:s9+$0x2000];
	v7 =	vsub.f32 $0.0e+00, v10;
	v8 =	vsel vm4, v14, v8  }
0xae: {  	v6 =	vmul.f32 $1.442695020e+00, v6;
	(erf) = vpow2.f32 v16;
	v11 =	vpop (erf);
	[tilespmem:s5+$0x3010] =	vst v8  }
.Ltmp1:
0xaf: {  	v14 =	vadd.f32 $1.000000000e+00, v11;
	v7 =	vsel vm1, v7, v10;
	vm1 =	vmmov vm2;
	(pc) =	sbr.rel @p0 .LBB2_4-.Ltmp1, $4  }
0xb0: {  	v16 =	vsub.f32 $1.000000000e+00, v5;
	v3 =	vadd.f32 v12, v9;
	(erf) = vpow2.f32 v6;
	v9 =	vpop (erf);
	[tilespmem:s5+$0x3000] =	vst v7;
	s5 =	smov.u32 s25;
	s25 =	smov.u32 s6;
	s6 =	smov.u32 s8  }
0xb1: {  	s8 =	smov.u32 s9;
	v6 =	vsub.f32 $1.000000000e+00, v9;
	v17 =	vadd.f32 $1.000000000e+00, v9;
	(erf) = vrcp.f32 v14;
	v8 =	vpop (erf)  }
0xb2: {  	v5 =	vmovc v11;
	s9 =	sshra.s32 s10, $0x2;
	v7 =	vadd.f32 v13, v15;
	v12 =	vand.u32 $0x7FFFFFFF, v3;
	v8 =	vmul.f32 v8, v16  }
0xb3: {  	vm2 =	vmmov vm3;
	s10 =	sadd.s32 $0x80, s10;
	v9 =	vld [tilespmem:s9+$0x1010];
	v11 =	vmul.f32 $-2.000000000e+00, v12;
	(erf) = vrcp.f32 v17;
	v10 =	vpop (erf)  }
0xb4: {  	v12 =	vld [tilespmem:s9+$0x2010]  }
0xb5: {  	v13 =	vld [tilespmem:s9+$0x1000]  }
0xb6: {  	v14 =	vld [tilespmem:s9+$0x2000];
	_ =	sdelay $0x1  }
0xb7: {  	v11 =	vmul.f32 $1.442695020e+00, v11  }
0xb8: {  	v15 =	vand.u32 $0x7FFFFFFF, v7  }
0xb9: {  	v15 =	vmul.f32 $-2.000000000e+00, v15;
	v9 =	vadd.f32 v12, v9  }
0xba: {  	v51 =	vadd.f32 v14, v13  }
0xbb: {  	v52 =	vmul.f32 $1.442695020e+00, v15;
	(erf) = vpow2.f32 v11;
	v11 =	vpop (erf);
	v53 =	vand.u32 $0x7FFFFFFF, v9  }
0xbc: {  	v54 =	vadd.f32 $1.000000000e+00, v11;
	v16 =	vpop (erf);
	v17 =	vand.u32 $0x7FFFFFFF, v51;
	v14 =	vmul.f32 $-2.000000000e+00, v53  }
0xbd: {  	(erf) = vpow2.f32 v52;
	v55 =	vadd.f32 $1.000000000e+00, v16;
	v17 =	vmul.f32 $-2.000000000e+00, v17  }
0xbe: {  	(erf) = vrcp.f32 v54;
	v14 =	vmul.f32 $1.442695020e+00, v14  }
0xbf: {  	(erf) = vrcp.f32 v55;
	v56 =	vmul.f32 $1.442695020e+00, v17  }
0xc0: {  	(erf) = vpow2.f32 v14  }
0xc1: {  	(erf) = vpow2.f32 v56;
	_ =	sdelay $0x1  }
0xc2: {  	v57 =	vpop (erf)  }
0xc3: {  	v58 =	vpop (erf)  }
0xc4: {  	v4 =	vmul.f32 v10, v4;
	v10 =	vsub.f32 $0.0e+00, v8;
	v59 =	vpop (erf)  }
0xc5: {  	vm3 =	vlt.f32 v2, $0.0e+00;
	v5 =	vsub.f32 $1.000000000e+00, v5;
	v60 =	vpop (erf)  }
0xc6: {  	v2 =	vsub.f32 $0.0e+00, v4;
	v8 =	vsel vm3, v10, v8;
	v18 =	vpop (erf)  }
0xc7: {  	vm3 =	vlt.f32 v7, $0.0e+00;
	v5 =	vmul.f32 v57, v5;
	v10 =	vadd.f32 $1.000000000e+00, v59;
	v19 =	vpop (erf)  }
0xc8: {  	v2 =	vsel vm1, v2, v4;
	vm1 =	vlt.f32 v0, $0.0e+00;
	v4 =	vadd.f32 $1.000000000e+00, v60;
	v7 =	vpop (erf)  }
0xc9: {  	v0 =	vsub.f32 $0.0e+00, v5;
	(erf) = vrcp.f32 v10;
	v10 =	vadd.f32 $1.000000000e+00, v7;
	v61 =	vpop (erf)  }
0xca: {  	v6 =	vmul.f32 v58, v6;
	(erf) = vrcp.f32 v4;
	v4 =	vadd.f32 $1.000000000e+00, v61  }
0xcb: {  	vm0 =	vmmov vm0;
	v0 =	vsel vm1, v0, v5;
	(erf) = vrcp.f32 v10  }
0xcc: {  	v5 =	vsub.f32 $1.000000000e+00, v11;
	(erf) = vrcp.f32 v4;
	v4 =	vsub.f32 $0.0e+00, v6  }
0xcd: {  	vm0 =	vmmov vm0;
	vm1 =	vmmov vm2  }
0xce: {  	v5 =	vmul.f32 v18, v5;
	v4 =	vsel vm1, v4, v6;
	v6 =	vsub.f32 $1.000000000e+00, v16  }
0xcf: {  	vm0 =	vmmov vm0;
	vm4 =	vlt.f32 v51, $0.0e+00  }
0xd0: {  	v62 =	vsub.f32 $1.000000000e+00, v59;
	v11 =	vsub.f32 $0.0e+00, v5;
	v6 =	vmul.f32 v19, v6  }
0xd1: {  	vm2 =	vmmov vm4;
	v7 =	vsub.f32 $1.000000000e+00, v7;
	v10 =	vsub.f32 $1.000000000e+00, v60  }
0xd2: {  	[tilespmem:s5+$0x3010] =	vst v8;
	v8 =	vpop (erf);
	vm1 =	vmmov vm3;
	vm3 =	vlt.f32 v1, $0.0e+00;
	v1 =	vsub.f32 $0.0e+00, v6  }
0xd3: {  	[tilespmem:s5+$0x3000] =	vst v2;
	vm1 =	vmmov vm1;
	v2 =	vsel vm3, v11, v5;
	v5 =	vmul.f32 v8, v62;
	v8 =	vpop (erf)  }
0xd4: {  	[tilespmem:s25+$0x3010] =	vst v0;
	v0 =	vsel vm0, v1, v6;
	v1 =	vsub.f32 $1.000000000e+00, v61;
	v6 =	vmul.f32 v8, v10;
	v8 =	vpop (erf)  }
0xd5: {  	[tilespmem:s25+$0x3000] =	vst v4;
	v4 =	vsub.f32 $0.0e+00, v5;
	vm0 =	vmmov vm1;
	v7 =	vmul.f32 v8, v7;
	v8 =	vpop (erf)  }
0xd6: {  	[tilespmem:s6+$0x3010] =	vst v2;
	vm1 =	vlt.f32 v3, $0.0e+00;
	v2 =	vsub.f32 $0.0e+00, v6;
	v1 =	vmul.f32 v8, v1  }
0xd7: {  	vm2 =	vmmov vm2;
	[tilespmem:s6+$0x3000] =	vst v0;
	v0 =	vsel vm1, v4, v5;
	v3 =	vsub.f32 $0.0e+00, v7  }
0xd8: {  	[tilespmem:s8+$0x3010] =	vst v0;
	v0 =	vsel vm0, v2, v6;
	vm0 =	vlt.f32 v9, $0.0e+00;
	v2 =	vsub.f32 $0.0e+00, v1  }
0xd9: {  	vm1 =	vmmov vm2;
	[tilespmem:s8+$0x3000] =	vst v0;
	v0 =	vsel vm0, v3, v7  }
0xda: {  	[tilespmem:s9+$0x3010] =	vst v0;
	v0 =	vsel vm1, v2, v1  }
0xdb: {  	s8 =	simm.s32 $0x0;
	[tilespmem:s9+$0x3000] =	vst v0;
	s9 =	rddreg [dreg:$0x5]  }
0xdc: {  	[hbm4b:s9+s8] =	stream.linear.scatter [tilespmem:s0], [sflag:$0x3], $0x1000, $0x38;
	[tilespmem:$0x4000] =	vst v63  }
0xdd: {  	_ =	swait.ge [sflag:s24], $0x1000  }
0xde: {  	[sflag:s24] =	ssyncset.done $0x0  }
0xdf: {  	s10 =	simm.s32 $0x100;
	[sflag:s24] =	ssyncadd.s32 $0xFFFFF000  }
0xe0: {  	[tilespmem:s28], [sflag:$0x1] =	stream.indirect.gather [hbm4b:s3+s26], $0x20, s10, s26, $0xb8;
	[tilespmem:$0x4000] =	vst v63  }
0xe1: {  	s25 =	simm.s32 $0x900  }
0xe2: {  	[tilespmem:s29], [sflag:$0x2] =	stream.indirect.gather [hbm4b:s4+s26], $0x20, s25, s26, $0xb8;
	[tilespmem:$0x4000] =	vst v63  }
0xe3: {  	_ =	swait.ge [sflag:s30], $0x1000  }
0xe4: {  	[sflag:s30] =	ssyncset.done $0x0  }
0xe5: {  	[sflag:s30] =	ssyncadd.s32 $0xFFFFF000  }
0xe6: {  	_ =	swait.ge [sflag:s31], $0x1000  }
0xe7: {  	[sflag:s31] =	ssyncset.done $0x0  }
0xe8: {  	s5 =	simm.s32 $0x0;
	[sflag:s31] =	ssyncadd.s32 $0xFFFFF000  }
0xe9: {  	v0 =	vld [tilespmem:s5+$0x1010]  }
0xea: {  	v1 =	vld [tilespmem:s5+$0x2010]  }
0xeb: {  	v3 =	vld [tilespmem:s5+$0x1000]  }
0xec: {  	v4 =	vld [tilespmem:s5+$0x2000];
	_ =	sdelay $0x2  }
0xed: {  	s25 =	simm.s32 $0x20  }
0xee: {  	v6 =	vld [tilespmem:s25+$0x1000];
	v2 =	vadd.f32 v1, v0  }
0xef: {  	v7 =	vld [tilespmem:s25+$0x2000];
	v3 =	vadd.f32 v4, v3  }
0xf0: {  	v1 =	vld [tilespmem:s25+$0x1010];
	v0 =	vand.u32 $0x7FFFFFFF, v2  }
0xf1: {  	v4 =	vld [tilespmem:s25+$0x2010];
	v5 =	vand.u32 $0x7FFFFFFF, v3;
	v0 =	vmul.f32 $-2.000000000e+00, v0  }
0xf2: {  	v5 =	vmul.f32 $-2.000000000e+00, v5  }
0xf3: {  	v0 =	vmul.f32 $1.442695020e+00, v0  }
0xf4: {  	v5 =	vmul.f32 $1.442695020e+00, v5  }
0xf5: {  	(erf) = vpow2.f32 v0  }
0xf6: {  	v0 =	vadd.f32 v4, v1;
	v4 =	vadd.f32 v7, v6;
	(erf) = vpow2.f32 v5  }
0xf7: {  	s6 =	simm.s32 $0x40  }
0xf8: {  	v8 =	vld [tilespmem:s6+$0x1000];
	v7 =	vand.u32 $0x7FFFFFFF, v4  }
0xf9: {  	v6 =	vld [tilespmem:s6+$0x2010];
	v1 =	vand.u32 $0x7FFFFFFF, v0;
	v7 =	vmul.f32 $-2.000000000e+00, v7  }
0xfa: {  	v5 =	vld [tilespmem:s6+$0x1010];
	v1 =	vmul.f32 $-2.000000000e+00, v1  }
0xfb: {  	v9 =	vld [tilespmem:s6+$0x2000];
	v7 =	vmul.f32 $1.442695020e+00, v7  }
0xfc: {  	v1 =	vmul.f32 $1.442695020e+00, v1;
	_ =	sdelay $0x1  }
0xfd: {  	(erf) = vpow2.f32 v1;
	v10 =	vpop (erf)  }
0xfe: {  	v1 =	vadd.f32 v6, v5;
	(erf) = vpow2.f32 v7;
	v11 =	vadd.f32 $1.000000000e+00, v10;
	v7 =	vpop (erf)  }
0xff: {  	v6 =	vadd.f32 v9, v8;
	v5 =	vadd.f32 $1.000000000e+00, v7  }
0x100: {  	s8 =	simm.s32 $0x60;
	(erf) = vrcp.f32 v11  }
0x101: {  	v9 =	vld [tilespmem:s8+$0x1010];
	v8 =	vand.u32 $0x7FFFFFFF, v1;
	(erf) = vrcp.f32 v5;
	v5 =	vand.u32 $0x7FFFFFFF, v6  }
0x102: {  	vm0 =	vlt.f32 v3, $0.0e+00;
	v3 =	vmul.f32 $-2.000000000e+00, v8;
	v8 =	vld [tilespmem:s8+$0x2010];
	v5 =	vmul.f32 $-2.000000000e+00, v5;
	_ =	sdelay $0x1  }
0x103: {  	vm1 =	vlt.f32 v4, $0.0e+00;
	v4 =	vsub.f32 $1.000000000e+00, v7;
	v7 =	vld [tilespmem:s8+$0x2000]  }
0x104: {  	vm0 =	vmmov vm0;
	v11 =	vld [tilespmem:s8+$0x1000];
	v3 =	vmul.f32 $1.442695020e+00, v3  }
0x105: {  	vm2 =	vmmov vm0;
	vm0 =	vlt.f32 v6, $0.0e+00;
	v6 =	vmul.f32 $1.442695020e+00, v5;
	v5 =	vpop (erf)  }
0x106: {  	(erf) = vpow2.f32 v3;
	v3 =	vadd.f32 v8, v9;
	v8 =	vpop (erf)  }
0x107: {  	v9 =	vsub.f32 $1.000000000e+00, v10;
	v10 =	vadd.f32 $1.000000000e+00, v8  }
0x108: {  	vm3 =	vmmov vm1;
	vm1 =	vmmov vm2;
	v63 =	vadd.f32 $1.000000000e+00, v5  }
0x109: {  	v7 =	vadd.f32 v7, v11;
	v11 =	vand.u32 $0x7FFFFFFF, v3;
	(erf) = vpow2.f32 v6  }
0x10a: {  	s9 =	simm.s32 $0x80;
	v11 =	vmul.f32 $-2.000000000e+00, v11;
	v6 =	vsub.f32 $1.000000000e+00, v8;
	(erf) = vrcp.f32 v63;
	v8 =	vpop (erf)  }
0x10b: {  	s10 =	simm.s32 $0x280;
	vm2 =	vmmov vm3;
	v8 =	vmul.f32 v8, v9;
	v9 =	vld [tilespmem:s9+$0x1010];
	(erf) = vrcp.f32 v10;
	v10 =	vpop (erf)  }
.LBB2_6:
0x10c: {  	v13 =	vand.u32 $0x7FFFFFFF, v7  }
0x10d: {  	p0 =	sne.s32 s10, $0x3F80;
	v12 =	vld [tilespmem:s9+$0x2010];
	v10 =	vmul.f32 v10, v4;
	v14 =	vsub.f32 $0.0e+00, v8;
	v4 =	vmovc v6;
	vm3 =	vmmov vm0  }
0x10e: {  	vm4 =	vlt.f32 v2, $0.0e+00;
	v2 =	vmovc v0;
	v0 =	vmovc v1;
	v15 =	vld [tilespmem:s9+$0x1000];
	v6 =	vmul.f32 $-2.000000000e+00, v13;
	v16 =	vmul.f32 $1.442695020e+00, v11  }
0x10f: {  	vm0 =	vlt.f32 v7, $0.0e+00;
	v1 =	vmovc v3;
	v13 =	vld [tilespmem:s9+$0x2000];
	v7 =	vsub.f32 $0.0e+00, v10;
	v8 =	vsel vm4, v14, v8  }
0x110: {  	v6 =	vmul.f32 $1.442695020e+00, v6;
	(erf) = vpow2.f32 v16;
	v11 =	vpop (erf);
	[tilespmem:s5+$0x3010] =	vst v8  }
.Ltmp2:
0x111: {  	v14 =	vadd.f32 $1.000000000e+00, v11;
	v7 =	vsel vm1, v7, v10;
	vm1 =	vmmov vm2;
	(pc) =	sbr.rel @p0 .LBB2_6-.Ltmp2, $4  }
0x112: {  	v16 =	vsub.f32 $1.000000000e+00, v5;
	v3 =	vadd.f32 v12, v9;
	(erf) = vpow2.f32 v6;
	v9 =	vpop (erf);
	[tilespmem:s5+$0x3000] =	vst v7;
	s5 =	smov.u32 s25;
	s25 =	smov.u32 s6;
	s6 =	smov.u32 s8  }
0x113: {  	s8 =	smov.u32 s9;
	v6 =	vsub.f32 $1.000000000e+00, v9;
	v17 =	vadd.f32 $1.000000000e+00, v9;
	(erf) = vrcp.f32 v14;
	v8 =	vpop (erf)  }
0x114: {  	v5 =	vmovc v11;
	s9 =	sshra.s32 s10, $0x2;
	v7 =	vadd.f32 v13, v15;
	v12 =	vand.u32 $0x7FFFFFFF, v3;
	v8 =	vmul.f32 v8, v16  }
0x115: {  	vm2 =	vmmov vm3;
	s10 =	sadd.s32 $0x80, s10;
	v9 =	vld [tilespmem:s9+$0x1010];
	v11 =	vmul.f32 $-2.000000000e+00, v12;
	(erf) = vrcp.f32 v17;
	v10 =	vpop (erf)  }
0x116: {  	v12 =	vld [tilespmem:s9+$0x2010]  }
0x117: {  	v13 =	vld [tilespmem:s9+$0x1000]  }
0x118: {  	v14 =	vld [tilespmem:s9+$0x2000];
	_ =	sdelay $0x1  }
0x119: {  	v11 =	vmul.f32 $1.442695020e+00, v11  }
0x11a: {  	v15 =	vand.u32 $0x7FFFFFFF, v7  }
0x11b: {  	v15 =	vmul.f32 $-2.000000000e+00, v15;
	v9 =	vadd.f32 v12, v9  }
0x11c: {  	v51 =	vadd.f32 v14, v13  }
0x11d: {  	v52 =	vmul.f32 $1.442695020e+00, v15;
	(erf) = vpow2.f32 v11;
	v11 =	vpop (erf);
	v53 =	vand.u32 $0x7FFFFFFF, v9  }
0x11e: {  	v54 =	vadd.f32 $1.000000000e+00, v11;
	v16 =	vpop (erf);
	v17 =	vand.u32 $0x7FFFFFFF, v51;
	v14 =	vmul.f32 $-2.000000000e+00, v53  }
0x11f: {  	(erf) = vpow2.f32 v52;
	v55 =	vadd.f32 $1.000000000e+00, v16;
	v17 =	vmul.f32 $-2.000000000e+00, v17  }
0x120: {  	(erf) = vrcp.f32 v54;
	v14 =	vmul.f32 $1.442695020e+00, v14  }
0x121: {  	(erf) = vrcp.f32 v55;
	v56 =	vmul.f32 $1.442695020e+00, v17  }
0x122: {  	(erf) = vpow2.f32 v14  }
0x123: {  	(erf) = vpow2.f32 v56;
	_ =	sdelay $0x1  }
0x124: {  	v57 =	vpop (erf)  }
0x125: {  	v58 =	vpop (erf)  }
0x126: {  	v4 =	vmul.f32 v10, v4;
	v10 =	vsub.f32 $0.0e+00, v8;
	v59 =	vpop (erf)  }
0x127: {  	vm3 =	vlt.f32 v2, $0.0e+00;
	v5 =	vsub.f32 $1.000000000e+00, v5;
	v60 =	vpop (erf)  }
0x128: {  	v2 =	vsub.f32 $0.0e+00, v4;
	v8 =	vsel vm3, v10, v8;
	v18 =	vpop (erf)  }
0x129: {  	vm3 =	vlt.f32 v7, $0.0e+00;
	v5 =	vmul.f32 v57, v5;
	v10 =	vadd.f32 $1.000000000e+00, v59;
	v19 =	vpop (erf)  }
0x12a: {  	v2 =	vsel vm1, v2, v4;
	vm1 =	vlt.f32 v0, $0.0e+00;
	v4 =	vadd.f32 $1.000000000e+00, v60;
	v7 =	vpop (erf)  }
0x12b: {  	v0 =	vsub.f32 $0.0e+00, v5;
	(erf) = vrcp.f32 v10;
	v10 =	vadd.f32 $1.000000000e+00, v7;
	v61 =	vpop (erf)  }
0x12c: {  	v6 =	vmul.f32 v58, v6;
	(erf) = vrcp.f32 v4;
	v4 =	vadd.f32 $1.000000000e+00, v61  }
0x12d: {  	vm0 =	vmmov vm0;
	v0 =	vsel vm1, v0, v5;
	(erf) = vrcp.f32 v10  }
0x12e: {  	v5 =	vsub.f32 $1.000000000e+00, v11;
	(erf) = vrcp.f32 v4;
	v4 =	vsub.f32 $0.0e+00, v6  }
0x12f: {  	vm0 =	vmmov vm0;
	vm1 =	vmmov vm2  }
0x130: {  	v5 =	vmul.f32 v18, v5;
	v4 =	vsel vm1, v4, v6;
	v6 =	vsub.f32 $1.000000000e+00, v16  }
0x131: {  	vm0 =	vmmov vm0;
	vm4 =	vlt.f32 v51, $0.0e+00  }
0x132: {  	v62 =	vsub.f32 $1.000000000e+00, v59;
	v11 =	vsub.f32 $0.0e+00, v5;
	v6 =	vmul.f32 v19, v6  }
0x133: {  	vm2 =	vmmov vm4;
	v7 =	vsub.f32 $1.000000000e+00, v7;
	v10 =	vsub.f32 $1.000000000e+00, v60  }
0x134: {  	[tilespmem:s5+$0x3010] =	vst v8;
	v8 =	vpop (erf);
	vm1 =	vmmov vm3;
	vm3 =	vlt.f32 v1, $0.0e+00;
	v1 =	vsub.f32 $0.0e+00, v6  }
0x135: {  	[tilespmem:s5+$0x3000] =	vst v2;
	vm1 =	vmmov vm1;
	v2 =	vsel vm3, v11, v5;
	v5 =	vmul.f32 v8, v62;
	v8 =	vpop (erf)  }
0x136: {  	[tilespmem:s25+$0x3010] =	vst v0;
	v0 =	vsel vm0, v1, v6;
	v1 =	vsub.f32 $1.000000000e+00, v61;
	v6 =	vmul.f32 v8, v10;
	v8 =	vpop (erf)  }
0x137: {  	[tilespmem:s25+$0x3000] =	vst v4;
	v4 =	vsub.f32 $0.0e+00, v5;
	vm0 =	vmmov vm1;
	v7 =	vmul.f32 v8, v7;
	v8 =	vpop (erf)  }
0x138: {  	[tilespmem:s6+$0x3010] =	vst v2;
	vm1 =	vlt.f32 v3, $0.0e+00;
	v2 =	vsub.f32 $0.0e+00, v6;
	v1 =	vmul.f32 v8, v1  }
0x139: {  	vm2 =	vmmov vm2;
	[tilespmem:s6+$0x3000] =	vst v0;
	v0 =	vsel vm1, v4, v5;
	v3 =	vsub.f32 $0.0e+00, v7  }
0x13a: {  	[tilespmem:s8+$0x3010] =	vst v0;
	v0 =	vsel vm0, v2, v6;
	vm0 =	vlt.f32 v9, $0.0e+00;
	v2 =	vsub.f32 $0.0e+00, v1  }
0x13b: {  	vm1 =	vmmov vm2;
	[tilespmem:s8+$0x3000] =	vst v0;
	v0 =	vsel vm0, v3, v7  }
0x13c: {  	[tilespmem:s9+$0x3010] =	vst v0;
	v0 =	vsel vm1, v2, v1  }
0x13d: {  	s8 =	simm.s32 $0x0;
	[tilespmem:s9+$0x3000] =	vst v0;
	s9 =	rddreg [dreg:$0x6]  }
0x13e: {  	[hbm4b:s9+s8] =	stream.linear.scatter [tilespmem:s0], [sflag:$0x3], $0x1000, $0x38;
	[tilespmem:$0x4000] =	vst v63  }
0x13f: {  	_ =	swait.ge [sflag:s24], $0x1000  }
0x140: {  	[sflag:s24] =	ssyncset.done $0x0  }
0x141: {  	s10 =	simm.s32 $0x180;
	[sflag:s24] =	ssyncadd.s32 $0xFFFFF000  }
0x142: {  	[tilespmem:s28], [sflag:$0x1] =	stream.indirect.gather [hbm4b:s3+s26], $0x20, s10, s26, $0xb8;
	[tilespmem:$0x4000] =	vst v63  }
0x143: {  	s25 =	simm.s32 $0x980  }
0x144: {  	[tilespmem:s29], [sflag:$0x2] =	stream.indirect.gather [hbm4b:s4+s26], $0x20, s25, s26, $0xb8;
	[tilespmem:$0x4000] =	vst v63  }
0x145: {  	_ =	swait.ge [sflag:s30], $0x1000  }
0x146: {  	[sflag:s30] =	ssyncset.done $0x0  }
0x147: {  	[sflag:s30] =	ssyncadd.s32 $0xFFFFF000  }
0x148: {  	_ =	swait.ge [sflag:s31], $0x1000  }
0x149: {  	[sflag:s31] =	ssyncset.done $0x0  }
0x14a: {  	s5 =	simm.s32 $0x0;
	[sflag:s31] =	ssyncadd.s32 $0xFFFFF000  }
0x14b: {  	v0 =	vld [tilespmem:s5+$0x1010]  }
0x14c: {  	v1 =	vld [tilespmem:s5+$0x2010]  }
0x14d: {  	v3 =	vld [tilespmem:s5+$0x1000]  }
0x14e: {  	v4 =	vld [tilespmem:s5+$0x2000];
	_ =	sdelay $0x2  }
0x14f: {  	s25 =	simm.s32 $0x20  }
0x150: {  	v6 =	vld [tilespmem:s25+$0x1000];
	v2 =	vadd.f32 v1, v0  }
0x151: {  	v7 =	vld [tilespmem:s25+$0x2000];
	v3 =	vadd.f32 v4, v3  }
0x152: {  	v1 =	vld [tilespmem:s25+$0x1010];
	v0 =	vand.u32 $0x7FFFFFFF, v2  }
0x153: {  	v4 =	vld [tilespmem:s25+$0x2010];
	v5 =	vand.u32 $0x7FFFFFFF, v3;
	v0 =	vmul.f32 $-2.000000000e+00, v0  }
0x154: {  	v5 =	vmul.f32 $-2.000000000e+00, v5  }
0x155: {  	v0 =	vmul.f32 $1.442695020e+00, v0  }
0x156: {  	v5 =	vmul.f32 $1.442695020e+00, v5  }
0x157: {  	(erf) = vpow2.f32 v0  }
0x158: {  	v0 =	vadd.f32 v4, v1;
	v4 =	vadd.f32 v7, v6;
	(erf) = vpow2.f32 v5  }
0x159: {  	s6 =	simm.s32 $0x40  }
0x15a: {  	v8 =	vld [tilespmem:s6+$0x1000];
	v7 =	vand.u32 $0x7FFFFFFF, v4  }
0x15b: {  	v6 =	vld [tilespmem:s6+$0x2010];
	v1 =	vand.u32 $0x7FFFFFFF, v0;
	v7 =	vmul.f32 $-2.000000000e+00, v7  }
0x15c: {  	v5 =	vld [tilespmem:s6+$0x1010];
	v1 =	vmul.f32 $-2.000000000e+00, v1  }
0x15d: {  	v9 =	vld [tilespmem:s6+$0x2000];
	v7 =	vmul.f32 $1.442695020e+00, v7  }
0x15e: {  	v1 =	vmul.f32 $1.442695020e+00, v1;
	_ =	sdelay $0x1  }
0x15f: {  	(erf) = vpow2.f32 v1;
	v10 =	vpop (erf)  }
0x160: {  	v1 =	vadd.f32 v6, v5;
	(erf) = vpow2.f32 v7;
	v11 =	vadd.f32 $1.000000000e+00, v10;
	v7 =	vpop (erf)  }
0x161: {  	v6 =	vadd.f32 v9, v8;
	v5 =	vadd.f32 $1.000000000e+00, v7  }
0x162: {  	s8 =	simm.s32 $0x60;
	(erf) = vrcp.f32 v11  }
0x163: {  	v9 =	vld [tilespmem:s8+$0x1010];
	v8 =	vand.u32 $0x7FFFFFFF, v1;
	(erf) = vrcp.f32 v5;
	v5 =	vand.u32 $0x7FFFFFFF, v6  }
0x164: {  	vm0 =	vlt.f32 v3, $0.0e+00;
	v3 =	vmul.f32 $-2.000000000e+00, v8;
	v8 =	vld [tilespmem:s8+$0x2010];
	v5 =	vmul.f32 $-2.000000000e+00, v5;
	_ =	sdelay $0x1  }
0x165: {  	vm1 =	vlt.f32 v4, $0.0e+00;
	v4 =	vsub.f32 $1.000000000e+00, v7;
	v7 =	vld [tilespmem:s8+$0x2000]  }
0x166: {  	vm0 =	vmmov vm0;
	v11 =	vld [tilespmem:s8+$0x1000];
	v3 =	vmul.f32 $1.442695020e+00, v3  }
0x167: {  	vm2 =	vmmov vm0;
	vm0 =	vlt.f32 v6, $0.0e+00;
	v6 =	vmul.f32 $1.442695020e+00, v5;
	v5 =	vpop (erf)  }
0x168: {  	(erf) = vpow2.f32 v3;
	v3 =	vadd.f32 v8, v9;
	v8 =	vpop (erf)  }
0x169: {  	v9 =	vsub.f32 $1.000000000e+00, v10;
	v10 =	vadd.f32 $1.000000000e+00, v8  }
0x16a: {  	vm3 =	vmmov vm1;
	vm1 =	vmmov vm2;
	v63 =	vadd.f32 $1.000000000e+00, v5  }
0x16b: {  	v7 =	vadd.f32 v7, v11;
	v11 =	vand.u32 $0x7FFFFFFF, v3;
	(erf) = vpow2.f32 v6  }
0x16c: {  	s9 =	simm.s32 $0x80;
	v11 =	vmul.f32 $-2.000000000e+00, v11;
	v6 =	vsub.f32 $1.000000000e+00, v8;
	(erf) = vrcp.f32 v63;
	v8 =	vpop (erf)  }
0x16d: {  	s10 =	simm.s32 $0x280;
	vm2 =	vmmov vm3;
	v8 =	vmul.f32 v8, v9;
	v9 =	vld [tilespmem:s9+$0x1010];
	(erf) = vrcp.f32 v10;
	v10 =	vpop (erf)  }
.LBB2_8:
0x16e: {  	v13 =	vand.u32 $0x7FFFFFFF, v7  }
0x16f: {  	p0 =	sne.s32 s10, $0x3F80;
	v12 =	vld [tilespmem:s9+$0x2010];
	v10 =	vmul.f32 v10, v4;
	v14 =	vsub.f32 $0.0e+00, v8;
	v4 =	vmovc v6;
	vm3 =	vmmov vm0  }
0x170: {  	vm4 =	vlt.f32 v2, $0.0e+00;
	v2 =	vmovc v0;
	v0 =	vmovc v1;
	v15 =	vld [tilespmem:s9+$0x1000];
	v6 =	vmul.f32 $-2.000000000e+00, v13;
	v16 =	vmul.f32 $1.442695020e+00, v11  }
0x171: {  	vm0 =	vlt.f32 v7, $0.0e+00;
	v1 =	vmovc v3;
	v13 =	vld [tilespmem:s9+$0x2000];
	v7 =	vsub.f32 $0.0e+00, v10;
	v8 =	vsel vm4, v14, v8  }
0x172: {  	v6 =	vmul.f32 $1.442695020e+00, v6;
	(erf) = vpow2.f32 v16;
	v11 =	vpop (erf);
	[tilespmem:s5+$0x3010] =	vst v8  }
.Ltmp3:
0x173: {  	v14 =	vadd.f32 $1.000000000e+00, v11;
	v7 =	vsel vm1, v7, v10;
	vm1 =	vmmov vm2;
	(pc) =	sbr.rel @p0 .LBB2_8-.Ltmp3, $4  }
0x174: {  	v16 =	vsub.f32 $1.000000000e+00, v5;
	v3 =	vadd.f32 v12, v9;
	(erf) = vpow2.f32 v6;
	v9 =	vpop (erf);
	[tilespmem:s5+$0x3000] =	vst v7;
	s5 =	smov.u32 s25;
	s25 =	smov.u32 s6;
	s6 =	smov.u32 s8  }
0x175: {  	s8 =	smov.u32 s9;
	v6 =	vsub.f32 $1.000000000e+00, v9;
	v17 =	vadd.f32 $1.000000000e+00, v9;
	(erf) = vrcp.f32 v14;
	v8 =	vpop (erf)  }
0x176: {  	v5 =	vmovc v11;
	s9 =	sshra.s32 s10, $0x2;
	v7 =	vadd.f32 v13, v15;
	v12 =	vand.u32 $0x7FFFFFFF, v3;
	v8 =	vmul.f32 v8, v16  }
0x177: {  	vm2 =	vmmov vm3;
	s10 =	sadd.s32 $0x80, s10;
	v9 =	vld [tilespmem:s9+$0x1010];
	v11 =	vmul.f32 $-2.000000000e+00, v12;
	(erf) = vrcp.f32 v17;
	v10 =	vpop (erf)  }
0x178: {  	v12 =	vld [tilespmem:s9+$0x2010]  }
0x179: {  	v13 =	vld [tilespmem:s9+$0x1000]  }
0x17a: {  	v14 =	vld [tilespmem:s9+$0x2000];
	_ =	sdelay $0x1  }
0x17b: {  	v11 =	vmul.f32 $1.442695020e+00, v11  }
0x17c: {  	v15 =	vand.u32 $0x7FFFFFFF, v7  }
0x17d: {  	v15 =	vmul.f32 $-2.000000000e+00, v15;
	v9 =	vadd.f32 v12, v9  }
0x17e: {  	v51 =	vadd.f32 v14, v13  }
0x17f: {  	v52 =	vmul.f32 $1.442695020e+00, v15;
	(erf) = vpow2.f32 v11;
	v11 =	vpop (erf);
	v53 =	vand.u32 $0x7FFFFFFF, v9  }
0x180: {  	v54 =	vadd.f32 $1.000000000e+00, v11;
	v16 =	vpop (erf);
	v17 =	vand.u32 $0x7FFFFFFF, v51;
	v14 =	vmul.f32 $-2.000000000e+00, v53  }
0x181: {  	(erf) = vpow2.f32 v52;
	v55 =	vadd.f32 $1.000000000e+00, v16;
	v17 =	vmul.f32 $-2.000000000e+00, v17  }
0x182: {  	(erf) = vrcp.f32 v54;
	v14 =	vmul.f32 $1.442695020e+00, v14  }
0x183: {  	(erf) = vrcp.f32 v55;
	v56 =	vmul.f32 $1.442695020e+00, v17  }
0x184: {  	(erf) = vpow2.f32 v14  }
0x185: {  	(erf) = vpow2.f32 v56;
	_ =	sdelay $0x1  }
0x186: {  	v57 =	vpop (erf)  }
0x187: {  	v58 =	vpop (erf)  }
0x188: {  	v4 =	vmul.f32 v10, v4;
	v10 =	vsub.f32 $0.0e+00, v8;
	v59 =	vpop (erf)  }
0x189: {  	vm3 =	vlt.f32 v2, $0.0e+00;
	v5 =	vsub.f32 $1.000000000e+00, v5;
	v60 =	vpop (erf)  }
0x18a: {  	v2 =	vsub.f32 $0.0e+00, v4;
	v8 =	vsel vm3, v10, v8;
	v18 =	vpop (erf)  }
0x18b: {  	vm3 =	vlt.f32 v7, $0.0e+00;
	v5 =	vmul.f32 v57, v5;
	v10 =	vadd.f32 $1.000000000e+00, v59;
	v19 =	vpop (erf)  }
0x18c: {  	v2 =	vsel vm1, v2, v4;
	vm1 =	vlt.f32 v0, $0.0e+00;
	v4 =	vadd.f32 $1.000000000e+00, v60;
	v7 =	vpop (erf)  }
0x18d: {  	v0 =	vsub.f32 $0.0e+00, v5;
	(erf) = vrcp.f32 v10;
	v10 =	vadd.f32 $1.000000000e+00, v7;
	v61 =	vpop (erf)  }
0x18e: {  	v6 =	vmul.f32 v58, v6;
	(erf) = vrcp.f32 v4;
	v4 =	vadd.f32 $1.000000000e+00, v61  }
0x18f: {  	vm0 =	vmmov vm0;
	v0 =	vsel vm1, v0, v5;
	(erf) = vrcp.f32 v10  }
0x190: {  	v5 =	vsub.f32 $1.000000000e+00, v11;
	(erf) = vrcp.f32 v4;
	v4 =	vsub.f32 $0.0e+00, v6  }
0x191: {  	vm0 =	vmmov vm0;
	vm1 =	vmmov vm2  }
0x192: {  	v5 =	vmul.f32 v18, v5;
	v4 =	vsel vm1, v4, v6;
	v6 =	vsub.f32 $1.000000000e+00, v16  }
0x193: {  	vm0 =	vmmov vm0;
	vm4 =	vlt.f32 v51, $0.0e+00  }
0x194: {  	v62 =	vsub.f32 $1.000000000e+00, v59;
	v11 =	vsub.f32 $0.0e+00, v5;
	v6 =	vmul.f32 v19, v6  }
0x195: {  	vm2 =	vmmov vm4;
	v7 =	vsub.f32 $1.000000000e+00, v7;
	v10 =	vsub.f32 $1.000000000e+00, v60  }
0x196: {  	[tilespmem:s5+$0x3010] =	vst v8;
	v8 =	vpop (erf);
	vm1 =	vmmov vm3;
	vm3 =	vlt.f32 v1, $0.0e+00;
	v1 =	vsub.f32 $0.0e+00, v6  }
0x197: {  	[tilespmem:s5+$0x3000] =	vst v2;
	vm1 =	vmmov vm1;
	v2 =	vsel vm3, v11, v5;
	v5 =	vmul.f32 v8, v62;
	v8 =	vpop (erf)  }
0x198: {  	[tilespmem:s25+$0x3010] =	vst v0;
	v0 =	vsel vm0, v1, v6;
	v1 =	vsub.f32 $1.000000000e+00, v61;
	v6 =	vmul.f32 v8, v10;
	v8 =	vpop (erf)  }
0x199: {  	[tilespmem:s25+$0x3000] =	vst v4;
	v4 =	vsub.f32 $0.0e+00, v5;
	vm0 =	vmmov vm1;
	v7 =	vmul.f32 v8, v7;
	v8 =	vpop (erf)  }
0x19a: {  	[tilespmem:s6+$0x3010] =	vst v2;
	vm1 =	vlt.f32 v3, $0.0e+00;
	v2 =	vsub.f32 $0.0e+00, v6;
	v1 =	vmul.f32 v8, v1  }
0x19b: {  	vm2 =	vmmov vm2;
	[tilespmem:s6+$0x3000] =	vst v0;
	v0 =	vsel vm1, v4, v5;
	v3 =	vsub.f32 $0.0e+00, v7  }
0x19c: {  	[tilespmem:s8+$0x3010] =	vst v0;
	v0 =	vsel vm0, v2, v6;
	vm0 =	vlt.f32 v9, $0.0e+00;
	v2 =	vsub.f32 $0.0e+00, v1  }
0x19d: {  	vm1 =	vmmov vm2;
	[tilespmem:s8+$0x3000] =	vst v0;
	v0 =	vsel vm0, v3, v7  }
0x19e: {  	[tilespmem:s9+$0x3010] =	vst v0;
	v0 =	vsel vm1, v2, v1  }
0x19f: {  	s8 =	simm.s32 $0x0;
	[tilespmem:s9+$0x3000] =	vst v0;
	s9 =	rddreg [dreg:$0x7]  }
0x1a0: {  	[hbm4b:s9+s8] =	stream.linear.scatter [tilespmem:s0], [sflag:$0x3], $0x1000, $0x38;
	[tilespmem:$0x4000] =	vst v63  }
0x1a1: {  	_ =	swait.ge [sflag:s24], $0x1000  }
0x1a2: {  	[sflag:s24] =	ssyncset.done $0x0  }
0x1a3: {  	s10 =	simm.s32 $0x200;
	[sflag:s24] =	ssyncadd.s32 $0xFFFFF000  }
0x1a4: {  	[tilespmem:s28], [sflag:$0x1] =	stream.indirect.gather [hbm4b:s3+s26], $0x20, s10, s26, $0xb8;
	[tilespmem:$0x4000] =	vst v63  }
0x1a5: {  	s25 =	simm.s32 $0xA00  }
0x1a6: {  	[tilespmem:s29], [sflag:$0x2] =	stream.indirect.gather [hbm4b:s4+s26], $0x20, s25, s26, $0xb8;
	[tilespmem:$0x4000] =	vst v63  }
0x1a7: {  	_ =	swait.ge [sflag:s30], $0x1000  }
0x1a8: {  	[sflag:s30] =	ssyncset.done $0x0  }
0x1a9: {  	[sflag:s30] =	ssyncadd.s32 $0xFFFFF000  }
0x1aa: {  	_ =	swait.ge [sflag:s31], $0x1000  }
0x1ab: {  	[sflag:s31] =	ssyncset.done $0x0  }
0x1ac: {  	s5 =	simm.s32 $0x0;
	[sflag:s31] =	ssyncadd.s32 $0xFFFFF000  }
0x1ad: {  	v0 =	vld [tilespmem:s5+$0x1010]  }
0x1ae: {  	v1 =	vld [tilespmem:s5+$0x2010]  }
0x1af: {  	v3 =	vld [tilespmem:s5+$0x1000]  }
0x1b0: {  	v4 =	vld [tilespmem:s5+$0x2000];
	_ =	sdelay $0x2  }
0x1b1: {  	s25 =	simm.s32 $0x20  }
0x1b2: {  	v6 =	vld [tilespmem:s25+$0x1000];
	v2 =	vadd.f32 v1, v0  }
0x1b3: {  	v7 =	vld [tilespmem:s25+$0x2000];
	v3 =	vadd.f32 v4, v3  }
0x1b4: {  	v1 =	vld [tilespmem:s25+$0x1010];
	v0 =	vand.u32 $0x7FFFFFFF, v2  }
0x1b5: {  	v4 =	vld [tilespmem:s25+$0x2010];
	v5 =	vand.u32 $0x7FFFFFFF, v3;
	v0 =	vmul.f32 $-2.000000000e+00, v0  }
0x1b6: {  	v5 =	vmul.f32 $-2.000000000e+00, v5  }
0x1b7: {  	v0 =	vmul.f32 $1.442695020e+00, v0  }
0x1b8: {  	v5 =	vmul.f32 $1.442695020e+00, v5  }
0x1b9: {  	(erf) = vpow2.f32 v0  }
0x1ba: {  	v0 =	vadd.f32 v4, v1;
	v4 =	vadd.f32 v7, v6;
	(erf) = vpow2.f32 v5  }
0x1bb: {  	s6 =	simm.s32 $0x40  }
0x1bc: {  	v8 =	vld [tilespmem:s6+$0x1000];
	v7 =	vand.u32 $0x7FFFFFFF, v4  }
0x1bd: {  	v6 =	vld [tilespmem:s6+$0x2010];
	v1 =	vand.u32 $0x7FFFFFFF, v0;
	v7 =	vmul.f32 $-2.000000000e+00, v7  }
0x1be: {  	v5 =	vld [tilespmem:s6+$0x1010];
	v1 =	vmul.f32 $-2.000000000e+00, v1  }
0x1bf: {  	v9 =	vld [tilespmem:s6+$0x2000];
	v7 =	vmul.f32 $1.442695020e+00, v7  }
0x1c0: {  	v1 =	vmul.f32 $1.442695020e+00, v1;
	_ =	sdelay $0x1  }
0x1c1: {  	(erf) = vpow2.f32 v1;
	v10 =	vpop (erf)  }
0x1c2: {  	v1 =	vadd.f32 v6, v5;
	(erf) = vpow2.f32 v7;
	v11 =	vadd.f32 $1.000000000e+00, v10;
	v7 =	vpop (erf)  }
0x1c3: {  	v6 =	vadd.f32 v9, v8;
	v5 =	vadd.f32 $1.000000000e+00, v7  }
0x1c4: {  	s8 =	simm.s32 $0x60;
	(erf) = vrcp.f32 v11  }
0x1c5: {  	v9 =	vld [tilespmem:s8+$0x1010];
	v8 =	vand.u32 $0x7FFFFFFF, v1;
	(erf) = vrcp.f32 v5;
	v5 =	vand.u32 $0x7FFFFFFF, v6  }
0x1c6: {  	vm0 =	vlt.f32 v3, $0.0e+00;
	v3 =	vmul.f32 $-2.000000000e+00, v8;
	v8 =	vld [tilespmem:s8+$0x2010];
	v5 =	vmul.f32 $-2.000000000e+00, v5;
	_ =	sdelay $0x1  }
0x1c7: {  	vm1 =	vlt.f32 v4, $0.0e+00;
	v4 =	vsub.f32 $1.000000000e+00, v7;
	v7 =	vld [tilespmem:s8+$0x2000]  }
0x1c8: {  	vm0 =	vmmov vm0;
	v11 =	vld [tilespmem:s8+$0x1000];
	v3 =	vmul.f32 $1.442695020e+00, v3  }
0x1c9: {  	vm2 =	vmmov vm0;
	vm0 =	vlt.f32 v6, $0.0e+00;
	v6 =	vmul.f32 $1.442695020e+00, v5;
	v5 =	vpop (erf)  }
0x1ca: {  	(erf) = vpow2.f32 v3;
	v3 =	vadd.f32 v8, v9;
	v8 =	vpop (erf)  }
0x1cb: {  	v9 =	vsub.f32 $1.000000000e+00, v10;
	v10 =	vadd.f32 $1.000000000e+00, v8  }
0x1cc: {  	vm3 =	vmmov vm1;
	vm1 =	vmmov vm2;
	v63 =	vadd.f32 $1.000000000e+00, v5  }
0x1cd: {  	v7 =	vadd.f32 v7, v11;
	v11 =	vand.u32 $0x7FFFFFFF, v3;
	(erf) = vpow2.f32 v6  }
0x1ce: {  	s9 =	simm.s32 $0x80;
	v11 =	vmul.f32 $-2.000000000e+00, v11;
	v6 =	vsub.f32 $1.000000000e+00, v8;
	(erf) = vrcp.f32 v63;
	v8 =	vpop (erf)  }
0x1cf: {  	s10 =	simm.s32 $0x280;
	vm2 =	vmmov vm3;
	v8 =	vmul.f32 v8, v9;
	v9 =	vld [tilespmem:s9+$0x1010];
	(erf) = vrcp.f32 v10;
	v10 =	vpop (erf)  }
.LBB2_10:
0x1d0: {  	v13 =	vand.u32 $0x7FFFFFFF, v7  }
0x1d1: {  	p0 =	sne.s32 s10, $0x3F80;
	v12 =	vld [tilespmem:s9+$0x2010];
	v10 =	vmul.f32 v10, v4;
	v14 =	vsub.f32 $0.0e+00, v8;
	v4 =	vmovc v6;
	vm3 =	vmmov vm0  }
0x1d2: {  	vm4 =	vlt.f32 v2, $0.0e+00;
	v2 =	vmovc v0;
	v0 =	vmovc v1;
	v15 =	vld [tilespmem:s9+$0x1000];
	v6 =	vmul.f32 $-2.000000000e+00, v13;
	v16 =	vmul.f32 $1.442695020e+00, v11  }
0x1d3: {  	vm0 =	vlt.f32 v7, $0.0e+00;
	v1 =	vmovc v3;
	v13 =	vld [tilespmem:s9+$0x2000];
	v7 =	vsub.f32 $0.0e+00, v10;
	v8 =	vsel vm4, v14, v8  }
0x1d4: {  	v6 =	vmul.f32 $1.442695020e+00, v6;
	(erf) = vpow2.f32 v16;
	v11 =	vpop (erf);
	[tilespmem:s5+$0x3010] =	vst v8  }
.Ltmp4:
0x1d5: {  	v14 =	vadd.f32 $1.000000000e+00, v11;
	v7 =	vsel vm1, v7, v10;
	vm1 =	vmmov vm2;
	(pc) =	sbr.rel @p0 .LBB2_10-.Ltmp4, $4  }
0x1d6: {  	v16 =	vsub.f32 $1.000000000e+00, v5;
	v3 =	vadd.f32 v12, v9;
	(erf) = vpow2.f32 v6;
	v9 =	vpop (erf);
	[tilespmem:s5+$0x3000] =	vst v7;
	s5 =	smov.u32 s25;
	s25 =	smov.u32 s6;
	s6 =	smov.u32 s8  }
0x1d7: {  	s8 =	smov.u32 s9;
	v6 =	vsub.f32 $1.000000000e+00, v9;
	v17 =	vadd.f32 $1.000000000e+00, v9;
	(erf) = vrcp.f32 v14;
	v8 =	vpop (erf)  }
0x1d8: {  	v5 =	vmovc v11;
	s9 =	sshra.s32 s10, $0x2;
	v7 =	vadd.f32 v13, v15;
	v12 =	vand.u32 $0x7FFFFFFF, v3;
	v8 =	vmul.f32 v8, v16  }
0x1d9: {  	vm2 =	vmmov vm3;
	s10 =	sadd.s32 $0x80, s10;
	v9 =	vld [tilespmem:s9+$0x1010];
	v11 =	vmul.f32 $-2.000000000e+00, v12;
	(erf) = vrcp.f32 v17;
	v10 =	vpop (erf)  }
0x1da: {  	v12 =	vld [tilespmem:s9+$0x2010]  }
0x1db: {  	v13 =	vld [tilespmem:s9+$0x1000]  }
0x1dc: {  	v14 =	vld [tilespmem:s9+$0x2000];
	_ =	sdelay $0x1  }
0x1dd: {  	v11 =	vmul.f32 $1.442695020e+00, v11  }
0x1de: {  	v15 =	vand.u32 $0x7FFFFFFF, v7  }
0x1df: {  	v15 =	vmul.f32 $-2.000000000e+00, v15;
	v9 =	vadd.f32 v12, v9  }
0x1e0: {  	v51 =	vadd.f32 v14, v13  }
0x1e1: {  	v52 =	vmul.f32 $1.442695020e+00, v15;
	(erf) = vpow2.f32 v11;
	v11 =	vpop (erf);
	v53 =	vand.u32 $0x7FFFFFFF, v9  }
0x1e2: {  	v54 =	vadd.f32 $1.000000000e+00, v11;
	v16 =	vpop (erf);
	v17 =	vand.u32 $0x7FFFFFFF, v51;
	v14 =	vmul.f32 $-2.000000000e+00, v53  }
0x1e3: {  	(erf) = vpow2.f32 v52;
	v55 =	vadd.f32 $1.000000000e+00, v16;
	v17 =	vmul.f32 $-2.000000000e+00, v17  }
0x1e4: {  	(erf) = vrcp.f32 v54;
	v14 =	vmul.f32 $1.442695020e+00, v14  }
0x1e5: {  	(erf) = vrcp.f32 v55;
	v56 =	vmul.f32 $1.442695020e+00, v17  }
0x1e6: {  	(erf) = vpow2.f32 v14  }
0x1e7: {  	(erf) = vpow2.f32 v56;
	_ =	sdelay $0x1  }
0x1e8: {  	v57 =	vpop (erf)  }
0x1e9: {  	v58 =	vpop (erf)  }
0x1ea: {  	v4 =	vmul.f32 v10, v4;
	v10 =	vsub.f32 $0.0e+00, v8;
	v59 =	vpop (erf)  }
0x1eb: {  	vm3 =	vlt.f32 v2, $0.0e+00;
	v5 =	vsub.f32 $1.000000000e+00, v5;
	v60 =	vpop (erf)  }
0x1ec: {  	v2 =	vsub.f32 $0.0e+00, v4;
	v8 =	vsel vm3, v10, v8;
	v18 =	vpop (erf)  }
0x1ed: {  	vm3 =	vlt.f32 v7, $0.0e+00;
	v5 =	vmul.f32 v57, v5;
	v10 =	vadd.f32 $1.000000000e+00, v59;
	v19 =	vpop (erf)  }
0x1ee: {  	v2 =	vsel vm1, v2, v4;
	vm1 =	vlt.f32 v0, $0.0e+00;
	v4 =	vadd.f32 $1.000000000e+00, v60;
	v7 =	vpop (erf)  }
0x1ef: {  	v0 =	vsub.f32 $0.0e+00, v5;
	(erf) = vrcp.f32 v10;
	v10 =	vadd.f32 $1.000000000e+00, v7;
	v61 =	vpop (erf)  }
0x1f0: {  	v6 =	vmul.f32 v58, v6;
	(erf) = vrcp.f32 v4;
	v4 =	vadd.f32 $1.000000000e+00, v61  }
0x1f1: {  	vm0 =	vmmov vm0;
	v0 =	vsel vm1, v0, v5;
	(erf) = vrcp.f32 v10  }
0x1f2: {  	v5 =	vsub.f32 $1.000000000e+00, v11;
	(erf) = vrcp.f32 v4;
	v4 =	vsub.f32 $0.0e+00, v6  }
0x1f3: {  	vm0 =	vmmov vm0;
	vm1 =	vmmov vm2  }
0x1f4: {  	v5 =	vmul.f32 v18, v5;
	v4 =	vsel vm1, v4, v6;
	v6 =	vsub.f32 $1.000000000e+00, v16  }
0x1f5: {  	vm0 =	vmmov vm0;
	vm4 =	vlt.f32 v51, $0.0e+00  }
0x1f6: {  	v62 =	vsub.f32 $1.000000000e+00, v59;
	v11 =	vsub.f32 $0.0e+00, v5;
	v6 =	vmul.f32 v19, v6  }
0x1f7: {  	vm2 =	vmmov vm4;
	v7 =	vsub.f32 $1.000000000e+00, v7;
	v10 =	vsub.f32 $1.000000000e+00, v60  }
0x1f8: {  	[tilespmem:s5+$0x3010] =	vst v8;
	v8 =	vpop (erf);
	vm1 =	vmmov vm3;
	vm3 =	vlt.f32 v1, $0.0e+00;
	v1 =	vsub.f32 $0.0e+00, v6  }
0x1f9: {  	[tilespmem:s5+$0x3000] =	vst v2;
	vm1 =	vmmov vm1;
	v2 =	vsel vm3, v11, v5;
	v5 =	vmul.f32 v8, v62;
	v8 =	vpop (erf)  }
0x1fa: {  	[tilespmem:s25+$0x3010] =	vst v0;
	v0 =	vsel vm0, v1, v6;
	v1 =	vsub.f32 $1.000000000e+00, v61;
	v6 =	vmul.f32 v8, v10;
	v8 =	vpop (erf)  }
0x1fb: {  	[tilespmem:s25+$0x3000] =	vst v4;
	v4 =	vsub.f32 $0.0e+00, v5;
	vm0 =	vmmov vm1;
	v7 =	vmul.f32 v8, v7;
	v8 =	vpop (erf)  }
0x1fc: {  	[tilespmem:s6+$0x3010] =	vst v2;
	vm1 =	vlt.f32 v3, $0.0e+00;
	v2 =	vsub.f32 $0.0e+00, v6;
	v1 =	vmul.f32 v8, v1  }
0x1fd: {  	vm2 =	vmmov vm2;
	[tilespmem:s6+$0x3000] =	vst v0;
	v0 =	vsel vm1, v4, v5;
	v3 =	vsub.f32 $0.0e+00, v7  }
0x1fe: {  	[tilespmem:s8+$0x3010] =	vst v0;
	v0 =	vsel vm0, v2, v6;
	vm0 =	vlt.f32 v9, $0.0e+00;
	v2 =	vsub.f32 $0.0e+00, v1  }
0x1ff: {  	vm1 =	vmmov vm2;
	[tilespmem:s8+$0x3000] =	vst v0;
	v0 =	vsel vm0, v3, v7  }
0x200: {  	[tilespmem:s9+$0x3010] =	vst v0;
	v0 =	vsel vm1, v2, v1  }
0x201: {  	[tilespmem:s9+$0x3000] =	vst v0;
	s9 =	simm.s32 $0x0  }
0x202: {  	[hbm4b:s11+s9] =	stream.linear.scatter [tilespmem:s0], [sflag:$0x3], $0x1000, $0x38;
	[tilespmem:$0x4000] =	vst v63  }
0x203: {  	_ =	swait.ge [sflag:s24], $0x1000  }
0x204: {  	[sflag:s24] =	ssyncset.done $0x0  }
0x205: {  	s10 =	simm.s32 $0x280;
	[sflag:s24] =	ssyncadd.s32 $0xFFFFF000  }
0x206: {  	[tilespmem:s28], [sflag:$0x1] =	stream.indirect.gather [hbm4b:s3+s26], $0x20, s10, s26, $0xb8;
	[tilespmem:$0x4000] =	vst v63  }
0x207: {  	s25 =	simm.s32 $0xA80  }
0x208: {  	[tilespmem:s29], [sflag:$0x2] =	stream.indirect.gather [hbm4b:s4+s26], $0x20, s25, s26, $0xb8;
	[tilespmem:$0x4000] =	vst v63  }
0x209: {  	_ =	swait.ge [sflag:s30], $0x1000  }
0x20a: {  	[sflag:s30] =	ssyncset.done $0x0  }
0x20b: {  	[sflag:s30] =	ssyncadd.s32 $0xFFFFF000  }
0x20c: {  	_ =	swait.ge [sflag:s31], $0x1000  }
0x20d: {  	[sflag:s31] =	ssyncset.done $0x0  }
0x20e: {  	s5 =	simm.s32 $0x0;
	[sflag:s31] =	ssyncadd.s32 $0xFFFFF000  }
0x20f: {  	v0 =	vld [tilespmem:s5+$0x1010]  }
0x210: {  	v1 =	vld [tilespmem:s5+$0x2010]  }
0x211: {  	v3 =	vld [tilespmem:s5+$0x1000]  }
0x212: {  	v4 =	vld [tilespmem:s5+$0x2000];
	_ =	sdelay $0x2  }
0x213: {  	s25 =	simm.s32 $0x20  }
0x214: {  	v6 =	vld [tilespmem:s25+$0x1000];
	v2 =	vadd.f32 v1, v0  }
0x215: {  	v7 =	vld [tilespmem:s25+$0x2000];
	v3 =	vadd.f32 v4, v3  }
0x216: {  	v1 =	vld [tilespmem:s25+$0x1010];
	v0 =	vand.u32 $0x7FFFFFFF, v2  }
0x217: {  	v4 =	vld [tilespmem:s25+$0x2010];
	v5 =	vand.u32 $0x7FFFFFFF, v3;
	v0 =	vmul.f32 $-2.000000000e+00, v0  }
0x218: {  	v5 =	vmul.f32 $-2.000000000e+00, v5  }
0x219: {  	v0 =	vmul.f32 $1.442695020e+00, v0  }
0x21a: {  	v5 =	vmul.f32 $1.442695020e+00, v5  }
0x21b: {  	(erf) = vpow2.f32 v0  }
0x21c: {  	v0 =	vadd.f32 v4, v1;
	v4 =	vadd.f32 v7, v6;
	(erf) = vpow2.f32 v5  }
0x21d: {  	s6 =	simm.s32 $0x40  }
0x21e: {  	v8 =	vld [tilespmem:s6+$0x1000];
	v7 =	vand.u32 $0x7FFFFFFF, v4  }
0x21f: {  	v6 =	vld [tilespmem:s6+$0x2010];
	v1 =	vand.u32 $0x7FFFFFFF, v0;
	v7 =	vmul.f32 $-2.000000000e+00, v7  }
0x220: {  	v5 =	vld [tilespmem:s6+$0x1010];
	v1 =	vmul.f32 $-2.000000000e+00, v1  }
0x221: {  	v9 =	vld [tilespmem:s6+$0x2000];
	v7 =	vmul.f32 $1.442695020e+00, v7  }
0x222: {  	v1 =	vmul.f32 $1.442695020e+00, v1;
	_ =	sdelay $0x1  }
0x223: {  	(erf) = vpow2.f32 v1;
	v10 =	vpop (erf)  }
0x224: {  	v1 =	vadd.f32 v6, v5;
	(erf) = vpow2.f32 v7;
	v11 =	vadd.f32 $1.000000000e+00, v10;
	v7 =	vpop (erf)  }
0x225: {  	v6 =	vadd.f32 v9, v8;
	v5 =	vadd.f32 $1.000000000e+00, v7  }
0x226: {  	s8 =	simm.s32 $0x60;
	(erf) = vrcp.f32 v11  }
0x227: {  	v9 =	vld [tilespmem:s8+$0x1010];
	v8 =	vand.u32 $0x7FFFFFFF, v1;
	(erf) = vrcp.f32 v5;
	v5 =	vand.u32 $0x7FFFFFFF, v6  }
0x228: {  	vm0 =	vlt.f32 v3, $0.0e+00;
	v3 =	vmul.f32 $-2.000000000e+00, v8;
	v8 =	vld [tilespmem:s8+$0x2010];
	v5 =	vmul.f32 $-2.000000000e+00, v5;
	_ =	sdelay $0x1  }
0x229: {  	vm1 =	vlt.f32 v4, $0.0e+00;
	v4 =	vsub.f32 $1.000000000e+00, v7;
	v7 =	vld [tilespmem:s8+$0x2000]  }
0x22a: {  	vm0 =	vmmov vm0;
	v11 =	vld [tilespmem:s8+$0x1000];
	v3 =	vmul.f32 $1.442695020e+00, v3  }
0x22b: {  	vm2 =	vmmov vm0;
	vm0 =	vlt.f32 v6, $0.0e+00;
	v6 =	vmul.f32 $1.442695020e+00, v5;
	v5 =	vpop (erf)  }
0x22c: {  	(erf) = vpow2.f32 v3;
	v3 =	vadd.f32 v8, v9;
	v8 =	vpop (erf)  }
0x22d: {  	v9 =	vsub.f32 $1.000000000e+00, v10;
	v10 =	vadd.f32 $1.000000000e+00, v8  }
0x22e: {  	vm3 =	vmmov vm1;
	vm1 =	vmmov vm2;
	v63 =	vadd.f32 $1.000000000e+00, v5  }
0x22f: {  	v7 =	vadd.f32 v7, v11;
	v11 =	vand.u32 $0x7FFFFFFF, v3;
	(erf) = vpow2.f32 v6  }
0x230: {  	s9 =	simm.s32 $0x80;
	v11 =	vmul.f32 $-2.000000000e+00, v11;
	v6 =	vsub.f32 $1.000000000e+00, v8;
	(erf) = vrcp.f32 v63;
	v8 =	vpop (erf)  }
0x231: {  	s10 =	simm.s32 $0x280;
	vm2 =	vmmov vm3;
	v8 =	vmul.f32 v8, v9;
	v9 =	vld [tilespmem:s9+$0x1010];
	(erf) = vrcp.f32 v10;
	v10 =	vpop (erf)  }
.LBB2_12:
0x232: {  	v13 =	vand.u32 $0x7FFFFFFF, v7  }
0x233: {  	p0 =	sne.s32 s10, $0x3F80;
	v12 =	vld [tilespmem:s9+$0x2010];
	v10 =	vmul.f32 v10, v4;
	v14 =	vsub.f32 $0.0e+00, v8;
	v4 =	vmovc v6;
	vm3 =	vmmov vm0  }
0x234: {  	vm4 =	vlt.f32 v2, $0.0e+00;
	v2 =	vmovc v0;
	v0 =	vmovc v1;
	v15 =	vld [tilespmem:s9+$0x1000];
	v6 =	vmul.f32 $-2.000000000e+00, v13;
	v16 =	vmul.f32 $1.442695020e+00, v11  }
0x235: {  	vm0 =	vlt.f32 v7, $0.0e+00;
	v1 =	vmovc v3;
	v13 =	vld [tilespmem:s9+$0x2000];
	v7 =	vsub.f32 $0.0e+00, v10;
	v8 =	vsel vm4, v14, v8  }
0x236: {  	v6 =	vmul.f32 $1.442695020e+00, v6;
	(erf) = vpow2.f32 v16;
	v11 =	vpop (erf);
	[tilespmem:s5+$0x3010] =	vst v8  }
.Ltmp5:
0x237: {  	v14 =	vadd.f32 $1.000000000e+00, v11;
	v7 =	vsel vm1, v7, v10;
	vm1 =	vmmov vm2;
	(pc) =	sbr.rel @p0 .LBB2_12-.Ltmp5, $4  }
0x238: {  	v16 =	vsub.f32 $1.000000000e+00, v5;
	v3 =	vadd.f32 v12, v9;
	(erf) = vpow2.f32 v6;
	v9 =	vpop (erf);
	[tilespmem:s5+$0x3000] =	vst v7;
	s5 =	smov.u32 s25;
	s25 =	smov.u32 s6;
	s6 =	smov.u32 s8  }
0x239: {  	s8 =	smov.u32 s9;
	v6 =	vsub.f32 $1.000000000e+00, v9;
	v17 =	vadd.f32 $1.000000000e+00, v9;
	(erf) = vrcp.f32 v14;
	v8 =	vpop (erf)  }
0x23a: {  	v5 =	vmovc v11;
	s9 =	sshra.s32 s10, $0x2;
	v7 =	vadd.f32 v13, v15;
	v12 =	vand.u32 $0x7FFFFFFF, v3;
	v8 =	vmul.f32 v8, v16  }
0x23b: {  	vm2 =	vmmov vm3;
	s10 =	sadd.s32 $0x80, s10;
	v9 =	vld [tilespmem:s9+$0x1010];
	v11 =	vmul.f32 $-2.000000000e+00, v12;
	(erf) = vrcp.f32 v17;
	v10 =	vpop (erf)  }
0x23c: {  	v12 =	vld [tilespmem:s9+$0x2010]  }
0x23d: {  	v13 =	vld [tilespmem:s9+$0x1000]  }
0x23e: {  	v14 =	vld [tilespmem:s9+$0x2000];
	_ =	sdelay $0x1  }
0x23f: {  	v11 =	vmul.f32 $1.442695020e+00, v11  }
0x240: {  	v15 =	vand.u32 $0x7FFFFFFF, v7  }
0x241: {  	v15 =	vmul.f32 $-2.000000000e+00, v15;
	v9 =	vadd.f32 v12, v9  }
0x242: {  	v51 =	vadd.f32 v14, v13  }
0x243: {  	v52 =	vmul.f32 $1.442695020e+00, v15;
	(erf) = vpow2.f32 v11;
	v11 =	vpop (erf);
	v53 =	vand.u32 $0x7FFFFFFF, v9  }
0x244: {  	v54 =	vadd.f32 $1.000000000e+00, v11;
	v16 =	vpop (erf);
	v17 =	vand.u32 $0x7FFFFFFF, v51;
	v14 =	vmul.f32 $-2.000000000e+00, v53  }
0x245: {  	(erf) = vpow2.f32 v52;
	v55 =	vadd.f32 $1.000000000e+00, v16;
	v17 =	vmul.f32 $-2.000000000e+00, v17  }
0x246: {  	(erf) = vrcp.f32 v54;
	v14 =	vmul.f32 $1.442695020e+00, v14  }
0x247: {  	(erf) = vrcp.f32 v55;
	v56 =	vmul.f32 $1.442695020e+00, v17  }
0x248: {  	(erf) = vpow2.f32 v14  }
0x249: {  	(erf) = vpow2.f32 v56;
	_ =	sdelay $0x1  }
0x24a: {  	v57 =	vpop (erf)  }
0x24b: {  	v58 =	vpop (erf)  }
0x24c: {  	v4 =	vmul.f32 v10, v4;
	v10 =	vsub.f32 $0.0e+00, v8;
	v59 =	vpop (erf)  }
0x24d: {  	vm3 =	vlt.f32 v2, $0.0e+00;
	v5 =	vsub.f32 $1.000000000e+00, v5;
	v60 =	vpop (erf)  }
0x24e: {  	v2 =	vsub.f32 $0.0e+00, v4;
	v8 =	vsel vm3, v10, v8;
	v18 =	vpop (erf)  }
0x24f: {  	vm3 =	vlt.f32 v7, $0.0e+00;
	v5 =	vmul.f32 v57, v5;
	v10 =	vadd.f32 $1.000000000e+00, v59;
	v19 =	vpop (erf)  }
0x250: {  	v2 =	vsel vm1, v2, v4;
	vm1 =	vlt.f32 v0, $0.0e+00;
	v4 =	vadd.f32 $1.000000000e+00, v60;
	v7 =	vpop (erf)  }
0x251: {  	v0 =	vsub.f32 $0.0e+00, v5;
	(erf) = vrcp.f32 v10;
	v10 =	vadd.f32 $1.000000000e+00, v7;
	v61 =	vpop (erf)  }
0x252: {  	v6 =	vmul.f32 v58, v6;
	(erf) = vrcp.f32 v4;
	v4 =	vadd.f32 $1.000000000e+00, v61  }
0x253: {  	vm0 =	vmmov vm0;
	v0 =	vsel vm1, v0, v5;
	(erf) = vrcp.f32 v10  }
0x254: {  	v5 =	vsub.f32 $1.000000000e+00, v11;
	(erf) = vrcp.f32 v4;
	v4 =	vsub.f32 $0.0e+00, v6  }
0x255: {  	vm0 =	vmmov vm0;
	vm1 =	vmmov vm2  }
0x256: {  	v5 =	vmul.f32 v18, v5;
	v4 =	vsel vm1, v4, v6;
	v6 =	vsub.f32 $1.000000000e+00, v16  }
0x257: {  	vm0 =	vmmov vm0;
	vm4 =	vlt.f32 v51, $0.0e+00  }
0x258: {  	v62 =	vsub.f32 $1.000000000e+00, v59;
	v11 =	vsub.f32 $0.0e+00, v5;
	v6 =	vmul.f32 v19, v6  }
0x259: {  	vm2 =	vmmov vm4;
	v7 =	vsub.f32 $1.000000000e+00, v7;
	v10 =	vsub.f32 $1.000000000e+00, v60  }
0x25a: {  	[tilespmem:s5+$0x3010] =	vst v8;
	v8 =	vpop (erf);
	vm1 =	vmmov vm3;
	vm3 =	vlt.f32 v1, $0.0e+00;
	v1 =	vsub.f32 $0.0e+00, v6  }
0x25b: {  	[tilespmem:s5+$0x3000] =	vst v2;
	vm1 =	vmmov vm1;
	v2 =	vsel vm3, v11, v5;
	v5 =	vmul.f32 v8, v62;
	v8 =	vpop (erf)  }
0x25c: {  	[tilespmem:s25+$0x3010] =	vst v0;
	v0 =	vsel vm0, v1, v6;
	v1 =	vsub.f32 $1.000000000e+00, v61;
	v6 =	vmul.f32 v8, v10;
	v8 =	vpop (erf)  }
0x25d: {  	[tilespmem:s25+$0x3000] =	vst v4;
	v4 =	vsub.f32 $0.0e+00, v5;
	vm0 =	vmmov vm1;
	v7 =	vmul.f32 v8, v7;
	v8 =	vpop (erf)  }
0x25e: {  	[tilespmem:s6+$0x3010] =	vst v2;
	vm1 =	vlt.f32 v3, $0.0e+00;
	v2 =	vsub.f32 $0.0e+00, v6;
	v1 =	vmul.f32 v8, v1  }
0x25f: {  	vm2 =	vmmov vm2;
	[tilespmem:s6+$0x3000] =	vst v0;
	v0 =	vsel vm1, v4, v5;
	v3 =	vsub.f32 $0.0e+00, v7  }
0x260: {  	[tilespmem:s8+$0x3010] =	vst v0;
	v0 =	vsel vm0, v2, v6;
	vm0 =	vlt.f32 v9, $0.0e+00;
	v2 =	vsub.f32 $0.0e+00, v1  }
0x261: {  	vm1 =	vmmov vm2;
	[tilespmem:s8+$0x3000] =	vst v0;
	v0 =	vsel vm0, v3, v7  }
0x262: {  	[tilespmem:s9+$0x3010] =	vst v0;
	v0 =	vsel vm1, v2, v1  }
0x263: {  	[tilespmem:s9+$0x3000] =	vst v0;
	s9 =	simm.s32 $0x0  }
0x264: {  	[hbm4b:s12+s9] =	stream.linear.scatter [tilespmem:s0], [sflag:$0x3], $0x1000, $0x38;
	[tilespmem:$0x4000] =	vst v63  }
0x265: {  	_ =	swait.ge [sflag:s24], $0x1000  }
0x266: {  	[sflag:s24] =	ssyncset.done $0x0  }
0x267: {  	s10 =	simm.s32 $0x300;
	[sflag:s24] =	ssyncadd.s32 $0xFFFFF000  }
0x268: {  	[tilespmem:s28], [sflag:$0x1] =	stream.indirect.gather [hbm4b:s3+s26], $0x20, s10, s26, $0xb8;
	[tilespmem:$0x4000] =	vst v63  }
0x269: {  	s25 =	simm.s32 $0xB00  }
0x26a: {  	[tilespmem:s29], [sflag:$0x2] =	stream.indirect.gather [hbm4b:s4+s26], $0x20, s25, s26, $0xb8;
	[tilespmem:$0x4000] =	vst v63  }
0x26b: {  	_ =	swait.ge [sflag:s30], $0x1000  }
0x26c: {  	[sflag:s30] =	ssyncset.done $0x0  }
0x26d: {  	[sflag:s30] =	ssyncadd.s32 $0xFFFFF000  }
0x26e: {  	_ =	swait.ge [sflag:s31], $0x1000  }
0x26f: {  	[sflag:s31] =	ssyncset.done $0x0  }
0x270: {  	s5 =	simm.s32 $0x0;
	[sflag:s31] =	ssyncadd.s32 $0xFFFFF000  }
0x271: {  	v0 =	vld [tilespmem:s5+$0x1010]  }
0x272: {  	v1 =	vld [tilespmem:s5+$0x2010]  }
0x273: {  	v3 =	vld [tilespmem:s5+$0x1000]  }
0x274: {  	v4 =	vld [tilespmem:s5+$0x2000];
	_ =	sdelay $0x2  }
0x275: {  	s25 =	simm.s32 $0x20  }
0x276: {  	v6 =	vld [tilespmem:s25+$0x1000];
	v2 =	vadd.f32 v1, v0  }
0x277: {  	v7 =	vld [tilespmem:s25+$0x2000];
	v3 =	vadd.f32 v4, v3  }
0x278: {  	v1 =	vld [tilespmem:s25+$0x1010];
	v0 =	vand.u32 $0x7FFFFFFF, v2  }
0x279: {  	v4 =	vld [tilespmem:s25+$0x2010];
	v5 =	vand.u32 $0x7FFFFFFF, v3;
	v0 =	vmul.f32 $-2.000000000e+00, v0  }
0x27a: {  	v5 =	vmul.f32 $-2.000000000e+00, v5  }
0x27b: {  	v0 =	vmul.f32 $1.442695020e+00, v0  }
0x27c: {  	v5 =	vmul.f32 $1.442695020e+00, v5  }
0x27d: {  	(erf) = vpow2.f32 v0  }
0x27e: {  	v0 =	vadd.f32 v4, v1;
	v4 =	vadd.f32 v7, v6;
	(erf) = vpow2.f32 v5  }
0x27f: {  	s6 =	simm.s32 $0x40  }
0x280: {  	v8 =	vld [tilespmem:s6+$0x1000];
	v7 =	vand.u32 $0x7FFFFFFF, v4  }
0x281: {  	v6 =	vld [tilespmem:s6+$0x2010];
	v1 =	vand.u32 $0x7FFFFFFF, v0;
	v7 =	vmul.f32 $-2.000000000e+00, v7  }
0x282: {  	v5 =	vld [tilespmem:s6+$0x1010];
	v1 =	vmul.f32 $-2.000000000e+00, v1  }
0x283: {  	v9 =	vld [tilespmem:s6+$0x2000];
	v7 =	vmul.f32 $1.442695020e+00, v7  }
0x284: {  	v1 =	vmul.f32 $1.442695020e+00, v1;
	_ =	sdelay $0x1  }
0x285: {  	(erf) = vpow2.f32 v1;
	v10 =	vpop (erf)  }
0x286: {  	v1 =	vadd.f32 v6, v5;
	(erf) = vpow2.f32 v7;
	v11 =	vadd.f32 $1.000000000e+00, v10;
	v7 =	vpop (erf)  }
0x287: {  	v6 =	vadd.f32 v9, v8;
	v5 =	vadd.f32 $1.000000000e+00, v7  }
0x288: {  	s8 =	simm.s32 $0x60;
	(erf) = vrcp.f32 v11  }
0x289: {  	v9 =	vld [tilespmem:s8+$0x1010];
	v8 =	vand.u32 $0x7FFFFFFF, v1;
	(erf) = vrcp.f32 v5;
	v5 =	vand.u32 $0x7FFFFFFF, v6  }
0x28a: {  	vm0 =	vlt.f32 v3, $0.0e+00;
	v3 =	vmul.f32 $-2.000000000e+00, v8;
	v8 =	vld [tilespmem:s8+$0x2010];
	v5 =	vmul.f32 $-2.000000000e+00, v5;
	_ =	sdelay $0x1  }
0x28b: {  	vm1 =	vlt.f32 v4, $0.0e+00;
	v4 =	vsub.f32 $1.000000000e+00, v7;
	v7 =	vld [tilespmem:s8+$0x2000]  }
0x28c: {  	vm0 =	vmmov vm0;
	v11 =	vld [tilespmem:s8+$0x1000];
	v3 =	vmul.f32 $1.442695020e+00, v3  }
0x28d: {  	vm2 =	vmmov vm0;
	vm0 =	vlt.f32 v6, $0.0e+00;
	v6 =	vmul.f32 $1.442695020e+00, v5;
	v5 =	vpop (erf)  }
0x28e: {  	(erf) = vpow2.f32 v3;
	v3 =	vadd.f32 v8, v9;
	v8 =	vpop (erf)  }
0x28f: {  	v9 =	vsub.f32 $1.000000000e+00, v10;
	v10 =	vadd.f32 $1.000000000e+00, v8  }
0x290: {  	vm3 =	vmmov vm1;
	vm1 =	vmmov vm2;
	v63 =	vadd.f32 $1.000000000e+00, v5  }
0x291: {  	v7 =	vadd.f32 v7, v11;
	v11 =	vand.u32 $0x7FFFFFFF, v3;
	(erf) = vpow2.f32 v6  }
0x292: {  	s9 =	simm.s32 $0x80;
	v11 =	vmul.f32 $-2.000000000e+00, v11;
	v6 =	vsub.f32 $1.000000000e+00, v8;
	(erf) = vrcp.f32 v63;
	v8 =	vpop (erf)  }
0x293: {  	s10 =	simm.s32 $0x280;
	vm2 =	vmmov vm3;
	v8 =	vmul.f32 v8, v9;
	v9 =	vld [tilespmem:s9+$0x1010];
	(erf) = vrcp.f32 v10;
	v10 =	vpop (erf)  }
.LBB2_14:
0x294: {  	v13 =	vand.u32 $0x7FFFFFFF, v7  }
0x295: {  	p0 =	sne.s32 s10, $0x3F80;
	v12 =	vld [tilespmem:s9+$0x2010];
	v10 =	vmul.f32 v10, v4;
	v14 =	vsub.f32 $0.0e+00, v8;
	v4 =	vmovc v6;
	vm3 =	vmmov vm0  }
0x296: {  	vm4 =	vlt.f32 v2, $0.0e+00;
	v2 =	vmovc v0;
	v0 =	vmovc v1;
	v15 =	vld [tilespmem:s9+$0x1000];
	v6 =	vmul.f32 $-2.000000000e+00, v13;
	v16 =	vmul.f32 $1.442695020e+00, v11  }
0x297: {  	vm0 =	vlt.f32 v7, $0.0e+00;
	v1 =	vmovc v3;
	v13 =	vld [tilespmem:s9+$0x2000];
	v7 =	vsub.f32 $0.0e+00, v10;
	v8 =	vsel vm4, v14, v8  }
0x298: {  	v6 =	vmul.f32 $1.442695020e+00, v6;
	(erf) = vpow2.f32 v16;
	v11 =	vpop (erf);
	[tilespmem:s5+$0x3010] =	vst v8  }
.Ltmp6:
0x299: {  	v14 =	vadd.f32 $1.000000000e+00, v11;
	v7 =	vsel vm1, v7, v10;
	vm1 =	vmmov vm2;
	(pc) =	sbr.rel @p0 .LBB2_14-.Ltmp6, $4  }
0x29a: {  	v16 =	vsub.f32 $1.000000000e+00, v5;
	v3 =	vadd.f32 v12, v9;
	(erf) = vpow2.f32 v6;
	v9 =	vpop (erf);
	[tilespmem:s5+$0x3000] =	vst v7;
	s5 =	smov.u32 s25;
	s25 =	smov.u32 s6;
	s6 =	smov.u32 s8  }
0x29b: {  	s8 =	smov.u32 s9;
	v6 =	vsub.f32 $1.000000000e+00, v9;
	v17 =	vadd.f32 $1.000000000e+00, v9;
	(erf) = vrcp.f32 v14;
	v8 =	vpop (erf)  }
0x29c: {  	v5 =	vmovc v11;
	s9 =	sshra.s32 s10, $0x2;
	v7 =	vadd.f32 v13, v15;
	v12 =	vand.u32 $0x7FFFFFFF, v3;
	v8 =	vmul.f32 v8, v16  }
0x29d: {  	vm2 =	vmmov vm3;
	s10 =	sadd.s32 $0x80, s10;
	v9 =	vld [tilespmem:s9+$0x1010];
	v11 =	vmul.f32 $-2.000000000e+00, v12;
	(erf) = vrcp.f32 v17;
	v10 =	vpop (erf)  }
0x29e: {  	v12 =	vld [tilespmem:s9+$0x2010]  }
0x29f: {  	v13 =	vld [tilespmem:s9+$0x1000]  }
0x2a0: {  	v14 =	vld [tilespmem:s9+$0x2000];
	_ =	sdelay $0x1  }
0x2a1: {  	v11 =	vmul.f32 $1.442695020e+00, v11  }
0x2a2: {  	v15 =	vand.u32 $0x7FFFFFFF, v7  }
0x2a3: {  	v15 =	vmul.f32 $-2.000000000e+00, v15;
	v9 =	vadd.f32 v12, v9  }
0x2a4: {  	v51 =	vadd.f32 v14, v13  }
0x2a5: {  	v52 =	vmul.f32 $1.442695020e+00, v15;
	(erf) = vpow2.f32 v11;
	v11 =	vpop (erf);
	v53 =	vand.u32 $0x7FFFFFFF, v9  }
0x2a6: {  	v54 =	vadd.f32 $1.000000000e+00, v11;
	v16 =	vpop (erf);
	v17 =	vand.u32 $0x7FFFFFFF, v51;
	v14 =	vmul.f32 $-2.000000000e+00, v53  }
0x2a7: {  	(erf) = vpow2.f32 v52;
	v55 =	vadd.f32 $1.000000000e+00, v16;
	v17 =	vmul.f32 $-2.000000000e+00, v17  }
0x2a8: {  	(erf) = vrcp.f32 v54;
	v14 =	vmul.f32 $1.442695020e+00, v14  }
0x2a9: {  	(erf) = vrcp.f32 v55;
	v56 =	vmul.f32 $1.442695020e+00, v17  }
0x2aa: {  	(erf) = vpow2.f32 v14  }
0x2ab: {  	(erf) = vpow2.f32 v56;
	_ =	sdelay $0x1  }
0x2ac: {  	v57 =	vpop (erf)  }
0x2ad: {  	v58 =	vpop (erf)  }
0x2ae: {  	v4 =	vmul.f32 v10, v4;
	v10 =	vsub.f32 $0.0e+00, v8;
	v59 =	vpop (erf)  }
0x2af: {  	vm3 =	vlt.f32 v2, $0.0e+00;
	v5 =	vsub.f32 $1.000000000e+00, v5;
	v60 =	vpop (erf)  }
0x2b0: {  	v2 =	vsub.f32 $0.0e+00, v4;
	v8 =	vsel vm3, v10, v8;
	v18 =	vpop (erf)  }
0x2b1: {  	vm3 =	vlt.f32 v7, $0.0e+00;
	v5 =	vmul.f32 v57, v5;
	v10 =	vadd.f32 $1.000000000e+00, v59;
	v19 =	vpop (erf)  }
0x2b2: {  	v2 =	vsel vm1, v2, v4;
	vm1 =	vlt.f32 v0, $0.0e+00;
	v4 =	vadd.f32 $1.000000000e+00, v60;
	v7 =	vpop (erf)  }
0x2b3: {  	v0 =	vsub.f32 $0.0e+00, v5;
	(erf) = vrcp.f32 v10;
	v10 =	vadd.f32 $1.000000000e+00, v7;
	v61 =	vpop (erf)  }
0x2b4: {  	v6 =	vmul.f32 v58, v6;
	(erf) = vrcp.f32 v4;
	v4 =	vadd.f32 $1.000000000e+00, v61  }
0x2b5: {  	vm0 =	vmmov vm0;
	v0 =	vsel vm1, v0, v5;
	(erf) = vrcp.f32 v10  }
0x2b6: {  	v5 =	vsub.f32 $1.000000000e+00, v11;
	(erf) = vrcp.f32 v4;
	v4 =	vsub.f32 $0.0e+00, v6  }
0x2b7: {  	vm0 =	vmmov vm0;
	vm1 =	vmmov vm2  }
0x2b8: {  	v5 =	vmul.f32 v18, v5;
	v4 =	vsel vm1, v4, v6;
	v6 =	vsub.f32 $1.000000000e+00, v16  }
0x2b9: {  	vm0 =	vmmov vm0;
	vm4 =	vlt.f32 v51, $0.0e+00  }
0x2ba: {  	v62 =	vsub.f32 $1.000000000e+00, v59;
	v11 =	vsub.f32 $0.0e+00, v5;
	v6 =	vmul.f32 v19, v6  }
0x2bb: {  	vm2 =	vmmov vm4;
	v7 =	vsub.f32 $1.000000000e+00, v7;
	v10 =	vsub.f32 $1.000000000e+00, v60  }
0x2bc: {  	[tilespmem:s5+$0x3010] =	vst v8;
	v8 =	vpop (erf);
	vm1 =	vmmov vm3;
	vm3 =	vlt.f32 v1, $0.0e+00;
	v1 =	vsub.f32 $0.0e+00, v6  }
0x2bd: {  	[tilespmem:s5+$0x3000] =	vst v2;
	vm1 =	vmmov vm1;
	v2 =	vsel vm3, v11, v5;
	v5 =	vmul.f32 v8, v62;
	v8 =	vpop (erf)  }
0x2be: {  	[tilespmem:s25+$0x3010] =	vst v0;
	v0 =	vsel vm0, v1, v6;
	v1 =	vsub.f32 $1.000000000e+00, v61;
	v6 =	vmul.f32 v8, v10;
	v8 =	vpop (erf)  }
0x2bf: {  	[tilespmem:s25+$0x3000] =	vst v4;
	v4 =	vsub.f32 $0.0e+00, v5;
	vm0 =	vmmov vm1;
	v7 =	vmul.f32 v8, v7;
	v8 =	vpop (erf)  }
0x2c0: {  	[tilespmem:s6+$0x3010] =	vst v2;
	vm1 =	vlt.f32 v3, $0.0e+00;
	v2 =	vsub.f32 $0.0e+00, v6;
	v1 =	vmul.f32 v8, v1  }
0x2c1: {  	vm2 =	vmmov vm2;
	[tilespmem:s6+$0x3000] =	vst v0;
	v0 =	vsel vm1, v4, v5;
	v3 =	vsub.f32 $0.0e+00, v7  }
0x2c2: {  	[tilespmem:s8+$0x3010] =	vst v0;
	v0 =	vsel vm0, v2, v6;
	vm0 =	vlt.f32 v9, $0.0e+00;
	v2 =	vsub.f32 $0.0e+00, v1  }
0x2c3: {  	vm1 =	vmmov vm2;
	[tilespmem:s8+$0x3000] =	vst v0;
	v0 =	vsel vm0, v3, v7  }
0x2c4: {  	[tilespmem:s9+$0x3010] =	vst v0;
	v0 =	vsel vm1, v2, v1  }
0x2c5: {  	[tilespmem:s9+$0x3000] =	vst v0;
	s9 =	simm.s32 $0x0  }
0x2c6: {  	[hbm4b:s13+s9] =	stream.linear.scatter [tilespmem:s0], [sflag:$0x3], $0x1000, $0x38;
	[tilespmem:$0x4000] =	vst v63  }
0x2c7: {  	_ =	swait.ge [sflag:s24], $0x1000  }
0x2c8: {  	[sflag:s24] =	ssyncset.done $0x0  }
0x2c9: {  	s10 =	simm.s32 $0x380;
	[sflag:s24] =	ssyncadd.s32 $0xFFFFF000  }
0x2ca: {  	[tilespmem:s28], [sflag:$0x1] =	stream.indirect.gather [hbm4b:s3+s26], $0x20, s10, s26, $0xb8;
	[tilespmem:$0x4000] =	vst v63  }
0x2cb: {  	s25 =	simm.s32 $0xB80  }
0x2cc: {  	[tilespmem:s29], [sflag:$0x2] =	stream.indirect.gather [hbm4b:s4+s26], $0x20, s25, s26, $0xb8;
	[tilespmem:$0x4000] =	vst v63  }
0x2cd: {  	_ =	swait.ge [sflag:s30], $0x1000  }
0x2ce: {  	[sflag:s30] =	ssyncset.done $0x0  }
0x2cf: {  	[sflag:s30] =	ssyncadd.s32 $0xFFFFF000  }
0x2d0: {  	_ =	swait.ge [sflag:s31], $0x1000  }
0x2d1: {  	[sflag:s31] =	ssyncset.done $0x0  }
0x2d2: {  	s5 =	simm.s32 $0x0;
	[sflag:s31] =	ssyncadd.s32 $0xFFFFF000  }
0x2d3: {  	v0 =	vld [tilespmem:s5+$0x1010]  }
0x2d4: {  	v1 =	vld [tilespmem:s5+$0x2010]  }
0x2d5: {  	v3 =	vld [tilespmem:s5+$0x1000]  }
0x2d6: {  	v4 =	vld [tilespmem:s5+$0x2000];
	_ =	sdelay $0x2  }
0x2d7: {  	s25 =	simm.s32 $0x20  }
0x2d8: {  	v6 =	vld [tilespmem:s25+$0x1000];
	v2 =	vadd.f32 v1, v0  }
0x2d9: {  	v7 =	vld [tilespmem:s25+$0x2000];
	v3 =	vadd.f32 v4, v3  }
0x2da: {  	v1 =	vld [tilespmem:s25+$0x1010];
	v0 =	vand.u32 $0x7FFFFFFF, v2  }
0x2db: {  	v4 =	vld [tilespmem:s25+$0x2010];
	v5 =	vand.u32 $0x7FFFFFFF, v3;
	v0 =	vmul.f32 $-2.000000000e+00, v0  }
0x2dc: {  	v5 =	vmul.f32 $-2.000000000e+00, v5  }
0x2dd: {  	v0 =	vmul.f32 $1.442695020e+00, v0  }
0x2de: {  	v5 =	vmul.f32 $1.442695020e+00, v5  }
0x2df: {  	(erf) = vpow2.f32 v0  }
0x2e0: {  	v0 =	vadd.f32 v4, v1;
	v4 =	vadd.f32 v7, v6;
	(erf) = vpow2.f32 v5  }
0x2e1: {  	s6 =	simm.s32 $0x40  }
0x2e2: {  	v8 =	vld [tilespmem:s6+$0x1000];
	v7 =	vand.u32 $0x7FFFFFFF, v4  }
0x2e3: {  	v6 =	vld [tilespmem:s6+$0x2010];
	v1 =	vand.u32 $0x7FFFFFFF, v0;
	v7 =	vmul.f32 $-2.000000000e+00, v7  }
0x2e4: {  	v5 =	vld [tilespmem:s6+$0x1010];
	v1 =	vmul.f32 $-2.000000000e+00, v1  }
0x2e5: {  	v9 =	vld [tilespmem:s6+$0x2000];
	v7 =	vmul.f32 $1.442695020e+00, v7  }
0x2e6: {  	v1 =	vmul.f32 $1.442695020e+00, v1;
	_ =	sdelay $0x1  }
0x2e7: {  	(erf) = vpow2.f32 v1;
	v10 =	vpop (erf)  }
0x2e8: {  	v1 =	vadd.f32 v6, v5;
	(erf) = vpow2.f32 v7;
	v11 =	vadd.f32 $1.000000000e+00, v10;
	v7 =	vpop (erf)  }
0x2e9: {  	v6 =	vadd.f32 v9, v8;
	v5 =	vadd.f32 $1.000000000e+00, v7  }
0x2ea: {  	s8 =	simm.s32 $0x60;
	(erf) = vrcp.f32 v11  }
0x2eb: {  	v9 =	vld [tilespmem:s8+$0x1010];
	v8 =	vand.u32 $0x7FFFFFFF, v1;
	(erf) = vrcp.f32 v5;
	v5 =	vand.u32 $0x7FFFFFFF, v6  }
0x2ec: {  	vm0 =	vlt.f32 v3, $0.0e+00;
	v3 =	vmul.f32 $-2.000000000e+00, v8;
	v8 =	vld [tilespmem:s8+$0x2010];
	v5 =	vmul.f32 $-2.000000000e+00, v5;
	_ =	sdelay $0x1  }
0x2ed: {  	vm1 =	vlt.f32 v4, $0.0e+00;
	v4 =	vsub.f32 $1.000000000e+00, v7;
	v7 =	vld [tilespmem:s8+$0x2000]  }
0x2ee: {  	vm0 =	vmmov vm0;
	v11 =	vld [tilespmem:s8+$0x1000];
	v3 =	vmul.f32 $1.442695020e+00, v3  }
0x2ef: {  	vm2 =	vmmov vm0;
	vm0 =	vlt.f32 v6, $0.0e+00;
	v6 =	vmul.f32 $1.442695020e+00, v5;
	v5 =	vpop (erf)  }
0x2f0: {  	(erf) = vpow2.f32 v3;
	v3 =	vadd.f32 v8, v9;
	v8 =	vpop (erf)  }
0x2f1: {  	v9 =	vsub.f32 $1.000000000e+00, v10;
	v10 =	vadd.f32 $1.000000000e+00, v8  }
0x2f2: {  	vm3 =	vmmov vm1;
	vm1 =	vmmov vm2;
	v63 =	vadd.f32 $1.000000000e+00, v5  }
0x2f3: {  	v7 =	vadd.f32 v7, v11;
	v11 =	vand.u32 $0x7FFFFFFF, v3;
	(erf) = vpow2.f32 v6  }
0x2f4: {  	s9 =	simm.s32 $0x80;
	v11 =	vmul.f32 $-2.000000000e+00, v11;
	v6 =	vsub.f32 $1.000000000e+00, v8;
	(erf) = vrcp.f32 v63;
	v8 =	vpop (erf)  }
0x2f5: {  	s10 =	simm.s32 $0x280;
	vm2 =	vmmov vm3;
	v8 =	vmul.f32 v8, v9;
	v9 =	vld [tilespmem:s9+$0x1010];
	(erf) = vrcp.f32 v10;
	v10 =	vpop (erf)  }
.LBB2_16:
0x2f6: {  	v13 =	vand.u32 $0x7FFFFFFF, v7  }
0x2f7: {  	p0 =	sne.s32 s10, $0x3F80;
	v12 =	vld [tilespmem:s9+$0x2010];
	v10 =	vmul.f32 v10, v4;
	v14 =	vsub.f32 $0.0e+00, v8;
	v4 =	vmovc v6;
	vm3 =	vmmov vm0  }
0x2f8: {  	vm4 =	vlt.f32 v2, $0.0e+00;
	v2 =	vmovc v0;
	v0 =	vmovc v1;
	v15 =	vld [tilespmem:s9+$0x1000];
	v6 =	vmul.f32 $-2.000000000e+00, v13;
	v16 =	vmul.f32 $1.442695020e+00, v11  }
0x2f9: {  	vm0 =	vlt.f32 v7, $0.0e+00;
	v1 =	vmovc v3;
	v13 =	vld [tilespmem:s9+$0x2000];
	v7 =	vsub.f32 $0.0e+00, v10;
	v8 =	vsel vm4, v14, v8  }
0x2fa: {  	v6 =	vmul.f32 $1.442695020e+00, v6;
	(erf) = vpow2.f32 v16;
	v11 =	vpop (erf);
	[tilespmem:s5+$0x3010] =	vst v8  }
.Ltmp7:
0x2fb: {  	v14 =	vadd.f32 $1.000000000e+00, v11;
	v7 =	vsel vm1, v7, v10;
	vm1 =	vmmov vm2;
	(pc) =	sbr.rel @p0 .LBB2_16-.Ltmp7, $4  }
0x2fc: {  	v16 =	vsub.f32 $1.000000000e+00, v5;
	v3 =	vadd.f32 v12, v9;
	(erf) = vpow2.f32 v6;
	v9 =	vpop (erf);
	[tilespmem:s5+$0x3000] =	vst v7;
	s5 =	smov.u32 s25;
	s25 =	smov.u32 s6;
	s6 =	smov.u32 s8  }
0x2fd: {  	s8 =	smov.u32 s9;
	v6 =	vsub.f32 $1.000000000e+00, v9;
	v17 =	vadd.f32 $1.000000000e+00, v9;
	(erf) = vrcp.f32 v14;
	v8 =	vpop (erf)  }
0x2fe: {  	v5 =	vmovc v11;
	s9 =	sshra.s32 s10, $0x2;
	v7 =	vadd.f32 v13, v15;
	v12 =	vand.u32 $0x7FFFFFFF, v3;
	v8 =	vmul.f32 v8, v16  }
0x2ff: {  	vm2 =	vmmov vm3;
	s10 =	sadd.s32 $0x80, s10;
	v9 =	vld [tilespmem:s9+$0x1010];
	v11 =	vmul.f32 $-2.000000000e+00, v12;
	(erf) = vrcp.f32 v17;
	v10 =	vpop (erf)  }
0x300: {  	v12 =	vld [tilespmem:s9+$0x2010]  }
0x301: {  	v13 =	vld [tilespmem:s9+$0x1000]  }
0x302: {  	v14 =	vld [tilespmem:s9+$0x2000];
	_ =	sdelay $0x1  }
0x303: {  	v11 =	vmul.f32 $1.442695020e+00, v11  }
0x304: {  	v15 =	vand.u32 $0x7FFFFFFF, v7  }
0x305: {  	v15 =	vmul.f32 $-2.000000000e+00, v15;
	v9 =	vadd.f32 v12, v9  }
0x306: {  	v51 =	vadd.f32 v14, v13  }
0x307: {  	v52 =	vmul.f32 $1.442695020e+00, v15;
	(erf) = vpow2.f32 v11;
	v11 =	vpop (erf);
	v53 =	vand.u32 $0x7FFFFFFF, v9  }
0x308: {  	v54 =	vadd.f32 $1.000000000e+00, v11;
	v16 =	vpop (erf);
	v17 =	vand.u32 $0x7FFFFFFF, v51;
	v14 =	vmul.f32 $-2.000000000e+00, v53  }
0x309: {  	(erf) = vpow2.f32 v52;
	v55 =	vadd.f32 $1.000000000e+00, v16;
	v17 =	vmul.f32 $-2.000000000e+00, v17  }
0x30a: {  	(erf) = vrcp.f32 v54;
	v14 =	vmul.f32 $1.442695020e+00, v14  }
0x30b: {  	(erf) = vrcp.f32 v55;
	v56 =	vmul.f32 $1.442695020e+00, v17  }
0x30c: {  	(erf) = vpow2.f32 v14  }
0x30d: {  	(erf) = vpow2.f32 v56;
	_ =	sdelay $0x1  }
0x30e: {  	v57 =	vpop (erf)  }
0x30f: {  	v58 =	vpop (erf)  }
0x310: {  	v4 =	vmul.f32 v10, v4;
	v10 =	vsub.f32 $0.0e+00, v8;
	v59 =	vpop (erf)  }
0x311: {  	vm3 =	vlt.f32 v2, $0.0e+00;
	v5 =	vsub.f32 $1.000000000e+00, v5;
	v60 =	vpop (erf)  }
0x312: {  	v2 =	vsub.f32 $0.0e+00, v4;
	v8 =	vsel vm3, v10, v8;
	v18 =	vpop (erf)  }
0x313: {  	vm3 =	vlt.f32 v7, $0.0e+00;
	v5 =	vmul.f32 v57, v5;
	v10 =	vadd.f32 $1.000000000e+00, v59;
	v19 =	vpop (erf)  }
0x314: {  	v2 =	vsel vm1, v2, v4;
	vm1 =	vlt.f32 v0, $0.0e+00;
	v4 =	vadd.f32 $1.000000000e+00, v60;
	v7 =	vpop (erf)  }
0x315: {  	v0 =	vsub.f32 $0.0e+00, v5;
	(erf) = vrcp.f32 v10;
	v10 =	vadd.f32 $1.000000000e+00, v7;
	v61 =	vpop (erf)  }
0x316: {  	v6 =	vmul.f32 v58, v6;
	(erf) = vrcp.f32 v4;
	v4 =	vadd.f32 $1.000000000e+00, v61  }
0x317: {  	vm0 =	vmmov vm0;
	v0 =	vsel vm1, v0, v5;
	(erf) = vrcp.f32 v10  }
0x318: {  	v5 =	vsub.f32 $1.000000000e+00, v11;
	(erf) = vrcp.f32 v4;
	v4 =	vsub.f32 $0.0e+00, v6  }
0x319: {  	vm0 =	vmmov vm0;
	vm1 =	vmmov vm2  }
0x31a: {  	v5 =	vmul.f32 v18, v5;
	v4 =	vsel vm1, v4, v6;
	v6 =	vsub.f32 $1.000000000e+00, v16  }
0x31b: {  	vm0 =	vmmov vm0;
	vm4 =	vlt.f32 v51, $0.0e+00  }
0x31c: {  	v62 =	vsub.f32 $1.000000000e+00, v59;
	v11 =	vsub.f32 $0.0e+00, v5;
	v6 =	vmul.f32 v19, v6  }
0x31d: {  	vm2 =	vmmov vm4;
	v7 =	vsub.f32 $1.000000000e+00, v7;
	v10 =	vsub.f32 $1.000000000e+00, v60  }
0x31e: {  	[tilespmem:s5+$0x3010] =	vst v8;
	v8 =	vpop (erf);
	vm1 =	vmmov vm3;
	vm3 =	vlt.f32 v1, $0.0e+00;
	v1 =	vsub.f32 $0.0e+00, v6  }
0x31f: {  	[tilespmem:s5+$0x3000] =	vst v2;
	vm1 =	vmmov vm1;
	v2 =	vsel vm3, v11, v5;
	v5 =	vmul.f32 v8, v62;
	v8 =	vpop (erf)  }
0x320: {  	[tilespmem:s25+$0x3010] =	vst v0;
	v0 =	vsel vm0, v1, v6;
	v1 =	vsub.f32 $1.000000000e+00, v61;
	v6 =	vmul.f32 v8, v10;
	v8 =	vpop (erf)  }
0x321: {  	[tilespmem:s25+$0x3000] =	vst v4;
	v4 =	vsub.f32 $0.0e+00, v5;
	vm0 =	vmmov vm1;
	v7 =	vmul.f32 v8, v7;
	v8 =	vpop (erf)  }
0x322: {  	[tilespmem:s6+$0x3010] =	vst v2;
	vm1 =	vlt.f32 v3, $0.0e+00;
	v2 =	vsub.f32 $0.0e+00, v6;
	v1 =	vmul.f32 v8, v1  }
0x323: {  	vm2 =	vmmov vm2;
	[tilespmem:s6+$0x3000] =	vst v0;
	v0 =	vsel vm1, v4, v5;
	v3 =	vsub.f32 $0.0e+00, v7  }
0x324: {  	[tilespmem:s8+$0x3010] =	vst v0;
	v0 =	vsel vm0, v2, v6;
	vm0 =	vlt.f32 v9, $0.0e+00;
	v2 =	vsub.f32 $0.0e+00, v1  }
0x325: {  	vm1 =	vmmov vm2;
	[tilespmem:s8+$0x3000] =	vst v0;
	v0 =	vsel vm0, v3, v7  }
0x326: {  	[tilespmem:s9+$0x3010] =	vst v0;
	v0 =	vsel vm1, v2, v1  }
0x327: {  	[tilespmem:s9+$0x3000] =	vst v0;
	s9 =	simm.s32 $0x0  }
0x328: {  	[hbm4b:s14+s9] =	stream.linear.scatter [tilespmem:s0], [sflag:$0x3], $0x1000, $0x38;
	[tilespmem:$0x4000] =	vst v63  }
0x329: {  	_ =	swait.ge [sflag:s24], $0x1000  }
0x32a: {  	[sflag:s24] =	ssyncset.done $0x0  }
0x32b: {  	s10 =	simm.s32 $0x400;
	[sflag:s24] =	ssyncadd.s32 $0xFFFFF000  }
0x32c: {  	[tilespmem:s28], [sflag:$0x1] =	stream.indirect.gather [hbm4b:s3+s26], $0x20, s10, s26, $0xb8;
	[tilespmem:$0x4000] =	vst v63  }
0x32d: {  	s25 =	simm.s32 $0xC00  }
0x32e: {  	[tilespmem:s29], [sflag:$0x2] =	stream.indirect.gather [hbm4b:s4+s26], $0x20, s25, s26, $0xb8;
	[tilespmem:$0x4000] =	vst v63  }
0x32f: {  	_ =	swait.ge [sflag:s30], $0x1000  }
0x330: {  	[sflag:s30] =	ssyncset.done $0x0  }
0x331: {  	[sflag:s30] =	ssyncadd.s32 $0xFFFFF000  }
0x332: {  	_ =	swait.ge [sflag:s31], $0x1000  }
0x333: {  	[sflag:s31] =	ssyncset.done $0x0  }
0x334: {  	s5 =	simm.s32 $0x0;
	[sflag:s31] =	ssyncadd.s32 $0xFFFFF000  }
0x335: {  	v0 =	vld [tilespmem:s5+$0x1010]  }
0x336: {  	v1 =	vld [tilespmem:s5+$0x2010]  }
0x337: {  	v3 =	vld [tilespmem:s5+$0x1000]  }
0x338: {  	v4 =	vld [tilespmem:s5+$0x2000];
	_ =	sdelay $0x2  }
0x339: {  	s25 =	simm.s32 $0x20  }
0x33a: {  	v6 =	vld [tilespmem:s25+$0x1000];
	v2 =	vadd.f32 v1, v0  }
0x33b: {  	v7 =	vld [tilespmem:s25+$0x2000];
	v3 =	vadd.f32 v4, v3  }
0x33c: {  	v1 =	vld [tilespmem:s25+$0x1010];
	v0 =	vand.u32 $0x7FFFFFFF, v2  }
0x33d: {  	v4 =	vld [tilespmem:s25+$0x2010];
	v5 =	vand.u32 $0x7FFFFFFF, v3;
	v0 =	vmul.f32 $-2.000000000e+00, v0  }
0x33e: {  	v5 =	vmul.f32 $-2.000000000e+00, v5  }
0x33f: {  	v0 =	vmul.f32 $1.442695020e+00, v0  }
0x340: {  	v5 =	vmul.f32 $1.442695020e+00, v5  }
0x341: {  	(erf) = vpow2.f32 v0  }
0x342: {  	v0 =	vadd.f32 v4, v1;
	v4 =	vadd.f32 v7, v6;
	(erf) = vpow2.f32 v5  }
0x343: {  	s6 =	simm.s32 $0x40  }
0x344: {  	v8 =	vld [tilespmem:s6+$0x1000];
	v7 =	vand.u32 $0x7FFFFFFF, v4  }
0x345: {  	v6 =	vld [tilespmem:s6+$0x2010];
	v1 =	vand.u32 $0x7FFFFFFF, v0;
	v7 =	vmul.f32 $-2.000000000e+00, v7  }
0x346: {  	v5 =	vld [tilespmem:s6+$0x1010];
	v1 =	vmul.f32 $-2.000000000e+00, v1  }
0x347: {  	v9 =	vld [tilespmem:s6+$0x2000];
	v7 =	vmul.f32 $1.442695020e+00, v7  }
0x348: {  	v1 =	vmul.f32 $1.442695020e+00, v1;
	_ =	sdelay $0x1  }
0x349: {  	(erf) = vpow2.f32 v1;
	v10 =	vpop (erf)  }
0x34a: {  	v1 =	vadd.f32 v6, v5;
	(erf) = vpow2.f32 v7;
	v11 =	vadd.f32 $1.000000000e+00, v10;
	v7 =	vpop (erf)  }
0x34b: {  	v6 =	vadd.f32 v9, v8;
	v5 =	vadd.f32 $1.000000000e+00, v7  }
0x34c: {  	s8 =	simm.s32 $0x60;
	(erf) = vrcp.f32 v11  }
0x34d: {  	v9 =	vld [tilespmem:s8+$0x1010];
	v8 =	vand.u32 $0x7FFFFFFF, v1;
	(erf) = vrcp.f32 v5;
	v5 =	vand.u32 $0x7FFFFFFF, v6  }
0x34e: {  	vm0 =	vlt.f32 v3, $0.0e+00;
	v3 =	vmul.f32 $-2.000000000e+00, v8;
	v8 =	vld [tilespmem:s8+$0x2010];
	v5 =	vmul.f32 $-2.000000000e+00, v5;
	_ =	sdelay $0x1  }
0x34f: {  	vm1 =	vlt.f32 v4, $0.0e+00;
	v4 =	vsub.f32 $1.000000000e+00, v7;
	v7 =	vld [tilespmem:s8+$0x2000]  }
0x350: {  	vm0 =	vmmov vm0;
	v11 =	vld [tilespmem:s8+$0x1000];
	v3 =	vmul.f32 $1.442695020e+00, v3  }
0x351: {  	vm2 =	vmmov vm0;
	vm0 =	vlt.f32 v6, $0.0e+00;
	v6 =	vmul.f32 $1.442695020e+00, v5;
	v5 =	vpop (erf)  }
0x352: {  	(erf) = vpow2.f32 v3;
	v3 =	vadd.f32 v8, v9;
	v8 =	vpop (erf)  }
0x353: {  	v9 =	vsub.f32 $1.000000000e+00, v10;
	v10 =	vadd.f32 $1.000000000e+00, v8  }
0x354: {  	vm3 =	vmmov vm1;
	vm1 =	vmmov vm2;
	v63 =	vadd.f32 $1.000000000e+00, v5  }
0x355: {  	v7 =	vadd.f32 v7, v11;
	v11 =	vand.u32 $0x7FFFFFFF, v3;
	(erf) = vpow2.f32 v6  }
0x356: {  	s9 =	simm.s32 $0x80;
	v11 =	vmul.f32 $-2.000000000e+00, v11;
	v6 =	vsub.f32 $1.000000000e+00, v8;
	(erf) = vrcp.f32 v63;
	v8 =	vpop (erf)  }
0x357: {  	s10 =	simm.s32 $0x280;
	vm2 =	vmmov vm3;
	v8 =	vmul.f32 v8, v9;
	v9 =	vld [tilespmem:s9+$0x1010];
	(erf) = vrcp.f32 v10;
	v10 =	vpop (erf)  }
.LBB2_18:
0x358: {  	v13 =	vand.u32 $0x7FFFFFFF, v7  }
0x359: {  	p0 =	sne.s32 s10, $0x3F80;
	v12 =	vld [tilespmem:s9+$0x2010];
	v10 =	vmul.f32 v10, v4;
	v14 =	vsub.f32 $0.0e+00, v8;
	v4 =	vmovc v6;
	vm3 =	vmmov vm0  }
0x35a: {  	vm4 =	vlt.f32 v2, $0.0e+00;
	v2 =	vmovc v0;
	v0 =	vmovc v1;
	v15 =	vld [tilespmem:s9+$0x1000];
	v6 =	vmul.f32 $-2.000000000e+00, v13;
	v16 =	vmul.f32 $1.442695020e+00, v11  }
0x35b: {  	vm0 =	vlt.f32 v7, $0.0e+00;
	v1 =	vmovc v3;
	v13 =	vld [tilespmem:s9+$0x2000];
	v7 =	vsub.f32 $0.0e+00, v10;
	v8 =	vsel vm4, v14, v8  }
0x35c: {  	v6 =	vmul.f32 $1.442695020e+00, v6;
	(erf) = vpow2.f32 v16;
	v11 =	vpop (erf);
	[tilespmem:s5+$0x3010] =	vst v8  }
.Ltmp8:
0x35d: {  	v14 =	vadd.f32 $1.000000000e+00, v11;
	v7 =	vsel vm1, v7, v10;
	vm1 =	vmmov vm2;
	(pc) =	sbr.rel @p0 .LBB2_18-.Ltmp8, $4  }
0x35e: {  	v16 =	vsub.f32 $1.000000000e+00, v5;
	v3 =	vadd.f32 v12, v9;
	(erf) = vpow2.f32 v6;
	v9 =	vpop (erf);
	[tilespmem:s5+$0x3000] =	vst v7;
	s5 =	smov.u32 s25;
	s25 =	smov.u32 s6;
	s6 =	smov.u32 s8  }
0x35f: {  	s8 =	smov.u32 s9;
	v6 =	vsub.f32 $1.000000000e+00, v9;
	v17 =	vadd.f32 $1.000000000e+00, v9;
	(erf) = vrcp.f32 v14;
	v8 =	vpop (erf)  }
0x360: {  	v5 =	vmovc v11;
	s9 =	sshra.s32 s10, $0x2;
	v7 =	vadd.f32 v13, v15;
	v12 =	vand.u32 $0x7FFFFFFF, v3;
	v8 =	vmul.f32 v8, v16  }
0x361: {  	vm2 =	vmmov vm3;
	s10 =	sadd.s32 $0x80, s10;
	v9 =	vld [tilespmem:s9+$0x1010];
	v11 =	vmul.f32 $-2.000000000e+00, v12;
	(erf) = vrcp.f32 v17;
	v10 =	vpop (erf)  }
0x362: {  	v12 =	vld [tilespmem:s9+$0x2010]  }
0x363: {  	v13 =	vld [tilespmem:s9+$0x1000]  }
0x364: {  	v14 =	vld [tilespmem:s9+$0x2000];
	_ =	sdelay $0x1  }
0x365: {  	v11 =	vmul.f32 $1.442695020e+00, v11  }
0x366: {  	v15 =	vand.u32 $0x7FFFFFFF, v7  }
0x367: {  	v15 =	vmul.f32 $-2.000000000e+00, v15;
	v9 =	vadd.f32 v12, v9  }
0x368: {  	v51 =	vadd.f32 v14, v13  }
0x369: {  	v52 =	vmul.f32 $1.442695020e+00, v15;
	(erf) = vpow2.f32 v11;
	v11 =	vpop (erf);
	v53 =	vand.u32 $0x7FFFFFFF, v9  }
0x36a: {  	v54 =	vadd.f32 $1.000000000e+00, v11;
	v16 =	vpop (erf);
	v17 =	vand.u32 $0x7FFFFFFF, v51;
	v14 =	vmul.f32 $-2.000000000e+00, v53  }
0x36b: {  	(erf) = vpow2.f32 v52;
	v55 =	vadd.f32 $1.000000000e+00, v16;
	v17 =	vmul.f32 $-2.000000000e+00, v17  }
0x36c: {  	(erf) = vrcp.f32 v54;
	v14 =	vmul.f32 $1.442695020e+00, v14  }
0x36d: {  	(erf) = vrcp.f32 v55;
	v56 =	vmul.f32 $1.442695020e+00, v17  }
0x36e: {  	(erf) = vpow2.f32 v14  }
0x36f: {  	(erf) = vpow2.f32 v56;
	_ =	sdelay $0x1  }
0x370: {  	v57 =	vpop (erf)  }
0x371: {  	v58 =	vpop (erf)  }
0x372: {  	v4 =	vmul.f32 v10, v4;
	v10 =	vsub.f32 $0.0e+00, v8;
	v59 =	vpop (erf)  }
0x373: {  	vm3 =	vlt.f32 v2, $0.0e+00;
	v5 =	vsub.f32 $1.000000000e+00, v5;
	v60 =	vpop (erf)  }
0x374: {  	v2 =	vsub.f32 $0.0e+00, v4;
	v8 =	vsel vm3, v10, v8;
	v18 =	vpop (erf)  }
0x375: {  	vm3 =	vlt.f32 v7, $0.0e+00;
	v5 =	vmul.f32 v57, v5;
	v10 =	vadd.f32 $1.000000000e+00, v59;
	v19 =	vpop (erf)  }
0x376: {  	v2 =	vsel vm1, v2, v4;
	vm1 =	vlt.f32 v0, $0.0e+00;
	v4 =	vadd.f32 $1.000000000e+00, v60;
	v7 =	vpop (erf)  }
0x377: {  	v0 =	vsub.f32 $0.0e+00, v5;
	(erf) = vrcp.f32 v10;
	v10 =	vadd.f32 $1.000000000e+00, v7;
	v61 =	vpop (erf)  }
0x378: {  	v6 =	vmul.f32 v58, v6;
	(erf) = vrcp.f32 v4;
	v4 =	vadd.f32 $1.000000000e+00, v61  }
0x379: {  	vm0 =	vmmov vm0;
	v0 =	vsel vm1, v0, v5;
	(erf) = vrcp.f32 v10  }
0x37a: {  	v5 =	vsub.f32 $1.000000000e+00, v11;
	(erf) = vrcp.f32 v4;
	v4 =	vsub.f32 $0.0e+00, v6  }
0x37b: {  	vm0 =	vmmov vm0;
	vm1 =	vmmov vm2  }
0x37c: {  	v5 =	vmul.f32 v18, v5;
	v4 =	vsel vm1, v4, v6;
	v6 =	vsub.f32 $1.000000000e+00, v16  }
0x37d: {  	vm0 =	vmmov vm0;
	vm4 =	vlt.f32 v51, $0.0e+00  }
0x37e: {  	v62 =	vsub.f32 $1.000000000e+00, v59;
	v11 =	vsub.f32 $0.0e+00, v5;
	v6 =	vmul.f32 v19, v6  }
0x37f: {  	vm2 =	vmmov vm4;
	v7 =	vsub.f32 $1.000000000e+00, v7;
	v10 =	vsub.f32 $1.000000000e+00, v60  }
0x380: {  	[tilespmem:s5+$0x3010] =	vst v8;
	v8 =	vpop (erf);
	vm1 =	vmmov vm3;
	vm3 =	vlt.f32 v1, $0.0e+00;
	v1 =	vsub.f32 $0.0e+00, v6  }
0x381: {  	[tilespmem:s5+$0x3000] =	vst v2;
	vm1 =	vmmov vm1;
	v2 =	vsel vm3, v11, v5;
	v5 =	vmul.f32 v8, v62;
	v8 =	vpop (erf)  }
0x382: {  	[tilespmem:s25+$0x3010] =	vst v0;
	v0 =	vsel vm0, v1, v6;
	v1 =	vsub.f32 $1.000000000e+00, v61;
	v6 =	vmul.f32 v8, v10;
	v8 =	vpop (erf)  }
0x383: {  	[tilespmem:s25+$0x3000] =	vst v4;
	v4 =	vsub.f32 $0.0e+00, v5;
	vm0 =	vmmov vm1;
	v7 =	vmul.f32 v8, v7;
	v8 =	vpop (erf)  }
0x384: {  	[tilespmem:s6+$0x3010] =	vst v2;
	vm1 =	vlt.f32 v3, $0.0e+00;
	v2 =	vsub.f32 $0.0e+00, v6;
	v1 =	vmul.f32 v8, v1  }
0x385: {  	vm2 =	vmmov vm2;
	[tilespmem:s6+$0x3000] =	vst v0;
	v0 =	vsel vm1, v4, v5;
	v3 =	vsub.f32 $0.0e+00, v7  }
0x386: {  	[tilespmem:s8+$0x3010] =	vst v0;
	v0 =	vsel vm0, v2, v6;
	vm0 =	vlt.f32 v9, $0.0e+00;
	v2 =	vsub.f32 $0.0e+00, v1  }
0x387: {  	vm1 =	vmmov vm2;
	[tilespmem:s8+$0x3000] =	vst v0;
	v0 =	vsel vm0, v3, v7  }
0x388: {  	[tilespmem:s9+$0x3010] =	vst v0;
	v0 =	vsel vm1, v2, v1  }
0x389: {  	[tilespmem:s9+$0x3000] =	vst v0;
	s9 =	simm.s32 $0x0  }
0x38a: {  	[hbm4b:s15+s9] =	stream.linear.scatter [tilespmem:s0], [sflag:$0x3], $0x1000, $0x38;
	[tilespmem:$0x4000] =	vst v63  }
0x38b: {  	_ =	swait.ge [sflag:s24], $0x1000  }
0x38c: {  	[sflag:s24] =	ssyncset.done $0x0  }
0x38d: {  	s10 =	simm.s32 $0x480;
	[sflag:s24] =	ssyncadd.s32 $0xFFFFF000  }
0x38e: {  	[tilespmem:s28], [sflag:$0x1] =	stream.indirect.gather [hbm4b:s3+s26], $0x20, s10, s26, $0xb8;
	[tilespmem:$0x4000] =	vst v63  }
0x38f: {  	s25 =	simm.s32 $0xC80  }
0x390: {  	[tilespmem:s29], [sflag:$0x2] =	stream.indirect.gather [hbm4b:s4+s26], $0x20, s25, s26, $0xb8;
	[tilespmem:$0x4000] =	vst v63  }
0x391: {  	_ =	swait.ge [sflag:s30], $0x1000  }
0x392: {  	[sflag:s30] =	ssyncset.done $0x0  }
0x393: {  	[sflag:s30] =	ssyncadd.s32 $0xFFFFF000  }
0x394: {  	_ =	swait.ge [sflag:s31], $0x1000  }
0x395: {  	[sflag:s31] =	ssyncset.done $0x0  }
0x396: {  	s5 =	simm.s32 $0x0;
	[sflag:s31] =	ssyncadd.s32 $0xFFFFF000  }
0x397: {  	v0 =	vld [tilespmem:s5+$0x1010]  }
0x398: {  	v1 =	vld [tilespmem:s5+$0x2010]  }
0x399: {  	v3 =	vld [tilespmem:s5+$0x1000]  }
0x39a: {  	v4 =	vld [tilespmem:s5+$0x2000];
	_ =	sdelay $0x2  }
0x39b: {  	s25 =	simm.s32 $0x20  }
0x39c: {  	v6 =	vld [tilespmem:s25+$0x1000];
	v2 =	vadd.f32 v1, v0  }
0x39d: {  	v7 =	vld [tilespmem:s25+$0x2000];
	v3 =	vadd.f32 v4, v3  }
0x39e: {  	v1 =	vld [tilespmem:s25+$0x1010];
	v0 =	vand.u32 $0x7FFFFFFF, v2  }
0x39f: {  	v4 =	vld [tilespmem:s25+$0x2010];
	v5 =	vand.u32 $0x7FFFFFFF, v3;
	v0 =	vmul.f32 $-2.000000000e+00, v0  }
0x3a0: {  	v5 =	vmul.f32 $-2.000000000e+00, v5  }
0x3a1: {  	v0 =	vmul.f32 $1.442695020e+00, v0  }
0x3a2: {  	v5 =	vmul.f32 $1.442695020e+00, v5  }
0x3a3: {  	(erf) = vpow2.f32 v0  }
0x3a4: {  	v0 =	vadd.f32 v4, v1;
	v4 =	vadd.f32 v7, v6;
	(erf) = vpow2.f32 v5  }
0x3a5: {  	s6 =	simm.s32 $0x40  }
0x3a6: {  	v8 =	vld [tilespmem:s6+$0x1000];
	v7 =	vand.u32 $0x7FFFFFFF, v4  }
0x3a7: {  	v6 =	vld [tilespmem:s6+$0x2010];
	v1 =	vand.u32 $0x7FFFFFFF, v0;
	v7 =	vmul.f32 $-2.000000000e+00, v7  }
0x3a8: {  	v5 =	vld [tilespmem:s6+$0x1010];
	v1 =	vmul.f32 $-2.000000000e+00, v1  }
0x3a9: {  	v9 =	vld [tilespmem:s6+$0x2000];
	v7 =	vmul.f32 $1.442695020e+00, v7  }
0x3aa: {  	v1 =	vmul.f32 $1.442695020e+00, v1;
	_ =	sdelay $0x1  }
0x3ab: {  	(erf) = vpow2.f32 v1;
	v10 =	vpop (erf)  }
0x3ac: {  	v1 =	vadd.f32 v6, v5;
	(erf) = vpow2.f32 v7;
	v11 =	vadd.f32 $1.000000000e+00, v10;
	v7 =	vpop (erf)  }
0x3ad: {  	v6 =	vadd.f32 v9, v8;
	v5 =	vadd.f32 $1.000000000e+00, v7  }
0x3ae: {  	s8 =	simm.s32 $0x60;
	(erf) = vrcp.f32 v11  }
0x3af: {  	v9 =	vld [tilespmem:s8+$0x1010];
	v8 =	vand.u32 $0x7FFFFFFF, v1;
	(erf) = vrcp.f32 v5;
	v5 =	vand.u32 $0x7FFFFFFF, v6  }
0x3b0: {  	vm0 =	vlt.f32 v3, $0.0e+00;
	v3 =	vmul.f32 $-2.000000000e+00, v8;
	v8 =	vld [tilespmem:s8+$0x2010];
	v5 =	vmul.f32 $-2.000000000e+00, v5;
	_ =	sdelay $0x1  }
0x3b1: {  	vm1 =	vlt.f32 v4, $0.0e+00;
	v4 =	vsub.f32 $1.000000000e+00, v7;
	v7 =	vld [tilespmem:s8+$0x2000]  }
0x3b2: {  	vm0 =	vmmov vm0;
	v11 =	vld [tilespmem:s8+$0x1000];
	v3 =	vmul.f32 $1.442695020e+00, v3  }
0x3b3: {  	vm2 =	vmmov vm0;
	vm0 =	vlt.f32 v6, $0.0e+00;
	v6 =	vmul.f32 $1.442695020e+00, v5;
	v5 =	vpop (erf)  }
0x3b4: {  	(erf) = vpow2.f32 v3;
	v3 =	vadd.f32 v8, v9;
	v8 =	vpop (erf)  }
0x3b5: {  	v9 =	vsub.f32 $1.000000000e+00, v10;
	v10 =	vadd.f32 $1.000000000e+00, v8  }
0x3b6: {  	vm3 =	vmmov vm1;
	vm1 =	vmmov vm2;
	v63 =	vadd.f32 $1.000000000e+00, v5  }
0x3b7: {  	v7 =	vadd.f32 v7, v11;
	v11 =	vand.u32 $0x7FFFFFFF, v3;
	(erf) = vpow2.f32 v6  }
0x3b8: {  	s9 =	simm.s32 $0x80;
	v11 =	vmul.f32 $-2.000000000e+00, v11;
	v6 =	vsub.f32 $1.000000000e+00, v8;
	(erf) = vrcp.f32 v63;
	v8 =	vpop (erf)  }
0x3b9: {  	s10 =	simm.s32 $0x280;
	vm2 =	vmmov vm3;
	v8 =	vmul.f32 v8, v9;
	v9 =	vld [tilespmem:s9+$0x1010];
	(erf) = vrcp.f32 v10;
	v10 =	vpop (erf)  }
.LBB2_20:
0x3ba: {  	v13 =	vand.u32 $0x7FFFFFFF, v7  }
0x3bb: {  	p0 =	sne.s32 s10, $0x3F80;
	v12 =	vld [tilespmem:s9+$0x2010];
	v10 =	vmul.f32 v10, v4;
	v14 =	vsub.f32 $0.0e+00, v8;
	v4 =	vmovc v6;
	vm3 =	vmmov vm0  }
0x3bc: {  	vm4 =	vlt.f32 v2, $0.0e+00;
	v2 =	vmovc v0;
	v0 =	vmovc v1;
	v15 =	vld [tilespmem:s9+$0x1000];
	v6 =	vmul.f32 $-2.000000000e+00, v13;
	v16 =	vmul.f32 $1.442695020e+00, v11  }
0x3bd: {  	vm0 =	vlt.f32 v7, $0.0e+00;
	v1 =	vmovc v3;
	v13 =	vld [tilespmem:s9+$0x2000];
	v7 =	vsub.f32 $0.0e+00, v10;
	v8 =	vsel vm4, v14, v8  }
0x3be: {  	v6 =	vmul.f32 $1.442695020e+00, v6;
	(erf) = vpow2.f32 v16;
	v11 =	vpop (erf);
	[tilespmem:s5+$0x3010] =	vst v8  }
.Ltmp9:
0x3bf: {  	v14 =	vadd.f32 $1.000000000e+00, v11;
	v7 =	vsel vm1, v7, v10;
	vm1 =	vmmov vm2;
	(pc) =	sbr.rel @p0 .LBB2_20-.Ltmp9, $4  }
0x3c0: {  	v16 =	vsub.f32 $1.000000000e+00, v5;
	v3 =	vadd.f32 v12, v9;
	(erf) = vpow2.f32 v6;
	v9 =	vpop (erf);
	[tilespmem:s5+$0x3000] =	vst v7;
	s5 =	smov.u32 s25;
	s25 =	smov.u32 s6;
	s6 =	smov.u32 s8  }
0x3c1: {  	s8 =	smov.u32 s9;
	v6 =	vsub.f32 $1.000000000e+00, v9;
	v17 =	vadd.f32 $1.000000000e+00, v9;
	(erf) = vrcp.f32 v14;
	v8 =	vpop (erf)  }
0x3c2: {  	v5 =	vmovc v11;
	s9 =	sshra.s32 s10, $0x2;
	v7 =	vadd.f32 v13, v15;
	v12 =	vand.u32 $0x7FFFFFFF, v3;
	v8 =	vmul.f32 v8, v16  }
0x3c3: {  	vm2 =	vmmov vm3;
	s10 =	sadd.s32 $0x80, s10;
	v9 =	vld [tilespmem:s9+$0x1010];
	v11 =	vmul.f32 $-2.000000000e+00, v12;
	(erf) = vrcp.f32 v17;
	v10 =	vpop (erf)  }
0x3c4: {  	v12 =	vld [tilespmem:s9+$0x2010]  }
0x3c5: {  	v13 =	vld [tilespmem:s9+$0x1000]  }
0x3c6: {  	v14 =	vld [tilespmem:s9+$0x2000];
	_ =	sdelay $0x1  }
0x3c7: {  	v11 =	vmul.f32 $1.442695020e+00, v11  }
0x3c8: {  	v15 =	vand.u32 $0x7FFFFFFF, v7  }
0x3c9: {  	v15 =	vmul.f32 $-2.000000000e+00, v15;
	v9 =	vadd.f32 v12, v9  }
0x3ca: {  	v51 =	vadd.f32 v14, v13  }
0x3cb: {  	v52 =	vmul.f32 $1.442695020e+00, v15;
	(erf) = vpow2.f32 v11;
	v11 =	vpop (erf);
	v53 =	vand.u32 $0x7FFFFFFF, v9  }
0x3cc: {  	v54 =	vadd.f32 $1.000000000e+00, v11;
	v16 =	vpop (erf);
	v17 =	vand.u32 $0x7FFFFFFF, v51;
	v14 =	vmul.f32 $-2.000000000e+00, v53  }
0x3cd: {  	(erf) = vpow2.f32 v52;
	v55 =	vadd.f32 $1.000000000e+00, v16;
	v17 =	vmul.f32 $-2.000000000e+00, v17  }
0x3ce: {  	(erf) = vrcp.f32 v54;
	v14 =	vmul.f32 $1.442695020e+00, v14  }
0x3cf: {  	(erf) = vrcp.f32 v55;
	v56 =	vmul.f32 $1.442695020e+00, v17  }
0x3d0: {  	(erf) = vpow2.f32 v14  }
0x3d1: {  	(erf) = vpow2.f32 v56;
	_ =	sdelay $0x1  }
0x3d2: {  	v57 =	vpop (erf)  }
0x3d3: {  	v58 =	vpop (erf)  }
0x3d4: {  	v4 =	vmul.f32 v10, v4;
	v10 =	vsub.f32 $0.0e+00, v8;
	v59 =	vpop (erf)  }
0x3d5: {  	vm3 =	vlt.f32 v2, $0.0e+00;
	v5 =	vsub.f32 $1.000000000e+00, v5;
	v60 =	vpop (erf)  }
0x3d6: {  	v2 =	vsub.f32 $0.0e+00, v4;
	v8 =	vsel vm3, v10, v8;
	v18 =	vpop (erf)  }
0x3d7: {  	vm3 =	vlt.f32 v7, $0.0e+00;
	v5 =	vmul.f32 v57, v5;
	v10 =	vadd.f32 $1.000000000e+00, v59;
	v19 =	vpop (erf)  }
0x3d8: {  	v2 =	vsel vm1, v2, v4;
	vm1 =	vlt.f32 v0, $0.0e+00;
	v4 =	vadd.f32 $1.000000000e+00, v60;
	v7 =	vpop (erf)  }
0x3d9: {  	v0 =	vsub.f32 $0.0e+00, v5;
	(erf) = vrcp.f32 v10;
	v10 =	vadd.f32 $1.000000000e+00, v7;
	v61 =	vpop (erf)  }
0x3da: {  	v6 =	vmul.f32 v58, v6;
	(erf) = vrcp.f32 v4;
	v4 =	vadd.f32 $1.000000000e+00, v61  }
0x3db: {  	vm0 =	vmmov vm0;
	v0 =	vsel vm1, v0, v5;
	(erf) = vrcp.f32 v10  }
0x3dc: {  	v5 =	vsub.f32 $1.000000000e+00, v11;
	(erf) = vrcp.f32 v4;
	v4 =	vsub.f32 $0.0e+00, v6  }
0x3dd: {  	vm0 =	vmmov vm0;
	vm1 =	vmmov vm2  }
0x3de: {  	v5 =	vmul.f32 v18, v5;
	v4 =	vsel vm1, v4, v6;
	v6 =	vsub.f32 $1.000000000e+00, v16  }
0x3df: {  	vm0 =	vmmov vm0;
	vm4 =	vlt.f32 v51, $0.0e+00  }
0x3e0: {  	v62 =	vsub.f32 $1.000000000e+00, v59;
	v11 =	vsub.f32 $0.0e+00, v5;
	v6 =	vmul.f32 v19, v6  }
0x3e1: {  	vm2 =	vmmov vm4;
	v7 =	vsub.f32 $1.000000000e+00, v7;
	v10 =	vsub.f32 $1.000000000e+00, v60  }
0x3e2: {  	[tilespmem:s5+$0x3010] =	vst v8;
	v8 =	vpop (erf);
	vm1 =	vmmov vm3;
	vm3 =	vlt.f32 v1, $0.0e+00;
	v1 =	vsub.f32 $0.0e+00, v6  }
0x3e3: {  	[tilespmem:s5+$0x3000] =	vst v2;
	vm1 =	vmmov vm1;
	v2 =	vsel vm3, v11, v5;
	v5 =	vmul.f32 v8, v62;
	v8 =	vpop (erf)  }
0x3e4: {  	[tilespmem:s25+$0x3010] =	vst v0;
	v0 =	vsel vm0, v1, v6;
	v1 =	vsub.f32 $1.000000000e+00, v61;
	v6 =	vmul.f32 v8, v10;
	v8 =	vpop (erf)  }
0x3e5: {  	[tilespmem:s25+$0x3000] =	vst v4;
	v4 =	vsub.f32 $0.0e+00, v5;
	vm0 =	vmmov vm1;
	v7 =	vmul.f32 v8, v7;
	v8 =	vpop (erf)  }
0x3e6: {  	[tilespmem:s6+$0x3010] =	vst v2;
	vm1 =	vlt.f32 v3, $0.0e+00;
	v2 =	vsub.f32 $0.0e+00, v6;
	v1 =	vmul.f32 v8, v1  }
0x3e7: {  	vm2 =	vmmov vm2;
	[tilespmem:s6+$0x3000] =	vst v0;
	v0 =	vsel vm1, v4, v5;
	v3 =	vsub.f32 $0.0e+00, v7  }
0x3e8: {  	[tilespmem:s8+$0x3010] =	vst v0;
	v0 =	vsel vm0, v2, v6;
	vm0 =	vlt.f32 v9, $0.0e+00;
	v2 =	vsub.f32 $0.0e+00, v1  }
0x3e9: {  	vm1 =	vmmov vm2;
	[tilespmem:s8+$0x3000] =	vst v0;
	v0 =	vsel vm0, v3, v7  }
0x3ea: {  	[tilespmem:s9+$0x3010] =	vst v0;
	v0 =	vsel vm1, v2, v1  }
0x3eb: {  	[tilespmem:s9+$0x3000] =	vst v0;
	s9 =	simm.s32 $0x0  }
0x3ec: {  	[hbm4b:s16+s9] =	stream.linear.scatter [tilespmem:s0], [sflag:$0x3], $0x1000, $0x38;
	[tilespmem:$0x4000] =	vst v63  }
0x3ed: {  	_ =	swait.ge [sflag:s24], $0x1000  }
0x3ee: {  	[sflag:s24] =	ssyncset.done $0x0  }
0x3ef: {  	s10 =	simm.s32 $0x500;
	[sflag:s24] =	ssyncadd.s32 $0xFFFFF000  }
0x3f0: {  	[tilespmem:s28], [sflag:$0x1] =	stream.indirect.gather [hbm4b:s3+s26], $0x20, s10, s26, $0xb8;
	[tilespmem:$0x4000] =	vst v63  }
0x3f1: {  	s25 =	simm.s32 $0xD00  }
0x3f2: {  	[tilespmem:s29], [sflag:$0x2] =	stream.indirect.gather [hbm4b:s4+s26], $0x20, s25, s26, $0xb8;
	[tilespmem:$0x4000] =	vst v63  }
0x3f3: {  	_ =	swait.ge [sflag:s30], $0x1000  }
0x3f4: {  	[sflag:s30] =	ssyncset.done $0x0  }
0x3f5: {  	[sflag:s30] =	ssyncadd.s32 $0xFFFFF000  }
0x3f6: {  	_ =	swait.ge [sflag:s31], $0x1000  }
0x3f7: {  	[sflag:s31] =	ssyncset.done $0x0  }
0x3f8: {  	s5 =	simm.s32 $0x0;
	[sflag:s31] =	ssyncadd.s32 $0xFFFFF000  }
0x3f9: {  	v0 =	vld [tilespmem:s5+$0x1010]  }
0x3fa: {  	v1 =	vld [tilespmem:s5+$0x2010]  }
0x3fb: {  	v3 =	vld [tilespmem:s5+$0x1000]  }
0x3fc: {  	v4 =	vld [tilespmem:s5+$0x2000];
	_ =	sdelay $0x2  }
0x3fd: {  	s25 =	simm.s32 $0x20  }
0x3fe: {  	v6 =	vld [tilespmem:s25+$0x1000];
	v2 =	vadd.f32 v1, v0  }
0x3ff: {  	v7 =	vld [tilespmem:s25+$0x2000];
	v3 =	vadd.f32 v4, v3  }
0x400: {  	v1 =	vld [tilespmem:s25+$0x1010];
	v0 =	vand.u32 $0x7FFFFFFF, v2  }
0x401: {  	v4 =	vld [tilespmem:s25+$0x2010];
	v5 =	vand.u32 $0x7FFFFFFF, v3;
	v0 =	vmul.f32 $-2.000000000e+00, v0  }
0x402: {  	v5 =	vmul.f32 $-2.000000000e+00, v5  }
0x403: {  	v0 =	vmul.f32 $1.442695020e+00, v0  }
0x404: {  	v5 =	vmul.f32 $1.442695020e+00, v5  }
0x405: {  	(erf) = vpow2.f32 v0  }
0x406: {  	v0 =	vadd.f32 v4, v1;
	v4 =	vadd.f32 v7, v6;
	(erf) = vpow2.f32 v5  }
0x407: {  	s6 =	simm.s32 $0x40  }
0x408: {  	v8 =	vld [tilespmem:s6+$0x1000];
	v7 =	vand.u32 $0x7FFFFFFF, v4  }
0x409: {  	v6 =	vld [tilespmem:s6+$0x2010];
	v1 =	vand.u32 $0x7FFFFFFF, v0;
	v7 =	vmul.f32 $-2.000000000e+00, v7  }
0x40a: {  	v5 =	vld [tilespmem:s6+$0x1010];
	v1 =	vmul.f32 $-2.000000000e+00, v1  }
0x40b: {  	v9 =	vld [tilespmem:s6+$0x2000];
	v7 =	vmul.f32 $1.442695020e+00, v7  }
0x40c: {  	v1 =	vmul.f32 $1.442695020e+00, v1;
	_ =	sdelay $0x1  }
0x40d: {  	(erf) = vpow2.f32 v1;
	v10 =	vpop (erf)  }
0x40e: {  	v1 =	vadd.f32 v6, v5;
	(erf) = vpow2.f32 v7;
	v11 =	vadd.f32 $1.000000000e+00, v10;
	v7 =	vpop (erf)  }
0x40f: {  	v6 =	vadd.f32 v9, v8;
	v5 =	vadd.f32 $1.000000000e+00, v7  }
0x410: {  	s8 =	simm.s32 $0x60;
	(erf) = vrcp.f32 v11  }
0x411: {  	v9 =	vld [tilespmem:s8+$0x1010];
	v8 =	vand.u32 $0x7FFFFFFF, v1;
	(erf) = vrcp.f32 v5;
	v5 =	vand.u32 $0x7FFFFFFF, v6  }
0x412: {  	vm0 =	vlt.f32 v3, $0.0e+00;
	v3 =	vmul.f32 $-2.000000000e+00, v8;
	v8 =	vld [tilespmem:s8+$0x2010];
	v5 =	vmul.f32 $-2.000000000e+00, v5;
	_ =	sdelay $0x1  }
0x413: {  	vm1 =	vlt.f32 v4, $0.0e+00;
	v4 =	vsub.f32 $1.000000000e+00, v7;
	v7 =	vld [tilespmem:s8+$0x2000]  }
0x414: {  	vm0 =	vmmov vm0;
	v11 =	vld [tilespmem:s8+$0x1000];
	v3 =	vmul.f32 $1.442695020e+00, v3  }
0x415: {  	vm2 =	vmmov vm0;
	vm0 =	vlt.f32 v6, $0.0e+00;
	v6 =	vmul.f32 $1.442695020e+00, v5;
	v5 =	vpop (erf)  }
0x416: {  	(erf) = vpow2.f32 v3;
	v3 =	vadd.f32 v8, v9;
	v8 =	vpop (erf)  }
0x417: {  	v9 =	vsub.f32 $1.000000000e+00, v10;
	v10 =	vadd.f32 $1.000000000e+00, v8  }
0x418: {  	vm3 =	vmmov vm1;
	vm1 =	vmmov vm2;
	v63 =	vadd.f32 $1.000000000e+00, v5  }
0x419: {  	v7 =	vadd.f32 v7, v11;
	v11 =	vand.u32 $0x7FFFFFFF, v3;
	(erf) = vpow2.f32 v6  }
0x41a: {  	s9 =	simm.s32 $0x80;
	v11 =	vmul.f32 $-2.000000000e+00, v11;
	v6 =	vsub.f32 $1.000000000e+00, v8;
	(erf) = vrcp.f32 v63;
	v8 =	vpop (erf)  }
0x41b: {  	s10 =	simm.s32 $0x280;
	vm2 =	vmmov vm3;
	v8 =	vmul.f32 v8, v9;
	v9 =	vld [tilespmem:s9+$0x1010];
	(erf) = vrcp.f32 v10;
	v10 =	vpop (erf)  }
.LBB2_22:
0x41c: {  	v13 =	vand.u32 $0x7FFFFFFF, v7  }
0x41d: {  	p0 =	sne.s32 s10, $0x3F80;
	v12 =	vld [tilespmem:s9+$0x2010];
	v10 =	vmul.f32 v10, v4;
	v14 =	vsub.f32 $0.0e+00, v8;
	v4 =	vmovc v6;
	vm3 =	vmmov vm0  }
0x41e: {  	vm4 =	vlt.f32 v2, $0.0e+00;
	v2 =	vmovc v0;
	v0 =	vmovc v1;
	v15 =	vld [tilespmem:s9+$0x1000];
	v6 =	vmul.f32 $-2.000000000e+00, v13;
	v16 =	vmul.f32 $1.442695020e+00, v11  }
0x41f: {  	vm0 =	vlt.f32 v7, $0.0e+00;
	v1 =	vmovc v3;
	v13 =	vld [tilespmem:s9+$0x2000];
	v7 =	vsub.f32 $0.0e+00, v10;
	v8 =	vsel vm4, v14, v8  }
0x420: {  	v6 =	vmul.f32 $1.442695020e+00, v6;
	(erf) = vpow2.f32 v16;
	v11 =	vpop (erf);
	[tilespmem:s5+$0x3010] =	vst v8  }
.Ltmp10:
0x421: {  	v14 =	vadd.f32 $1.000000000e+00, v11;
	v7 =	vsel vm1, v7, v10;
	vm1 =	vmmov vm2;
	(pc) =	sbr.rel @p0 .LBB2_22-.Ltmp10, $4  }
0x422: {  	v16 =	vsub.f32 $1.000000000e+00, v5;
	v3 =	vadd.f32 v12, v9;
	(erf) = vpow2.f32 v6;
	v9 =	vpop (erf);
	[tilespmem:s5+$0x3000] =	vst v7;
	s5 =	smov.u32 s25;
	s25 =	smov.u32 s6;
	s6 =	smov.u32 s8  }
0x423: {  	s8 =	smov.u32 s9;
	v6 =	vsub.f32 $1.000000000e+00, v9;
	v17 =	vadd.f32 $1.000000000e+00, v9;
	(erf) = vrcp.f32 v14;
	v8 =	vpop (erf)  }
0x424: {  	v5 =	vmovc v11;
	s9 =	sshra.s32 s10, $0x2;
	v7 =	vadd.f32 v13, v15;
	v12 =	vand.u32 $0x7FFFFFFF, v3;
	v8 =	vmul.f32 v8, v16  }
0x425: {  	vm2 =	vmmov vm3;
	s10 =	sadd.s32 $0x80, s10;
	v9 =	vld [tilespmem:s9+$0x1010];
	v11 =	vmul.f32 $-2.000000000e+00, v12;
	(erf) = vrcp.f32 v17;
	v10 =	vpop (erf)  }
0x426: {  	v12 =	vld [tilespmem:s9+$0x2010]  }
0x427: {  	v13 =	vld [tilespmem:s9+$0x1000]  }
0x428: {  	v14 =	vld [tilespmem:s9+$0x2000];
	_ =	sdelay $0x1  }
0x429: {  	v11 =	vmul.f32 $1.442695020e+00, v11  }
0x42a: {  	v15 =	vand.u32 $0x7FFFFFFF, v7  }
0x42b: {  	v15 =	vmul.f32 $-2.000000000e+00, v15;
	v9 =	vadd.f32 v12, v9  }
0x42c: {  	v51 =	vadd.f32 v14, v13  }
0x42d: {  	v52 =	vmul.f32 $1.442695020e+00, v15;
	(erf) = vpow2.f32 v11;
	v11 =	vpop (erf);
	v53 =	vand.u32 $0x7FFFFFFF, v9  }
0x42e: {  	v54 =	vadd.f32 $1.000000000e+00, v11;
	v16 =	vpop (erf);
	v17 =	vand.u32 $0x7FFFFFFF, v51;
	v14 =	vmul.f32 $-2.000000000e+00, v53  }
0x42f: {  	(erf) = vpow2.f32 v52;
	v55 =	vadd.f32 $1.000000000e+00, v16;
	v17 =	vmul.f32 $-2.000000000e+00, v17  }
0x430: {  	(erf) = vrcp.f32 v54;
	v14 =	vmul.f32 $1.442695020e+00, v14  }
0x431: {  	(erf) = vrcp.f32 v55;
	v56 =	vmul.f32 $1.442695020e+00, v17  }
0x432: {  	(erf) = vpow2.f32 v14  }
0x433: {  	(erf) = vpow2.f32 v56;
	_ =	sdelay $0x1  }
0x434: {  	v57 =	vpop (erf)  }
0x435: {  	v58 =	vpop (erf)  }
0x436: {  	v4 =	vmul.f32 v10, v4;
	v10 =	vsub.f32 $0.0e+00, v8;
	v59 =	vpop (erf)  }
0x437: {  	vm3 =	vlt.f32 v2, $0.0e+00;
	v5 =	vsub.f32 $1.000000000e+00, v5;
	v60 =	vpop (erf)  }
0x438: {  	v2 =	vsub.f32 $0.0e+00, v4;
	v8 =	vsel vm3, v10, v8;
	v18 =	vpop (erf)  }
0x439: {  	vm3 =	vlt.f32 v7, $0.0e+00;
	v5 =	vmul.f32 v57, v5;
	v10 =	vadd.f32 $1.000000000e+00, v59;
	v19 =	vpop (erf)  }
0x43a: {  	v2 =	vsel vm1, v2, v4;
	vm1 =	vlt.f32 v0, $0.0e+00;
	v4 =	vadd.f32 $1.000000000e+00, v60;
	v7 =	vpop (erf)  }
0x43b: {  	v0 =	vsub.f32 $0.0e+00, v5;
	(erf) = vrcp.f32 v10;
	v10 =	vadd.f32 $1.000000000e+00, v7;
	v61 =	vpop (erf)  }
0x43c: {  	v6 =	vmul.f32 v58, v6;
	(erf) = vrcp.f32 v4;
	v4 =	vadd.f32 $1.000000000e+00, v61  }
0x43d: {  	vm0 =	vmmov vm0;
	v0 =	vsel vm1, v0, v5;
	(erf) = vrcp.f32 v10  }
0x43e: {  	v5 =	vsub.f32 $1.000000000e+00, v11;
	(erf) = vrcp.f32 v4;
	v4 =	vsub.f32 $0.0e+00, v6  }
0x43f: {  	vm0 =	vmmov vm0;
	vm1 =	vmmov vm2  }
0x440: {  	v5 =	vmul.f32 v18, v5;
	v4 =	vsel vm1, v4, v6;
	v6 =	vsub.f32 $1.000000000e+00, v16  }
0x441: {  	vm0 =	vmmov vm0;
	vm4 =	vlt.f32 v51, $0.0e+00  }
0x442: {  	v62 =	vsub.f32 $1.000000000e+00, v59;
	v11 =	vsub.f32 $0.0e+00, v5;
	v6 =	vmul.f32 v19, v6  }
0x443: {  	vm2 =	vmmov vm4;
	v7 =	vsub.f32 $1.000000000e+00, v7;
	v10 =	vsub.f32 $1.000000000e+00, v60  }
0x444: {  	[tilespmem:s5+$0x3010] =	vst v8;
	v8 =	vpop (erf);
	vm1 =	vmmov vm3;
	vm3 =	vlt.f32 v1, $0.0e+00;
	v1 =	vsub.f32 $0.0e+00, v6  }
0x445: {  	[tilespmem:s5+$0x3000] =	vst v2;
	vm1 =	vmmov vm1;
	v2 =	vsel vm3, v11, v5;
	v5 =	vmul.f32 v8, v62;
	v8 =	vpop (erf)  }
0x446: {  	[tilespmem:s25+$0x3010] =	vst v0;
	v0 =	vsel vm0, v1, v6;
	v1 =	vsub.f32 $1.000000000e+00, v61;
	v6 =	vmul.f32 v8, v10;
	v8 =	vpop (erf)  }
0x447: {  	[tilespmem:s25+$0x3000] =	vst v4;
	v4 =	vsub.f32 $0.0e+00, v5;
	vm0 =	vmmov vm1;
	v7 =	vmul.f32 v8, v7;
	v8 =	vpop (erf)  }
0x448: {  	[tilespmem:s6+$0x3010] =	vst v2;
	vm1 =	vlt.f32 v3, $0.0e+00;
	v2 =	vsub.f32 $0.0e+00, v6;
	v1 =	vmul.f32 v8, v1  }
0x449: {  	vm2 =	vmmov vm2;
	[tilespmem:s6+$0x3000] =	vst v0;
	v0 =	vsel vm1, v4, v5;
	v3 =	vsub.f32 $0.0e+00, v7  }
0x44a: {  	[tilespmem:s8+$0x3010] =	vst v0;
	v0 =	vsel vm0, v2, v6;
	vm0 =	vlt.f32 v9, $0.0e+00;
	v2 =	vsub.f32 $0.0e+00, v1  }
0x44b: {  	vm1 =	vmmov vm2;
	[tilespmem:s8+$0x3000] =	vst v0;
	v0 =	vsel vm0, v3, v7  }
0x44c: {  	[tilespmem:s9+$0x3010] =	vst v0;
	v0 =	vsel vm1, v2, v1  }
0x44d: {  	[tilespmem:s9+$0x3000] =	vst v0;
	s9 =	simm.s32 $0x0  }
0x44e: {  	[hbm4b:s17+s9] =	stream.linear.scatter [tilespmem:s0], [sflag:$0x3], $0x1000, $0x38;
	[tilespmem:$0x4000] =	vst v63  }
0x44f: {  	_ =	swait.ge [sflag:s24], $0x1000  }
0x450: {  	[sflag:s24] =	ssyncset.done $0x0  }
0x451: {  	s10 =	simm.s32 $0x580;
	[sflag:s24] =	ssyncadd.s32 $0xFFFFF000  }
0x452: {  	[tilespmem:s28], [sflag:$0x1] =	stream.indirect.gather [hbm4b:s3+s26], $0x20, s10, s26, $0xb8;
	[tilespmem:$0x4000] =	vst v63  }
0x453: {  	s25 =	simm.s32 $0xD80  }
0x454: {  	[tilespmem:s29], [sflag:$0x2] =	stream.indirect.gather [hbm4b:s4+s26], $0x20, s25, s26, $0xb8;
	[tilespmem:$0x4000] =	vst v63  }
0x455: {  	_ =	swait.ge [sflag:s30], $0x1000  }
0x456: {  	[sflag:s30] =	ssyncset.done $0x0  }
0x457: {  	[sflag:s30] =	ssyncadd.s32 $0xFFFFF000  }
0x458: {  	_ =	swait.ge [sflag:s31], $0x1000  }
0x459: {  	[sflag:s31] =	ssyncset.done $0x0  }
0x45a: {  	s5 =	simm.s32 $0x0;
	[sflag:s31] =	ssyncadd.s32 $0xFFFFF000  }
0x45b: {  	v0 =	vld [tilespmem:s5+$0x1010]  }
0x45c: {  	v1 =	vld [tilespmem:s5+$0x2010]  }
0x45d: {  	v3 =	vld [tilespmem:s5+$0x1000]  }
0x45e: {  	v4 =	vld [tilespmem:s5+$0x2000];
	_ =	sdelay $0x2  }
0x45f: {  	s25 =	simm.s32 $0x20  }
0x460: {  	v6 =	vld [tilespmem:s25+$0x1000];
	v2 =	vadd.f32 v1, v0  }
0x461: {  	v7 =	vld [tilespmem:s25+$0x2000];
	v3 =	vadd.f32 v4, v3  }
0x462: {  	v1 =	vld [tilespmem:s25+$0x1010];
	v0 =	vand.u32 $0x7FFFFFFF, v2  }
0x463: {  	v4 =	vld [tilespmem:s25+$0x2010];
	v5 =	vand.u32 $0x7FFFFFFF, v3;
	v0 =	vmul.f32 $-2.000000000e+00, v0  }
0x464: {  	v5 =	vmul.f32 $-2.000000000e+00, v5  }
0x465: {  	v0 =	vmul.f32 $1.442695020e+00, v0  }
0x466: {  	v5 =	vmul.f32 $1.442695020e+00, v5  }
0x467: {  	(erf) = vpow2.f32 v0  }
0x468: {  	v0 =	vadd.f32 v4, v1;
	v4 =	vadd.f32 v7, v6;
	(erf) = vpow2.f32 v5  }
0x469: {  	s6 =	simm.s32 $0x40  }
0x46a: {  	v8 =	vld [tilespmem:s6+$0x1000];
	v7 =	vand.u32 $0x7FFFFFFF, v4  }
0x46b: {  	v6 =	vld [tilespmem:s6+$0x2010];
	v1 =	vand.u32 $0x7FFFFFFF, v0;
	v7 =	vmul.f32 $-2.000000000e+00, v7  }
0x46c: {  	v5 =	vld [tilespmem:s6+$0x1010];
	v1 =	vmul.f32 $-2.000000000e+00, v1  }
0x46d: {  	v9 =	vld [tilespmem:s6+$0x2000];
	v7 =	vmul.f32 $1.442695020e+00, v7  }
0x46e: {  	v1 =	vmul.f32 $1.442695020e+00, v1;
	_ =	sdelay $0x1  }
0x46f: {  	(erf) = vpow2.f32 v1;
	v10 =	vpop (erf)  }
0x470: {  	v1 =	vadd.f32 v6, v5;
	(erf) = vpow2.f32 v7;
	v11 =	vadd.f32 $1.000000000e+00, v10;
	v7 =	vpop (erf)  }
0x471: {  	v6 =	vadd.f32 v9, v8;
	v5 =	vadd.f32 $1.000000000e+00, v7  }
0x472: {  	s8 =	simm.s32 $0x60;
	(erf) = vrcp.f32 v11  }
0x473: {  	v9 =	vld [tilespmem:s8+$0x1010];
	v8 =	vand.u32 $0x7FFFFFFF, v1;
	(erf) = vrcp.f32 v5;
	v5 =	vand.u32 $0x7FFFFFFF, v6  }
0x474: {  	vm0 =	vlt.f32 v3, $0.0e+00;
	v3 =	vmul.f32 $-2.000000000e+00, v8;
	v8 =	vld [tilespmem:s8+$0x2010];
	v5 =	vmul.f32 $-2.000000000e+00, v5;
	_ =	sdelay $0x1  }
0x475: {  	vm1 =	vlt.f32 v4, $0.0e+00;
	v4 =	vsub.f32 $1.000000000e+00, v7;
	v7 =	vld [tilespmem:s8+$0x2000]  }
0x476: {  	vm0 =	vmmov vm0;
	v11 =	vld [tilespmem:s8+$0x1000];
	v3 =	vmul.f32 $1.442695020e+00, v3  }
0x477: {  	vm2 =	vmmov vm0;
	vm0 =	vlt.f32 v6, $0.0e+00;
	v6 =	vmul.f32 $1.442695020e+00, v5;
	v5 =	vpop (erf)  }
0x478: {  	(erf) = vpow2.f32 v3;
	v3 =	vadd.f32 v8, v9;
	v8 =	vpop (erf)  }
0x479: {  	v9 =	vsub.f32 $1.000000000e+00, v10;
	v10 =	vadd.f32 $1.000000000e+00, v8  }
0x47a: {  	vm3 =	vmmov vm1;
	vm1 =	vmmov vm2;
	v63 =	vadd.f32 $1.000000000e+00, v5  }
0x47b: {  	v7 =	vadd.f32 v7, v11;
	v11 =	vand.u32 $0x7FFFFFFF, v3;
	(erf) = vpow2.f32 v6  }
0x47c: {  	s9 =	simm.s32 $0x80;
	v11 =	vmul.f32 $-2.000000000e+00, v11;
	v6 =	vsub.f32 $1.000000000e+00, v8;
	(erf) = vrcp.f32 v63;
	v8 =	vpop (erf)  }
0x47d: {  	s10 =	simm.s32 $0x280;
	vm2 =	vmmov vm3;
	v8 =	vmul.f32 v8, v9;
	v9 =	vld [tilespmem:s9+$0x1010];
	(erf) = vrcp.f32 v10;
	v10 =	vpop (erf)  }
.LBB2_24:
0x47e: {  	v13 =	vand.u32 $0x7FFFFFFF, v7  }
0x47f: {  	p0 =	sne.s32 s10, $0x3F80;
	v12 =	vld [tilespmem:s9+$0x2010];
	v10 =	vmul.f32 v10, v4;
	v14 =	vsub.f32 $0.0e+00, v8;
	v4 =	vmovc v6;
	vm3 =	vmmov vm0  }
0x480: {  	vm4 =	vlt.f32 v2, $0.0e+00;
	v2 =	vmovc v0;
	v0 =	vmovc v1;
	v15 =	vld [tilespmem:s9+$0x1000];
	v6 =	vmul.f32 $-2.000000000e+00, v13;
	v16 =	vmul.f32 $1.442695020e+00, v11  }
0x481: {  	vm0 =	vlt.f32 v7, $0.0e+00;
	v1 =	vmovc v3;
	v13 =	vld [tilespmem:s9+$0x2000];
	v7 =	vsub.f32 $0.0e+00, v10;
	v8 =	vsel vm4, v14, v8  }
0x482: {  	v6 =	vmul.f32 $1.442695020e+00, v6;
	(erf) = vpow2.f32 v16;
	v11 =	vpop (erf);
	[tilespmem:s5+$0x3010] =	vst v8  }
.Ltmp11:
0x483: {  	v14 =	vadd.f32 $1.000000000e+00, v11;
	v7 =	vsel vm1, v7, v10;
	vm1 =	vmmov vm2;
	(pc) =	sbr.rel @p0 .LBB2_24-.Ltmp11, $4  }
0x484: {  	v16 =	vsub.f32 $1.000000000e+00, v5;
	v3 =	vadd.f32 v12, v9;
	(erf) = vpow2.f32 v6;
	v9 =	vpop (erf);
	[tilespmem:s5+$0x3000] =	vst v7;
	s5 =	smov.u32 s25;
	s25 =	smov.u32 s6;
	s6 =	smov.u32 s8  }
0x485: {  	s8 =	smov.u32 s9;
	v6 =	vsub.f32 $1.000000000e+00, v9;
	v17 =	vadd.f32 $1.000000000e+00, v9;
	(erf) = vrcp.f32 v14;
	v8 =	vpop (erf)  }
0x486: {  	v5 =	vmovc v11;
	s9 =	sshra.s32 s10, $0x2;
	v7 =	vadd.f32 v13, v15;
	v12 =	vand.u32 $0x7FFFFFFF, v3;
	v8 =	vmul.f32 v8, v16  }
0x487: {  	vm2 =	vmmov vm3;
	s10 =	sadd.s32 $0x80, s10;
	v9 =	vld [tilespmem:s9+$0x1010];
	v11 =	vmul.f32 $-2.000000000e+00, v12;
	(erf) = vrcp.f32 v17;
	v10 =	vpop (erf)  }
0x488: {  	v12 =	vld [tilespmem:s9+$0x2010]  }
0x489: {  	v13 =	vld [tilespmem:s9+$0x1000]  }
0x48a: {  	v14 =	vld [tilespmem:s9+$0x2000];
	_ =	sdelay $0x1  }
0x48b: {  	v11 =	vmul.f32 $1.442695020e+00, v11  }
0x48c: {  	v15 =	vand.u32 $0x7FFFFFFF, v7  }
0x48d: {  	v15 =	vmul.f32 $-2.000000000e+00, v15;
	v9 =	vadd.f32 v12, v9  }
0x48e: {  	v51 =	vadd.f32 v14, v13  }
0x48f: {  	v52 =	vmul.f32 $1.442695020e+00, v15;
	(erf) = vpow2.f32 v11;
	v11 =	vpop (erf);
	v53 =	vand.u32 $0x7FFFFFFF, v9  }
0x490: {  	v54 =	vadd.f32 $1.000000000e+00, v11;
	v16 =	vpop (erf);
	v17 =	vand.u32 $0x7FFFFFFF, v51;
	v14 =	vmul.f32 $-2.000000000e+00, v53  }
0x491: {  	(erf) = vpow2.f32 v52;
	v55 =	vadd.f32 $1.000000000e+00, v16;
	v17 =	vmul.f32 $-2.000000000e+00, v17  }
0x492: {  	(erf) = vrcp.f32 v54;
	v14 =	vmul.f32 $1.442695020e+00, v14  }
0x493: {  	(erf) = vrcp.f32 v55;
	v56 =	vmul.f32 $1.442695020e+00, v17  }
0x494: {  	(erf) = vpow2.f32 v14  }
0x495: {  	(erf) = vpow2.f32 v56;
	_ =	sdelay $0x1  }
0x496: {  	v57 =	vpop (erf)  }
0x497: {  	v58 =	vpop (erf)  }
0x498: {  	v4 =	vmul.f32 v10, v4;
	v10 =	vsub.f32 $0.0e+00, v8;
	v59 =	vpop (erf)  }
0x499: {  	vm3 =	vlt.f32 v2, $0.0e+00;
	v5 =	vsub.f32 $1.000000000e+00, v5;
	v60 =	vpop (erf)  }
0x49a: {  	v2 =	vsub.f32 $0.0e+00, v4;
	v8 =	vsel vm3, v10, v8;
	v18 =	vpop (erf)  }
0x49b: {  	vm3 =	vlt.f32 v7, $0.0e+00;
	v5 =	vmul.f32 v57, v5;
	v10 =	vadd.f32 $1.000000000e+00, v59;
	v19 =	vpop (erf)  }
0x49c: {  	v2 =	vsel vm1, v2, v4;
	vm1 =	vlt.f32 v0, $0.0e+00;
	v4 =	vadd.f32 $1.000000000e+00, v60;
	v7 =	vpop (erf)  }
0x49d: {  	v0 =	vsub.f32 $0.0e+00, v5;
	(erf) = vrcp.f32 v10;
	v10 =	vadd.f32 $1.000000000e+00, v7;
	v61 =	vpop (erf)  }
0x49e: {  	v6 =	vmul.f32 v58, v6;
	(erf) = vrcp.f32 v4;
	v4 =	vadd.f32 $1.000000000e+00, v61  }
0x49f: {  	vm0 =	vmmov vm0;
	v0 =	vsel vm1, v0, v5;
	(erf) = vrcp.f32 v10  }
0x4a0: {  	v5 =	vsub.f32 $1.000000000e+00, v11;
	(erf) = vrcp.f32 v4;
	v4 =	vsub.f32 $0.0e+00, v6  }
0x4a1: {  	vm0 =	vmmov vm0;
	vm1 =	vmmov vm2  }
0x4a2: {  	v5 =	vmul.f32 v18, v5;
	v4 =	vsel vm1, v4, v6;
	v6 =	vsub.f32 $1.000000000e+00, v16  }
0x4a3: {  	vm0 =	vmmov vm0;
	vm4 =	vlt.f32 v51, $0.0e+00  }
0x4a4: {  	v62 =	vsub.f32 $1.000000000e+00, v59;
	v11 =	vsub.f32 $0.0e+00, v5;
	v6 =	vmul.f32 v19, v6  }
0x4a5: {  	vm2 =	vmmov vm4;
	v7 =	vsub.f32 $1.000000000e+00, v7;
	v10 =	vsub.f32 $1.000000000e+00, v60  }
0x4a6: {  	[tilespmem:s5+$0x3010] =	vst v8;
	v8 =	vpop (erf);
	vm1 =	vmmov vm3;
	vm3 =	vlt.f32 v1, $0.0e+00;
	v1 =	vsub.f32 $0.0e+00, v6  }
0x4a7: {  	[tilespmem:s5+$0x3000] =	vst v2;
	vm1 =	vmmov vm1;
	v2 =	vsel vm3, v11, v5;
	v5 =	vmul.f32 v8, v62;
	v8 =	vpop (erf)  }
0x4a8: {  	[tilespmem:s25+$0x3010] =	vst v0;
	v0 =	vsel vm0, v1, v6;
	v1 =	vsub.f32 $1.000000000e+00, v61;
	v6 =	vmul.f32 v8, v10;
	v8 =	vpop (erf)  }
0x4a9: {  	[tilespmem:s25+$0x3000] =	vst v4;
	v4 =	vsub.f32 $0.0e+00, v5;
	vm0 =	vmmov vm1;
	v7 =	vmul.f32 v8, v7;
	v8 =	vpop (erf)  }
0x4aa: {  	[tilespmem:s6+$0x3010] =	vst v2;
	vm1 =	vlt.f32 v3, $0.0e+00;
	v2 =	vsub.f32 $0.0e+00, v6;
	v1 =	vmul.f32 v8, v1  }
0x4ab: {  	vm2 =	vmmov vm2;
	[tilespmem:s6+$0x3000] =	vst v0;
	v0 =	vsel vm1, v4, v5;
	v3 =	vsub.f32 $0.0e+00, v7  }
0x4ac: {  	[tilespmem:s8+$0x3010] =	vst v0;
	v0 =	vsel vm0, v2, v6;
	vm0 =	vlt.f32 v9, $0.0e+00;
	v2 =	vsub.f32 $0.0e+00, v1  }
0x4ad: {  	vm1 =	vmmov vm2;
	[tilespmem:s8+$0x3000] =	vst v0;
	v0 =	vsel vm0, v3, v7  }
0x4ae: {  	[tilespmem:s9+$0x3010] =	vst v0;
	v0 =	vsel vm1, v2, v1  }
0x4af: {  	[tilespmem:s9+$0x3000] =	vst v0;
	s9 =	simm.s32 $0x0  }
0x4b0: {  	[hbm4b:s18+s9] =	stream.linear.scatter [tilespmem:s0], [sflag:$0x3], $0x1000, $0x38;
	[tilespmem:$0x4000] =	vst v63  }
0x4b1: {  	_ =	swait.ge [sflag:s24], $0x1000  }
0x4b2: {  	[sflag:s24] =	ssyncset.done $0x0  }
0x4b3: {  	s10 =	simm.s32 $0x600;
	[sflag:s24] =	ssyncadd.s32 $0xFFFFF000  }
0x4b4: {  	[tilespmem:s28], [sflag:$0x1] =	stream.indirect.gather [hbm4b:s3+s26], $0x20, s10, s26, $0xb8;
	[tilespmem:$0x4000] =	vst v63  }
0x4b5: {  	s25 =	simm.s32 $0xE00  }
0x4b6: {  	[tilespmem:s29], [sflag:$0x2] =	stream.indirect.gather [hbm4b:s4+s26], $0x20, s25, s26, $0xb8;
	[tilespmem:$0x4000] =	vst v63  }
0x4b7: {  	_ =	swait.ge [sflag:s30], $0x1000  }
0x4b8: {  	[sflag:s30] =	ssyncset.done $0x0  }
0x4b9: {  	[sflag:s30] =	ssyncadd.s32 $0xFFFFF000  }
0x4ba: {  	_ =	swait.ge [sflag:s31], $0x1000  }
0x4bb: {  	[sflag:s31] =	ssyncset.done $0x0  }
0x4bc: {  	s5 =	simm.s32 $0x0;
	[sflag:s31] =	ssyncadd.s32 $0xFFFFF000  }
0x4bd: {  	v0 =	vld [tilespmem:s5+$0x1010]  }
0x4be: {  	v1 =	vld [tilespmem:s5+$0x2010]  }
0x4bf: {  	v3 =	vld [tilespmem:s5+$0x1000]  }
0x4c0: {  	v4 =	vld [tilespmem:s5+$0x2000];
	_ =	sdelay $0x2  }
0x4c1: {  	s25 =	simm.s32 $0x20  }
0x4c2: {  	v6 =	vld [tilespmem:s25+$0x1000];
	v2 =	vadd.f32 v1, v0  }
0x4c3: {  	v7 =	vld [tilespmem:s25+$0x2000];
	v3 =	vadd.f32 v4, v3  }
0x4c4: {  	v1 =	vld [tilespmem:s25+$0x1010];
	v0 =	vand.u32 $0x7FFFFFFF, v2  }
0x4c5: {  	v4 =	vld [tilespmem:s25+$0x2010];
	v5 =	vand.u32 $0x7FFFFFFF, v3;
	v0 =	vmul.f32 $-2.000000000e+00, v0  }
0x4c6: {  	v5 =	vmul.f32 $-2.000000000e+00, v5  }
0x4c7: {  	v0 =	vmul.f32 $1.442695020e+00, v0  }
0x4c8: {  	v5 =	vmul.f32 $1.442695020e+00, v5  }
0x4c9: {  	(erf) = vpow2.f32 v0  }
0x4ca: {  	v0 =	vadd.f32 v4, v1;
	v4 =	vadd.f32 v7, v6;
	(erf) = vpow2.f32 v5  }
0x4cb: {  	s6 =	simm.s32 $0x40  }
0x4cc: {  	v8 =	vld [tilespmem:s6+$0x1000];
	v7 =	vand.u32 $0x7FFFFFFF, v4  }
0x4cd: {  	v6 =	vld [tilespmem:s6+$0x2010];
	v1 =	vand.u32 $0x7FFFFFFF, v0;
	v7 =	vmul.f32 $-2.000000000e+00, v7  }
0x4ce: {  	v5 =	vld [tilespmem:s6+$0x1010];
	v1 =	vmul.f32 $-2.000000000e+00, v1  }
0x4cf: {  	v9 =	vld [tilespmem:s6+$0x2000];
	v7 =	vmul.f32 $1.442695020e+00, v7  }
0x4d0: {  	v1 =	vmul.f32 $1.442695020e+00, v1;
	_ =	sdelay $0x1  }
0x4d1: {  	(erf) = vpow2.f32 v1;
	v10 =	vpop (erf)  }
0x4d2: {  	v1 =	vadd.f32 v6, v5;
	(erf) = vpow2.f32 v7;
	v11 =	vadd.f32 $1.000000000e+00, v10;
	v7 =	vpop (erf)  }
0x4d3: {  	v6 =	vadd.f32 v9, v8;
	v5 =	vadd.f32 $1.000000000e+00, v7  }
0x4d4: {  	s8 =	simm.s32 $0x60;
	(erf) = vrcp.f32 v11  }
0x4d5: {  	v9 =	vld [tilespmem:s8+$0x1010];
	v8 =	vand.u32 $0x7FFFFFFF, v1;
	(erf) = vrcp.f32 v5;
	v5 =	vand.u32 $0x7FFFFFFF, v6  }
0x4d6: {  	vm0 =	vlt.f32 v3, $0.0e+00;
	v3 =	vmul.f32 $-2.000000000e+00, v8;
	v8 =	vld [tilespmem:s8+$0x2010];
	v5 =	vmul.f32 $-2.000000000e+00, v5;
	_ =	sdelay $0x1  }
0x4d7: {  	vm1 =	vlt.f32 v4, $0.0e+00;
	v4 =	vsub.f32 $1.000000000e+00, v7;
	v7 =	vld [tilespmem:s8+$0x2000]  }
0x4d8: {  	vm0 =	vmmov vm0;
	v11 =	vld [tilespmem:s8+$0x1000];
	v3 =	vmul.f32 $1.442695020e+00, v3  }
0x4d9: {  	vm2 =	vmmov vm0;
	vm0 =	vlt.f32 v6, $0.0e+00;
	v6 =	vmul.f32 $1.442695020e+00, v5;
	v5 =	vpop (erf)  }
0x4da: {  	(erf) = vpow2.f32 v3;
	v3 =	vadd.f32 v8, v9;
	v8 =	vpop (erf)  }
0x4db: {  	v9 =	vsub.f32 $1.000000000e+00, v10;
	v10 =	vadd.f32 $1.000000000e+00, v8  }
0x4dc: {  	vm3 =	vmmov vm1;
	vm1 =	vmmov vm2;
	v63 =	vadd.f32 $1.000000000e+00, v5  }
0x4dd: {  	v7 =	vadd.f32 v7, v11;
	v11 =	vand.u32 $0x7FFFFFFF, v3;
	(erf) = vpow2.f32 v6  }
0x4de: {  	s9 =	simm.s32 $0x80;
	v11 =	vmul.f32 $-2.000000000e+00, v11;
	v6 =	vsub.f32 $1.000000000e+00, v8;
	(erf) = vrcp.f32 v63;
	v8 =	vpop (erf)  }
0x4df: {  	s10 =	simm.s32 $0x280;
	vm2 =	vmmov vm3;
	v8 =	vmul.f32 v8, v9;
	v9 =	vld [tilespmem:s9+$0x1010];
	(erf) = vrcp.f32 v10;
	v10 =	vpop (erf)  }
.LBB2_26:
0x4e0: {  	v13 =	vand.u32 $0x7FFFFFFF, v7  }
0x4e1: {  	p0 =	sne.s32 s10, $0x3F80;
	v12 =	vld [tilespmem:s9+$0x2010];
	v10 =	vmul.f32 v10, v4;
	v14 =	vsub.f32 $0.0e+00, v8;
	v4 =	vmovc v6;
	vm3 =	vmmov vm0  }
0x4e2: {  	vm4 =	vlt.f32 v2, $0.0e+00;
	v2 =	vmovc v0;
	v0 =	vmovc v1;
	v15 =	vld [tilespmem:s9+$0x1000];
	v6 =	vmul.f32 $-2.000000000e+00, v13;
	v16 =	vmul.f32 $1.442695020e+00, v11  }
0x4e3: {  	vm0 =	vlt.f32 v7, $0.0e+00;
	v1 =	vmovc v3;
	v13 =	vld [tilespmem:s9+$0x2000];
	v7 =	vsub.f32 $0.0e+00, v10;
	v8 =	vsel vm4, v14, v8  }
0x4e4: {  	v6 =	vmul.f32 $1.442695020e+00, v6;
	(erf) = vpow2.f32 v16;
	v11 =	vpop (erf);
	[tilespmem:s5+$0x3010] =	vst v8  }
.Ltmp12:
0x4e5: {  	v14 =	vadd.f32 $1.000000000e+00, v11;
	v7 =	vsel vm1, v7, v10;
	vm1 =	vmmov vm2;
	(pc) =	sbr.rel @p0 .LBB2_26-.Ltmp12, $4  }
0x4e6: {  	v16 =	vsub.f32 $1.000000000e+00, v5;
	v3 =	vadd.f32 v12, v9;
	(erf) = vpow2.f32 v6;
	v9 =	vpop (erf);
	[tilespmem:s5+$0x3000] =	vst v7;
	s5 =	smov.u32 s25;
	s25 =	smov.u32 s6;
	s6 =	smov.u32 s8  }
0x4e7: {  	s8 =	smov.u32 s9;
	v6 =	vsub.f32 $1.000000000e+00, v9;
	v17 =	vadd.f32 $1.000000000e+00, v9;
	(erf) = vrcp.f32 v14;
	v8 =	vpop (erf)  }
0x4e8: {  	v5 =	vmovc v11;
	s9 =	sshra.s32 s10, $0x2;
	v7 =	vadd.f32 v13, v15;
	v12 =	vand.u32 $0x7FFFFFFF, v3;
	v8 =	vmul.f32 v8, v16  }
0x4e9: {  	vm2 =	vmmov vm3;
	s10 =	sadd.s32 $0x80, s10;
	v9 =	vld [tilespmem:s9+$0x1010];
	v11 =	vmul.f32 $-2.000000000e+00, v12;
	(erf) = vrcp.f32 v17;
	v10 =	vpop (erf)  }
0x4ea: {  	v12 =	vld [tilespmem:s9+$0x2010]  }
0x4eb: {  	v13 =	vld [tilespmem:s9+$0x1000]  }
0x4ec: {  	v14 =	vld [tilespmem:s9+$0x2000];
	_ =	sdelay $0x1  }
0x4ed: {  	v11 =	vmul.f32 $1.442695020e+00, v11  }
0x4ee: {  	v15 =	vand.u32 $0x7FFFFFFF, v7  }
0x4ef: {  	v15 =	vmul.f32 $-2.000000000e+00, v15;
	v9 =	vadd.f32 v12, v9  }
0x4f0: {  	v51 =	vadd.f32 v14, v13  }
0x4f1: {  	v52 =	vmul.f32 $1.442695020e+00, v15;
	(erf) = vpow2.f32 v11;
	v11 =	vpop (erf);
	v53 =	vand.u32 $0x7FFFFFFF, v9  }
0x4f2: {  	v54 =	vadd.f32 $1.000000000e+00, v11;
	v16 =	vpop (erf);
	v17 =	vand.u32 $0x7FFFFFFF, v51;
	v14 =	vmul.f32 $-2.000000000e+00, v53  }
0x4f3: {  	(erf) = vpow2.f32 v52;
	v55 =	vadd.f32 $1.000000000e+00, v16;
	v17 =	vmul.f32 $-2.000000000e+00, v17  }
0x4f4: {  	(erf) = vrcp.f32 v54;
	v14 =	vmul.f32 $1.442695020e+00, v14  }
0x4f5: {  	(erf) = vrcp.f32 v55;
	v56 =	vmul.f32 $1.442695020e+00, v17  }
0x4f6: {  	(erf) = vpow2.f32 v14  }
0x4f7: {  	(erf) = vpow2.f32 v56;
	_ =	sdelay $0x1  }
0x4f8: {  	v57 =	vpop (erf)  }
0x4f9: {  	v58 =	vpop (erf)  }
0x4fa: {  	v4 =	vmul.f32 v10, v4;
	v10 =	vsub.f32 $0.0e+00, v8;
	v59 =	vpop (erf)  }
0x4fb: {  	vm3 =	vlt.f32 v2, $0.0e+00;
	v5 =	vsub.f32 $1.000000000e+00, v5;
	v60 =	vpop (erf)  }
0x4fc: {  	v2 =	vsub.f32 $0.0e+00, v4;
	v8 =	vsel vm3, v10, v8;
	v18 =	vpop (erf)  }
0x4fd: {  	vm3 =	vlt.f32 v7, $0.0e+00;
	v5 =	vmul.f32 v57, v5;
	v10 =	vadd.f32 $1.000000000e+00, v59;
	v19 =	vpop (erf)  }
0x4fe: {  	v2 =	vsel vm1, v2, v4;
	vm1 =	vlt.f32 v0, $0.0e+00;
	v4 =	vadd.f32 $1.000000000e+00, v60;
	v7 =	vpop (erf)  }
0x4ff: {  	v0 =	vsub.f32 $0.0e+00, v5;
	(erf) = vrcp.f32 v10;
	v10 =	vadd.f32 $1.000000000e+00, v7;
	v61 =	vpop (erf)  }
0x500: {  	v6 =	vmul.f32 v58, v6;
	(erf) = vrcp.f32 v4;
	v4 =	vadd.f32 $1.000000000e+00, v61  }
0x501: {  	vm0 =	vmmov vm0;
	v0 =	vsel vm1, v0, v5;
	(erf) = vrcp.f32 v10  }
0x502: {  	v5 =	vsub.f32 $1.000000000e+00, v11;
	(erf) = vrcp.f32 v4;
	v4 =	vsub.f32 $0.0e+00, v6  }
0x503: {  	vm0 =	vmmov vm0;
	vm1 =	vmmov vm2  }
0x504: {  	v5 =	vmul.f32 v18, v5;
	v4 =	vsel vm1, v4, v6;
	v6 =	vsub.f32 $1.000000000e+00, v16  }
0x505: {  	vm0 =	vmmov vm0;
	vm4 =	vlt.f32 v51, $0.0e+00  }
0x506: {  	v62 =	vsub.f32 $1.000000000e+00, v59;
	v11 =	vsub.f32 $0.0e+00, v5;
	v6 =	vmul.f32 v19, v6  }
0x507: {  	vm2 =	vmmov vm4;
	v7 =	vsub.f32 $1.000000000e+00, v7;
	v10 =	vsub.f32 $1.000000000e+00, v60  }
0x508: {  	[tilespmem:s5+$0x3010] =	vst v8;
	v8 =	vpop (erf);
	vm1 =	vmmov vm3;
	vm3 =	vlt.f32 v1, $0.0e+00;
	v1 =	vsub.f32 $0.0e+00, v6  }
0x509: {  	[tilespmem:s5+$0x3000] =	vst v2;
	vm1 =	vmmov vm1;
	v2 =	vsel vm3, v11, v5;
	v5 =	vmul.f32 v8, v62;
	v8 =	vpop (erf)  }
0x50a: {  	[tilespmem:s25+$0x3010] =	vst v0;
	v0 =	vsel vm0, v1, v6;
	v1 =	vsub.f32 $1.000000000e+00, v61;
	v6 =	vmul.f32 v8, v10;
	v8 =	vpop (erf)  }
0x50b: {  	[tilespmem:s25+$0x3000] =	vst v4;
	v4 =	vsub.f32 $0.0e+00, v5;
	vm0 =	vmmov vm1;
	v7 =	vmul.f32 v8, v7;
	v8 =	vpop (erf)  }
0x50c: {  	[tilespmem:s6+$0x3010] =	vst v2;
	vm1 =	vlt.f32 v3, $0.0e+00;
	v2 =	vsub.f32 $0.0e+00, v6;
	v1 =	vmul.f32 v8, v1  }
0x50d: {  	vm2 =	vmmov vm2;
	[tilespmem:s6+$0x3000] =	vst v0;
	v0 =	vsel vm1, v4, v5;
	v3 =	vsub.f32 $0.0e+00, v7  }
0x50e: {  	[tilespmem:s8+$0x3010] =	vst v0;
	v0 =	vsel vm0, v2, v6;
	vm0 =	vlt.f32 v9, $0.0e+00;
	v2 =	vsub.f32 $0.0e+00, v1  }
0x50f: {  	vm1 =	vmmov vm2;
	[tilespmem:s8+$0x3000] =	vst v0;
	v0 =	vsel vm0, v3, v7  }
0x510: {  	[tilespmem:s9+$0x3010] =	vst v0;
	v0 =	vsel vm1, v2, v1  }
0x511: {  	[tilespmem:s9+$0x3000] =	vst v0;
	s9 =	simm.s32 $0x0  }
0x512: {  	[hbm4b:s19+s9] =	stream.linear.scatter [tilespmem:s0], [sflag:$0x3], $0x1000, $0x38;
	[tilespmem:$0x4000] =	vst v63  }
0x513: {  	_ =	swait.ge [sflag:s24], $0x1000  }
0x514: {  	[sflag:s24] =	ssyncset.done $0x0  }
0x515: {  	s10 =	simm.s32 $0x680;
	[sflag:s24] =	ssyncadd.s32 $0xFFFFF000  }
0x516: {  	[tilespmem:s28], [sflag:$0x1] =	stream.indirect.gather [hbm4b:s3+s26], $0x20, s10, s26, $0xb8;
	[tilespmem:$0x4000] =	vst v63  }
0x517: {  	s25 =	simm.s32 $0xE80  }
0x518: {  	[tilespmem:s29], [sflag:$0x2] =	stream.indirect.gather [hbm4b:s4+s26], $0x20, s25, s26, $0xb8;
	[tilespmem:$0x4000] =	vst v63  }
0x519: {  	_ =	swait.ge [sflag:s30], $0x1000  }
0x51a: {  	[sflag:s30] =	ssyncset.done $0x0  }
0x51b: {  	[sflag:s30] =	ssyncadd.s32 $0xFFFFF000  }
0x51c: {  	_ =	swait.ge [sflag:s31], $0x1000  }
0x51d: {  	[sflag:s31] =	ssyncset.done $0x0  }
0x51e: {  	s5 =	simm.s32 $0x0;
	[sflag:s31] =	ssyncadd.s32 $0xFFFFF000  }
0x51f: {  	v0 =	vld [tilespmem:s5+$0x1010]  }
0x520: {  	v1 =	vld [tilespmem:s5+$0x2010]  }
0x521: {  	v3 =	vld [tilespmem:s5+$0x1000]  }
0x522: {  	v4 =	vld [tilespmem:s5+$0x2000];
	_ =	sdelay $0x2  }
0x523: {  	s25 =	simm.s32 $0x20  }
0x524: {  	v6 =	vld [tilespmem:s25+$0x1000];
	v2 =	vadd.f32 v1, v0  }
0x525: {  	v7 =	vld [tilespmem:s25+$0x2000];
	v3 =	vadd.f32 v4, v3  }
0x526: {  	v1 =	vld [tilespmem:s25+$0x1010];
	v0 =	vand.u32 $0x7FFFFFFF, v2  }
0x527: {  	v4 =	vld [tilespmem:s25+$0x2010];
	v5 =	vand.u32 $0x7FFFFFFF, v3;
	v0 =	vmul.f32 $-2.000000000e+00, v0  }
0x528: {  	v5 =	vmul.f32 $-2.000000000e+00, v5  }
0x529: {  	v0 =	vmul.f32 $1.442695020e+00, v0  }
0x52a: {  	v5 =	vmul.f32 $1.442695020e+00, v5  }
0x52b: {  	(erf) = vpow2.f32 v0  }
0x52c: {  	v0 =	vadd.f32 v4, v1;
	v4 =	vadd.f32 v7, v6;
	(erf) = vpow2.f32 v5  }
0x52d: {  	s6 =	simm.s32 $0x40  }
0x52e: {  	v8 =	vld [tilespmem:s6+$0x1000];
	v7 =	vand.u32 $0x7FFFFFFF, v4  }
0x52f: {  	v6 =	vld [tilespmem:s6+$0x2010];
	v1 =	vand.u32 $0x7FFFFFFF, v0;
	v7 =	vmul.f32 $-2.000000000e+00, v7  }
0x530: {  	v5 =	vld [tilespmem:s6+$0x1010];
	v1 =	vmul.f32 $-2.000000000e+00, v1  }
0x531: {  	v9 =	vld [tilespmem:s6+$0x2000];
	v7 =	vmul.f32 $1.442695020e+00, v7  }
0x532: {  	v1 =	vmul.f32 $1.442695020e+00, v1;
	_ =	sdelay $0x1  }
0x533: {  	(erf) = vpow2.f32 v1;
	v10 =	vpop (erf)  }
0x534: {  	v1 =	vadd.f32 v6, v5;
	(erf) = vpow2.f32 v7;
	v11 =	vadd.f32 $1.000000000e+00, v10;
	v7 =	vpop (erf)  }
0x535: {  	v6 =	vadd.f32 v9, v8;
	v5 =	vadd.f32 $1.000000000e+00, v7  }
0x536: {  	s8 =	simm.s32 $0x60;
	(erf) = vrcp.f32 v11  }
0x537: {  	v9 =	vld [tilespmem:s8+$0x1010];
	v8 =	vand.u32 $0x7FFFFFFF, v1;
	(erf) = vrcp.f32 v5;
	v5 =	vand.u32 $0x7FFFFFFF, v6  }
0x538: {  	vm0 =	vlt.f32 v3, $0.0e+00;
	v3 =	vmul.f32 $-2.000000000e+00, v8;
	v8 =	vld [tilespmem:s8+$0x2010];
	v5 =	vmul.f32 $-2.000000000e+00, v5;
	_ =	sdelay $0x1  }
0x539: {  	vm1 =	vlt.f32 v4, $0.0e+00;
	v4 =	vsub.f32 $1.000000000e+00, v7;
	v7 =	vld [tilespmem:s8+$0x2000]  }
0x53a: {  	vm0 =	vmmov vm0;
	v11 =	vld [tilespmem:s8+$0x1000];
	v3 =	vmul.f32 $1.442695020e+00, v3  }
0x53b: {  	vm2 =	vmmov vm0;
	vm0 =	vlt.f32 v6, $0.0e+00;
	v6 =	vmul.f32 $1.442695020e+00, v5;
	v5 =	vpop (erf)  }
0x53c: {  	(erf) = vpow2.f32 v3;
	v3 =	vadd.f32 v8, v9;
	v8 =	vpop (erf)  }
0x53d: {  	v9 =	vsub.f32 $1.000000000e+00, v10;
	v10 =	vadd.f32 $1.000000000e+00, v8  }
0x53e: {  	vm3 =	vmmov vm1;
	vm1 =	vmmov vm2;
	v63 =	vadd.f32 $1.000000000e+00, v5  }
0x53f: {  	v7 =	vadd.f32 v7, v11;
	v11 =	vand.u32 $0x7FFFFFFF, v3;
	(erf) = vpow2.f32 v6  }
0x540: {  	s9 =	simm.s32 $0x80;
	v11 =	vmul.f32 $-2.000000000e+00, v11;
	v6 =	vsub.f32 $1.000000000e+00, v8;
	(erf) = vrcp.f32 v63;
	v8 =	vpop (erf)  }
0x541: {  	s10 =	simm.s32 $0x280;
	vm2 =	vmmov vm3;
	v8 =	vmul.f32 v8, v9;
	v9 =	vld [tilespmem:s9+$0x1010];
	(erf) = vrcp.f32 v10;
	v10 =	vpop (erf)  }
.LBB2_28:
0x542: {  	v13 =	vand.u32 $0x7FFFFFFF, v7  }
0x543: {  	p0 =	sne.s32 s10, $0x3F80;
	v12 =	vld [tilespmem:s9+$0x2010];
	v10 =	vmul.f32 v10, v4;
	v14 =	vsub.f32 $0.0e+00, v8;
	v4 =	vmovc v6;
	vm3 =	vmmov vm0  }
0x544: {  	vm4 =	vlt.f32 v2, $0.0e+00;
	v2 =	vmovc v0;
	v0 =	vmovc v1;
	v15 =	vld [tilespmem:s9+$0x1000];
	v6 =	vmul.f32 $-2.000000000e+00, v13;
	v16 =	vmul.f32 $1.442695020e+00, v11  }
0x545: {  	vm0 =	vlt.f32 v7, $0.0e+00;
	v1 =	vmovc v3;
	v13 =	vld [tilespmem:s9+$0x2000];
	v7 =	vsub.f32 $0.0e+00, v10;
	v8 =	vsel vm4, v14, v8  }
0x546: {  	v6 =	vmul.f32 $1.442695020e+00, v6;
	(erf) = vpow2.f32 v16;
	v11 =	vpop (erf);
	[tilespmem:s5+$0x3010] =	vst v8  }
.Ltmp13:
0x547: {  	v14 =	vadd.f32 $1.000000000e+00, v11;
	v7 =	vsel vm1, v7, v10;
	vm1 =	vmmov vm2;
	(pc) =	sbr.rel @p0 .LBB2_28-.Ltmp13, $4  }
0x548: {  	v16 =	vsub.f32 $1.000000000e+00, v5;
	v3 =	vadd.f32 v12, v9;
	(erf) = vpow2.f32 v6;
	v9 =	vpop (erf);
	[tilespmem:s5+$0x3000] =	vst v7;
	s5 =	smov.u32 s25;
	s25 =	smov.u32 s6;
	s6 =	smov.u32 s8  }
0x549: {  	s8 =	smov.u32 s9;
	v6 =	vsub.f32 $1.000000000e+00, v9;
	v17 =	vadd.f32 $1.000000000e+00, v9;
	(erf) = vrcp.f32 v14;
	v8 =	vpop (erf)  }
0x54a: {  	v5 =	vmovc v11;
	s9 =	sshra.s32 s10, $0x2;
	v7 =	vadd.f32 v13, v15;
	v12 =	vand.u32 $0x7FFFFFFF, v3;
	v8 =	vmul.f32 v8, v16  }
0x54b: {  	vm2 =	vmmov vm3;
	s10 =	sadd.s32 $0x80, s10;
	v9 =	vld [tilespmem:s9+$0x1010];
	v11 =	vmul.f32 $-2.000000000e+00, v12;
	(erf) = vrcp.f32 v17;
	v10 =	vpop (erf)  }
0x54c: {  	v12 =	vld [tilespmem:s9+$0x2010]  }
0x54d: {  	v13 =	vld [tilespmem:s9+$0x1000]  }
0x54e: {  	v14 =	vld [tilespmem:s9+$0x2000];
	_ =	sdelay $0x1  }
0x54f: {  	v11 =	vmul.f32 $1.442695020e+00, v11  }
0x550: {  	v15 =	vand.u32 $0x7FFFFFFF, v7  }
0x551: {  	v15 =	vmul.f32 $-2.000000000e+00, v15;
	v9 =	vadd.f32 v12, v9  }
0x552: {  	v51 =	vadd.f32 v14, v13  }
0x553: {  	v52 =	vmul.f32 $1.442695020e+00, v15;
	(erf) = vpow2.f32 v11;
	v11 =	vpop (erf);
	v53 =	vand.u32 $0x7FFFFFFF, v9  }
0x554: {  	v54 =	vadd.f32 $1.000000000e+00, v11;
	v16 =	vpop (erf);
	v17 =	vand.u32 $0x7FFFFFFF, v51;
	v14 =	vmul.f32 $-2.000000000e+00, v53  }
0x555: {  	(erf) = vpow2.f32 v52;
	v55 =	vadd.f32 $1.000000000e+00, v16;
	v17 =	vmul.f32 $-2.000000000e+00, v17  }
0x556: {  	(erf) = vrcp.f32 v54;
	v14 =	vmul.f32 $1.442695020e+00, v14  }
0x557: {  	(erf) = vrcp.f32 v55;
	v56 =	vmul.f32 $1.442695020e+00, v17  }
0x558: {  	(erf) = vpow2.f32 v14  }
0x559: {  	(erf) = vpow2.f32 v56;
	_ =	sdelay $0x1  }
0x55a: {  	v57 =	vpop (erf)  }
0x55b: {  	v58 =	vpop (erf)  }
0x55c: {  	v4 =	vmul.f32 v10, v4;
	v10 =	vsub.f32 $0.0e+00, v8;
	v59 =	vpop (erf)  }
0x55d: {  	vm3 =	vlt.f32 v2, $0.0e+00;
	v5 =	vsub.f32 $1.000000000e+00, v5;
	v60 =	vpop (erf)  }
0x55e: {  	v2 =	vsub.f32 $0.0e+00, v4;
	v8 =	vsel vm3, v10, v8;
	v18 =	vpop (erf)  }
0x55f: {  	vm3 =	vlt.f32 v7, $0.0e+00;
	v5 =	vmul.f32 v57, v5;
	v10 =	vadd.f32 $1.000000000e+00, v59;
	v19 =	vpop (erf)  }
0x560: {  	v2 =	vsel vm1, v2, v4;
	vm1 =	vlt.f32 v0, $0.0e+00;
	v4 =	vadd.f32 $1.000000000e+00, v60;
	v7 =	vpop (erf)  }
0x561: {  	v0 =	vsub.f32 $0.0e+00, v5;
	(erf) = vrcp.f32 v10;
	v10 =	vadd.f32 $1.000000000e+00, v7;
	v61 =	vpop (erf)  }
0x562: {  	v6 =	vmul.f32 v58, v6;
	(erf) = vrcp.f32 v4;
	v4 =	vadd.f32 $1.000000000e+00, v61  }
0x563: {  	vm0 =	vmmov vm0;
	v0 =	vsel vm1, v0, v5;
	(erf) = vrcp.f32 v10  }
0x564: {  	v5 =	vsub.f32 $1.000000000e+00, v11;
	(erf) = vrcp.f32 v4;
	v4 =	vsub.f32 $0.0e+00, v6  }
0x565: {  	vm0 =	vmmov vm0;
	vm1 =	vmmov vm2  }
0x566: {  	v5 =	vmul.f32 v18, v5;
	v4 =	vsel vm1, v4, v6;
	v6 =	vsub.f32 $1.000000000e+00, v16  }
0x567: {  	vm0 =	vmmov vm0;
	vm4 =	vlt.f32 v51, $0.0e+00  }
0x568: {  	v62 =	vsub.f32 $1.000000000e+00, v59;
	v11 =	vsub.f32 $0.0e+00, v5;
	v6 =	vmul.f32 v19, v6  }
0x569: {  	vm2 =	vmmov vm4;
	v7 =	vsub.f32 $1.000000000e+00, v7;
	v10 =	vsub.f32 $1.000000000e+00, v60  }
0x56a: {  	[tilespmem:s5+$0x3010] =	vst v8;
	v8 =	vpop (erf);
	vm1 =	vmmov vm3;
	vm3 =	vlt.f32 v1, $0.0e+00;
	v1 =	vsub.f32 $0.0e+00, v6  }
0x56b: {  	[tilespmem:s5+$0x3000] =	vst v2;
	vm1 =	vmmov vm1;
	v2 =	vsel vm3, v11, v5;
	v5 =	vmul.f32 v8, v62;
	v8 =	vpop (erf)  }
0x56c: {  	[tilespmem:s25+$0x3010] =	vst v0;
	v0 =	vsel vm0, v1, v6;
	v1 =	vsub.f32 $1.000000000e+00, v61;
	v6 =	vmul.f32 v8, v10;
	v8 =	vpop (erf)  }
0x56d: {  	[tilespmem:s25+$0x3000] =	vst v4;
	v4 =	vsub.f32 $0.0e+00, v5;
	vm0 =	vmmov vm1;
	v7 =	vmul.f32 v8, v7;
	v8 =	vpop (erf)  }
0x56e: {  	[tilespmem:s6+$0x3010] =	vst v2;
	vm1 =	vlt.f32 v3, $0.0e+00;
	v2 =	vsub.f32 $0.0e+00, v6;
	v1 =	vmul.f32 v8, v1  }
0x56f: {  	vm2 =	vmmov vm2;
	[tilespmem:s6+$0x3000] =	vst v0;
	v0 =	vsel vm1, v4, v5;
	v3 =	vsub.f32 $0.0e+00, v7  }
0x570: {  	[tilespmem:s8+$0x3010] =	vst v0;
	v0 =	vsel vm0, v2, v6;
	vm0 =	vlt.f32 v9, $0.0e+00;
	v2 =	vsub.f32 $0.0e+00, v1  }
0x571: {  	vm1 =	vmmov vm2;
	[tilespmem:s8+$0x3000] =	vst v0;
	v0 =	vsel vm0, v3, v7  }
0x572: {  	[tilespmem:s9+$0x3010] =	vst v0;
	v0 =	vsel vm1, v2, v1  }
0x573: {  	[tilespmem:s9+$0x3000] =	vst v0;
	s9 =	simm.s32 $0x0  }
0x574: {  	[hbm4b:s20+s9] =	stream.linear.scatter [tilespmem:s0], [sflag:$0x3], $0x1000, $0x38;
	[tilespmem:$0x4000] =	vst v63  }
0x575: {  	_ =	swait.ge [sflag:s24], $0x1000  }
0x576: {  	[sflag:s24] =	ssyncset.done $0x0  }
0x577: {  	s10 =	simm.s32 $0x700;
	[sflag:s24] =	ssyncadd.s32 $0xFFFFF000  }
0x578: {  	[tilespmem:s28], [sflag:$0x1] =	stream.indirect.gather [hbm4b:s3+s26], $0x20, s10, s26, $0xb8;
	[tilespmem:$0x4000] =	vst v63  }
0x579: {  	s25 =	simm.s32 $0xF00  }
0x57a: {  	[tilespmem:s29], [sflag:$0x2] =	stream.indirect.gather [hbm4b:s4+s26], $0x20, s25, s26, $0xb8;
	[tilespmem:$0x4000] =	vst v63  }
0x57b: {  	_ =	swait.ge [sflag:s30], $0x1000  }
0x57c: {  	[sflag:s30] =	ssyncset.done $0x0  }
0x57d: {  	[sflag:s30] =	ssyncadd.s32 $0xFFFFF000  }
0x57e: {  	_ =	swait.ge [sflag:s31], $0x1000  }
0x57f: {  	[sflag:s31] =	ssyncset.done $0x0  }
0x580: {  	s5 =	simm.s32 $0x0;
	[sflag:s31] =	ssyncadd.s32 $0xFFFFF000  }
0x581: {  	v0 =	vld [tilespmem:s5+$0x1010]  }
0x582: {  	v1 =	vld [tilespmem:s5+$0x2010]  }
0x583: {  	v3 =	vld [tilespmem:s5+$0x1000]  }
0x584: {  	v4 =	vld [tilespmem:s5+$0x2000];
	_ =	sdelay $0x2  }
0x585: {  	s25 =	simm.s32 $0x20  }
0x586: {  	v6 =	vld [tilespmem:s25+$0x1000];
	v2 =	vadd.f32 v1, v0  }
0x587: {  	v7 =	vld [tilespmem:s25+$0x2000];
	v3 =	vadd.f32 v4, v3  }
0x588: {  	v1 =	vld [tilespmem:s25+$0x1010];
	v0 =	vand.u32 $0x7FFFFFFF, v2  }
0x589: {  	v4 =	vld [tilespmem:s25+$0x2010];
	v5 =	vand.u32 $0x7FFFFFFF, v3;
	v0 =	vmul.f32 $-2.000000000e+00, v0  }
0x58a: {  	v5 =	vmul.f32 $-2.000000000e+00, v5  }
0x58b: {  	v0 =	vmul.f32 $1.442695020e+00, v0  }
0x58c: {  	v5 =	vmul.f32 $1.442695020e+00, v5  }
0x58d: {  	(erf) = vpow2.f32 v0  }
0x58e: {  	v0 =	vadd.f32 v4, v1;
	v4 =	vadd.f32 v7, v6;
	(erf) = vpow2.f32 v5  }
0x58f: {  	s6 =	simm.s32 $0x40  }
0x590: {  	v8 =	vld [tilespmem:s6+$0x1000];
	v7 =	vand.u32 $0x7FFFFFFF, v4  }
0x591: {  	v6 =	vld [tilespmem:s6+$0x2010];
	v1 =	vand.u32 $0x7FFFFFFF, v0;
	v7 =	vmul.f32 $-2.000000000e+00, v7  }
0x592: {  	v5 =	vld [tilespmem:s6+$0x1010];
	v1 =	vmul.f32 $-2.000000000e+00, v1  }
0x593: {  	v9 =	vld [tilespmem:s6+$0x2000];
	v7 =	vmul.f32 $1.442695020e+00, v7  }
0x594: {  	v1 =	vmul.f32 $1.442695020e+00, v1;
	_ =	sdelay $0x1  }
0x595: {  	(erf) = vpow2.f32 v1;
	v10 =	vpop (erf)  }
0x596: {  	v1 =	vadd.f32 v6, v5;
	(erf) = vpow2.f32 v7;
	v11 =	vadd.f32 $1.000000000e+00, v10;
	v7 =	vpop (erf)  }
0x597: {  	v6 =	vadd.f32 v9, v8;
	v5 =	vadd.f32 $1.000000000e+00, v7  }
0x598: {  	s8 =	simm.s32 $0x60;
	(erf) = vrcp.f32 v11  }
0x599: {  	v9 =	vld [tilespmem:s8+$0x1010];
	v8 =	vand.u32 $0x7FFFFFFF, v1;
	(erf) = vrcp.f32 v5;
	v5 =	vand.u32 $0x7FFFFFFF, v6  }
0x59a: {  	vm0 =	vlt.f32 v3, $0.0e+00;
	v3 =	vmul.f32 $-2.000000000e+00, v8;
	v8 =	vld [tilespmem:s8+$0x2010];
	v5 =	vmul.f32 $-2.000000000e+00, v5;
	_ =	sdelay $0x1  }
0x59b: {  	vm1 =	vlt.f32 v4, $0.0e+00;
	v4 =	vsub.f32 $1.000000000e+00, v7;
	v7 =	vld [tilespmem:s8+$0x2000]  }
0x59c: {  	vm0 =	vmmov vm0;
	v11 =	vld [tilespmem:s8+$0x1000];
	v3 =	vmul.f32 $1.442695020e+00, v3  }
0x59d: {  	vm2 =	vmmov vm0;
	vm0 =	vlt.f32 v6, $0.0e+00;
	v6 =	vmul.f32 $1.442695020e+00, v5;
	v5 =	vpop (erf)  }
0x59e: {  	(erf) = vpow2.f32 v3;
	v3 =	vadd.f32 v8, v9;
	v8 =	vpop (erf)  }
0x59f: {  	v9 =	vsub.f32 $1.000000000e+00, v10;
	v10 =	vadd.f32 $1.000000000e+00, v8  }
0x5a0: {  	vm3 =	vmmov vm1;
	vm1 =	vmmov vm2;
	v63 =	vadd.f32 $1.000000000e+00, v5  }
0x5a1: {  	v7 =	vadd.f32 v7, v11;
	v11 =	vand.u32 $0x7FFFFFFF, v3;
	(erf) = vpow2.f32 v6  }
0x5a2: {  	s9 =	simm.s32 $0x80;
	v11 =	vmul.f32 $-2.000000000e+00, v11;
	v6 =	vsub.f32 $1.000000000e+00, v8;
	(erf) = vrcp.f32 v63;
	v8 =	vpop (erf)  }
0x5a3: {  	s10 =	simm.s32 $0x280;
	vm2 =	vmmov vm3;
	v8 =	vmul.f32 v8, v9;
	v9 =	vld [tilespmem:s9+$0x1010];
	(erf) = vrcp.f32 v10;
	v10 =	vpop (erf)  }
.LBB2_30:
0x5a4: {  	v13 =	vand.u32 $0x7FFFFFFF, v7  }
0x5a5: {  	p0 =	sne.s32 s10, $0x3F80;
	v12 =	vld [tilespmem:s9+$0x2010];
	v10 =	vmul.f32 v10, v4;
	v14 =	vsub.f32 $0.0e+00, v8;
	v4 =	vmovc v6;
	vm3 =	vmmov vm0  }
0x5a6: {  	vm4 =	vlt.f32 v2, $0.0e+00;
	v2 =	vmovc v0;
	v0 =	vmovc v1;
	v15 =	vld [tilespmem:s9+$0x1000];
	v6 =	vmul.f32 $-2.000000000e+00, v13;
	v16 =	vmul.f32 $1.442695020e+00, v11  }
0x5a7: {  	vm0 =	vlt.f32 v7, $0.0e+00;
	v1 =	vmovc v3;
	v13 =	vld [tilespmem:s9+$0x2000];
	v7 =	vsub.f32 $0.0e+00, v10;
	v8 =	vsel vm4, v14, v8  }
0x5a8: {  	v6 =	vmul.f32 $1.442695020e+00, v6;
	(erf) = vpow2.f32 v16;
	v11 =	vpop (erf);
	[tilespmem:s5+$0x3010] =	vst v8  }
.Ltmp14:
0x5a9: {  	v14 =	vadd.f32 $1.000000000e+00, v11;
	v7 =	vsel vm1, v7, v10;
	vm1 =	vmmov vm2;
	(pc) =	sbr.rel @p0 .LBB2_30-.Ltmp14, $4  }
0x5aa: {  	v16 =	vsub.f32 $1.000000000e+00, v5;
	v3 =	vadd.f32 v12, v9;
	(erf) = vpow2.f32 v6;
	v9 =	vpop (erf);
	[tilespmem:s5+$0x3000] =	vst v7;
	s5 =	smov.u32 s25;
	s25 =	smov.u32 s6;
	s6 =	smov.u32 s8  }
0x5ab: {  	s8 =	smov.u32 s9;
	v6 =	vsub.f32 $1.000000000e+00, v9;
	v17 =	vadd.f32 $1.000000000e+00, v9;
	(erf) = vrcp.f32 v14;
	v8 =	vpop (erf)  }
0x5ac: {  	v5 =	vmovc v11;
	s9 =	sshra.s32 s10, $0x2;
	v7 =	vadd.f32 v13, v15;
	v12 =	vand.u32 $0x7FFFFFFF, v3;
	v8 =	vmul.f32 v8, v16  }
0x5ad: {  	vm2 =	vmmov vm3;
	s10 =	sadd.s32 $0x80, s10;
	v9 =	vld [tilespmem:s9+$0x1010];
	v11 =	vmul.f32 $-2.000000000e+00, v12;
	(erf) = vrcp.f32 v17;
	v10 =	vpop (erf)  }
0x5ae: {  	v12 =	vld [tilespmem:s9+$0x2010]  }
0x5af: {  	v13 =	vld [tilespmem:s9+$0x1000]  }
0x5b0: {  	v14 =	vld [tilespmem:s9+$0x2000];
	_ =	sdelay $0x1  }
0x5b1: {  	v11 =	vmul.f32 $1.442695020e+00, v11  }
0x5b2: {  	v15 =	vand.u32 $0x7FFFFFFF, v7  }
0x5b3: {  	v15 =	vmul.f32 $-2.000000000e+00, v15;
	v9 =	vadd.f32 v12, v9  }
0x5b4: {  	v51 =	vadd.f32 v14, v13  }
0x5b5: {  	v52 =	vmul.f32 $1.442695020e+00, v15;
	(erf) = vpow2.f32 v11;
	v11 =	vpop (erf);
	v53 =	vand.u32 $0x7FFFFFFF, v9  }
0x5b6: {  	v54 =	vadd.f32 $1.000000000e+00, v11;
	v16 =	vpop (erf);
	v17 =	vand.u32 $0x7FFFFFFF, v51;
	v14 =	vmul.f32 $-2.000000000e+00, v53  }
0x5b7: {  	(erf) = vpow2.f32 v52;
	v55 =	vadd.f32 $1.000000000e+00, v16;
	v17 =	vmul.f32 $-2.000000000e+00, v17  }
0x5b8: {  	(erf) = vrcp.f32 v54;
	v14 =	vmul.f32 $1.442695020e+00, v14  }
0x5b9: {  	(erf) = vrcp.f32 v55;
	v56 =	vmul.f32 $1.442695020e+00, v17  }
0x5ba: {  	(erf) = vpow2.f32 v14  }
0x5bb: {  	(erf) = vpow2.f32 v56;
	_ =	sdelay $0x1  }
0x5bc: {  	v57 =	vpop (erf)  }
0x5bd: {  	v58 =	vpop (erf)  }
0x5be: {  	v4 =	vmul.f32 v10, v4;
	v10 =	vsub.f32 $0.0e+00, v8;
	v59 =	vpop (erf)  }
0x5bf: {  	vm3 =	vlt.f32 v2, $0.0e+00;
	v5 =	vsub.f32 $1.000000000e+00, v5;
	v60 =	vpop (erf)  }
0x5c0: {  	v2 =	vsub.f32 $0.0e+00, v4;
	v8 =	vsel vm3, v10, v8;
	v18 =	vpop (erf)  }
0x5c1: {  	vm3 =	vlt.f32 v7, $0.0e+00;
	v5 =	vmul.f32 v57, v5;
	v10 =	vadd.f32 $1.000000000e+00, v59;
	v19 =	vpop (erf)  }
0x5c2: {  	v2 =	vsel vm1, v2, v4;
	vm1 =	vlt.f32 v0, $0.0e+00;
	v4 =	vadd.f32 $1.000000000e+00, v60;
	v7 =	vpop (erf)  }
0x5c3: {  	v0 =	vsub.f32 $0.0e+00, v5;
	(erf) = vrcp.f32 v10;
	v10 =	vadd.f32 $1.000000000e+00, v7;
	v61 =	vpop (erf)  }
0x5c4: {  	v6 =	vmul.f32 v58, v6;
	(erf) = vrcp.f32 v4;
	v4 =	vadd.f32 $1.000000000e+00, v61  }
0x5c5: {  	vm0 =	vmmov vm0;
	v0 =	vsel vm1, v0, v5;
	(erf) = vrcp.f32 v10  }
0x5c6: {  	v5 =	vsub.f32 $1.000000000e+00, v11;
	(erf) = vrcp.f32 v4;
	v4 =	vsub.f32 $0.0e+00, v6  }
0x5c7: {  	vm0 =	vmmov vm0;
	vm1 =	vmmov vm2  }
0x5c8: {  	v5 =	vmul.f32 v18, v5;
	v4 =	vsel vm1, v4, v6;
	v6 =	vsub.f32 $1.000000000e+00, v16  }
0x5c9: {  	vm0 =	vmmov vm0;
	vm4 =	vlt.f32 v51, $0.0e+00  }
0x5ca: {  	v62 =	vsub.f32 $1.000000000e+00, v59;
	v11 =	vsub.f32 $0.0e+00, v5;
	v6 =	vmul.f32 v19, v6  }
0x5cb: {  	vm2 =	vmmov vm4;
	v7 =	vsub.f32 $1.000000000e+00, v7;
	v10 =	vsub.f32 $1.000000000e+00, v60  }
0x5cc: {  	[tilespmem:s5+$0x3010] =	vst v8;
	v8 =	vpop (erf);
	vm1 =	vmmov vm3;
	vm3 =	vlt.f32 v1, $0.0e+00;
	v1 =	vsub.f32 $0.0e+00, v6  }
0x5cd: {  	[tilespmem:s5+$0x3000] =	vst v2;
	vm1 =	vmmov vm1;
	v2 =	vsel vm3, v11, v5;
	v5 =	vmul.f32 v8, v62;
	v8 =	vpop (erf)  }
0x5ce: {  	[tilespmem:s25+$0x3010] =	vst v0;
	v0 =	vsel vm0, v1, v6;
	v1 =	vsub.f32 $1.000000000e+00, v61;
	v6 =	vmul.f32 v8, v10;
	v8 =	vpop (erf)  }
0x5cf: {  	[tilespmem:s25+$0x3000] =	vst v4;
	v4 =	vsub.f32 $0.0e+00, v5;
	vm0 =	vmmov vm1;
	v7 =	vmul.f32 v8, v7;
	v8 =	vpop (erf)  }
0x5d0: {  	[tilespmem:s6+$0x3010] =	vst v2;
	vm1 =	vlt.f32 v3, $0.0e+00;
	v2 =	vsub.f32 $0.0e+00, v6;
	v1 =	vmul.f32 v8, v1  }
0x5d1: {  	vm2 =	vmmov vm2;
	[tilespmem:s6+$0x3000] =	vst v0;
	v0 =	vsel vm1, v4, v5;
	v3 =	vsub.f32 $0.0e+00, v7  }
0x5d2: {  	[tilespmem:s8+$0x3010] =	vst v0;
	v0 =	vsel vm0, v2, v6;
	vm0 =	vlt.f32 v9, $0.0e+00;
	v2 =	vsub.f32 $0.0e+00, v1  }
0x5d3: {  	vm1 =	vmmov vm2;
	[tilespmem:s8+$0x3000] =	vst v0;
	v0 =	vsel vm0, v3, v7  }
0x5d4: {  	[tilespmem:s9+$0x3010] =	vst v0;
	v0 =	vsel vm1, v2, v1  }
0x5d5: {  	[tilespmem:s9+$0x3000] =	vst v0;
	s9 =	simm.s32 $0x0  }
0x5d6: {  	[hbm4b:s21+s9] =	stream.linear.scatter [tilespmem:s0], [sflag:$0x3], $0x1000, $0x38;
	[tilespmem:$0x4000] =	vst v63  }
0x5d7: {  	_ =	swait.ge [sflag:s24], $0x1000  }
0x5d8: {  	[sflag:s24] =	ssyncset.done $0x0  }
0x5d9: {  	s10 =	simm.s32 $0x780;
	[sflag:s24] =	ssyncadd.s32 $0xFFFFF000  }
0x5da: {  	[tilespmem:s28], [sflag:$0x1] =	stream.indirect.gather [hbm4b:s3+s26], $0x20, s10, s26, $0xb8;
	[tilespmem:$0x4000] =	vst v63  }
0x5db: {  	s25 =	simm.s32 $0xF80  }
0x5dc: {  	[tilespmem:s29], [sflag:$0x2] =	stream.indirect.gather [hbm4b:s4+s26], $0x20, s25, s26, $0xb8;
	[tilespmem:$0x4000] =	vst v63  }
0x5dd: {  	_ =	swait.ge [sflag:s30], $0x1000  }
0x5de: {  	[sflag:s30] =	ssyncset.done $0x0  }
0x5df: {  	[sflag:s30] =	ssyncadd.s32 $0xFFFFF000  }
0x5e0: {  	_ =	swait.ge [sflag:s31], $0x1000  }
0x5e1: {  	[sflag:s31] =	ssyncset.done $0x0  }
0x5e2: {  	s5 =	simm.s32 $0x0;
	[sflag:s31] =	ssyncadd.s32 $0xFFFFF000  }
0x5e3: {  	v0 =	vld [tilespmem:s5+$0x1010]  }
0x5e4: {  	v1 =	vld [tilespmem:s5+$0x2010]  }
0x5e5: {  	v3 =	vld [tilespmem:s5+$0x1000]  }
0x5e6: {  	v4 =	vld [tilespmem:s5+$0x2000];
	_ =	sdelay $0x2  }
0x5e7: {  	s25 =	simm.s32 $0x20  }
0x5e8: {  	v6 =	vld [tilespmem:s25+$0x1000];
	v2 =	vadd.f32 v1, v0  }
0x5e9: {  	v7 =	vld [tilespmem:s25+$0x2000];
	v3 =	vadd.f32 v4, v3  }
0x5ea: {  	v1 =	vld [tilespmem:s25+$0x1010];
	v0 =	vand.u32 $0x7FFFFFFF, v2  }
0x5eb: {  	v4 =	vld [tilespmem:s25+$0x2010];
	v5 =	vand.u32 $0x7FFFFFFF, v3;
	v0 =	vmul.f32 $-2.000000000e+00, v0  }
0x5ec: {  	v5 =	vmul.f32 $-2.000000000e+00, v5  }
0x5ed: {  	v0 =	vmul.f32 $1.442695020e+00, v0  }
0x5ee: {  	v5 =	vmul.f32 $1.442695020e+00, v5  }
0x5ef: {  	(erf) = vpow2.f32 v0  }
0x5f0: {  	v0 =	vadd.f32 v4, v1;
	v4 =	vadd.f32 v7, v6;
	(erf) = vpow2.f32 v5  }
0x5f1: {  	s6 =	simm.s32 $0x40  }
0x5f2: {  	v8 =	vld [tilespmem:s6+$0x1000];
	v7 =	vand.u32 $0x7FFFFFFF, v4  }
0x5f3: {  	v6 =	vld [tilespmem:s6+$0x2010];
	v1 =	vand.u32 $0x7FFFFFFF, v0;
	v7 =	vmul.f32 $-2.000000000e+00, v7  }
0x5f4: {  	v5 =	vld [tilespmem:s6+$0x1010];
	v1 =	vmul.f32 $-2.000000000e+00, v1  }
0x5f5: {  	v9 =	vld [tilespmem:s6+$0x2000];
	v7 =	vmul.f32 $1.442695020e+00, v7  }
0x5f6: {  	v1 =	vmul.f32 $1.442695020e+00, v1;
	_ =	sdelay $0x1  }
0x5f7: {  	(erf) = vpow2.f32 v1;
	v10 =	vpop (erf)  }
0x5f8: {  	v1 =	vadd.f32 v6, v5;
	(erf) = vpow2.f32 v7;
	v11 =	vadd.f32 $1.000000000e+00, v10;
	v7 =	vpop (erf)  }
0x5f9: {  	v6 =	vadd.f32 v9, v8;
	v5 =	vadd.f32 $1.000000000e+00, v7  }
0x5fa: {  	s8 =	simm.s32 $0x60;
	(erf) = vrcp.f32 v11  }
0x5fb: {  	v9 =	vld [tilespmem:s8+$0x1010];
	v8 =	vand.u32 $0x7FFFFFFF, v1;
	(erf) = vrcp.f32 v5;
	v5 =	vand.u32 $0x7FFFFFFF, v6  }
0x5fc: {  	vm0 =	vlt.f32 v3, $0.0e+00;
	v3 =	vmul.f32 $-2.000000000e+00, v8;
	v8 =	vld [tilespmem:s8+$0x2010];
	v5 =	vmul.f32 $-2.000000000e+00, v5;
	_ =	sdelay $0x1  }
0x5fd: {  	vm1 =	vlt.f32 v4, $0.0e+00;
	v4 =	vsub.f32 $1.000000000e+00, v7;
	v7 =	vld [tilespmem:s8+$0x2000]  }
0x5fe: {  	vm0 =	vmmov vm0;
	v11 =	vld [tilespmem:s8+$0x1000];
	v3 =	vmul.f32 $1.442695020e+00, v3  }
0x5ff: {  	vm2 =	vmmov vm0;
	vm0 =	vlt.f32 v6, $0.0e+00;
	v6 =	vmul.f32 $1.442695020e+00, v5;
	v5 =	vpop (erf)  }
0x600: {  	(erf) = vpow2.f32 v3;
	v3 =	vadd.f32 v8, v9;
	v8 =	vpop (erf)  }
0x601: {  	v9 =	vsub.f32 $1.000000000e+00, v10;
	v10 =	vadd.f32 $1.000000000e+00, v8  }
0x602: {  	vm3 =	vmmov vm1;
	vm1 =	vmmov vm2;
	v63 =	vadd.f32 $1.000000000e+00, v5  }
0x603: {  	v7 =	vadd.f32 v7, v11;
	v11 =	vand.u32 $0x7FFFFFFF, v3;
	(erf) = vpow2.f32 v6  }
0x604: {  	s9 =	simm.s32 $0x80;
	v11 =	vmul.f32 $-2.000000000e+00, v11;
	v6 =	vsub.f32 $1.000000000e+00, v8;
	(erf) = vrcp.f32 v63;
	v8 =	vpop (erf)  }
0x605: {  	s10 =	simm.s32 $0x280;
	vm2 =	vmmov vm3;
	v8 =	vmul.f32 v8, v9;
	v9 =	vld [tilespmem:s9+$0x1010];
	(erf) = vrcp.f32 v10;
	v10 =	vpop (erf)  }
.LBB2_32:
0x606: {  	v13 =	vand.u32 $0x7FFFFFFF, v7  }
0x607: {  	p0 =	sne.s32 s10, $0x3F80;
	v12 =	vld [tilespmem:s9+$0x2010];
	v10 =	vmul.f32 v10, v4;
	v14 =	vsub.f32 $0.0e+00, v8;
	v4 =	vmovc v6;
	vm3 =	vmmov vm0  }
0x608: {  	vm4 =	vlt.f32 v2, $0.0e+00;
	v2 =	vmovc v0;
	v0 =	vmovc v1;
	v15 =	vld [tilespmem:s9+$0x1000];
	v6 =	vmul.f32 $-2.000000000e+00, v13;
	v16 =	vmul.f32 $1.442695020e+00, v11  }
0x609: {  	vm0 =	vlt.f32 v7, $0.0e+00;
	v1 =	vmovc v3;
	v13 =	vld [tilespmem:s9+$0x2000];
	v7 =	vsub.f32 $0.0e+00, v10;
	v8 =	vsel vm4, v14, v8  }
0x60a: {  	v6 =	vmul.f32 $1.442695020e+00, v6;
	(erf) = vpow2.f32 v16;
	v11 =	vpop (erf);
	[tilespmem:s5+$0x3010] =	vst v8  }
.Ltmp15:
0x60b: {  	v14 =	vadd.f32 $1.000000000e+00, v11;
	v7 =	vsel vm1, v7, v10;
	vm1 =	vmmov vm2;
	(pc) =	sbr.rel @p0 .LBB2_32-.Ltmp15, $4  }
0x60c: {  	v16 =	vsub.f32 $1.000000000e+00, v5;
	v3 =	vadd.f32 v12, v9;
	(erf) = vpow2.f32 v6;
	v9 =	vpop (erf);
	[tilespmem:s5+$0x3000] =	vst v7;
	s5 =	smov.u32 s25;
	s25 =	smov.u32 s6;
	s6 =	smov.u32 s8  }
0x60d: {  	s8 =	smov.u32 s9;
	v6 =	vsub.f32 $1.000000000e+00, v9;
	v17 =	vadd.f32 $1.000000000e+00, v9;
	(erf) = vrcp.f32 v14;
	v8 =	vpop (erf)  }
0x60e: {  	v5 =	vmovc v11;
	s9 =	sshra.s32 s10, $0x2;
	v7 =	vadd.f32 v13, v15;
	v12 =	vand.u32 $0x7FFFFFFF, v3;
	v8 =	vmul.f32 v8, v16  }
0x60f: {  	vm2 =	vmmov vm3;
	s10 =	sadd.s32 $0x80, s10;
	v9 =	vld [tilespmem:s9+$0x1010];
	v11 =	vmul.f32 $-2.000000000e+00, v12;
	(erf) = vrcp.f32 v17;
	v10 =	vpop (erf)  }
0x610: {  	v12 =	vld [tilespmem:s9+$0x2010]  }
0x611: {  	v13 =	vld [tilespmem:s9+$0x1000]  }
0x612: {  	v14 =	vld [tilespmem:s9+$0x2000];
	_ =	sdelay $0x2  }
0x613: {  	v15 =	vand.u32 $0x7FFFFFFF, v7  }
0x614: {  	v15 =	vmul.f32 $-2.000000000e+00, v15;
	v11 =	vmul.f32 $1.442695020e+00, v11;
	v9 =	vadd.f32 v12, v9  }
0x615: {  	v63 =	vadd.f32 v14, v13  }
0x616: {  	v21 =	vmul.f32 $1.442695020e+00, v15;
	(erf) = vpow2.f32 v11;
	v22 =	vpop (erf);
	v23 =	vand.u32 $0x7FFFFFFF, v9  }
0x617: {  	v24 =	vadd.f32 $1.000000000e+00, v22;
	v16 =	vpop (erf);
	v17 =	vand.u32 $0x7FFFFFFF, v63;
	v14 =	vmul.f32 $-2.000000000e+00, v23  }
0x618: {  	(erf) = vpow2.f32 v21;
	v25 =	vadd.f32 $1.000000000e+00, v16;
	v17 =	vmul.f32 $-2.000000000e+00, v17  }
0x619: {  	(erf) = vrcp.f32 v24;
	v14 =	vmul.f32 $1.442695020e+00, v14  }
0x61a: {  	(erf) = vrcp.f32 v25;
	v26 =	vmul.f32 $1.442695020e+00, v17  }
0x61b: {  	(erf) = vpow2.f32 v14  }
0x61c: {  	(erf) = vpow2.f32 v26;
	_ =	sdelay $0x1  }
0x61d: {  	v27 =	vpop (erf)  }
0x61e: {  	v28 =	vpop (erf)  }
0x61f: {  	v29 =	vpop (erf)  }
0x620: {  	v4 =	vmul.f32 v10, v4;
	v31 =	vpop (erf)  }
0x621: {  	v30 =	vsub.f32 $0.0e+00, v8;
	vm3 =	vlt.f32 v2, $0.0e+00;
	v5 =	vsub.f32 $1.000000000e+00, v5;
	v18 =	vpop (erf)  }
0x622: {  	vm14 =	vlt.f32 v7, $0.0e+00;
	vm15 =	vlt.f32 v0, $0.0e+00;
	v33 =	vadd.f32 $1.000000000e+00, v29;
	v19 =	vpop (erf)  }
0x623: {  	vm8 =	vmmov vm2;
	vm0 =	vmmov vm0;
	v34 =	vadd.f32 $1.000000000e+00, v31;
	v35 =	vpop (erf)  }
0x624: {  	vm11 =	vlt.f32 v1, $0.0e+00;
	(erf) = vrcp.f32 v33;
	v36 =	vadd.f32 $1.000000000e+00, v35;
	v37 =	vpop (erf)  }
0x625: {  	vm13 =	vlt.f32 v3, $0.0e+00;
	(erf) = vrcp.f32 v34;
	v38 =	vadd.f32 $1.000000000e+00, v37  }
0x626: {  	vm0 =	vmmov vm0;
	v32 =	vsub.f32 $0.0e+00, v4;
	(erf) = vrcp.f32 v36  }
0x627: {  	vm9 =	vmmov vm14;
	v8 =	vsel vm3, v30, v8;
	(erf) = vrcp.f32 v38  }
0x628: {  	vm0 =	vmmov vm0;
	v2 =	vsel vm1, v32, v4;
	v5 =	vmul.f32 v27, v5  }
0x629: {  	v41 =	vsub.f32 $1.000000000e+00, v22;
	vm1 =	vmmov vm9;
	v6 =	vmul.f32 v28, v6  }
0x62a: {  	vm12 =	vmmov vm1;
	v42 =	vsub.f32 $1.000000000e+00, v16;
	v39 =	vsub.f32 $0.0e+00, v5  }
0x62b: {  	vm4 =	vlt.f32 v63, $0.0e+00;
	vm14 =	vlt.f32 v9, $0.0e+00;
	v40 =	vsub.f32 $0.0e+00, v6  }
0x62c: {  	v0 =	vsel vm15, v39, v5;
	v45 =	vsub.f32 $1.000000000e+00, v29;
	v5 =	vmul.f32 v18, v41  }
0x62d: {  	[tilespmem:s5+$0x3010] =	vst v8;
	v4 =	vsel vm8, v40, v6;
	v43 =	vsub.f32 $1.000000000e+00, v31;
	v6 =	vmul.f32 v19, v42;
	v47 =	vpop (erf)  }
0x62e: {  	[tilespmem:s5+$0x3000] =	vst v2;
	v44 =	vsub.f32 $0.0e+00, v5;
	v7 =	vsub.f32 $1.000000000e+00, v35;
	v49 =	vmul.f32 v47, v45;
	v50 =	vpop (erf)  }
0x62f: {  	[tilespmem:s25+$0x3010] =	vst v0;
	v46 =	vsub.f32 $0.0e+00, v6;
	v52 =	vsub.f32 $1.000000000e+00, v37;
	v53 =	vmul.f32 v50, v43;
	v54 =	vpop (erf)  }
0x630: {  	[tilespmem:s25+$0x3000] =	vst v4;
	v48 =	vsel vm11, v44, v5;
	v55 =	vsub.f32 $0.0e+00, v49;
	v7 =	vmul.f32 v54, v7;
	v56 =	vpop (erf)  }
0x631: {  	[tilespmem:s6+$0x3010] =	vst v48;
	v51 =	vsel vm0, v46, v6;
	v57 =	vsub.f32 $0.0e+00, v53;
	v1 =	vmul.f32 v56, v52  }
0x632: {  	vm10 =	vmmov vm4;
	[tilespmem:s6+$0x3000] =	vst v51;
	v58 =	vsel vm13, v55, v49;
	v59 =	vsub.f32 $0.0e+00, v7  }
0x633: {  	vm2 =	vmmov vm10;
	[tilespmem:s8+$0x3010] =	vst v58;
	v60 =	vsel vm12, v57, v53;
	v61 =	vsub.f32 $0.0e+00, v1  }
0x634: {  	s1 =	sadd.s32 $0x1, s1;
	vm15 =	vmmov vm2;
	[tilespmem:s8+$0x3000] =	vst v60;
	v62 =	vsel vm14, v59, v7  }
0x635: {  	p0 =	sne.s32 s1, s23;
	[tilespmem:s9+$0x3010] =	vst v62;
	v63 =	vsel vm15, v61, v1  }
.Ltmp16:
0x636: {  	[tilespmem:s9+$0x3000] =	vst v63;
	(pc) =	sbr.rel @p0 .LBB2_1-.Ltmp16, $4  }
0x637: {  	[hbm4b:s22+s2] =	stream.linear.scatter [tilespmem:s0], [sflag:$0x3], $0x1000, $0x38;
	[tilespmem:$0x4000] =	vst v63  }
0x638: {  	_ =	swait.ge [sflag:s24], $0x1000  }
0x639: {  	[sflag:s24] =	ssyncset.done $0x0  }
0x63a: {  	[sflag:s24] =	ssyncadd.s32 $0xFFFFF000  }
0x63b: {  	_ =	sfence.sel $0x180000  }
0x63c: {  	[bflag:$0x0] =	sbarrier.arrive $0xFFFF  }
0x63d: {  	_ =	strace $0x9000004A  }
0x63e: {  	s0 =	stileid.u32;
	[bflag:$0x2] =	sbarrier.arrive $0xFFFF  }
0x63f: {  	p0 =	sne.s32 s0, $0x0;
	s0 =	rddreg [dreg:$0x2]  }
0x640: {  	s0 =	sadd.s32 @!p0 $0x100000, s0  }
0x641: {  	[sflag:s0] =	ssyncadd.tile.s32 @!p0 $0x1;
	_ =	shalt  }
.Lfunc_end2:
_tile_overlayer_lowered:
.L_overlay_start_2:
0x642: {  	(tag) =	ssettag $0x2  }
0x643: {  	s0 =	rddreg [dreg:$0x0];
	s2 =	stileid.u32  }
0x644: {  	s1 =	rddreg [dreg:$0x1];
	p0 =	sne.s32 s2, $0x0  }
0x645: {  	s3 =	rddreg [dreg:$0x2];
	[bflag:$0x3] =	sbarrier.arrive $0xFFFF;
	s2 =	simm.s32 @!p0 $0x1C03  }
0x646: {  	[timem:s3], [sflag:s2] =	dma.local @!p0 [hbm:s0], s1  }
0x647: {  	s0 =	simm.s32 @!p0 $0x3  }
0x648: {  	_ =	swait.ge @!p0 [sflag:s0], s1  }
0x649: {  	s1 =	ssub.s32 @!p0 $0x0, s1;
	[sflag:s0] =	ssyncset.done @!p0 $0x0  }
0x64a: {  	[sflag:s0] =	ssyncadd.s32 @!p0 s1  }
0x64b: {  	[bflag:$0x3] =	sbarrier.arrive $0xFFFF  }
0x64c: {  	_ =	shalt  }

</sc_bundles>
